<compile_context>
chip_gen: v7x
topology: tpu7x:2x2x1
jax: 0.10.2.dev20260603
libtpu: 0.0.44.dev20260713+nightly
codegen_flags: <defaults>
</compile_context>

<pallas_src>
import functools

import jax
import jax.numpy as jnp
from jax import lax
from jax.experimental import pallas as pl
from jax.experimental.pallas import tpu as pltpu
from jax.experimental.pallas import tpu_sc as plsc

S = 64.0
M = 0.4
A = 1.3
K = 0.1
B = 1024
C = 100000

_CHUNK = 128


def _sc_gather_chunks(cosine, label):
    info = plsc.get_sparse_core_info()
    nc, ns = info.num_cores, info.num_subcores
    nw = nc * ns
    bpw = B // nw

    mesh = plsc.VectorSubcoreMesh(core_axis_name="c", subcore_axis_name="s")

    @functools.partial(
        pl.kernel,
        out_type=jax.ShapeDtypeStruct((B, _CHUNK), jnp.float32),
        mesh=mesh,
        scratch_types=[
            pltpu.VMEM((bpw,), jnp.int32),
            pltpu.VMEM((bpw, 8, _CHUNK), jnp.float32),
            pltpu.VMEM((bpw, _CHUNK), jnp.float32),
            pltpu.SemaphoreType.DMA,
            pltpu.SemaphoreType.DMA,
        ],
    )
    def k(cos_hbm, label_hbm, tgt_hbm, lab_s, tiles_v, rows_v, lsem, sem):
        wid = lax.axis_index("s") * nc + lax.axis_index("c")
        base = wid * bpw
        pltpu.async_copy(label_hbm.at[pl.ds(base, bpw)], lab_s, lsem).wait()
        lab_vecs = [lab_s[pl.ds(g * 16, 16)] for g in range(bpw // 16)]
        for r in range(bpw):
            lab = lab_vecs[r // 16][r % 16]
            safe = jnp.where(lab == -1, 0, lab)
            col = pl.multiple_of(jnp.bitwise_and(safe, ~(_CHUNK - 1)), _CHUNK)
            rb = pl.multiple_of((base + r) & ~7, 8)
            pltpu.async_copy(
                cos_hbm.at[pl.ds(rb, 8), pl.ds(col, _CHUNK)],
                tiles_v.at[r], sem)
        for r in range(bpw):
            pltpu.make_async_copy(
                cos_hbm.at[pl.ds(0, 8), pl.ds(0, _CHUNK)],
                tiles_v.at[r], sem).wait()
        for r in range(bpw):
            p = (base + r) & 7
            for q in range(_CHUNK // 16):
                rows_v[r, pl.ds(q * 16, 16)] = tiles_v[r, p, pl.ds(q * 16, 16)]
        pltpu.sync_copy(rows_v, tgt_hbm.at[pl.ds(base, bpw)])

    return k(cosine, label)


_BR = 8


def _arccos(t):
    ax = jnp.abs(t)
    p = jnp.float32(-0.0012624911)
    for coef in (0.0066700901, -0.0170881256, 0.0308918810, -0.0501743046,
                 0.0889789874, -0.2145988016, 1.5707963050):
        p = p * ax + jnp.float32(coef)
    r = jnp.sqrt(jnp.maximum(1.0 - ax, 0.0)) * p
    return jnp.where(t >= 0, r, jnp.float32(3.14159265358979) - r)


def _tc_body(lab_ref, chunk_ref, x_ref, o_ref):
    lab = lab_ref[...]
    safe = jnp.where(lab == -1, 0, lab)
    off = jnp.bitwise_and(safe, _CHUNK - 1)
    lane = lax.broadcasted_iota(jnp.int32, (_BR, _CHUNK), 1)
    t = jnp.sum(jnp.where(lane == off, chunk_ref[...], 0.0), axis=1,
                keepdims=True)
    theta = _arccos(jnp.clip(t, -1.0, 1.0))
    adj = jnp.where(lab != -1, (M + K * A) - K * theta, 0.0) * S
    x = x_ref[...]
    c = jnp.clip(x, -1.0, 1.0)
    col = lax.broadcasted_iota(jnp.int32, (_BR, C), 1)
    o_ref[...] = c * S - jnp.where(col == lab, adj, 0.0)


def kernel(cosine, label):
    label = label.astype(jnp.int32)
    tchunk = _sc_gather_chunks(cosine, label)

    grid = (B // _BR,)
    out = pl.pallas_call(
        _tc_body,
        grid=grid,
        in_specs=[
            pl.BlockSpec((_BR, 1), lambda i: (i, 0)),
            pl.BlockSpec((_BR, _CHUNK), lambda i: (i, 0)),
            pl.BlockSpec((_BR, C), lambda i: (i, 0)),
        ],
        out_specs=pl.BlockSpec((_BR, C), lambda i: (i, 0)),
        out_shape=jax.ShapeDtypeStruct((B, C), jnp.float32),
    )(label[:, None], tchunk, cosine)
    return out

# --- scband reference (transcript-rebuilt; emitter-appended) ---
"""Pipeline reference for scband-cos-face-88751204204630 (READ-ONLY COPY).

The authoritative reference and input builder live on the scoring server;
editing this copy changes nothing except your own understanding.
"""

import jax, jax.numpy as jnp
import numpy as np

S = 64.0
M = 0.4
A = 1.3
K = 0.1
B = 1024
C = 100000


def setup_inputs(seed: int = 0) -> dict:
    key = jax.random.key(seed)
    k1, k2 = jax.random.split(key)
    # cosine similarities must lie in [-1, 1] for acos; uniform [0,1) is safe
    cosine = jax.random.uniform(k1, (B, C), dtype=jnp.float32)
    label = jax.random.randint(k2, (B,), 0, C, dtype=jnp.int32)
    return {"cosine": cosine, "label": label}


def reference(cosine, label):
    # index = where(label != -1): emulate via masking (static shapes for jax)
    mask = label != -1
    safe_label = jnp.where(mask, label, 0)
    # cosine.acos_() ... cosine.cos_() : identity on [-1,1] (logging side-effects dropped)
    c = jnp.cos(jnp.arccos(jnp.clip(cosine, -1.0, 1.0)))
    # m_hot: scatter m at (i, label[i]) for valid rows
    target = jnp.take_along_axis(c, safe_label[:, None], axis=1)[:, 0]
    theta = jnp.arccos(jnp.clip(target, -1.0, 1.0))
    # adaptive margin: m_hot[i, label[i]] = m - k * (acos(cos_target) - a)
    adj = jnp.where(mask, M - K * (theta - A), 0.0)
    m_hot = jnp.zeros_like(c).at[jnp.arange(B), safe_label].set(adj)
    # cosine[index] -= m_hot  (rows with label == -1 get zero adjustment)
    ret = (c - m_hot) * S
    return ret

if __name__ == "__main__":
    import jax
    _d = setup_inputs()
    print(jax.jit(kernel)(*tuple(_d.values())))

</pallas_src>

<mosaic_0001>
#map = affine_map<(d0, d1) -> (0, 0)>
#map1 = affine_map<(d0, d1) -> (0)>
module attributes {stable_mosaic.version = 14 : i64} {
  func.func @k(%arg0: i32, %arg1: i32, %arg2: memref<1024x100000xf32, #tpu.memory_space<hbm>>, %arg3: memref<1024xi32, #tpu.memory_space<hbm>>, %arg4: memref<1024x128xf32, #tpu.memory_space<hbm>>, %arg5: memref<32xi32, #tpu.memory_space<vmem>>, %arg6: memref<32x8x128xf32, #tpu.memory_space<vmem>>, %arg7: memref<32x128xf32, #tpu.memory_space<vmem>>, %arg8: memref<!tpu.dma_semaphore, #tpu.memory_space<semaphore_mem>>, %arg9: memref<!tpu.dma_semaphore, #tpu.memory_space<semaphore_mem>>) attributes {dimension_semantics = [#tpu.dimension_semantics<core_parallel>, #tpu.dimension_semantics<subcore_parallel>], iteration_bounds = array<i64: 2, 16>, scalar_prefetch = 0 : i64, scratch_operands = 5 : i64, tpu.core_type = #tpu.core_type<sc_vector_subcore>, window_params = [{transform_indices = #map}, {transform_indices = #map1}, {transform_indices = #map}]} {
    %mul3A = arith.constant 2 : i32
    %mul3A_0 = arith.muli %arg1, %mul3A : i32
    %add3A = arith.addi %mul3A_0, %arg0 : i32
    %mul3A_1 = arith.constant 32 : i32
    %mul3A_2 = arith.muli %add3A, %mul3A_1 : i32
    %dma_start3A = tpu.memref_slice %arg3[%mul3A_2] : memref<1024xi32, #tpu.memory_space<hbm>> -> memref<32xi32, #tpu.memory_space<hbm>>
    %dma_start3A_3 = tpu.memref_slice %arg3[%mul3A_2] : memref<1024xi32, #tpu.memory_space<hbm>> -> memref<32xi32, #tpu.memory_space<hbm>>
    tpu.enqueue_dma source(%dma_start3A_3 : memref<32xi32, #tpu.memory_space<hbm>>) target(%arg5 : memref<32xi32, #tpu.memory_space<vmem>>) target_semaphore(%arg8 : memref<!tpu.dma_semaphore, #tpu.memory_space<semaphore_mem>>)
    %dma_wait3A = tpu.memref_slice %arg3[%mul3A_2] : memref<1024xi32, #tpu.memory_space<hbm>> -> memref<32xi32, #tpu.memory_space<hbm>>
    %dma_wait3A_4 = tpu.memref_slice %arg3[%mul3A_2] : memref<1024xi32, #tpu.memory_space<hbm>> -> memref<32xi32, #tpu.memory_space<hbm>>
    tpu.wait_dma2 semaphore(%arg8 : memref<!tpu.dma_semaphore, #tpu.memory_space<semaphore_mem>>) src(%dma_wait3A_4 : memref<32xi32, #tpu.memory_space<hbm>>) dst(%arg5 : memref<32xi32, #tpu.memory_space<vmem>>)
    %get3A = arith.constant 0 : index
    %get3A_5 = tpu.vector_load %arg5[%get3A] {strides = array<i32>} : memref<32xi32, #tpu.memory_space<vmem>>, vector<16xi32>,
    %get3A_6 = vector.shape_cast %get3A_5 : vector<16xi32> to vector<16xi32>
    %get3A_7 = arith.constant 16 : index
    %get3A_8 = tpu.vector_load %arg5[%get3A_7] {strides = array<i32>} : memref<32xi32, #tpu.memory_space<vmem>>, vector<16xi32>,
    %get3A_9 = vector.shape_cast %get3A_8 : vector<16xi32> to vector<16xi32>
    %slice3A = vector.extract_strided_slice %get3A_6 {offsets = [0], sizes = [1], strides = [1]} : vector<16xi32> to vector<1xi32>
    %squeeze3A = vector.extract %slice3A[0] : i32 from vector<1xi32>
    %eq3A = arith.constant -1 : i32
    %eq3A_10 = arith.cmpi eq, %squeeze3A, %eq3A : i32
    %jit3A = arith.constant 0 : i32
    %select_n3A = arith.select %eq3A_10, %jit3A, %squeeze3A : i32
    %and3A = arith.constant -128 : i32
    %and3A_11 = arith.andi %select_n3A, %and3A : i32
    %multiple_of3A = tpu.assume_multiple %and3A_11, 128 : i32
    %add3A_12 = arith.constant 0 : i32
    %add3A_13 = arith.addi %mul3A_2, %add3A_12 : i32
    %and3A_14 = arith.constant -8 : i32
    %and3A_15 = arith.andi %add3A_13, %and3A_14 : i32
    %multiple_of3A_16 = tpu.assume_multiple %and3A_15, 8 : i32
    %dma_start3A_17 = arith.constant 0 : i32
    %dma_start3A_18 = arith.constant 0 : i32
    %dma_start3A_19 = arith.constant 0 : i32
    %dma_start3A_20 = tpu.memref_slice %arg6[%dma_start3A_17, %dma_start3A_18, %dma_start3A_19] : memref<32x8x128xf32, #tpu.memory_space<vmem>> -> memref<1x8x128xf32, #tpu.memory_space<vmem>>
    %dma_start3A_21 = tpu.memref_squeeze %dma_start3A_20 : memref<1x8x128xf32, #tpu.memory_space<vmem>> -> memref<8x128xf32, #tpu.memory_space<vmem>>
    %dma_start3A_22 = tpu.memref_slice %arg2[%multiple_of3A_16, %multiple_of3A] : memref<1024x100000xf32, #tpu.memory_space<hbm>> -> memref<8x128xf32, #tpu.memory_space<hbm>>
    %dma_start3A_23 = arith.constant 0 : i32
    %dma_start3A_24 = arith.constant 0 : i32
    %dma_start3A_25 = tpu.memref_slice %arg6[%dma_start3A_17, %dma_start3A_23, %dma_start3A_24] : memref<32x8x128xf32, #tpu.memory_space<vmem>> -> memref<1x8x128xf32, #tpu.memory_space<vmem>>
    %dma_start3A_26 = tpu.memref_squeeze %dma_start3A_25 : memref<1x8x128xf32, #tpu.memory_space<vmem>> -> memref<8x128xf32, #tpu.memory_space<vmem>>
    %dma_start3A_27 = tpu.memref_slice %arg2[%multiple_of3A_16, %multiple_of3A] : memref<1024x100000xf32, #tpu.memory_space<hbm>> -> memref<8x128xf32, #tpu.memory_space<hbm>>
    tpu.enqueue_dma source(%dma_start3A_27 : memref<8x128xf32, #tpu.memory_space<hbm>>) target(%dma_start3A_26 : memref<8x128xf32, #tpu.memory_space<vmem>>) target_semaphore(%arg9 : memref<!tpu.dma_semaphore, #tpu.memory_space<semaphore_mem>>)
    %slice3A_28 = vector.extract_strided_slice %get3A_6 {offsets = [1], sizes = [1], strides = [1]} : vector<16xi32> to vector<1xi32>
    %squeeze3A_29 = vector.extract %slice3A_28[0] : i32 from vector<1xi32>
    %eq3A_30 = arith.constant -1 : i32
    %eq3A_31 = arith.cmpi eq, %squeeze3A_29, %eq3A_30 : i32
    %jit3A_32 = arith.constant 0 : i32
    %select_n3A_33 = arith.select %eq3A_31, %jit3A_32, %squeeze3A_29 : i32
    %and3A_34 = arith.constant -128 : i32
    %and3A_35 = arith.andi %select_n3A_33, %and3A_34 : i32
    %multiple_of3A_36 = tpu.assume_multiple %and3A_35, 128 : i32
    %add3A_37 = arith.constant 1 : i32
    %add3A_38 = arith.addi %mul3A_2, %add3A_37 : i32
    %and3A_39 = arith.constant -8 : i32
    %and3A_40 = arith.andi %add3A_38, %and3A_39 : i32
    %multiple_of3A_41 = tpu.assume_multiple %and3A_40, 8 : i32
    %dma_start3A_42 = arith.constant 1 : i32
    %dma_start3A_43 = arith.constant 0 : i32
    %dma_start3A_44 = arith.constant 0 : i32
    %dma_start3A_45 = tpu.memref_slice %arg6[%dma_start3A_42, %dma_start3A_43, %dma_start3A_44] : memref<32x8x128xf32, #tpu.memory_space<vmem>> -> memref<1x8x128xf32, #tpu.memory_space<vmem>>
    %dma_start3A_46 = tpu.memref_squeeze %dma_start3A_45 : memref<1x8x128xf32, #tpu.memory_space<vmem>> -> memref<8x128xf32, #tpu.memory_space<vmem>>
    %dma_start3A_47 = tpu.memref_slice %arg2[%multiple_of3A_41, %multiple_of3A_36] : memref<1024x100000xf32, #tpu.memory_space<hbm>> -> memref<8x128xf32, #tpu.memory_space<hbm>>
    %dma_start3A_48 = arith.constant 0 : i32
    %dma_start3A_49 = arith.constant 0 : i32
    %dma_start3A_50 = tpu.memref_slice %arg6[%dma_start3A_42, %dma_start3A_48, %dma_start3A_49] : memref<32x8x128xf32, #tpu.memory_space<vmem>> -> memref<1x8x128xf32, #tpu.memory_space<vmem>>
    %dma_start3A_51 = tpu.memref_squeeze %dma_start3A_50 : memref<1x8x128xf32, #tpu.memory_space<vmem>> -> memref<8x128xf32, #tpu.memory_space<vmem>>
    %dma_start3A_52 = tpu.memref_slice %arg2[%multiple_of3A_41, %multiple_of3A_36] : memref<1024x100000xf32, #tpu.memory_space<hbm>> -> memref<8x128xf32, #tpu.memory_space<hbm>>
    tpu.enqueue_dma source(%dma_start3A_52 : memref<8x128xf32, #tpu.memory_space<hbm>>) target(%dma_start3A_51 : memref<8x128xf32, #tpu.memory_space<vmem>>) target_semaphore(%arg9 : memref<!tpu.dma_semaphore, #tpu.memory_space<semaphore_mem>>)
    %slice3A_53 = vector.extract_strided_slice %get3A_6 {offsets = [2], sizes = [1], strides = [1]} : vector<16xi32> to vector<1xi32>
    %squeeze3A_54 = vector.extract %slice3A_53[0] : i32 from vector<1xi32>
    %eq3A_55 = arith.constant -1 : i32
    %eq3A_56 = arith.cmpi eq, %squeeze3A_54, %eq3A_55 : i32
    %jit3A_57 = arith.constant 0 : i32
    %select_n3A_58 = arith.select %eq3A_56, %jit3A_57, %squeeze3A_54 : i32
    %and3A_59 = arith.constant -128 : i32
    %and3A_60 = arith.andi %select_n3A_58, %and3A_59 : i32
    %multiple_of3A_61 = tpu.assume_multiple %and3A_60, 128 : i32
    %add3A_62 = arith.constant 2 : i32
    %add3A_63 = arith.addi %mul3A_2, %add3A_62 : i32
    %and3A_64 = arith.constant -8 : i32
    %and3A_65 = arith.andi %add3A_63, %and3A_64 : i32
    %multiple_of3A_66 = tpu.assume_multiple %and3A_65, 8 : i32
    %dma_start3A_67 = arith.constant 2 : i32
    %dma_start3A_68 = arith.constant 0 : i32
    %dma_start3A_69 = arith.constant 0 : i32
    %dma_start3A_70 = tpu.memref_slice %arg6[%dma_start3A_67, %dma_start3A_68, %dma_start3A_69] : memref<32x8x128xf32, #tpu.memory_space<vmem>> -> memref<1x8x128xf32, #tpu.memory_space<vmem>>
    %dma_start3A_71 = tpu.memref_squeeze %dma_start3A_70 : memref<1x8x128xf32, #tpu.memory_space<vmem>> -> memref<8x128xf32, #tpu.memory_space<vmem>>
    %dma_start3A_72 = tpu.memref_slice %arg2[%multiple_of3A_66, %multiple_of3A_61] : memref<1024x100000xf32, #tpu.memory_space<hbm>> -> memref<8x128xf32, #tpu.memory_space<hbm>>
    %dma_start3A_73 = arith.constant 0 : i32
    %dma_start3A_74 = arith.constant 0 : i32
    %dma_start3A_75 = tpu.memref_slice %arg6[%dma_start3A_67, %dma_start3A_73, %dma_start3A_74] : memref<32x8x128xf32, #tpu.memory_space<vmem>> -> memref<1x8x128xf32, #tpu.memory_space<vmem>>
    %dma_start3A_76 = tpu.memref_squeeze %dma_start3A_75 : memref<1x8x128xf32, #tpu.memory_space<vmem>> -> memref<8x128xf32, #tpu.memory_space<vmem>>
    %dma_start3A_77 = tpu.memref_slice %arg2[%multiple_of3A_66, %multiple_of3A_61] : memref<1024x100000xf32, #tpu.memory_space<hbm>> -> memref<8x128xf32, #tpu.memory_space<hbm>>
    tpu.enqueue_dma source(%dma_start3A_77 : memref<8x128xf32, #tpu.memory_space<hbm>>) target(%dma_start3A_76 : memref<8x128xf32, #tpu.memory_space<vmem>>) target_semaphore(%arg9 : memref<!tpu.dma_semaphore, #tpu.memory_space<semaphore_mem>>)
    %slice3A_78 = vector.extract_strided_slice %get3A_6 {offsets = [3], sizes = [1], strides = [1]} : vector<16xi32> to vector<1xi32>
    %squeeze3A_79 = vector.extract %slice3A_78[0] : i32 from vector<1xi32>
    %eq3A_80 = arith.constant -1 : i32
    %eq3A_81 = arith.cmpi eq, %squeeze3A_79, %eq3A_80 : i32
    %jit3A_82 = arith.constant 0 : i32
    %select_n3A_83 = arith.select %eq3A_81, %jit3A_82, %squeeze3A_79 : i32
    %and3A_84 = arith.constant -128 : i32
    %and3A_85 = arith.andi %select_n3A_83, %and3A_84 : i32
    %multiple_of3A_86 = tpu.assume_multiple %and3A_85, 128 : i32
    %add3A_87 = arith.constant 3 : i32
    %add3A_88 = arith.addi %mul3A_2, %add3A_87 : i32
    %and3A_89 = arith.constant -8 : i32
    %and3A_90 = arith.andi %add3A_88, %and3A_89 : i32
    %multiple_of3A_91 = tpu.assume_multiple %and3A_90, 8 : i32
    %dma_start3A_92 = arith.constant 3 : i32
    %dma_start3A_93 = arith.constant 0 : i32
    %dma_start3A_94 = arith.constant 0 : i32
    %dma_start3A_95 = tpu.memref_slice %arg6[%dma_start3A_92, %dma_start3A_93, %dma_start3A_94] : memref<32x8x128xf32, #tpu.memory_space<vmem>> -> memref<1x8x128xf32, #tpu.memory_space<vmem>>
    %dma_start3A_96 = tpu.memref_squeeze %dma_start3A_95 : memref<1x8x128xf32, #tpu.memory_space<vmem>> -> memref<8x128xf32, #tpu.memory_space<vmem>>
    %dma_start3A_97 = tpu.memref_slice %arg2[%multiple_of3A_91, %multiple_of3A_86] : memref<1024x100000xf32, #tpu.memory_space<hbm>> -> memref<8x128xf32, #tpu.memory_space<hbm>>
    %dma_start3A_98 = arith.constant 0 : i32
    %dma_start3A_99 = arith.constant 0 : i32
    %dma_start3A_100 = tpu.memref_slice %arg6[%dma_start3A_92, %dma_start3A_98, %dma_start3A_99] : memref<32x8x128xf32, #tpu.memory_space<vmem>> -> memref<1x8x128xf32, #tpu.memory_space<vmem>>
    %dma_start3A_101 = tpu.memref_squeeze %dma_start3A_100 : memref<1x8x128xf32, #tpu.memory_space<vmem>> -> memref<8x128xf32, #tpu.memory_space<vmem>>
    %dma_start3A_102 = tpu.memref_slice %arg2[%multiple_of3A_91, %multiple_of3A_86] : memref<1024x100000xf32, #tpu.memory_space<hbm>> -> memref<8x128xf32, #tpu.memory_space<hbm>>
    tpu.enqueue_dma source(%dma_start3A_102 : memref<8x128xf32, #tpu.memory_space<hbm>>) target(%dma_start3A_101 : memref<8x128xf32, #tpu.memory_space<vmem>>) target_semaphore(%arg9 : memref<!tpu.dma_semaphore, #tpu.memory_space<semaphore_mem>>)
    %slice3A_103 = vector.extract_strided_slice %get3A_6 {offsets = [4], sizes = [1], strides = [1]} : vector<16xi32> to vector<1xi32>
    %squeeze3A_104 = vector.extract %slice3A_103[0] : i32 from vector<1xi32>
    %eq3A_105 = arith.constant -1 : i32
    %eq3A_106 = arith.cmpi eq, %squeeze3A_104, %eq3A_105 : i32
    %jit3A_107 = arith.constant 0 : i32
    %select_n3A_108 = arith.select %eq3A_106, %jit3A_107, %squeeze3A_104 : i32
    %and3A_109 = arith.constant -128 : i32
    %and3A_110 = arith.andi %select_n3A_108, %and3A_109 : i32
    %multiple_of3A_111 = tpu.assume_multiple %and3A_110, 128 : i32
    %add3A_112 = arith.constant 4 : i32
    %add3A_113 = arith.addi %mul3A_2, %add3A_112 : i32
    %and3A_114 = arith.constant -8 : i32
    %and3A_115 = arith.andi %add3A_113, %and3A_114 : i32
    %multiple_of3A_116 = tpu.assume_multiple %and3A_115, 8 : i32
    %dma_start3A_117 = arith.constant 4 : i32
    %dma_start3A_118 = arith.constant 0 : i32
    %dma_start3A_119 = arith.constant 0 : i32
    %dma_start3A_120 = tpu.memref_slice %arg6[%dma_start3A_117, %dma_start3A_118, %dma_start3A_119] : memref<32x8x128xf32, #tpu.memory_space<vmem>> -> memref<1x8x128xf32, #tpu.memory_space<vmem>>
    %dma_start3A_121 = tpu.memref_squeeze %dma_start3A_120 : memref<1x8x128xf32, #tpu.memory_space<vmem>> -> memref<8x128xf32, #tpu.memory_space<vmem>>
    %dma_start3A_122 = tpu.memref_slice %arg2[%multiple_of3A_116, %multiple_of3A_111] : memref<1024x100000xf32, #tpu.memory_space<hbm>> -> memref<8x128xf32, #tpu.memory_space<hbm>>
    %dma_start3A_123 = arith.constant 0 : i32
    %dma_start3A_124 = arith.constant 0 : i32
    %dma_start3A_125 = tpu.memref_slice %arg6[%dma_start3A_117, %dma_start3A_123, %dma_start3A_124] : memref<32x8x128xf32, #tpu.memory_space<vmem>> -> memref<1x8x128xf32, #tpu.memory_space<vmem>>
    %dma_start3A_126 = tpu.memref_squeeze %dma_start3A_125 : memref<1x8x128xf32, #tpu.memory_space<vmem>> -> memref<8x128xf32, #tpu.memory_space<vmem>>
    %dma_start3A_127 = tpu.memref_slice %arg2[%multiple_of3A_116, %multiple_of3A_111] : memref<1024x100000xf32, #tpu.memory_space<hbm>> -> memref<8x128xf32, #tpu.memory_space<hbm>>
    tpu.enqueue_dma source(%dma_start3A_127 : memref<8x128xf32, #tpu.memory_space<hbm>>) target(%dma_start3A_126 : memref<8x128xf32, #tpu.memory_space<vmem>>) target_semaphore(%arg9 : memref<!tpu.dma_semaphore, #tpu.memory_space<semaphore_mem>>)
    %slice3A_128 = vector.extract_strided_slice %get3A_6 {offsets = [5], sizes = [1], strides = [1]} : vector<16xi32> to vector<1xi32>
    %squeeze3A_129 = vector.extract %slice3A_128[0] : i32 from vector<1xi32>
    %eq3A_130 = arith.constant -1 : i32
    %eq3A_131 = arith.cmpi eq, %squeeze3A_129, %eq3A_130 : i32
    %jit3A_132 = arith.constant 0 : i32
    %select_n3A_133 = arith.select %eq3A_131, %jit3A_132, %squeeze3A_129 : i32
    %and3A_134 = arith.constant -128 : i32
    %and3A_135 = arith.andi %select_n3A_133, %and3A_134 : i32
    %multiple_of3A_136 = tpu.assume_multiple %and3A_135, 128 : i32
    %add3A_137 = arith.constant 5 : i32
    %add3A_138 = arith.addi %mul3A_2, %add3A_137 : i32
    %and3A_139 = arith.constant -8 : i32
    %and3A_140 = arith.andi %add3A_138, %and3A_139 : i32
    %multiple_of3A_141 = tpu.assume_multiple %and3A_140, 8 : i32
    %dma_start3A_142 = arith.constant 5 : i32
    %dma_start3A_143 = arith.constant 0 : i32
    %dma_start3A_144 = arith.constant 0 : i32
    %dma_start3A_145 = tpu.memref_slice %arg6[%dma_start3A_142, %dma_start3A_143, %dma_start3A_144] : memref<32x8x128xf32, #tpu.memory_space<vmem>> -> memref<1x8x128xf32, #tpu.memory_space<vmem>>
    %dma_start3A_146 = tpu.memref_squeeze %dma_start3A_145 : memref<1x8x128xf32, #tpu.memory_space<vmem>> -> memref<8x128xf32, #tpu.memory_space<vmem>>
    %dma_start3A_147 = tpu.memref_slice %arg2[%multiple_of3A_141, %multiple_of3A_136] : memref<1024x100000xf32, #tpu.memory_space<hbm>> -> memref<8x128xf32, #tpu.memory_space<hbm>>
    %dma_start3A_148 = arith.constant 0 : i32
    %dma_start3A_149 = arith.constant 0 : i32
    %dma_start3A_150 = tpu.memref_slice %arg6[%dma_start3A_142, %dma_start3A_148, %dma_start3A_149] : memref<32x8x128xf32, #tpu.memory_space<vmem>> -> memref<1x8x128xf32, #tpu.memory_space<vmem>>
    %dma_start3A_151 = tpu.memref_squeeze %dma_start3A_150 : memref<1x8x128xf32, #tpu.memory_space<vmem>> -> memref<8x128xf32, #tpu.memory_space<vmem>>
    %dma_start3A_152 = tpu.memref_slice %arg2[%multiple_of3A_141, %multiple_of3A_136] : memref<1024x100000xf32, #tpu.memory_space<hbm>> -> memref<8x128xf32, #tpu.memory_space<hbm>>
    tpu.enqueue_dma source(%dma_start3A_152 : memref<8x128xf32, #tpu.memory_space<hbm>>) target(%dma_start3A_151 : memref<8x128xf32, #tpu.memory_space<vmem>>) target_semaphore(%arg9 : memref<!tpu.dma_semaphore, #tpu.memory_space<semaphore_mem>>)
    %slice3A_153 = vector.extract_strided_slice %get3A_6 {offsets = [6], sizes = [1], strides = [1]} : vector<16xi32> to vector<1xi32>
    %squeeze3A_154 = vector.extract %slice3A_153[0] : i32 from vector<1xi32>
    %eq3A_155 = arith.constant -1 : i32
    %eq3A_156 = arith.cmpi eq, %squeeze3A_154, %eq3A_155 : i32
    %jit3A_157 = arith.constant 0 : i32
    %select_n3A_158 = arith.select %eq3A_156, %jit3A_157, %squeeze3A_154 : i32
    %and3A_159 = arith.constant -128 : i32
    %and3A_160 = arith.andi %select_n3A_158, %and3A_159 : i32
    %multiple_of3A_161 = tpu.assume_multiple %and3A_160, 128 : i32
    %add3A_162 = arith.constant 6 : i32
    %add3A_163 = arith.addi %mul3A_2, %add3A_162 : i32
    %and3A_164 = arith.constant -8 : i32
    %and3A_165 = arith.andi %add3A_163, %and3A_164 : i32
    %multiple_of3A_166 = tpu.assume_multiple %and3A_165, 8 : i32
    %dma_start3A_167 = arith.constant 6 : i32
    %dma_start3A_168 = arith.constant 0 : i32
    %dma_start3A_169 = arith.constant 0 : i32
    %dma_start3A_170 = tpu.memref_slice %arg6[%dma_start3A_167, %dma_start3A_168, %dma_start3A_169] : memref<32x8x128xf32, #tpu.memory_space<vmem>> -> memref<1x8x128xf32, #tpu.memory_space<vmem>>
    %dma_start3A_171 = tpu.memref_squeeze %dma_start3A_170 : memref<1x8x128xf32, #tpu.memory_space<vmem>> -> memref<8x128xf32, #tpu.memory_space<vmem>>
    %dma_start3A_172 = tpu.memref_slice %arg2[%multiple_of3A_166, %multiple_of3A_161] : memref<1024x100000xf32, #tpu.memory_space<hbm>> -> memref<8x128xf32, #tpu.memory_space<hbm>>
    %dma_start3A_173 = arith.constant 0 : i32
    %dma_start3A_174 = arith.constant 0 : i32
    %dma_start3A_175 = tpu.memref_slice %arg6[%dma_start3A_167, %dma_start3A_173, %dma_start3A_174] : memref<32x8x128xf32, #tpu.memory_space<vmem>> -> memref<1x8x128xf32, #tpu.memory_space<vmem>>
    %dma_start3A_176 = tpu.memref_squeeze %dma_start3A_175 : memref<1x8x128xf32, #tpu.memory_space<vmem>> -> memref<8x128xf32, #tpu.memory_space<vmem>>
    %dma_start3A_177 = tpu.memref_slice %arg2[%multiple_of3A_166, %multiple_of3A_161] : memref<1024x100000xf32, #tpu.memory_space<hbm>> -> memref<8x128xf32, #tpu.memory_space<hbm>>
    tpu.enqueue_dma source(%dma_start3A_177 : memref<8x128xf32, #tpu.memory_space<hbm>>) target(%dma_start3A_176 : memref<8x128xf32, #tpu.memory_space<vmem>>) target_semaphore(%arg9 : memref<!tpu.dma_semaphore, #tpu.memory_space<semaphore_mem>>)
    %slice3A_178 = vector.extract_strided_slice %get3A_6 {offsets = [7], sizes = [1], strides = [1]} : vector<16xi32> to vector<1xi32>
    %squeeze3A_179 = vector.extract %slice3A_178[0] : i32 from vector<1xi32>
    %eq3A_180 = arith.constant -1 : i32
    %eq3A_181 = arith.cmpi eq, %squeeze3A_179, %eq3A_180 : i32
    %jit3A_182 = arith.constant 0 : i32
    %select_n3A_183 = arith.select %eq3A_181, %jit3A_182, %squeeze3A_179 : i32
    %and3A_184 = arith.constant -128 : i32
    %and3A_185 = arith.andi %select_n3A_183, %and3A_184 : i32
    %multiple_of3A_186 = tpu.assume_multiple %and3A_185, 128 : i32
    %add3A_187 = arith.constant 7 : i32
    %add3A_188 = arith.addi %mul3A_2, %add3A_187 : i32
    %and3A_189 = arith.constant -8 : i32
    %and3A_190 = arith.andi %add3A_188, %and3A_189 : i32
    %multiple_of3A_191 = tpu.assume_multiple %and3A_190, 8 : i32
    %dma_start3A_192 = arith.constant 7 : i32
    %dma_start3A_193 = arith.constant 0 : i32
    %dma_start3A_194 = arith.constant 0 : i32
    %dma_start3A_195 = tpu.memref_slice %arg6[%dma_start3A_192, %dma_start3A_193, %dma_start3A_194] : memref<32x8x128xf32, #tpu.memory_space<vmem>> -> memref<1x8x128xf32, #tpu.memory_space<vmem>>
    %dma_start3A_196 = tpu.memref_squeeze %dma_start3A_195 : memref<1x8x128xf32, #tpu.memory_space<vmem>> -> memref<8x128xf32, #tpu.memory_space<vmem>>
    %dma_start3A_197 = tpu.memref_slice %arg2[%multiple_of3A_191, %multiple_of3A_186] : memref<1024x100000xf32, #tpu.memory_space<hbm>> -> memref<8x128xf32, #tpu.memory_space<hbm>>
    %dma_start3A_198 = arith.constant 0 : i32
    %dma_start3A_199 = arith.constant 0 : i32
    %dma_start3A_200 = tpu.memref_slice %arg6[%dma_start3A_192, %dma_start3A_198, %dma_start3A_199] : memref<32x8x128xf32, #tpu.memory_space<vmem>> -> memref<1x8x128xf32, #tpu.memory_space<vmem>>
    %dma_start3A_201 = tpu.memref_squeeze %dma_start3A_200 : memref<1x8x128xf32, #tpu.memory_space<vmem>> -> memref<8x128xf32, #tpu.memory_space<vmem>>
    %dma_start3A_202 = tpu.memref_slice %arg2[%multiple_of3A_191, %multiple_of3A_186] : memref<1024x100000xf32, #tpu.memory_space<hbm>> -> memref<8x128xf32, #tpu.memory_space<hbm>>
    tpu.enqueue_dma source(%dma_start3A_202 : memref<8x128xf32, #tpu.memory_space<hbm>>) target(%dma_start3A_201 : memref<8x128xf32, #tpu.memory_space<vmem>>) target_semaphore(%arg9 : memref<!tpu.dma_semaphore, #tpu.memory_space<semaphore_mem>>)
    %slice3A_203 = vector.extract_strided_slice %get3A_6 {offsets = [8], sizes = [1], strides = [1]} : vector<16xi32> to vector<1xi32>
    %squeeze3A_204 = vector.extract %slice3A_203[0] : i32 from vector<1xi32>
    %eq3A_205 = arith.constant -1 : i32
    %eq3A_206 = arith.cmpi eq, %squeeze3A_204, %eq3A_205 : i32
    %jit3A_207 = arith.constant 0 : i32
    %select_n3A_208 = arith.select %eq3A_206, %jit3A_207, %squeeze3A_204 : i32
    %and3A_209 = arith.constant -128 : i32
    %and3A_210 = arith.andi %select_n3A_208, %and3A_209 : i32
    %multiple_of3A_211 = tpu.assume_multiple %and3A_210, 128 : i32
    %add3A_212 = arith.constant 8 : i32
    %add3A_213 = arith.addi %mul3A_2, %add3A_212 : i32
    %and3A_214 = arith.constant -8 : i32
    %and3A_215 = arith.andi %add3A_213, %and3A_214 : i32
    %multiple_of3A_216 = tpu.assume_multiple %and3A_215, 8 : i32
    %dma_start3A_217 = arith.constant 8 : i32
    %dma_start3A_218 = arith.constant 0 : i32
    %dma_start3A_219 = arith.constant 0 : i32
    %dma_start3A_220 = tpu.memref_slice %arg6[%dma_start3A_217, %dma_start3A_218, %dma_start3A_219] : memref<32x8x128xf32, #tpu.memory_space<vmem>> -> memref<1x8x128xf32, #tpu.memory_space<vmem>>
    %dma_start3A_221 = tpu.memref_squeeze %dma_start3A_220 : memref<1x8x128xf32, #tpu.memory_space<vmem>> -> memref<8x128xf32, #tpu.memory_space<vmem>>
    %dma_start3A_222 = tpu.memref_slice %arg2[%multiple_of3A_216, %multiple_of3A_211] : memref<1024x100000xf32, #tpu.memory_space<hbm>> -> memref<8x128xf32, #tpu.memory_space<hbm>>
    %dma_start3A_223 = arith.constant 0 : i32
    %dma_start3A_224 = arith.constant 0 : i32
    %dma_start3A_225 = tpu.memref_slice %arg6[%dma_start3A_217, %dma_start3A_223, %dma_start3A_224] : memref<32x8x128xf32, #tpu.memory_space<vmem>> -> memref<1x8x128xf32, #tpu.memory_space<vmem>>
    %dma_start3A_226 = tpu.memref_squeeze %dma_start3A_225 : memref<1x8x128xf32, #tpu.memory_space<vmem>> -> memref<8x128xf32, #tpu.memory_space<vmem>>
    %dma_start3A_227 = tpu.memref_slice %arg2[%multiple_of3A_216, %multiple_of3A_211] : memref<1024x100000xf32, #tpu.memory_space<hbm>> -> memref<8x128xf32, #tpu.memory_space<hbm>>
    tpu.enqueue_dma source(%dma_start3A_227 : memref<8x128xf32, #tpu.memory_space<hbm>>) target(%dma_start3A_226 : memref<8x128xf32, #tpu.memory_space<vmem>>) target_semaphore(%arg9 : memref<!tpu.dma_semaphore, #tpu.memory_space<semaphore_mem>>)
    %slice3A_228 = vector.extract_strided_slice %get3A_6 {offsets = [9], sizes = [1], strides = [1]} : vector<16xi32> to vector<1xi32>
    %squeeze3A_229 = vector.extract %slice3A_228[0] : i32 from vector<1xi32>
    %eq3A_230 = arith.constant -1 : i32
    %eq3A_231 = arith.cmpi eq, %squeeze3A_229, %eq3A_230 : i32
    %jit3A_232 = arith.constant 0 : i32
    %select_n3A_233 = arith.select %eq3A_231, %jit3A_232, %squeeze3A_229 : i32
    %and3A_234 = arith.constant -128 : i32
    %and3A_235 = arith.andi %select_n3A_233, %and3A_234 : i32
    %multiple_of3A_236 = tpu.assume_multiple %and3A_235, 128 : i32
    %add3A_237 = arith.constant 9 : i32
    %add3A_238 = arith.addi %mul3A_2, %add3A_237 : i32
    %and3A_239 = arith.constant -8 : i32
    %and3A_240 = arith.andi %add3A_238, %and3A_239 : i32
    %multiple_of3A_241 = tpu.assume_multiple %and3A_240, 8 : i32
    %dma_start3A_242 = arith.constant 9 : i32
    %dma_start3A_243 = arith.constant 0 : i32
    %dma_start3A_244 = arith.constant 0 : i32
    %dma_start3A_245 = tpu.memref_slice %arg6[%dma_start3A_242, %dma_start3A_243, %dma_start3A_244] : memref<32x8x128xf32, #tpu.memory_space<vmem>> -> memref<1x8x128xf32, #tpu.memory_space<vmem>>
    %dma_start3A_246 = tpu.memref_squeeze %dma_start3A_245 : memref<1x8x128xf32, #tpu.memory_space<vmem>> -> memref<8x128xf32, #tpu.memory_space<vmem>>
    %dma_start3A_247 = tpu.memref_slice %arg2[%multiple_of3A_241, %multiple_of3A_236] : memref<1024x100000xf32, #tpu.memory_space<hbm>> -> memref<8x128xf32, #tpu.memory_space<hbm>>
    %dma_start3A_248 = arith.constant 0 : i32
    %dma_start3A_249 = arith.constant 0 : i32
    %dma_start3A_250 = tpu.memref_slice %arg6[%dma_start3A_242, %dma_start3A_248, %dma_start3A_249] : memref<32x8x128xf32, #tpu.memory_space<vmem>> -> memref<1x8x128xf32, #tpu.memory_space<vmem>>
    %dma_start3A_251 = tpu.memref_squeeze %dma_start3A_250 : memref<1x8x128xf32, #tpu.memory_space<vmem>> -> memref<8x128xf32, #tpu.memory_space<vmem>>
    %dma_start3A_252 = tpu.memref_slice %arg2[%multiple_of3A_241, %multiple_of3A_236] : memref<1024x100000xf32, #tpu.memory_space<hbm>> -> memref<8x128xf32, #tpu.memory_space<hbm>>
    tpu.enqueue_dma source(%dma_start3A_252 : memref<8x128xf32, #tpu.memory_space<hbm>>) target(%dma_start3A_251 : memref<8x128xf32, #tpu.memory_space<vmem>>) target_semaphore(%arg9 : memref<!tpu.dma_semaphore, #tpu.memory_space<semaphore_mem>>)
    %slice3A_253 = vector.extract_strided_slice %get3A_6 {offsets = [10], sizes = [1], strides = [1]} : vector<16xi32> to vector<1xi32>
    %squeeze3A_254 = vector.extract %slice3A_253[0] : i32 from vector<1xi32>
    %eq3A_255 = arith.constant -1 : i32
    %eq3A_256 = arith.cmpi eq, %squeeze3A_254, %eq3A_255 : i32
    %jit3A_257 = arith.constant 0 : i32
    %select_n3A_258 = arith.select %eq3A_256, %jit3A_257, %squeeze3A_254 : i32
    %and3A_259 = arith.constant -128 : i32
    %and3A_260 = arith.andi %select_n3A_258, %and3A_259 : i32
    %multiple_of3A_261 = tpu.assume_multiple %and3A_260, 128 : i32
    %add3A_262 = arith.constant 10 : i32
    %add3A_263 = arith.addi %mul3A_2, %add3A_262 : i32
    %and3A_264 = arith.constant -8 : i32
    %and3A_265 = arith.andi %add3A_263, %and3A_264 : i32
    %multiple_of3A_266 = tpu.assume_multiple %and3A_265, 8 : i32
    %dma_start3A_267 = arith.constant 10 : i32
    %dma_start3A_268 = arith.constant 0 : i32
    %dma_start3A_269 = arith.constant 0 : i32
    %dma_start3A_270 = tpu.memref_slice %arg6[%dma_start3A_267, %dma_start3A_268, %dma_start3A_269] : memref<32x8x128xf32, #tpu.memory_space<vmem>> -> memref<1x8x128xf32, #tpu.memory_space<vmem>>
    %dma_start3A_271 = tpu.memref_squeeze %dma_start3A_270 : memref<1x8x128xf32, #tpu.memory_space<vmem>> -> memref<8x128xf32, #tpu.memory_space<vmem>>
    %dma_start3A_272 = tpu.memref_slice %arg2[%multiple_of3A_266, %multiple_of3A_261] : memref<1024x100000xf32, #tpu.memory_space<hbm>> -> memref<8x128xf32, #tpu.memory_space<hbm>>
    %dma_start3A_273 = arith.constant 0 : i32
    %dma_start3A_274 = arith.constant 0 : i32
    %dma_start3A_275 = tpu.memref_slice %arg6[%dma_start3A_267, %dma_start3A_273, %dma_start3A_274] : memref<32x8x128xf32, #tpu.memory_space<vmem>> -> memref<1x8x128xf32, #tpu.memory_space<vmem>>
    %dma_start3A_276 = tpu.memref_squeeze %dma_start3A_275 : memref<1x8x128xf32, #tpu.memory_space<vmem>> -> memref<8x128xf32, #tpu.memory_space<vmem>>
    %dma_start3A_277 = tpu.memref_slice %arg2[%multiple_of3A_266, %multiple_of3A_261] : memref<1024x100000xf32, #tpu.memory_space<hbm>> -> memref<8x128xf32, #tpu.memory_space<hbm>>
    tpu.enqueue_dma source(%dma_start3A_277 : memref<8x128xf32, #tpu.memory_space<hbm>>) target(%dma_start3A_276 : memref<8x128xf32, #tpu.memory_space<vmem>>) target_semaphore(%arg9 : memref<!tpu.dma_semaphore, #tpu.memory_space<semaphore_mem>>)
    %slice3A_278 = vector.extract_strided_slice %get3A_6 {offsets = [11], sizes = [1], strides = [1]} : vector<16xi32> to vector<1xi32>
    %squeeze3A_279 = vector.extract %slice3A_278[0] : i32 from vector<1xi32>
    %eq3A_280 = arith.constant -1 : i32
    %eq3A_281 = arith.cmpi eq, %squeeze3A_279, %eq3A_280 : i32
    %jit3A_282 = arith.constant 0 : i32
    %select_n3A_283 = arith.select %eq3A_281, %jit3A_282, %squeeze3A_279 : i32
    %and3A_284 = arith.constant -128 : i32
    %and3A_285 = arith.andi %select_n3A_283, %and3A_284 : i32
    %multiple_of3A_286 = tpu.assume_multiple %and3A_285, 128 : i32
    %add3A_287 = arith.constant 11 : i32
    %add3A_288 = arith.addi %mul3A_2, %add3A_287 : i32
    %and3A_289 = arith.constant -8 : i32
    %and3A_290 = arith.andi %add3A_288, %and3A_289 : i32
    %multiple_of3A_291 = tpu.assume_multiple %and3A_290, 8 : i32
    %dma_start3A_292 = arith.constant 11 : i32
    %dma_start3A_293 = arith.constant 0 : i32
    %dma_start3A_294 = arith.constant 0 : i32
    %dma_start3A_295 = tpu.memref_slice %arg6[%dma_start3A_292, %dma_start3A_293, %dma_start3A_294] : memref<32x8x128xf32, #tpu.memory_space<vmem>> -> memref<1x8x128xf32, #tpu.memory_space<vmem>>
    %dma_start3A_296 = tpu.memref_squeeze %dma_start3A_295 : memref<1x8x128xf32, #tpu.memory_space<vmem>> -> memref<8x128xf32, #tpu.memory_space<vmem>>
    %dma_start3A_297 = tpu.memref_slice %arg2[%multiple_of3A_291, %multiple_of3A_286] : memref<1024x100000xf32, #tpu.memory_space<hbm>> -> memref<8x128xf32, #tpu.memory_space<hbm>>
    %dma_start3A_298 = arith.constant 0 : i32
    %dma_start3A_299 = arith.constant 0 : i32
    %dma_start3A_300 = tpu.memref_slice %arg6[%dma_start3A_292, %dma_start3A_298, %dma_start3A_299] : memref<32x8x128xf32, #tpu.memory_space<vmem>> -> memref<1x8x128xf32, #tpu.memory_space<vmem>>
    %dma_start3A_301 = tpu.memref_squeeze %dma_start3A_300 : memref<1x8x128xf32, #tpu.memory_space<vmem>> -> memref<8x128xf32, #tpu.memory_space<vmem>>
    %dma_start3A_302 = tpu.memref_slice %arg2[%multiple_of3A_291, %multiple_of3A_286] : memref<1024x100000xf32, #tpu.memory_space<hbm>> -> memref<8x128xf32, #tpu.memory_space<hbm>>
    tpu.enqueue_dma source(%dma_start3A_302 : memref<8x128xf32, #tpu.memory_space<hbm>>) target(%dma_start3A_301 : memref<8x128xf32, #tpu.memory_space<vmem>>) target_semaphore(%arg9 : memref<!tpu.dma_semaphore, #tpu.memory_space<semaphore_mem>>)
    %slice3A_303 = vector.extract_strided_slice %get3A_6 {offsets = [12], sizes = [1], strides = [1]} : vector<16xi32> to vector<1xi32>
    %squeeze3A_304 = vector.extract %slice3A_303[0] : i32 from vector<1xi32>
    %eq3A_305 = arith.constant -1 : i32
    %eq3A_306 = arith.cmpi eq, %squeeze3A_304, %eq3A_305 : i32
    %jit3A_307 = arith.constant 0 : i32
    %select_n3A_308 = arith.select %eq3A_306, %jit3A_307, %squeeze3A_304 : i32
    %and3A_309 = arith.constant -128 : i32
    %and3A_310 = arith.andi %select_n3A_308, %and3A_309 : i32
    %multiple_of3A_311 = tpu.assume_multiple %and3A_310, 128 : i32
    %add3A_312 = arith.constant 12 : i32
    %add3A_313 = arith.addi %mul3A_2, %add3A_312 : i32
    %and3A_314 = arith.constant -8 : i32
    %and3A_315 = arith.andi %add3A_313, %and3A_314 : i32
    %multiple_of3A_316 = tpu.assume_multiple %and3A_315, 8 : i32
    %dma_start3A_317 = arith.constant 12 : i32
    %dma_start3A_318 = arith.constant 0 : i32
    %dma_start3A_319 = arith.constant 0 : i32
    %dma_start3A_320 = tpu.memref_slice %arg6[%dma_start3A_317, %dma_start3A_318, %dma_start3A_319] : memref<32x8x128xf32, #tpu.memory_space<vmem>> -> memref<1x8x128xf32, #tpu.memory_space<vmem>>
    %dma_start3A_321 = tpu.memref_squeeze %dma_start3A_320 : memref<1x8x128xf32, #tpu.memory_space<vmem>> -> memref<8x128xf32, #tpu.memory_space<vmem>>
    %dma_start3A_322 = tpu.memref_slice %arg2[%multiple_of3A_316, %multiple_of3A_311] : memref<1024x100000xf32, #tpu.memory_space<hbm>> -> memref<8x128xf32, #tpu.memory_space<hbm>>
    %dma_start3A_323 = arith.constant 0 : i32
    %dma_start3A_324 = arith.constant 0 : i32
    %dma_start3A_325 = tpu.memref_slice %arg6[%dma_start3A_317, %dma_start3A_323, %dma_start3A_324] : memref<32x8x128xf32, #tpu.memory_space<vmem>> -> memref<1x8x128xf32, #tpu.memory_space<vmem>>
    %dma_start3A_326 = tpu.memref_squeeze %dma_start3A_325 : memref<1x8x128xf32, #tpu.memory_space<vmem>> -> memref<8x128xf32, #tpu.memory_space<vmem>>
    %dma_start3A_327 = tpu.memref_slice %arg2[%multiple_of3A_316, %multiple_of3A_311] : memref<1024x100000xf32, #tpu.memory_space<hbm>> -> memref<8x128xf32, #tpu.memory_space<hbm>>
    tpu.enqueue_dma source(%dma_start3A_327 : memref<8x128xf32, #tpu.memory_space<hbm>>) target(%dma_start3A_326 : memref<8x128xf32, #tpu.memory_space<vmem>>) target_semaphore(%arg9 : memref<!tpu.dma_semaphore, #tpu.memory_space<semaphore_mem>>)
    %slice3A_328 = vector.extract_strided_slice %get3A_6 {offsets = [13], sizes = [1], strides = [1]} : vector<16xi32> to vector<1xi32>
    %squeeze3A_329 = vector.extract %slice3A_328[0] : i32 from vector<1xi32>
    %eq3A_330 = arith.constant -1 : i32
    %eq3A_331 = arith.cmpi eq, %squeeze3A_329, %eq3A_330 : i32
    %jit3A_332 = arith.constant 0 : i32
    %select_n3A_333 = arith.select %eq3A_331, %jit3A_332, %squeeze3A_329 : i32
    %and3A_334 = arith.constant -128 : i32
    %and3A_335 = arith.andi %select_n3A_333, %and3A_334 : i32
    %multiple_of3A_336 = tpu.assume_multiple %and3A_335, 128 : i32
    %add3A_337 = arith.constant 13 : i32
    %add3A_338 = arith.addi %mul3A_2, %add3A_337 : i32
    %and3A_339 = arith.constant -8 : i32
    %and3A_340 = arith.andi %add3A_338, %and3A_339 : i32
    %multiple_of3A_341 = tpu.assume_multiple %and3A_340, 8 : i32
    %dma_start3A_342 = arith.constant 13 : i32
    %dma_start3A_343 = arith.constant 0 : i32
    %dma_start3A_344 = arith.constant 0 : i32
    %dma_start3A_345 = tpu.memref_slice %arg6[%dma_start3A_342, %dma_start3A_343, %dma_start3A_344] : memref<32x8x128xf32, #tpu.memory_space<vmem>> -> memref<1x8x128xf32, #tpu.memory_space<vmem>>
    %dma_start3A_346 = tpu.memref_squeeze %dma_start3A_345 : memref<1x8x128xf32, #tpu.memory_space<vmem>> -> memref<8x128xf32, #tpu.memory_space<vmem>>
    %dma_start3A_347 = tpu.memref_slice %arg2[%multiple_of3A_341, %multiple_of3A_336] : memref<1024x100000xf32, #tpu.memory_space<hbm>> -> memref<8x128xf32, #tpu.memory_space<hbm>>
    %dma_start3A_348 = arith.constant 0 : i32
    %dma_start3A_349 = arith.constant 0 : i32
    %dma_start3A_350 = tpu.memref_slice %arg6[%dma_start3A_342, %dma_start3A_348, %dma_start3A_349] : memref<32x8x128xf32, #tpu.memory_space<vmem>> -> memref<1x8x128xf32, #tpu.memory_space<vmem>>
    %dma_start3A_351 = tpu.memref_squeeze %dma_start3A_350 : memref<1x8x128xf32, #tpu.memory_space<vmem>> -> memref<8x128xf32, #tpu.memory_space<vmem>>
    %dma_start3A_352 = tpu.memref_slice %arg2[%multiple_of3A_341, %multiple_of3A_336] : memref<1024x100000xf32, #tpu.memory_space<hbm>> -> memref<8x128xf32, #tpu.memory_space<hbm>>
    tpu.enqueue_dma source(%dma_start3A_352 : memref<8x128xf32, #tpu.memory_space<hbm>>) target(%dma_start3A_351 : memref<8x128xf32, #tpu.memory_space<vmem>>) target_semaphore(%arg9 : memref<!tpu.dma_semaphore, #tpu.memory_space<semaphore_mem>>)
    %slice3A_353 = vector.extract_strided_slice %get3A_6 {offsets = [14], sizes = [1], strides = [1]} : vector<16xi32> to vector<1xi32>
    %squeeze3A_354 = vector.extract %slice3A_353[0] : i32 from vector<1xi32>
    %eq3A_355 = arith.constant -1 : i32
    %eq3A_356 = arith.cmpi eq, %squeeze3A_354, %eq3A_355 : i32
    %jit3A_357 = arith.constant 0 : i32
    %select_n3A_358 = arith.select %eq3A_356, %jit3A_357, %squeeze3A_354 : i32
    %and3A_359 = arith.constant -128 : i32
    %and3A_360 = arith.andi %select_n3A_358, %and3A_359 : i32
    %multiple_of3A_361 = tpu.assume_multiple %and3A_360, 128 : i32
    %add3A_362 = arith.constant 14 : i32
    %add3A_363 = arith.addi %mul3A_2, %add3A_362 : i32
    %and3A_364 = arith.constant -8 : i32
    %and3A_365 = arith.andi %add3A_363, %and3A_364 : i32
    %multiple_of3A_366 = tpu.assume_multiple %and3A_365, 8 : i32
    %dma_start3A_367 = arith.constant 14 : i32
    %dma_start3A_368 = arith.constant 0 : i32
    %dma_start3A_369 = arith.constant 0 : i32
    %dma_start3A_370 = tpu.memref_slice %arg6[%dma_start3A_367, %dma_start3A_368, %dma_start3A_369] : memref<32x8x128xf32, #tpu.memory_space<vmem>> -> memref<1x8x128xf32, #tpu.memory_space<vmem>>
    %dma_start3A_371 = tpu.memref_squeeze %dma_start3A_370 : memref<1x8x128xf32, #tpu.memory_space<vmem>> -> memref<8x128xf32, #tpu.memory_space<vmem>>
    %dma_start3A_372 = tpu.memref_slice %arg2[%multiple_of3A_366, %multiple_of3A_361] : memref<1024x100000xf32, #tpu.memory_space<hbm>> -> memref<8x128xf32, #tpu.memory_space<hbm>>
    %dma_start3A_373 = arith.constant 0 : i32
    %dma_start3A_374 = arith.constant 0 : i32
    %dma_start3A_375 = tpu.memref_slice %arg6[%dma_start3A_367, %dma_start3A_373, %dma_start3A_374] : memref<32x8x128xf32, #tpu.memory_space<vmem>> -> memref<1x8x128xf32, #tpu.memory_space<vmem>>
    %dma_start3A_376 = tpu.memref_squeeze %dma_start3A_375 : memref<1x8x128xf32, #tpu.memory_space<vmem>> -> memref<8x128xf32, #tpu.memory_space<vmem>>
    %dma_start3A_377 = tpu.memref_slice %arg2[%multiple_of3A_366, %multiple_of3A_361] : memref<1024x100000xf32, #tpu.memory_space<hbm>> -> memref<8x128xf32, #tpu.memory_space<hbm>>
    tpu.enqueue_dma source(%dma_start3A_377 : memref<8x128xf32, #tpu.memory_space<hbm>>) target(%dma_start3A_376 : memref<8x128xf32, #tpu.memory_space<vmem>>) target_semaphore(%arg9 : memref<!tpu.dma_semaphore, #tpu.memory_space<semaphore_mem>>)
    %slice3A_378 = vector.extract_strided_slice %get3A_6 {offsets = [15], sizes = [1], strides = [1]} : vector<16xi32> to vector<1xi32>
    %squeeze3A_379 = vector.extract %slice3A_378[0] : i32 from vector<1xi32>
    %eq3A_380 = arith.constant -1 : i32
    %eq3A_381 = arith.cmpi eq, %squeeze3A_379, %eq3A_380 : i32
    %jit3A_382 = arith.constant 0 : i32
    %select_n3A_383 = arith.select %eq3A_381, %jit3A_382, %squeeze3A_379 : i32
    %and3A_384 = arith.constant -128 : i32
    %and3A_385 = arith.andi %select_n3A_383, %and3A_384 : i32
    %multiple_of3A_386 = tpu.assume_multiple %and3A_385, 128 : i32
    %add3A_387 = arith.constant 15 : i32
    %add3A_388 = arith.addi %mul3A_2, %add3A_387 : i32
    %and3A_389 = arith.constant -8 : i32
    %and3A_390 = arith.andi %add3A_388, %and3A_389 : i32
    %multiple_of3A_391 = tpu.assume_multiple %and3A_390, 8 : i32
    %dma_start3A_392 = arith.constant 15 : i32
    %dma_start3A_393 = arith.constant 0 : i32
    %dma_start3A_394 = arith.constant 0 : i32
    %dma_start3A_395 = tpu.memref_slice %arg6[%dma_start3A_392, %dma_start3A_393, %dma_start3A_394] : memref<32x8x128xf32, #tpu.memory_space<vmem>> -> memref<1x8x128xf32, #tpu.memory_space<vmem>>
    %dma_start3A_396 = tpu.memref_squeeze %dma_start3A_395 : memref<1x8x128xf32, #tpu.memory_space<vmem>> -> memref<8x128xf32, #tpu.memory_space<vmem>>
    %dma_start3A_397 = tpu.memref_slice %arg2[%multiple_of3A_391, %multiple_of3A_386] : memref<1024x100000xf32, #tpu.memory_space<hbm>> -> memref<8x128xf32, #tpu.memory_space<hbm>>
    %dma_start3A_398 = arith.constant 0 : i32
    %dma_start3A_399 = arith.constant 0 : i32
    %dma_start3A_400 = tpu.memref_slice %arg6[%dma_start3A_392, %dma_start3A_398, %dma_start3A_399] : memref<32x8x128xf32, #tpu.memory_space<vmem>> -> memref<1x8x128xf32, #tpu.memory_space<vmem>>
    %dma_start3A_401 = tpu.memref_squeeze %dma_start3A_400 : memref<1x8x128xf32, #tpu.memory_space<vmem>> -> memref<8x128xf32, #tpu.memory_space<vmem>>
    %dma_start3A_402 = tpu.memref_slice %arg2[%multiple_of3A_391, %multiple_of3A_386] : memref<1024x100000xf32, #tpu.memory_space<hbm>> -> memref<8x128xf32, #tpu.memory_space<hbm>>
    tpu.enqueue_dma source(%dma_start3A_402 : memref<8x128xf32, #tpu.memory_space<hbm>>) target(%dma_start3A_401 : memref<8x128xf32, #tpu.memory_space<vmem>>) target_semaphore(%arg9 : memref<!tpu.dma_semaphore, #tpu.memory_space<semaphore_mem>>)
    %slice3A_403 = vector.extract_strided_slice %get3A_9 {offsets = [0], sizes = [1], strides = [1]} : vector<16xi32> to vector<1xi32>
    %squeeze3A_404 = vector.extract %slice3A_403[0] : i32 from vector<1xi32>
    %eq3A_405 = arith.constant -1 : i32
    %eq3A_406 = arith.cmpi eq, %squeeze3A_404, %eq3A_405 : i32
    %jit3A_407 = arith.constant 0 : i32
    %select_n3A_408 = arith.select %eq3A_406, %jit3A_407, %squeeze3A_404 : i32
    %and3A_409 = arith.constant -128 : i32
    %and3A_410 = arith.andi %select_n3A_408, %and3A_409 : i32
    %multiple_of3A_411 = tpu.assume_multiple %and3A_410, 128 : i32
    %add3A_412 = arith.constant 16 : i32
    %add3A_413 = arith.addi %mul3A_2, %add3A_412 : i32
    %and3A_414 = arith.constant -8 : i32
    %and3A_415 = arith.andi %add3A_413, %and3A_414 : i32
    %multiple_of3A_416 = tpu.assume_multiple %and3A_415, 8 : i32
    %dma_start3A_417 = arith.constant 16 : i32
    %dma_start3A_418 = arith.constant 0 : i32
    %dma_start3A_419 = arith.constant 0 : i32
    %dma_start3A_420 = tpu.memref_slice %arg6[%dma_start3A_417, %dma_start3A_418, %dma_start3A_419] : memref<32x8x128xf32, #tpu.memory_space<vmem>> -> memref<1x8x128xf32, #tpu.memory_space<vmem>>
    %dma_start3A_421 = tpu.memref_squeeze %dma_start3A_420 : memref<1x8x128xf32, #tpu.memory_space<vmem>> -> memref<8x128xf32, #tpu.memory_space<vmem>>
    %dma_start3A_422 = tpu.memref_slice %arg2[%multiple_of3A_416, %multiple_of3A_411] : memref<1024x100000xf32, #tpu.memory_space<hbm>> -> memref<8x128xf32, #tpu.memory_space<hbm>>
    %dma_start3A_423 = arith.constant 0 : i32
    %dma_start3A_424 = arith.constant 0 : i32
    %dma_start3A_425 = tpu.memref_slice %arg6[%dma_start3A_417, %dma_start3A_423, %dma_start3A_424] : memref<32x8x128xf32, #tpu.memory_space<vmem>> -> memref<1x8x128xf32, #tpu.memory_space<vmem>>
    %dma_start3A_426 = tpu.memref_squeeze %dma_start3A_425 : memref<1x8x128xf32, #tpu.memory_space<vmem>> -> memref<8x128xf32, #tpu.memory_space<vmem>>
    %dma_start3A_427 = tpu.memref_slice %arg2[%multiple_of3A_416, %multiple_of3A_411] : memref<1024x100000xf32, #tpu.memory_space<hbm>> -> memref<8x128xf32, #tpu.memory_space<hbm>>
    tpu.enqueue_dma source(%dma_start3A_427 : memref<8x128xf32, #tpu.memory_space<hbm>>) target(%dma_start3A_426 : memref<8x128xf32, #tpu.memory_space<vmem>>) target_semaphore(%arg9 : memref<!tpu.dma_semaphore, #tpu.memory_space<semaphore_mem>>)
    %slice3A_428 = vector.extract_strided_slice %get3A_9 {offsets = [1], sizes = [1], strides = [1]} : vector<16xi32> to vector<1xi32>
    %squeeze3A_429 = vector.extract %slice3A_428[0] : i32 from vector<1xi32>
    %eq3A_430 = arith.constant -1 : i32
    %eq3A_431 = arith.cmpi eq, %squeeze3A_429, %eq3A_430 : i32
    %jit3A_432 = arith.constant 0 : i32
    %select_n3A_433 = arith.select %eq3A_431, %jit3A_432, %squeeze3A_429 : i32
    %and3A_434 = arith.constant -128 : i32
    %and3A_435 = arith.andi %select_n3A_433, %and3A_434 : i32
    %multiple_of3A_436 = tpu.assume_multiple %and3A_435, 128 : i32
    %add3A_437 = arith.constant 17 : i32
    %add3A_438 = arith.addi %mul3A_2, %add3A_437 : i32
    %and3A_439 = arith.constant -8 : i32
    %and3A_440 = arith.andi %add3A_438, %and3A_439 : i32
    %multiple_of3A_441 = tpu.assume_multiple %and3A_440, 8 : i32
    %dma_start3A_442 = arith.constant 17 : i32
    %dma_start3A_443 = arith.constant 0 : i32
    %dma_start3A_444 = arith.constant 0 : i32
    %dma_start3A_445 = tpu.memref_slice %arg6[%dma_start3A_442, %dma_start3A_443, %dma_start3A_444] : memref<32x8x128xf32, #tpu.memory_space<vmem>> -> memref<1x8x128xf32, #tpu.memory_space<vmem>>
    %dma_start3A_446 = tpu.memref_squeeze %dma_start3A_445 : memref<1x8x128xf32, #tpu.memory_space<vmem>> -> memref<8x128xf32, #tpu.memory_space<vmem>>
    %dma_start3A_447 = tpu.memref_slice %arg2[%multiple_of3A_441, %multiple_of3A_436] : memref<1024x100000xf32, #tpu.memory_space<hbm>> -> memref<8x128xf32, #tpu.memory_space<hbm>>
    %dma_start3A_448 = arith.constant 0 : i32
    %dma_start3A_449 = arith.constant 0 : i32
    %dma_start3A_450 = tpu.memref_slice %arg6[%dma_start3A_442, %dma_start3A_448, %dma_start3A_449] : memref<32x8x128xf32, #tpu.memory_space<vmem>> -> memref<1x8x128xf32, #tpu.memory_space<vmem>>
    %dma_start3A_451 = tpu.memref_squeeze %dma_start3A_450 : memref<1x8x128xf32, #tpu.memory_space<vmem>> -> memref<8x128xf32, #tpu.memory_space<vmem>>
    %dma_start3A_452 = tpu.memref_slice %arg2[%multiple_of3A_441, %multiple_of3A_436] : memref<1024x100000xf32, #tpu.memory_space<hbm>> -> memref<8x128xf32, #tpu.memory_space<hbm>>
    tpu.enqueue_dma source(%dma_start3A_452 : memref<8x128xf32, #tpu.memory_space<hbm>>) target(%dma_start3A_451 : memref<8x128xf32, #tpu.memory_space<vmem>>) target_semaphore(%arg9 : memref<!tpu.dma_semaphore, #tpu.memory_space<semaphore_mem>>)
    %slice3A_453 = vector.extract_strided_slice %get3A_9 {offsets = [2], sizes = [1], strides = [1]} : vector<16xi32> to vector<1xi32>
    %squeeze3A_454 = vector.extract %slice3A_453[0] : i32 from vector<1xi32>
    %eq3A_455 = arith.constant -1 : i32
    %eq3A_456 = arith.cmpi eq, %squeeze3A_454, %eq3A_455 : i32
    %jit3A_457 = arith.constant 0 : i32
    %select_n3A_458 = arith.select %eq3A_456, %jit3A_457, %squeeze3A_454 : i32
    %and3A_459 = arith.constant -128 : i32
    %and3A_460 = arith.andi %select_n3A_458, %and3A_459 : i32
    %multiple_of3A_461 = tpu.assume_multiple %and3A_460, 128 : i32
    %add3A_462 = arith.constant 18 : i32
    %add3A_463 = arith.addi %mul3A_2, %add3A_462 : i32
    %and3A_464 = arith.constant -8 : i32
    %and3A_465 = arith.andi %add3A_463, %and3A_464 : i32
    %multiple_of3A_466 = tpu.assume_multiple %and3A_465, 8 : i32
    %dma_start3A_467 = arith.constant 18 : i32
    %dma_start3A_468 = arith.constant 0 : i32
    %dma_start3A_469 = arith.constant 0 : i32
    %dma_start3A_470 = tpu.memref_slice %arg6[%dma_start3A_467, %dma_start3A_468, %dma_start3A_469] : memref<32x8x128xf32, #tpu.memory_space<vmem>> -> memref<1x8x128xf32, #tpu.memory_space<vmem>>
    %dma_start3A_471 = tpu.memref_squeeze %dma_start3A_470 : memref<1x8x128xf32, #tpu.memory_space<vmem>> -> memref<8x128xf32, #tpu.memory_space<vmem>>
    %dma_start3A_472 = tpu.memref_slice %arg2[%multiple_of3A_466, %multiple_of3A_461] : memref<1024x100000xf32, #tpu.memory_space<hbm>> -> memref<8x128xf32, #tpu.memory_space<hbm>>
    %dma_start3A_473 = arith.constant 0 : i32
    %dma_start3A_474 = arith.constant 0 : i32
    %dma_start3A_475 = tpu.memref_slice %arg6[%dma_start3A_467, %dma_start3A_473, %dma_start3A_474] : memref<32x8x128xf32, #tpu.memory_space<vmem>> -> memref<1x8x128xf32, #tpu.memory_space<vmem>>
    %dma_start3A_476 = tpu.memref_squeeze %dma_start3A_475 : memref<1x8x128xf32, #tpu.memory_space<vmem>> -> memref<8x128xf32, #tpu.memory_space<vmem>>
    %dma_start3A_477 = tpu.memref_slice %arg2[%multiple_of3A_466, %multiple_of3A_461] : memref<1024x100000xf32, #tpu.memory_space<hbm>> -> memref<8x128xf32, #tpu.memory_space<hbm>>
    tpu.enqueue_dma source(%dma_start3A_477 : memref<8x128xf32, #tpu.memory_space<hbm>>) target(%dma_start3A_476 : memref<8x128xf32, #tpu.memory_space<vmem>>) target_semaphore(%arg9 : memref<!tpu.dma_semaphore, #tpu.memory_space<semaphore_mem>>)
    %slice3A_478 = vector.extract_strided_slice %get3A_9 {offsets = [3], sizes = [1], strides = [1]} : vector<16xi32> to vector<1xi32>
    %squeeze3A_479 = vector.extract %slice3A_478[0] : i32 from vector<1xi32>
    %eq3A_480 = arith.constant -1 : i32
    %eq3A_481 = arith.cmpi eq, %squeeze3A_479, %eq3A_480 : i32
    %jit3A_482 = arith.constant 0 : i32
    %select_n3A_483 = arith.select %eq3A_481, %jit3A_482, %squeeze3A_479 : i32
    %and3A_484 = arith.constant -128 : i32
    %and3A_485 = arith.andi %select_n3A_483, %and3A_484 : i32
    %multiple_of3A_486 = tpu.assume_multiple %and3A_485, 128 : i32
    %add3A_487 = arith.constant 19 : i32
    %add3A_488 = arith.addi %mul3A_2, %add3A_487 : i32
    %and3A_489 = arith.constant -8 : i32
    %and3A_490 = arith.andi %add3A_488, %and3A_489 : i32
    %multiple_of3A_491 = tpu.assume_multiple %and3A_490, 8 : i32
    %dma_start3A_492 = arith.constant 19 : i32
    %dma_start3A_493 = arith.constant 0 : i32
    %dma_start3A_494 = arith.constant 0 : i32
    %dma_start3A_495 = tpu.memref_slice %arg6[%dma_start3A_492, %dma_start3A_493, %dma_start3A_494] : memref<32x8x128xf32, #tpu.memory_space<vmem>> -> memref<1x8x128xf32, #tpu.memory_space<vmem>>
    %dma_start3A_496 = tpu.memref_squeeze %dma_start3A_495 : memref<1x8x128xf32, #tpu.memory_space<vmem>> -> memref<8x128xf32, #tpu.memory_space<vmem>>
    %dma_start3A_497 = tpu.memref_slice %arg2[%multiple_of3A_491, %multiple_of3A_486] : memref<1024x100000xf32, #tpu.memory_space<hbm>> -> memref<8x128xf32, #tpu.memory_space<hbm>>
    %dma_start3A_498 = arith.constant 0 : i32
    %dma_start3A_499 = arith.constant 0 : i32
    %dma_start3A_500 = tpu.memref_slice %arg6[%dma_start3A_492, %dma_start3A_498, %dma_start3A_499] : memref<32x8x128xf32, #tpu.memory_space<vmem>> -> memref<1x8x128xf32, #tpu.memory_space<vmem>>
    %dma_start3A_501 = tpu.memref_squeeze %dma_start3A_500 : memref<1x8x128xf32, #tpu.memory_space<vmem>> -> memref<8x128xf32, #tpu.memory_space<vmem>>
    %dma_start3A_502 = tpu.memref_slice %arg2[%multiple_of3A_491, %multiple_of3A_486] : memref<1024x100000xf32, #tpu.memory_space<hbm>> -> memref<8x128xf32, #tpu.memory_space<hbm>>
    tpu.enqueue_dma source(%dma_start3A_502 : memref<8x128xf32, #tpu.memory_space<hbm>>) target(%dma_start3A_501 : memref<8x128xf32, #tpu.memory_space<vmem>>) target_semaphore(%arg9 : memref<!tpu.dma_semaphore, #tpu.memory_space<semaphore_mem>>)
    %slice3A_503 = vector.extract_strided_slice %get3A_9 {offsets = [4], sizes = [1], strides = [1]} : vector<16xi32> to vector<1xi32>
    %squeeze3A_504 = vector.extract %slice3A_503[0] : i32 from vector<1xi32>
    %eq3A_505 = arith.constant -1 : i32
    %eq3A_506 = arith.cmpi eq, %squeeze3A_504, %eq3A_505 : i32
    %jit3A_507 = arith.constant 0 : i32
    %select_n3A_508 = arith.select %eq3A_506, %jit3A_507, %squeeze3A_504 : i32
    %and3A_509 = arith.constant -128 : i32
    %and3A_510 = arith.andi %select_n3A_508, %and3A_509 : i32
    %multiple_of3A_511 = tpu.assume_multiple %and3A_510, 128 : i32
    %add3A_512 = arith.constant 20 : i32
    %add3A_513 = arith.addi %mul3A_2, %add3A_512 : i32
    %and3A_514 = arith.constant -8 : i32
    %and3A_515 = arith.andi %add3A_513, %and3A_514 : i32
    %multiple_of3A_516 = tpu.assume_multiple %and3A_515, 8 : i32
    %dma_start3A_517 = arith.constant 20 : i32
    %dma_start3A_518 = arith.constant 0 : i32
    %dma_start3A_519 = arith.constant 0 : i32
    %dma_start3A_520 = tpu.memref_slice %arg6[%dma_start3A_517, %dma_start3A_518, %dma_start3A_519] : memref<32x8x128xf32, #tpu.memory_space<vmem>> -> memref<1x8x128xf32, #tpu.memory_space<vmem>>
    %dma_start3A_521 = tpu.memref_squeeze %dma_start3A_520 : memref<1x8x128xf32, #tpu.memory_space<vmem>> -> memref<8x128xf32, #tpu.memory_space<vmem>>
    %dma_start3A_522 = tpu.memref_slice %arg2[%multiple_of3A_516, %multiple_of3A_511] : memref<1024x100000xf32, #tpu.memory_space<hbm>> -> memref<8x128xf32, #tpu.memory_space<hbm>>
    %dma_start3A_523 = arith.constant 0 : i32
    %dma_start3A_524 = arith.constant 0 : i32
    %dma_start3A_525 = tpu.memref_slice %arg6[%dma_start3A_517, %dma_start3A_523, %dma_start3A_524] : memref<32x8x128xf32, #tpu.memory_space<vmem>> -> memref<1x8x128xf32, #tpu.memory_space<vmem>>
    %dma_start3A_526 = tpu.memref_squeeze %dma_start3A_525 : memref<1x8x128xf32, #tpu.memory_space<vmem>> -> memref<8x128xf32, #tpu.memory_space<vmem>>
    %dma_start3A_527 = tpu.memref_slice %arg2[%multiple_of3A_516, %multiple_of3A_511] : memref<1024x100000xf32, #tpu.memory_space<hbm>> -> memref<8x128xf32, #tpu.memory_space<hbm>>
    tpu.enqueue_dma source(%dma_start3A_527 : memref<8x128xf32, #tpu.memory_space<hbm>>) target(%dma_start3A_526 : memref<8x128xf32, #tpu.memory_space<vmem>>) target_semaphore(%arg9 : memref<!tpu.dma_semaphore, #tpu.memory_space<semaphore_mem>>)
    %slice3A_528 = vector.extract_strided_slice %get3A_9 {offsets = [5], sizes = [1], strides = [1]} : vector<16xi32> to vector<1xi32>
    %squeeze3A_529 = vector.extract %slice3A_528[0] : i32 from vector<1xi32>
    %eq3A_530 = arith.constant -1 : i32
    %eq3A_531 = arith.cmpi eq, %squeeze3A_529, %eq3A_530 : i32
    %jit3A_532 = arith.constant 0 : i32
    %select_n3A_533 = arith.select %eq3A_531, %jit3A_532, %squeeze3A_529 : i32
    %and3A_534 = arith.constant -128 : i32
    %and3A_535 = arith.andi %select_n3A_533, %and3A_534 : i32
    %multiple_of3A_536 = tpu.assume_multiple %and3A_535, 128 : i32
    %add3A_537 = arith.constant 21 : i32
    %add3A_538 = arith.addi %mul3A_2, %add3A_537 : i32
    %and3A_539 = arith.constant -8 : i32
    %and3A_540 = arith.andi %add3A_538, %and3A_539 : i32
    %multiple_of3A_541 = tpu.assume_multiple %and3A_540, 8 : i32
    %dma_start3A_542 = arith.constant 21 : i32
    %dma_start3A_543 = arith.constant 0 : i32
    %dma_start3A_544 = arith.constant 0 : i32
    %dma_start3A_545 = tpu.memref_slice %arg6[%dma_start3A_542, %dma_start3A_543, %dma_start3A_544] : memref<32x8x128xf32, #tpu.memory_space<vmem>> -> memref<1x8x128xf32, #tpu.memory_space<vmem>>
    %dma_start3A_546 = tpu.memref_squeeze %dma_start3A_545 : memref<1x8x128xf32, #tpu.memory_space<vmem>> -> memref<8x128xf32, #tpu.memory_space<vmem>>
    %dma_start3A_547 = tpu.memref_slice %arg2[%multiple_of3A_541, %multiple_of3A_536] : memref<1024x100000xf32, #tpu.memory_space<hbm>> -> memref<8x128xf32, #tpu.memory_space<hbm>>
    %dma_start3A_548 = arith.constant 0 : i32
    %dma_start3A_549 = arith.constant 0 : i32
    %dma_start3A_550 = tpu.memref_slice %arg6[%dma_start3A_542, %dma_start3A_548, %dma_start3A_549] : memref<32x8x128xf32, #tpu.memory_space<vmem>> -> memref<1x8x128xf32, #tpu.memory_space<vmem>>
    %dma_start3A_551 = tpu.memref_squeeze %dma_start3A_550 : memref<1x8x128xf32, #tpu.memory_space<vmem>> -> memref<8x128xf32, #tpu.memory_space<vmem>>
    %dma_start3A_552 = tpu.memref_slice %arg2[%multiple_of3A_541, %multiple_of3A_536] : memref<1024x100000xf32, #tpu.memory_space<hbm>> -> memref<8x128xf32, #tpu.memory_space<hbm>>
    tpu.enqueue_dma source(%dma_start3A_552 : memref<8x128xf32, #tpu.memory_space<hbm>>) target(%dma_start3A_551 : memref<8x128xf32, #tpu.memory_space<vmem>>) target_semaphore(%arg9 : memref<!tpu.dma_semaphore, #tpu.memory_space<semaphore_mem>>)
    %slice3A_553 = vector.extract_strided_slice %get3A_9 {offsets = [6], sizes = [1], strides = [1]} : vector<16xi32> to vector<1xi32>
    %squeeze3A_554 = vector.extract %slice3A_553[0] : i32 from vector<1xi32>
    %eq3A_555 = arith.constant -1 : i32
    %eq3A_556 = arith.cmpi eq, %squeeze3A_554, %eq3A_555 : i32
    %jit3A_557 = arith.constant 0 : i32
    %select_n3A_558 = arith.select %eq3A_556, %jit3A_557, %squeeze3A_554 : i32
    %and3A_559 = arith.constant -128 : i32
    %and3A_560 = arith.andi %select_n3A_558, %and3A_559 : i32
    %multiple_of3A_561 = tpu.assume_multiple %and3A_560, 128 : i32
    %add3A_562 = arith.constant 22 : i32
    %add3A_563 = arith.addi %mul3A_2, %add3A_562 : i32
    %and3A_564 = arith.constant -8 : i32
    %and3A_565 = arith.andi %add3A_563, %and3A_564 : i32
    %multiple_of3A_566 = tpu.assume_multiple %and3A_565, 8 : i32
    %dma_start3A_567 = arith.constant 22 : i32
    %dma_start3A_568 = arith.constant 0 : i32
    %dma_start3A_569 = arith.constant 0 : i32
    %dma_start3A_570 = tpu.memref_slice %arg6[%dma_start3A_567, %dma_start3A_568, %dma_start3A_569] : memref<32x8x128xf32, #tpu.memory_space<vmem>> -> memref<1x8x128xf32, #tpu.memory_space<vmem>>
    %dma_start3A_571 = tpu.memref_squeeze %dma_start3A_570 : memref<1x8x128xf32, #tpu.memory_space<vmem>> -> memref<8x128xf32, #tpu.memory_space<vmem>>
    %dma_start3A_572 = tpu.memref_slice %arg2[%multiple_of3A_566, %multiple_of3A_561] : memref<1024x100000xf32, #tpu.memory_space<hbm>> -> memref<8x128xf32, #tpu.memory_space<hbm>>
    %dma_start3A_573 = arith.constant 0 : i32
    %dma_start3A_574 = arith.constant 0 : i32
    %dma_start3A_575 = tpu.memref_slice %arg6[%dma_start3A_567, %dma_start3A_573, %dma_start3A_574] : memref<32x8x128xf32, #tpu.memory_space<vmem>> -> memref<1x8x128xf32, #tpu.memory_space<vmem>>
    %dma_start3A_576 = tpu.memref_squeeze %dma_start3A_575 : memref<1x8x128xf32, #tpu.memory_space<vmem>> -> memref<8x128xf32, #tpu.memory_space<vmem>>
    %dma_start3A_577 = tpu.memref_slice %arg2[%multiple_of3A_566, %multiple_of3A_561] : memref<1024x100000xf32, #tpu.memory_space<hbm>> -> memref<8x128xf32, #tpu.memory_space<hbm>>
    tpu.enqueue_dma source(%dma_start3A_577 : memref<8x128xf32, #tpu.memory_space<hbm>>) target(%dma_start3A_576 : memref<8x128xf32, #tpu.memory_space<vmem>>) target_semaphore(%arg9 : memref<!tpu.dma_semaphore, #tpu.memory_space<semaphore_mem>>)
    %slice3A_578 = vector.extract_strided_slice %get3A_9 {offsets = [7], sizes = [1], strides = [1]} : vector<16xi32> to vector<1xi32>
    %squeeze3A_579 = vector.extract %slice3A_578[0] : i32 from vector<1xi32>
    %eq3A_580 = arith.constant -1 : i32
    %eq3A_581 = arith.cmpi eq, %squeeze3A_579, %eq3A_580 : i32
    %jit3A_582 = arith.constant 0 : i32
    %select_n3A_583 = arith.select %eq3A_581, %jit3A_582, %squeeze3A_579 : i32
    %and3A_584 = arith.constant -128 : i32
    %and3A_585 = arith.andi %select_n3A_583, %and3A_584 : i32
    %multiple_of3A_586 = tpu.assume_multiple %and3A_585, 128 : i32
    %add3A_587 = arith.constant 23 : i32
    %add3A_588 = arith.addi %mul3A_2, %add3A_587 : i32
    %and3A_589 = arith.constant -8 : i32
    %and3A_590 = arith.andi %add3A_588, %and3A_589 : i32
    %multiple_of3A_591 = tpu.assume_multiple %and3A_590, 8 : i32
    %dma_start3A_592 = arith.constant 23 : i32
    %dma_start3A_593 = arith.constant 0 : i32
    %dma_start3A_594 = arith.constant 0 : i32
    %dma_start3A_595 = tpu.memref_slice %arg6[%dma_start3A_592, %dma_start3A_593, %dma_start3A_594] : memref<32x8x128xf32, #tpu.memory_space<vmem>> -> memref<1x8x128xf32, #tpu.memory_space<vmem>>
    %dma_start3A_596 = tpu.memref_squeeze %dma_start3A_595 : memref<1x8x128xf32, #tpu.memory_space<vmem>> -> memref<8x128xf32, #tpu.memory_space<vmem>>
    %dma_start3A_597 = tpu.memref_slice %arg2[%multiple_of3A_591, %multiple_of3A_586] : memref<1024x100000xf32, #tpu.memory_space<hbm>> -> memref<8x128xf32, #tpu.memory_space<hbm>>
    %dma_start3A_598 = arith.constant 0 : i32
    %dma_start3A_599 = arith.constant 0 : i32
    %dma_start3A_600 = tpu.memref_slice %arg6[%dma_start3A_592, %dma_start3A_598, %dma_start3A_599] : memref<32x8x128xf32, #tpu.memory_space<vmem>> -> memref<1x8x128xf32, #tpu.memory_space<vmem>>
    %dma_start3A_601 = tpu.memref_squeeze %dma_start3A_600 : memref<1x8x128xf32, #tpu.memory_space<vmem>> -> memref<8x128xf32, #tpu.memory_space<vmem>>
    %dma_start3A_602 = tpu.memref_slice %arg2[%multiple_of3A_591, %multiple_of3A_586] : memref<1024x100000xf32, #tpu.memory_space<hbm>> -> memref<8x128xf32, #tpu.memory_space<hbm>>
    tpu.enqueue_dma source(%dma_start3A_602 : memref<8x128xf32, #tpu.memory_space<hbm>>) target(%dma_start3A_601 : memref<8x128xf32, #tpu.memory_space<vmem>>) target_semaphore(%arg9 : memref<!tpu.dma_semaphore, #tpu.memory_space<semaphore_mem>>)
    %slice3A_603 = vector.extract_strided_slice %get3A_9 {offsets = [8], sizes = [1], strides = [1]} : vector<16xi32> to vector<1xi32>
    %squeeze3A_604 = vector.extract %slice3A_603[0] : i32 from vector<1xi32>
    %eq3A_605 = arith.constant -1 : i32
    %eq3A_606 = arith.cmpi eq, %squeeze3A_604, %eq3A_605 : i32
    %jit3A_607 = arith.constant 0 : i32
    %select_n3A_608 = arith.select %eq3A_606, %jit3A_607, %squeeze3A_604 : i32
    %and3A_609 = arith.constant -128 : i32
    %and3A_610 = arith.andi %select_n3A_608, %and3A_609 : i32
    %multiple_of3A_611 = tpu.assume_multiple %and3A_610, 128 : i32
    %add3A_612 = arith.constant 24 : i32
    %add3A_613 = arith.addi %mul3A_2, %add3A_612 : i32
    %and3A_614 = arith.constant -8 : i32
    %and3A_615 = arith.andi %add3A_613, %and3A_614 : i32
    %multiple_of3A_616 = tpu.assume_multiple %and3A_615, 8 : i32
    %dma_start3A_617 = arith.constant 24 : i32
    %dma_start3A_618 = arith.constant 0 : i32
    %dma_start3A_619 = arith.constant 0 : i32
    %dma_start3A_620 = tpu.memref_slice %arg6[%dma_start3A_617, %dma_start3A_618, %dma_start3A_619] : memref<32x8x128xf32, #tpu.memory_space<vmem>> -> memref<1x8x128xf32, #tpu.memory_space<vmem>>
    %dma_start3A_621 = tpu.memref_squeeze %dma_start3A_620 : memref<1x8x128xf32, #tpu.memory_space<vmem>> -> memref<8x128xf32, #tpu.memory_space<vmem>>
    %dma_start3A_622 = tpu.memref_slice %arg2[%multiple_of3A_616, %multiple_of3A_611] : memref<1024x100000xf32, #tpu.memory_space<hbm>> -> memref<8x128xf32, #tpu.memory_space<hbm>>
    %dma_start3A_623 = arith.constant 0 : i32
    %dma_start3A_624 = arith.constant 0 : i32
    %dma_start3A_625 = tpu.memref_slice %arg6[%dma_start3A_617, %dma_start3A_623, %dma_start3A_624] : memref<32x8x128xf32, #tpu.memory_space<vmem>> -> memref<1x8x128xf32, #tpu.memory_space<vmem>>
    %dma_start3A_626 = tpu.memref_squeeze %dma_start3A_625 : memref<1x8x128xf32, #tpu.memory_space<vmem>> -> memref<8x128xf32, #tpu.memory_space<vmem>>
    %dma_start3A_627 = tpu.memref_slice %arg2[%multiple_of3A_616, %multiple_of3A_611] : memref<1024x100000xf32, #tpu.memory_space<hbm>> -> memref<8x128xf32, #tpu.memory_space<hbm>>
    tpu.enqueue_dma source(%dma_start3A_627 : memref<8x128xf32, #tpu.memory_space<hbm>>) target(%dma_start3A_626 : memref<8x128xf32, #tpu.memory_space<vmem>>) target_semaphore(%arg9 : memref<!tpu.dma_semaphore, #tpu.memory_space<semaphore_mem>>)
    %slice3A_628 = vector.extract_strided_slice %get3A_9 {offsets = [9], sizes = [1], strides = [1]} : vector<16xi32> to vector<1xi32>
    %squeeze3A_629 = vector.extract %slice3A_628[0] : i32 from vector<1xi32>
    %eq3A_630 = arith.constant -1 : i32
    %eq3A_631 = arith.cmpi eq, %squeeze3A_629, %eq3A_630 : i32
    %jit3A_632 = arith.constant 0 : i32
    %select_n3A_633 = arith.select %eq3A_631, %jit3A_632, %squeeze3A_629 : i32
    %and3A_634 = arith.constant -128 : i32
    %and3A_635 = arith.andi %select_n3A_633, %and3A_634 : i32
    %multiple_of3A_636 = tpu.assume_multiple %and3A_635, 128 : i32
    %add3A_637 = arith.constant 25 : i32
    %add3A_638 = arith.addi %mul3A_2, %add3A_637 : i32
    %and3A_639 = arith.constant -8 : i32
    %and3A_640 = arith.andi %add3A_638, %and3A_639 : i32
    %multiple_of3A_641 = tpu.assume_multiple %and3A_640, 8 : i32
    %dma_start3A_642 = arith.constant 25 : i32
    %dma_start3A_643 = arith.constant 0 : i32
    %dma_start3A_644 = arith.constant 0 : i32
    %dma_start3A_645 = tpu.memref_slice %arg6[%dma_start3A_642, %dma_start3A_643, %dma_start3A_644] : memref<32x8x128xf32, #tpu.memory_space<vmem>> -> memref<1x8x128xf32, #tpu.memory_space<vmem>>
    %dma_start3A_646 = tpu.memref_squeeze %dma_start3A_645 : memref<1x8x128xf32, #tpu.memory_space<vmem>> -> memref<8x128xf32, #tpu.memory_space<vmem>>
    %dma_start3A_647 = tpu.memref_slice %arg2[%multiple_of3A_641, %multiple_of3A_636] : memref<1024x100000xf32, #tpu.memory_space<hbm>> -> memref<8x128xf32, #tpu.memory_space<hbm>>
    %dma_start3A_648 = arith.constant 0 : i32
    %dma_start3A_649 = arith.constant 0 : i32
    %dma_start3A_650 = tpu.memref_slice %arg6[%dma_start3A_642, %dma_start3A_648, %dma_start3A_649] : memref<32x8x128xf32, #tpu.memory_space<vmem>> -> memref<1x8x128xf32, #tpu.memory_space<vmem>>
    %dma_start3A_651 = tpu.memref_squeeze %dma_start3A_650 : memref<1x8x128xf32, #tpu.memory_space<vmem>> -> memref<8x128xf32, #tpu.memory_space<vmem>>
    %dma_start3A_652 = tpu.memref_slice %arg2[%multiple_of3A_641, %multiple_of3A_636] : memref<1024x100000xf32, #tpu.memory_space<hbm>> -> memref<8x128xf32, #tpu.memory_space<hbm>>
    tpu.enqueue_dma source(%dma_start3A_652 : memref<8x128xf32, #tpu.memory_space<hbm>>) target(%dma_start3A_651 : memref<8x128xf32, #tpu.memory_space<vmem>>) target_semaphore(%arg9 : memref<!tpu.dma_semaphore, #tpu.memory_space<semaphore_mem>>)
    %slice3A_653 = vector.extract_strided_slice %get3A_9 {offsets = [10], sizes = [1], strides = [1]} : vector<16xi32> to vector<1xi32>
    %squeeze3A_654 = vector.extract %slice3A_653[0] : i32 from vector<1xi32>
    %eq3A_655 = arith.constant -1 : i32
    %eq3A_656 = arith.cmpi eq, %squeeze3A_654, %eq3A_655 : i32
    %jit3A_657 = arith.constant 0 : i32
    %select_n3A_658 = arith.select %eq3A_656, %jit3A_657, %squeeze3A_654 : i32
    %and3A_659 = arith.constant -128 : i32
    %and3A_660 = arith.andi %select_n3A_658, %and3A_659 : i32
    %multiple_of3A_661 = tpu.assume_multiple %and3A_660, 128 : i32
    %add3A_662 = arith.constant 26 : i32
    %add3A_663 = arith.addi %mul3A_2, %add3A_662 : i32
    %and3A_664 = arith.constant -8 : i32
    %and3A_665 = arith.andi %add3A_663, %and3A_664 : i32
    %multiple_of3A_666 = tpu.assume_multiple %and3A_665, 8 : i32
    %dma_start3A_667 = arith.constant 26 : i32
    %dma_start3A_668 = arith.constant 0 : i32
    %dma_start3A_669 = arith.constant 0 : i32
    %dma_start3A_670 = tpu.memref_slice %arg6[%dma_start3A_667, %dma_start3A_668, %dma_start3A_669] : memref<32x8x128xf32, #tpu.memory_space<vmem>> -> memref<1x8x128xf32, #tpu.memory_space<vmem>>
    %dma_start3A_671 = tpu.memref_squeeze %dma_start3A_670 : memref<1x8x128xf32, #tpu.memory_space<vmem>> -> memref<8x128xf32, #tpu.memory_space<vmem>>
    %dma_start3A_672 = tpu.memref_slice %arg2[%multiple_of3A_666, %multiple_of3A_661] : memref<1024x100000xf32, #tpu.memory_space<hbm>> -> memref<8x128xf32, #tpu.memory_space<hbm>>
    %dma_start3A_673 = arith.constant 0 : i32
    %dma_start3A_674 = arith.constant 0 : i32
    %dma_start3A_675 = tpu.memref_slice %arg6[%dma_start3A_667, %dma_start3A_673, %dma_start3A_674] : memref<32x8x128xf32, #tpu.memory_space<vmem>> -> memref<1x8x128xf32, #tpu.memory_space<vmem>>
    %dma_start3A_676 = tpu.memref_squeeze %dma_start3A_675 : memref<1x8x128xf32, #tpu.memory_space<vmem>> -> memref<8x128xf32, #tpu.memory_space<vmem>>
    %dma_start3A_677 = tpu.memref_slice %arg2[%multiple_of3A_666, %multiple_of3A_661] : memref<1024x100000xf32, #tpu.memory_space<hbm>> -> memref<8x128xf32, #tpu.memory_space<hbm>>
    tpu.enqueue_dma source(%dma_start3A_677 : memref<8x128xf32, #tpu.memory_space<hbm>>) target(%dma_start3A_676 : memref<8x128xf32, #tpu.memory_space<vmem>>) target_semaphore(%arg9 : memref<!tpu.dma_semaphore, #tpu.memory_space<semaphore_mem>>)
    %slice3A_678 = vector.extract_strided_slice %get3A_9 {offsets = [11], sizes = [1], strides = [1]} : vector<16xi32> to vector<1xi32>
    %squeeze3A_679 = vector.extract %slice3A_678[0] : i32 from vector<1xi32>
    %eq3A_680 = arith.constant -1 : i32
    %eq3A_681 = arith.cmpi eq, %squeeze3A_679, %eq3A_680 : i32
    %jit3A_682 = arith.constant 0 : i32
    %select_n3A_683 = arith.select %eq3A_681, %jit3A_682, %squeeze3A_679 : i32
    %and3A_684 = arith.constant -128 : i32
    %and3A_685 = arith.andi %select_n3A_683, %and3A_684 : i32
    %multiple_of3A_686 = tpu.assume_multiple %and3A_685, 128 : i32
    %add3A_687 = arith.constant 27 : i32
    %add3A_688 = arith.addi %mul3A_2, %add3A_687 : i32
    %and3A_689 = arith.constant -8 : i32
    %and3A_690 = arith.andi %add3A_688, %and3A_689 : i32
    %multiple_of3A_691 = tpu.assume_multiple %and3A_690, 8 : i32
    %dma_start3A_692 = arith.constant 27 : i32
    %dma_start3A_693 = arith.constant 0 : i32
    %dma_start3A_694 = arith.constant 0 : i32
    %dma_start3A_695 = tpu.memref_slice %arg6[%dma_start3A_692, %dma_start3A_693, %dma_start3A_694] : memref<32x8x128xf32, #tpu.memory_space<vmem>> -> memref<1x8x128xf32, #tpu.memory_space<vmem>>
    %dma_start3A_696 = tpu.memref_squeeze %dma_start3A_695 : memref<1x8x128xf32, #tpu.memory_space<vmem>> -> memref<8x128xf32, #tpu.memory_space<vmem>>
    %dma_start3A_697 = tpu.memref_slice %arg2[%multiple_of3A_691, %multiple_of3A_686] : memref<1024x100000xf32, #tpu.memory_space<hbm>> -> memref<8x128xf32, #tpu.memory_space<hbm>>
    %dma_start3A_698 = arith.constant 0 : i32
    %dma_start3A_699 = arith.constant 0 : i32
    %dma_start3A_700 = tpu.memref_slice %arg6[%dma_start3A_692, %dma_start3A_698, %dma_start3A_699] : memref<32x8x128xf32, #tpu.memory_space<vmem>> -> memref<1x8x128xf32, #tpu.memory_space<vmem>>
    %dma_start3A_701 = tpu.memref_squeeze %dma_start3A_700 : memref<1x8x128xf32, #tpu.memory_space<vmem>> -> memref<8x128xf32, #tpu.memory_space<vmem>>
    %dma_start3A_702 = tpu.memref_slice %arg2[%multiple_of3A_691, %multiple_of3A_686] : memref<1024x100000xf32, #tpu.memory_space<hbm>> -> memref<8x128xf32, #tpu.memory_space<hbm>>
    tpu.enqueue_dma source(%dma_start3A_702 : memref<8x128xf32, #tpu.memory_space<hbm>>) target(%dma_start3A_701 : memref<8x128xf32, #tpu.memory_space<vmem>>) target_semaphore(%arg9 : memref<!tpu.dma_semaphore, #tpu.memory_space<semaphore_mem>>)
    %slice3A_703 = vector.extract_strided_slice %get3A_9 {offsets = [12], sizes = [1], strides = [1]} : vector<16xi32> to vector<1xi32>
    %squeeze3A_704 = vector.extract %slice3A_703[0] : i32 from vector<1xi32>
    %eq3A_705 = arith.constant -1 : i32
    %eq3A_706 = arith.cmpi eq, %squeeze3A_704, %eq3A_705 : i32
    %jit3A_707 = arith.constant 0 : i32
    %select_n3A_708 = arith.select %eq3A_706, %jit3A_707, %squeeze3A_704 : i32
    %and3A_709 = arith.constant -128 : i32
    %and3A_710 = arith.andi %select_n3A_708, %and3A_709 : i32
    %multiple_of3A_711 = tpu.assume_multiple %and3A_710, 128 : i32
    %add3A_712 = arith.constant 28 : i32
    %add3A_713 = arith.addi %mul3A_2, %add3A_712 : i32
    %and3A_714 = arith.constant -8 : i32
    %and3A_715 = arith.andi %add3A_713, %and3A_714 : i32
    %multiple_of3A_716 = tpu.assume_multiple %and3A_715, 8 : i32
    %dma_start3A_717 = arith.constant 28 : i32
    %dma_start3A_718 = arith.constant 0 : i32
    %dma_start3A_719 = arith.constant 0 : i32
    %dma_start3A_720 = tpu.memref_slice %arg6[%dma_start3A_717, %dma_start3A_718, %dma_start3A_719] : memref<32x8x128xf32, #tpu.memory_space<vmem>> -> memref<1x8x128xf32, #tpu.memory_space<vmem>>
    %dma_start3A_721 = tpu.memref_squeeze %dma_start3A_720 : memref<1x8x128xf32, #tpu.memory_space<vmem>> -> memref<8x128xf32, #tpu.memory_space<vmem>>
    %dma_start3A_722 = tpu.memref_slice %arg2[%multiple_of3A_716, %multiple_of3A_711] : memref<1024x100000xf32, #tpu.memory_space<hbm>> -> memref<8x128xf32, #tpu.memory_space<hbm>>
    %dma_start3A_723 = arith.constant 0 : i32
    %dma_start3A_724 = arith.constant 0 : i32
    %dma_start3A_725 = tpu.memref_slice %arg6[%dma_start3A_717, %dma_start3A_723, %dma_start3A_724] : memref<32x8x128xf32, #tpu.memory_space<vmem>> -> memref<1x8x128xf32, #tpu.memory_space<vmem>>
    %dma_start3A_726 = tpu.memref_squeeze %dma_start3A_725 : memref<1x8x128xf32, #tpu.memory_space<vmem>> -> memref<8x128xf32, #tpu.memory_space<vmem>>
    %dma_start3A_727 = tpu.memref_slice %arg2[%multiple_of3A_716, %multiple_of3A_711] : memref<1024x100000xf32, #tpu.memory_space<hbm>> -> memref<8x128xf32, #tpu.memory_space<hbm>>
    tpu.enqueue_dma source(%dma_start3A_727 : memref<8x128xf32, #tpu.memory_space<hbm>>) target(%dma_start3A_726 : memref<8x128xf32, #tpu.memory_space<vmem>>) target_semaphore(%arg9 : memref<!tpu.dma_semaphore, #tpu.memory_space<semaphore_mem>>)
    %slice3A_728 = vector.extract_strided_slice %get3A_9 {offsets = [13], sizes = [1], strides = [1]} : vector<16xi32> to vector<1xi32>
    %squeeze3A_729 = vector.extract %slice3A_728[0] : i32 from vector<1xi32>
    %eq3A_730 = arith.constant -1 : i32
    %eq3A_731 = arith.cmpi eq, %squeeze3A_729, %eq3A_730 : i32
    %jit3A_732 = arith.constant 0 : i32
    %select_n3A_733 = arith.select %eq3A_731, %jit3A_732, %squeeze3A_729 : i32
    %and3A_734 = arith.constant -128 : i32
    %and3A_735 = arith.andi %select_n3A_733, %and3A_734 : i32
    %multiple_of3A_736 = tpu.assume_multiple %and3A_735, 128 : i32
    %add3A_737 = arith.constant 29 : i32
    %add3A_738 = arith.addi %mul3A_2, %add3A_737 : i32
    %and3A_739 = arith.constant -8 : i32
    %and3A_740 = arith.andi %add3A_738, %and3A_739 : i32
    %multiple_of3A_741 = tpu.assume_multiple %and3A_740, 8 : i32
    %dma_start3A_742 = arith.constant 29 : i32
    %dma_start3A_743 = arith.constant 0 : i32
    %dma_start3A_744 = arith.constant 0 : i32
    %dma_start3A_745 = tpu.memref_slice %arg6[%dma_start3A_742, %dma_start3A_743, %dma_start3A_744] : memref<32x8x128xf32, #tpu.memory_space<vmem>> -> memref<1x8x128xf32, #tpu.memory_space<vmem>>
    %dma_start3A_746 = tpu.memref_squeeze %dma_start3A_745 : memref<1x8x128xf32, #tpu.memory_space<vmem>> -> memref<8x128xf32, #tpu.memory_space<vmem>>
    %dma_start3A_747 = tpu.memref_slice %arg2[%multiple_of3A_741, %multiple_of3A_736] : memref<1024x100000xf32, #tpu.memory_space<hbm>> -> memref<8x128xf32, #tpu.memory_space<hbm>>
    %dma_start3A_748 = arith.constant 0 : i32
    %dma_start3A_749 = arith.constant 0 : i32
    %dma_start3A_750 = tpu.memref_slice %arg6[%dma_start3A_742, %dma_start3A_748, %dma_start3A_749] : memref<32x8x128xf32, #tpu.memory_space<vmem>> -> memref<1x8x128xf32, #tpu.memory_space<vmem>>
    %dma_start3A_751 = tpu.memref_squeeze %dma_start3A_750 : memref<1x8x128xf32, #tpu.memory_space<vmem>> -> memref<8x128xf32, #tpu.memory_space<vmem>>
    %dma_start3A_752 = tpu.memref_slice %arg2[%multiple_of3A_741, %multiple_of3A_736] : memref<1024x100000xf32, #tpu.memory_space<hbm>> -> memref<8x128xf32, #tpu.memory_space<hbm>>
    tpu.enqueue_dma source(%dma_start3A_752 : memref<8x128xf32, #tpu.memory_space<hbm>>) target(%dma_start3A_751 : memref<8x128xf32, #tpu.memory_space<vmem>>) target_semaphore(%arg9 : memref<!tpu.dma_semaphore, #tpu.memory_space<semaphore_mem>>)
    %slice3A_753 = vector.extract_strided_slice %get3A_9 {offsets = [14], sizes = [1], strides = [1]} : vector<16xi32> to vector<1xi32>
    %squeeze3A_754 = vector.extract %slice3A_753[0] : i32 from vector<1xi32>
    %eq3A_755 = arith.constant -1 : i32
    %eq3A_756 = arith.cmpi eq, %squeeze3A_754, %eq3A_755 : i32
    %jit3A_757 = arith.constant 0 : i32
    %select_n3A_758 = arith.select %eq3A_756, %jit3A_757, %squeeze3A_754 : i32
    %and3A_759 = arith.constant -128 : i32
    %and3A_760 = arith.andi %select_n3A_758, %and3A_759 : i32
    %multiple_of3A_761 = tpu.assume_multiple %and3A_760, 128 : i32
    %add3A_762 = arith.constant 30 : i32
    %add3A_763 = arith.addi %mul3A_2, %add3A_762 : i32
    %and3A_764 = arith.constant -8 : i32
    %and3A_765 = arith.andi %add3A_763, %and3A_764 : i32
    %multiple_of3A_766 = tpu.assume_multiple %and3A_765, 8 : i32
    %dma_start3A_767 = arith.constant 30 : i32
    %dma_start3A_768 = arith.constant 0 : i32
    %dma_start3A_769 = arith.constant 0 : i32
    %dma_start3A_770 = tpu.memref_slice %arg6[%dma_start3A_767, %dma_start3A_768, %dma_start3A_769] : memref<32x8x128xf32, #tpu.memory_space<vmem>> -> memref<1x8x128xf32, #tpu.memory_space<vmem>>
    %dma_start3A_771 = tpu.memref_squeeze %dma_start3A_770 : memref<1x8x128xf32, #tpu.memory_space<vmem>> -> memref<8x128xf32, #tpu.memory_space<vmem>>
    %dma_start3A_772 = tpu.memref_slice %arg2[%multiple_of3A_766, %multiple_of3A_761] : memref<1024x100000xf32, #tpu.memory_space<hbm>> -> memref<8x128xf32, #tpu.memory_space<hbm>>
    %dma_start3A_773 = arith.constant 0 : i32
    %dma_start3A_774 = arith.constant 0 : i32
    %dma_start3A_775 = tpu.memref_slice %arg6[%dma_start3A_767, %dma_start3A_773, %dma_start3A_774] : memref<32x8x128xf32, #tpu.memory_space<vmem>> -> memref<1x8x128xf32, #tpu.memory_space<vmem>>
    %dma_start3A_776 = tpu.memref_squeeze %dma_start3A_775 : memref<1x8x128xf32, #tpu.memory_space<vmem>> -> memref<8x128xf32, #tpu.memory_space<vmem>>
    %dma_start3A_777 = tpu.memref_slice %arg2[%multiple_of3A_766, %multiple_of3A_761] : memref<1024x100000xf32, #tpu.memory_space<hbm>> -> memref<8x128xf32, #tpu.memory_space<hbm>>
    tpu.enqueue_dma source(%dma_start3A_777 : memref<8x128xf32, #tpu.memory_space<hbm>>) target(%dma_start3A_776 : memref<8x128xf32, #tpu.memory_space<vmem>>) target_semaphore(%arg9 : memref<!tpu.dma_semaphore, #tpu.memory_space<semaphore_mem>>)
    %slice3A_778 = vector.extract_strided_slice %get3A_9 {offsets = [15], sizes = [1], strides = [1]} : vector<16xi32> to vector<1xi32>
    %squeeze3A_779 = vector.extract %slice3A_778[0] : i32 from vector<1xi32>
    %eq3A_780 = arith.constant -1 : i32
    %eq3A_781 = arith.cmpi eq, %squeeze3A_779, %eq3A_780 : i32
    %jit3A_782 = arith.constant 0 : i32
    %select_n3A_783 = arith.select %eq3A_781, %jit3A_782, %squeeze3A_779 : i32
    %and3A_784 = arith.constant -128 : i32
    %and3A_785 = arith.andi %select_n3A_783, %and3A_784 : i32
    %multiple_of3A_786 = tpu.assume_multiple %and3A_785, 128 : i32
    %add3A_787 = arith.constant 31 : i32
    %add3A_788 = arith.addi %mul3A_2, %add3A_787 : i32
    %and3A_789 = arith.constant -8 : i32
    %and3A_790 = arith.andi %add3A_788, %and3A_789 : i32
    %multiple_of3A_791 = tpu.assume_multiple %and3A_790, 8 : i32
    %dma_start3A_792 = arith.constant 31 : i32
    %dma_start3A_793 = arith.constant 0 : i32
    %dma_start3A_794 = arith.constant 0 : i32
    %dma_start3A_795 = tpu.memref_slice %arg6[%dma_start3A_792, %dma_start3A_793, %dma_start3A_794] : memref<32x8x128xf32, #tpu.memory_space<vmem>> -> memref<1x8x128xf32, #tpu.memory_space<vmem>>
    %dma_start3A_796 = tpu.memref_squeeze %dma_start3A_795 : memref<1x8x128xf32, #tpu.memory_space<vmem>> -> memref<8x128xf32, #tpu.memory_space<vmem>>
    %dma_start3A_797 = tpu.memref_slice %arg2[%multiple_of3A_791, %multiple_of3A_786] : memref<1024x100000xf32, #tpu.memory_space<hbm>> -> memref<8x128xf32, #tpu.memory_space<hbm>>
    %dma_start3A_798 = arith.constant 0 : i32
    %dma_start3A_799 = arith.constant 0 : i32
    %dma_start3A_800 = tpu.memref_slice %arg6[%dma_start3A_792, %dma_start3A_798, %dma_start3A_799] : memref<32x8x128xf32, #tpu.memory_space<vmem>> -> memref<1x8x128xf32, #tpu.memory_space<vmem>>
    %dma_start3A_801 = tpu.memref_squeeze %dma_start3A_800 : memref<1x8x128xf32, #tpu.memory_space<vmem>> -> memref<8x128xf32, #tpu.memory_space<vmem>>
    %dma_start3A_802 = tpu.memref_slice %arg2[%multiple_of3A_791, %multiple_of3A_786] : memref<1024x100000xf32, #tpu.memory_space<hbm>> -> memref<8x128xf32, #tpu.memory_space<hbm>>
    tpu.enqueue_dma source(%dma_start3A_802 : memref<8x128xf32, #tpu.memory_space<hbm>>) target(%dma_start3A_801 : memref<8x128xf32, #tpu.memory_space<vmem>>) target_semaphore(%arg9 : memref<!tpu.dma_semaphore, #tpu.memory_space<semaphore_mem>>)
    %dma_wait3A_803 = arith.constant 0 : i32
    %dma_wait3A_804 = arith.constant 0 : i32
    %dma_wait3A_805 = arith.constant 0 : i32
    %dma_wait3A_806 = tpu.memref_slice %arg6[%dma_wait3A_803, %dma_wait3A_804, %dma_wait3A_805] : memref<32x8x128xf32, #tpu.memory_space<vmem>> -> memref<1x8x128xf32, #tpu.memory_space<vmem>>
    %dma_wait3A_807 = tpu.memref_squeeze %dma_wait3A_806 : memref<1x8x128xf32, #tpu.memory_space<vmem>> -> memref<8x128xf32, #tpu.memory_space<vmem>>
    %dma_wait3A_808 = arith.constant 0 : i32
    %dma_wait3A_809 = arith.constant 0 : i32
    %dma_wait3A_810 = tpu.memref_slice %arg2[%dma_wait3A_808, %dma_wait3A_809] : memref<1024x100000xf32, #tpu.memory_space<hbm>> -> memref<8x128xf32, #tpu.memory_space<hbm>>
    %dma_wait3A_811 = arith.constant 0 : i32
    %dma_wait3A_812 = arith.constant 0 : i32
    %dma_wait3A_813 = tpu.memref_slice %arg6[%dma_wait3A_803, %dma_wait3A_811, %dma_wait3A_812] : memref<32x8x128xf32, #tpu.memory_space<vmem>> -> memref<1x8x128xf32, #tpu.memory_space<vmem>>
    %dma_wait3A_814 = tpu.memref_squeeze %dma_wait3A_813 : memref<1x8x128xf32, #tpu.memory_space<vmem>> -> memref<8x128xf32, #tpu.memory_space<vmem>>
    %dma_wait3A_815 = arith.constant 0 : i32
    %dma_wait3A_816 = arith.constant 0 : i32
    %dma_wait3A_817 = tpu.memref_slice %arg2[%dma_wait3A_815, %dma_wait3A_816] : memref<1024x100000xf32, #tpu.memory_space<hbm>> -> memref<8x128xf32, #tpu.memory_space<hbm>>
    tpu.wait_dma2 semaphore(%arg9 : memref<!tpu.dma_semaphore, #tpu.memory_space<semaphore_mem>>) src(%dma_wait3A_817 : memref<8x128xf32, #tpu.memory_space<hbm>>) dst(%dma_wait3A_814 : memref<8x128xf32, #tpu.memory_space<vmem>>)
    %dma_wait3A_818 = arith.constant 1 : i32
    %dma_wait3A_819 = arith.constant 0 : i32
    %dma_wait3A_820 = arith.constant 0 : i32
    %dma_wait3A_821 = tpu.memref_slice %arg6[%dma_wait3A_818, %dma_wait3A_819, %dma_wait3A_820] : memref<32x8x128xf32, #tpu.memory_space<vmem>> -> memref<1x8x128xf32, #tpu.memory_space<vmem>>
    %dma_wait3A_822 = tpu.memref_squeeze %dma_wait3A_821 : memref<1x8x128xf32, #tpu.memory_space<vmem>> -> memref<8x128xf32, #tpu.memory_space<vmem>>
    %dma_wait3A_823 = arith.constant 0 : i32
    %dma_wait3A_824 = arith.constant 0 : i32
    %dma_wait3A_825 = tpu.memref_slice %arg2[%dma_wait3A_823, %dma_wait3A_824] : memref<1024x100000xf32, #tpu.memory_space<hbm>> -> memref<8x128xf32, #tpu.memory_space<hbm>>
    %dma_wait3A_826 = arith.constant 0 : i32
    %dma_wait3A_827 = arith.constant 0 : i32
    %dma_wait3A_828 = tpu.memref_slice %arg6[%dma_wait3A_818, %dma_wait3A_826, %dma_wait3A_827] : memref<32x8x128xf32, #tpu.memory_space<vmem>> -> memref<1x8x128xf32, #tpu.memory_space<vmem>>
    %dma_wait3A_829 = tpu.memref_squeeze %dma_wait3A_828 : memref<1x8x128xf32, #tpu.memory_space<vmem>> -> memref<8x128xf32, #tpu.memory_space<vmem>>
    %dma_wait3A_830 = arith.constant 0 : i32
    %dma_wait3A_831 = arith.constant 0 : i32
    %dma_wait3A_832 = tpu.memref_slice %arg2[%dma_wait3A_830, %dma_wait3A_831] : memref<1024x100000xf32, #tpu.memory_space<hbm>> -> memref<8x128xf32, #tpu.memory_space<hbm>>
    tpu.wait_dma2 semaphore(%arg9 : memref<!tpu.dma_semaphore, #tpu.memory_space<semaphore_mem>>) src(%dma_wait3A_832 : memref<8x128xf32, #tpu.memory_space<hbm>>) dst(%dma_wait3A_829 : memref<8x128xf32, #tpu.memory_space<vmem>>)
    %dma_wait3A_833 = arith.constant 2 : i32
    %dma_wait3A_834 = arith.constant 0 : i32
    %dma_wait3A_835 = arith.constant 0 : i32
    %dma_wait3A_836 = tpu.memref_slice %arg6[%dma_wait3A_833, %dma_wait3A_834, %dma_wait3A_835] : memref<32x8x128xf32, #tpu.memory_space<vmem>> -> memref<1x8x128xf32, #tpu.memory_space<vmem>>
    %dma_wait3A_837 = tpu.memref_squeeze %dma_wait3A_836 : memref<1x8x128xf32, #tpu.memory_space<vmem>> -> memref<8x128xf32, #tpu.memory_space<vmem>>
    %dma_wait3A_838 = arith.constant 0 : i32
    %dma_wait3A_839 = arith.constant 0 : i32
    %dma_wait3A_840 = tpu.memref_slice %arg2[%dma_wait3A_838, %dma_wait3A_839] : memref<1024x100000xf32, #tpu.memory_space<hbm>> -> memref<8x128xf32, #tpu.memory_space<hbm>>
    %dma_wait3A_841 = arith.constant 0 : i32
    %dma_wait3A_842 = arith.constant 0 : i32
    %dma_wait3A_843 = tpu.memref_slice %arg6[%dma_wait3A_833, %dma_wait3A_841, %dma_wait3A_842] : memref<32x8x128xf32, #tpu.memory_space<vmem>> -> memref<1x8x128xf32, #tpu.memory_space<vmem>>
    %dma_wait3A_844 = tpu.memref_squeeze %dma_wait3A_843 : memref<1x8x128xf32, #tpu.memory_space<vmem>> -> memref<8x128xf32, #tpu.memory_space<vmem>>
    %dma_wait3A_845 = arith.constant 0 : i32
    %dma_wait3A_846 = arith.constant 0 : i32
    %dma_wait3A_847 = tpu.memref_slice %arg2[%dma_wait3A_845, %dma_wait3A_846] : memref<1024x100000xf32, #tpu.memory_space<hbm>> -> memref<8x128xf32, #tpu.memory_space<hbm>>
    tpu.wait_dma2 semaphore(%arg9 : memref<!tpu.dma_semaphore, #tpu.memory_space<semaphore_mem>>) src(%dma_wait3A_847 : memref<8x128xf32, #tpu.memory_space<hbm>>) dst(%dma_wait3A_844 : memref<8x128xf32, #tpu.memory_space<vmem>>)
    %dma_wait3A_848 = arith.constant 3 : i32
    %dma_wait3A_849 = arith.constant 0 : i32
    %dma_wait3A_850 = arith.constant 0 : i32
    %dma_wait3A_851 = tpu.memref_slice %arg6[%dma_wait3A_848, %dma_wait3A_849, %dma_wait3A_850] : memref<32x8x128xf32, #tpu.memory_space<vmem>> -> memref<1x8x128xf32, #tpu.memory_space<vmem>>
    %dma_wait3A_852 = tpu.memref_squeeze %dma_wait3A_851 : memref<1x8x128xf32, #tpu.memory_space<vmem>> -> memref<8x128xf32, #tpu.memory_space<vmem>>
    %dma_wait3A_853 = arith.constant 0 : i32
    %dma_wait3A_854 = arith.constant 0 : i32
    %dma_wait3A_855 = tpu.memref_slice %arg2[%dma_wait3A_853, %dma_wait3A_854] : memref<1024x100000xf32, #tpu.memory_space<hbm>> -> memref<8x128xf32, #tpu.memory_space<hbm>>
    %dma_wait3A_856 = arith.constant 0 : i32
    %dma_wait3A_857 = arith.constant 0 : i32
    %dma_wait3A_858 = tpu.memref_slice %arg6[%dma_wait3A_848, %dma_wait3A_856, %dma_wait3A_857] : memref<32x8x128xf32, #tpu.memory_space<vmem>> -> memref<1x8x128xf32, #tpu.memory_space<vmem>>
    %dma_wait3A_859 = tpu.memref_squeeze %dma_wait3A_858 : memref<1x8x128xf32, #tpu.memory_space<vmem>> -> memref<8x128xf32, #tpu.memory_space<vmem>>
    %dma_wait3A_860 = arith.constant 0 : i32
    %dma_wait3A_861 = arith.constant 0 : i32
    %dma_wait3A_862 = tpu.memref_slice %arg2[%dma_wait3A_860, %dma_wait3A_861] : memref<1024x100000xf32, #tpu.memory_space<hbm>> -> memref<8x128xf32, #tpu.memory_space<hbm>>
    tpu.wait_dma2 semaphore(%arg9 : memref<!tpu.dma_semaphore, #tpu.memory_space<semaphore_mem>>) src(%dma_wait3A_862 : memref<8x128xf32, #tpu.memory_space<hbm>>) dst(%dma_wait3A_859 : memref<8x128xf32, #tpu.memory_space<vmem>>)
    %dma_wait3A_863 = arith.constant 4 : i32
    %dma_wait3A_864 = arith.constant 0 : i32
    %dma_wait3A_865 = arith.constant 0 : i32
    %dma_wait3A_866 = tpu.memref_slice %arg6[%dma_wait3A_863, %dma_wait3A_864, %dma_wait3A_865] : memref<32x8x128xf32, #tpu.memory_space<vmem>> -> memref<1x8x128xf32, #tpu.memory_space<vmem>>
    %dma_wait3A_867 = tpu.memref_squeeze %dma_wait3A_866 : memref<1x8x128xf32, #tpu.memory_space<vmem>> -> memref<8x128xf32, #tpu.memory_space<vmem>>
    %dma_wait3A_868 = arith.constant 0 : i32
    %dma_wait3A_869 = arith.constant 0 : i32
    %dma_wait3A_870 = tpu.memref_slice %arg2[%dma_wait3A_868, %dma_wait3A_869] : memref<1024x100000xf32, #tpu.memory_space<hbm>> -> memref<8x128xf32, #tpu.memory_space<hbm>>
    %dma_wait3A_871 = arith.constant 0 : i32
    %dma_wait3A_872 = arith.constant 0 : i32
    %dma_wait3A_873 = tpu.memref_slice %arg6[%dma_wait3A_863, %dma_wait3A_871, %dma_wait3A_872] : memref<32x8x128xf32, #tpu.memory_space<vmem>> -> memref<1x8x128xf32, #tpu.memory_space<vmem>>
    %dma_wait3A_874 = tpu.memref_squeeze %dma_wait3A_873 : memref<1x8x128xf32, #tpu.memory_space<vmem>> -> memref<8x128xf32, #tpu.memory_space<vmem>>
    %dma_wait3A_875 = arith.constant 0 : i32
    %dma_wait3A_876 = arith.constant 0 : i32
    %dma_wait3A_877 = tpu.memref_slice %arg2[%dma_wait3A_875, %dma_wait3A_876] : memref<1024x100000xf32, #tpu.memory_space<hbm>> -> memref<8x128xf32, #tpu.memory_space<hbm>>
    tpu.wait_dma2 semaphore(%arg9 : memref<!tpu.dma_semaphore, #tpu.memory_space<semaphore_mem>>) src(%dma_wait3A_877 : memref<8x128xf32, #tpu.memory_space<hbm>>) dst(%dma_wait3A_874 : memref<8x128xf32, #tpu.memory_space<vmem>>)
    %dma_wait3A_878 = arith.constant 5 : i32
    %dma_wait3A_879 = arith.constant 0 : i32
    %dma_wait3A_880 = arith.constant 0 : i32
    %dma_wait3A_881 = tpu.memref_slice %arg6[%dma_wait3A_878, %dma_wait3A_879, %dma_wait3A_880] : memref<32x8x128xf32, #tpu.memory_space<vmem>> -> memref<1x8x128xf32, #tpu.memory_space<vmem>>
    %dma_wait3A_882 = tpu.memref_squeeze %dma_wait3A_881 : memref<1x8x128xf32, #tpu.memory_space<vmem>> -> memref<8x128xf32, #tpu.memory_space<vmem>>
    %dma_wait3A_883 = arith.constant 0 : i32
    %dma_wait3A_884 = arith.constant 0 : i32
    %dma_wait3A_885 = tpu.memref_slice %arg2[%dma_wait3A_883, %dma_wait3A_884] : memref<1024x100000xf32, #tpu.memory_space<hbm>> -> memref<8x128xf32, #tpu.memory_space<hbm>>
    %dma_wait3A_886 = arith.constant 0 : i32
    %dma_wait3A_887 = arith.constant 0 : i32
    %dma_wait3A_888 = tpu.memref_slice %arg6[%dma_wait3A_878, %dma_wait3A_886, %dma_wait3A_887] : memref<32x8x128xf32, #tpu.memory_space<vmem>> -> memref<1x8x128xf32, #tpu.memory_space<vmem>>
    %dma_wait3A_889 = tpu.memref_squeeze %dma_wait3A_888 : memref<1x8x128xf32, #tpu.memory_space<vmem>> -> memref<8x128xf32, #tpu.memory_space<vmem>>
    %dma_wait3A_890 = arith.constant 0 : i32
    %dma_wait3A_891 = arith.constant 0 : i32
    %dma_wait3A_892 = tpu.memref_slice %arg2[%dma_wait3A_890, %dma_wait3A_891] : memref<1024x100000xf32, #tpu.memory_space<hbm>> -> memref<8x128xf32, #tpu.memory_space<hbm>>
    tpu.wait_dma2 semaphore(%arg9 : memref<!tpu.dma_semaphore, #tpu.memory_space<semaphore_mem>>) src(%dma_wait3A_892 : memref<8x128xf32, #tpu.memory_space<hbm>>) dst(%dma_wait3A_889 : memref<8x128xf32, #tpu.memory_space<vmem>>)
    %dma_wait3A_893 = arith.constant 6 : i32
    %dma_wait3A_894 = arith.constant 0 : i32
    %dma_wait3A_895 = arith.constant 0 : i32
    %dma_wait3A_896 = tpu.memref_slice %arg6[%dma_wait3A_893, %dma_wait3A_894, %dma_wait3A_895] : memref<32x8x128xf32, #tpu.memory_space<vmem>> -> memref<1x8x128xf32, #tpu.memory_space<vmem>>
    %dma_wait3A_897 = tpu.memref_squeeze %dma_wait3A_896 : memref<1x8x128xf32, #tpu.memory_space<vmem>> -> memref<8x128xf32, #tpu.memory_space<vmem>>
    %dma_wait3A_898 = arith.constant 0 : i32
    %dma_wait3A_899 = arith.constant 0 : i32
    %dma_wait3A_900 = tpu.memref_slice %arg2[%dma_wait3A_898, %dma_wait3A_899] : memref<1024x100000xf32, #tpu.memory_space<hbm>> -> memref<8x128xf32, #tpu.memory_space<hbm>>
    %dma_wait3A_901 = arith.constant 0 : i32
    %dma_wait3A_902 = arith.constant 0 : i32
    %dma_wait3A_903 = tpu.memref_slice %arg6[%dma_wait3A_893, %dma_wait3A_901, %dma_wait3A_902] : memref<32x8x128xf32, #tpu.memory_space<vmem>> -> memref<1x8x128xf32, #tpu.memory_space<vmem>>
    %dma_wait3A_904 = tpu.memref_squeeze %dma_wait3A_903 : memref<1x8x128xf32, #tpu.memory_space<vmem>> -> memref<8x128xf32, #tpu.memory_space<vmem>>
    %dma_wait3A_905 = arith.constant 0 : i32
    %dma_wait3A_906 = arith.constant 0 : i32
    %dma_wait3A_907 = tpu.memref_slice %arg2[%dma_wait3A_905, %dma_wait3A_906] : memref<1024x100000xf32, #tpu.memory_space<hbm>> -> memref<8x128xf32, #tpu.memory_space<hbm>>
    tpu.wait_dma2 semaphore(%arg9 : memref<!tpu.dma_semaphore, #tpu.memory_space<semaphore_mem>>) src(%dma_wait3A_907 : memref<8x128xf32, #tpu.memory_space<hbm>>) dst(%dma_wait3A_904 : memref<8x128xf32, #tpu.memory_space<vmem>>)
    %dma_wait3A_908 = arith.constant 7 : i32
    %dma_wait3A_909 = arith.constant 0 : i32
    %dma_wait3A_910 = arith.constant 0 : i32
    %dma_wait3A_911 = tpu.memref_slice %arg6[%dma_wait3A_908, %dma_wait3A_909, %dma_wait3A_910] : memref<32x8x128xf32, #tpu.memory_space<vmem>> -> memref<1x8x128xf32, #tpu.memory_space<vmem>>
    %dma_wait3A_912 = tpu.memref_squeeze %dma_wait3A_911 : memref<1x8x128xf32, #tpu.memory_space<vmem>> -> memref<8x128xf32, #tpu.memory_space<vmem>>
    %dma_wait3A_913 = arith.constant 0 : i32
    %dma_wait3A_914 = arith.constant 0 : i32
    %dma_wait3A_915 = tpu.memref_slice %arg2[%dma_wait3A_913, %dma_wait3A_914] : memref<1024x100000xf32, #tpu.memory_space<hbm>> -> memref<8x128xf32, #tpu.memory_space<hbm>>
    %dma_wait3A_916 = arith.constant 0 : i32
    %dma_wait3A_917 = arith.constant 0 : i32
    %dma_wait3A_918 = tpu.memref_slice %arg6[%dma_wait3A_908, %dma_wait3A_916, %dma_wait3A_917] : memref<32x8x128xf32, #tpu.memory_space<vmem>> -> memref<1x8x128xf32, #tpu.memory_space<vmem>>
    %dma_wait3A_919 = tpu.memref_squeeze %dma_wait3A_918 : memref<1x8x128xf32, #tpu.memory_space<vmem>> -> memref<8x128xf32, #tpu.memory_space<vmem>>
    %dma_wait3A_920 = arith.constant 0 : i32
    %dma_wait3A_921 = arith.constant 0 : i32
    %dma_wait3A_922 = tpu.memref_slice %arg2[%dma_wait3A_920, %dma_wait3A_921] : memref<1024x100000xf32, #tpu.memory_space<hbm>> -> memref<8x128xf32, #tpu.memory_space<hbm>>
    tpu.wait_dma2 semaphore(%arg9 : memref<!tpu.dma_semaphore, #tpu.memory_space<semaphore_mem>>) src(%dma_wait3A_922 : memref<8x128xf32, #tpu.memory_space<hbm>>) dst(%dma_wait3A_919 : memref<8x128xf32, #tpu.memory_space<vmem>>)
    %dma_wait3A_923 = arith.constant 8 : i32
    %dma_wait3A_924 = arith.constant 0 : i32
    %dma_wait3A_925 = arith.constant 0 : i32
    %dma_wait3A_926 = tpu.memref_slice %arg6[%dma_wait3A_923, %dma_wait3A_924, %dma_wait3A_925] : memref<32x8x128xf32, #tpu.memory_space<vmem>> -> memref<1x8x128xf32, #tpu.memory_space<vmem>>
    %dma_wait3A_927 = tpu.memref_squeeze %dma_wait3A_926 : memref<1x8x128xf32, #tpu.memory_space<vmem>> -> memref<8x128xf32, #tpu.memory_space<vmem>>
    %dma_wait3A_928 = arith.constant 0 : i32
    %dma_wait3A_929 = arith.constant 0 : i32
    %dma_wait3A_930 = tpu.memref_slice %arg2[%dma_wait3A_928, %dma_wait3A_929] : memref<1024x100000xf32, #tpu.memory_space<hbm>> -> memref<8x128xf32, #tpu.memory_space<hbm>>
    %dma_wait3A_931 = arith.constant 0 : i32
    %dma_wait3A_932 = arith.constant 0 : i32
    %dma_wait3A_933 = tpu.memref_slice %arg6[%dma_wait3A_923, %dma_wait3A_931, %dma_wait3A_932] : memref<32x8x128xf32, #tpu.memory_space<vmem>> -> memref<1x8x128xf32, #tpu.memory_space<vmem>>
    %dma_wait3A_934 = tpu.memref_squeeze %dma_wait3A_933 : memref<1x8x128xf32, #tpu.memory_space<vmem>> -> memref<8x128xf32, #tpu.memory_space<vmem>>
    %dma_wait3A_935 = arith.constant 0 : i32
    %dma_wait3A_936 = arith.constant 0 : i32
    %dma_wait3A_937 = tpu.memref_slice %arg2[%dma_wait3A_935, %dma_wait3A_936] : memref<1024x100000xf32, #tpu.memory_space<hbm>> -> memref<8x128xf32, #tpu.memory_space<hbm>>
    tpu.wait_dma2 semaphore(%arg9 : memref<!tpu.dma_semaphore, #tpu.memory_space<semaphore_mem>>) src(%dma_wait3A_937 : memref<8x128xf32, #tpu.memory_space<hbm>>) dst(%dma_wait3A_934 : memref<8x128xf32, #tpu.memory_space<vmem>>)
    %dma_wait3A_938 = arith.constant 9 : i32
    %dma_wait3A_939 = arith.constant 0 : i32
    %dma_wait3A_940 = arith.constant 0 : i32
    %dma_wait3A_941 = tpu.memref_slice %arg6[%dma_wait3A_938, %dma_wait3A_939, %dma_wait3A_940] : memref<32x8x128xf32, #tpu.memory_space<vmem>> -> memref<1x8x128xf32, #tpu.memory_space<vmem>>
    %dma_wait3A_942 = tpu.memref_squeeze %dma_wait3A_941 : memref<1x8x128xf32, #tpu.memory_space<vmem>> -> memref<8x128xf32, #tpu.memory_space<vmem>>
    %dma_wait3A_943 = arith.constant 0 : i32
    %dma_wait3A_944 = arith.constant 0 : i32
    %dma_wait3A_945 = tpu.memref_slice %arg2[%dma_wait3A_943, %dma_wait3A_944] : memref<1024x100000xf32, #tpu.memory_space<hbm>> -> memref<8x128xf32, #tpu.memory_space<hbm>>
    %dma_wait3A_946 = arith.constant 0 : i32
    %dma_wait3A_947 = arith.constant 0 : i32
    %dma_wait3A_948 = tpu.memref_slice %arg6[%dma_wait3A_938, %dma_wait3A_946, %dma_wait3A_947] : memref<32x8x128xf32, #tpu.memory_space<vmem>> -> memref<1x8x128xf32, #tpu.memory_space<vmem>>
    %dma_wait3A_949 = tpu.memref_squeeze %dma_wait3A_948 : memref<1x8x128xf32, #tpu.memory_space<vmem>> -> memref<8x128xf32, #tpu.memory_space<vmem>>
    %dma_wait3A_950 = arith.constant 0 : i32
    %dma_wait3A_951 = arith.constant 0 : i32
    %dma_wait3A_952 = tpu.memref_slice %arg2[%dma_wait3A_950, %dma_wait3A_951] : memref<1024x100000xf32, #tpu.memory_space<hbm>> -> memref<8x128xf32, #tpu.memory_space<hbm>>
    tpu.wait_dma2 semaphore(%arg9 : memref<!tpu.dma_semaphore, #tpu.memory_space<semaphore_mem>>) src(%dma_wait3A_952 : memref<8x128xf32, #tpu.memory_space<hbm>>) dst(%dma_wait3A_949 : memref<8x128xf32, #tpu.memory_space<vmem>>)
    %dma_wait3A_953 = arith.constant 10 : i32
    %dma_wait3A_954 = arith.constant 0 : i32
    %dma_wait3A_955 = arith.constant 0 : i32
    %dma_wait3A_956 = tpu.memref_slice %arg6[%dma_wait3A_953, %dma_wait3A_954, %dma_wait3A_955] : memref<32x8x128xf32, #tpu.memory_space<vmem>> -> memref<1x8x128xf32, #tpu.memory_space<vmem>>
    %dma_wait3A_957 = tpu.memref_squeeze %dma_wait3A_956 : memref<1x8x128xf32, #tpu.memory_space<vmem>> -> memref<8x128xf32, #tpu.memory_space<vmem>>
    %dma_wait3A_958 = arith.constant 0 : i32
    %dma_wait3A_959 = arith.constant 0 : i32
    %dma_wait3A_960 = tpu.memref_slice %arg2[%dma_wait3A_958, %dma_wait3A_959] : memref<1024x100000xf32, #tpu.memory_space<hbm>> -> memref<8x128xf32, #tpu.memory_space<hbm>>
    %dma_wait3A_961 = arith.constant 0 : i32
    %dma_wait3A_962 = arith.constant 0 : i32
    %dma_wait3A_963 = tpu.memref_slice %arg6[%dma_wait3A_953, %dma_wait3A_961, %dma_wait3A_962] : memref<32x8x128xf32, #tpu.memory_space<vmem>> -> memref<1x8x128xf32, #tpu.memory_space<vmem>>
    %dma_wait3A_964 = tpu.memref_squeeze %dma_wait3A_963 : memref<1x8x128xf32, #tpu.memory_space<vmem>> -> memref<8x128xf32, #tpu.memory_space<vmem>>
    %dma_wait3A_965 = arith.constant 0 : i32
    %dma_wait3A_966 = arith.constant 0 : i32
    %dma_wait3A_967 = tpu.memref_slice %arg2[%dma_wait3A_965, %dma_wait3A_966] : memref<1024x100000xf32, #tpu.memory_space<hbm>> -> memref<8x128xf32, #tpu.memory_space<hbm>>
    tpu.wait_dma2 semaphore(%arg9 : memref<!tpu.dma_semaphore, #tpu.memory_space<semaphore_mem>>) src(%dma_wait3A_967 : memref<8x128xf32, #tpu.memory_space<hbm>>) dst(%dma_wait3A_964 : memref<8x128xf32, #tpu.memory_space<vmem>>)
    %dma_wait3A_968 = arith.constant 11 : i32
    %dma_wait3A_969 = arith.constant 0 : i32
    %dma_wait3A_970 = arith.constant 0 : i32
    %dma_wait3A_971 = tpu.memref_slice %arg6[%dma_wait3A_968, %dma_wait3A_969, %dma_wait3A_970] : memref<32x8x128xf32, #tpu.memory_space<vmem>> -> memref<1x8x128xf32, #tpu.memory_space<vmem>>
    %dma_wait3A_972 = tpu.memref_squeeze %dma_wait3A_971 : memref<1x8x128xf32, #tpu.memory_space<vmem>> -> memref<8x128xf32, #tpu.memory_space<vmem>>
    %dma_wait3A_973 = arith.constant 0 : i32
    %dma_wait3A_974 = arith.constant 0 : i32
    %dma_wait3A_975 = tpu.memref_slice %arg2[%dma_wait3A_973, %dma_wait3A_974] : memref<1024x100000xf32, #tpu.memory_space<hbm>> -> memref<8x128xf32, #tpu.memory_space<hbm>>
    %dma_wait3A_976 = arith.constant 0 : i32
    %dma_wait3A_977 = arith.constant 0 : i32
    %dma_wait3A_978 = tpu.memref_slice %arg6[%dma_wait3A_968, %dma_wait3A_976, %dma_wait3A_977] : memref<32x8x128xf32, #tpu.memory_space<vmem>> -> memref<1x8x128xf32, #tpu.memory_space<vmem>>
    %dma_wait3A_979 = tpu.memref_squeeze %dma_wait3A_978 : memref<1x8x128xf32, #tpu.memory_space<vmem>> -> memref<8x128xf32, #tpu.memory_space<vmem>>
    %dma_wait3A_980 = arith.constant 0 : i32
    %dma_wait3A_981 = arith.constant 0 : i32
    %dma_wait3A_982 = tpu.memref_slice %arg2[%dma_wait3A_980, %dma_wait3A_981] : memref<1024x100000xf32, #tpu.memory_space<hbm>> -> memref<8x128xf32, #tpu.memory_space<hbm>>
    tpu.wait_dma2 semaphore(%arg9 : memref<!tpu.dma_semaphore, #tpu.memory_space<semaphore_mem>>) src(%dma_wait3A_982 : memref<8x128xf32, #tpu.memory_space<hbm>>) dst(%dma_wait3A_979 : memref<8x128xf32, #tpu.memory_space<vmem>>)
    %dma_wait3A_983 = arith.constant 12 : i32
    %dma_wait3A_984 = arith.constant 0 : i32
    %dma_wait3A_985 = arith.constant 0 : i32
    %dma_wait3A_986 = tpu.memref_slice %arg6[%dma_wait3A_983, %dma_wait3A_984, %dma_wait3A_985] : memref<32x8x128xf32, #tpu.memory_space<vmem>> -> memref<1x8x128xf32, #tpu.memory_space<vmem>>
    %dma_wait3A_987 = tpu.memref_squeeze %dma_wait3A_986 : memref<1x8x128xf32, #tpu.memory_space<vmem>> -> memref<8x128xf32, #tpu.memory_space<vmem>>
    %dma_wait3A_988 = arith.constant 0 : i32
    %dma_wait3A_989 = arith.constant 0 : i32
    %dma_wait3A_990 = tpu.memref_slice %arg2[%dma_wait3A_988, %dma_wait3A_989] : memref<1024x100000xf32, #tpu.memory_space<hbm>> -> memref<8x128xf32, #tpu.memory_space<hbm>>
    %dma_wait3A_991 = arith.constant 0 : i32
    %dma_wait3A_992 = arith.constant 0 : i32
    %dma_wait3A_993 = tpu.memref_slice %arg6[%dma_wait3A_983, %dma_wait3A_991, %dma_wait3A_992] : memref<32x8x128xf32, #tpu.memory_space<vmem>> -> memref<1x8x128xf32, #tpu.memory_space<vmem>>
    %dma_wait3A_994 = tpu.memref_squeeze %dma_wait3A_993 : memref<1x8x128xf32, #tpu.memory_space<vmem>> -> memref<8x128xf32, #tpu.memory_space<vmem>>
    %dma_wait3A_995 = arith.constant 0 : i32
    %dma_wait3A_996 = arith.constant 0 : i32
    %dma_wait3A_997 = tpu.memref_slice %arg2[%dma_wait3A_995, %dma_wait3A_996] : memref<1024x100000xf32, #tpu.memory_space<hbm>> -> memref<8x128xf32, #tpu.memory_space<hbm>>
    tpu.wait_dma2 semaphore(%arg9 : memref<!tpu.dma_semaphore, #tpu.memory_space<semaphore_mem>>) src(%dma_wait3A_997 : memref<8x128xf32, #tpu.memory_space<hbm>>) dst(%dma_wait3A_994 : memref<8x128xf32, #tpu.memory_space<vmem>>)
    %dma_wait3A_998 = arith.constant 13 : i32
    %dma_wait3A_999 = arith.constant 0 : i32
    %dma_wait3A_1000 = arith.constant 0 : i32
    %dma_wait3A_1001 = tpu.memref_slice %arg6[%dma_wait3A_998, %dma_wait3A_999, %dma_wait3A_1000] : memref<32x8x128xf32, #tpu.memory_space<vmem>> -> memref<1x8x128xf32, #tpu.memory_space<vmem>>
    %dma_wait3A_1002 = tpu.memref_squeeze %dma_wait3A_1001 : memref<1x8x128xf32, #tpu.memory_space<vmem>> -> memref<8x128xf32, #tpu.memory_space<vmem>>
    %dma_wait3A_1003 = arith.constant 0 : i32
    %dma_wait3A_1004 = arith.constant 0 : i32
    %dma_wait3A_1005 = tpu.memref_slice %arg2[%dma_wait3A_1003, %dma_wait3A_1004] : memref<1024x100000xf32, #tpu.memory_space<hbm>> -> memref<8x128xf32, #tpu.memory_space<hbm>>
    %dma_wait3A_1006 = arith.constant 0 : i32
    %dma_wait3A_1007 = arith.constant 0 : i32
    %dma_wait3A_1008 = tpu.memref_slice %arg6[%dma_wait3A_998, %dma_wait3A_1006, %dma_wait3A_1007] : memref<32x8x128xf32, #tpu.memory_space<vmem>> -> memref<1x8x128xf32, #tpu.memory_space<vmem>>
    %dma_wait3A_1009 = tpu.memref_squeeze %dma_wait3A_1008 : memref<1x8x128xf32, #tpu.memory_space<vmem>> -> memref<8x128xf32, #tpu.memory_space<vmem>>
    %dma_wait3A_1010 = arith.constant 0 : i32
    %dma_wait3A_1011 = arith.constant 0 : i32
    %dma_wait3A_1012 = tpu.memref_slice %arg2[%dma_wait3A_1010, %dma_wait3A_1011] : memref<1024x100000xf32, #tpu.memory_space<hbm>> -> memref<8x128xf32, #tpu.memory_space<hbm>>
    tpu.wait_dma2 semaphore(%arg9 : memref<!tpu.dma_semaphore, #tpu.memory_space<semaphore_mem>>) src(%dma_wait3A_1012 : memref<8x128xf32, #tpu.memory_space<hbm>>) dst(%dma_wait3A_1009 : memref<8x128xf32, #tpu.memory_space<vmem>>)
    %dma_wait3A_1013 = arith.constant 14 : i32
    %dma_wait3A_1014 = arith.constant 0 : i32
    %dma_wait3A_1015 = arith.constant 0 : i32
    %dma_wait3A_1016 = tpu.memref_slice %arg6[%dma_wait3A_1013, %dma_wait3A_1014, %dma_wait3A_1015] : memref<32x8x128xf32, #tpu.memory_space<vmem>> -> memref<1x8x128xf32, #tpu.memory_space<vmem>>
    %dma_wait3A_1017 = tpu.memref_squeeze %dma_wait3A_1016 : memref<1x8x128xf32, #tpu.memory_space<vmem>> -> memref<8x128xf32, #tpu.memory_space<vmem>>
    %dma_wait3A_1018 = arith.constant 0 : i32
    %dma_wait3A_1019 = arith.constant 0 : i32
    %dma_wait3A_1020 = tpu.memref_slice %arg2[%dma_wait3A_1018, %dma_wait3A_1019] : memref<1024x100000xf32, #tpu.memory_space<hbm>> -> memref<8x128xf32, #tpu.memory_space<hbm>>
    %dma_wait3A_1021 = arith.constant 0 : i32
    %dma_wait3A_1022 = arith.constant 0 : i32
    %dma_wait3A_1023 = tpu.memref_slice %arg6[%dma_wait3A_1013, %dma_wait3A_1021, %dma_wait3A_1022] : memref<32x8x128xf32, #tpu.memory_space<vmem>> -> memref<1x8x128xf32, #tpu.memory_space<vmem>>
    %dma_wait3A_1024 = tpu.memref_squeeze %dma_wait3A_1023 : memref<1x8x128xf32, #tpu.memory_space<vmem>> -> memref<8x128xf32, #tpu.memory_space<vmem>>
    %dma_wait3A_1025 = arith.constant 0 : i32
    %dma_wait3A_1026 = arith.constant 0 : i32
    %dma_wait3A_1027 = tpu.memref_slice %arg2[%dma_wait3A_1025, %dma_wait3A_1026] : memref<1024x100000xf32, #tpu.memory_space<hbm>> -> memref<8x128xf32, #tpu.memory_space<hbm>>
    tpu.wait_dma2 semaphore(%arg9 : memref<!tpu.dma_semaphore, #tpu.memory_space<semaphore_mem>>) src(%dma_wait3A_1027 : memref<8x128xf32, #tpu.memory_space<hbm>>) dst(%dma_wait3A_1024 : memref<8x128xf32, #tpu.memory_space<vmem>>)
    %dma_wait3A_1028 = arith.constant 15 : i32
    %dma_wait3A_1029 = arith.constant 0 : i32
    %dma_wait3A_1030 = arith.constant 0 : i32
    %dma_wait3A_1031 = tpu.memref_slice %arg6[%dma_wait3A_1028, %dma_wait3A_1029, %dma_wait3A_1030] : memref<32x8x128xf32, #tpu.memory_space<vmem>> -> memref<1x8x128xf32, #tpu.memory_space<vmem>>
    %dma_wait3A_1032 = tpu.memref_squeeze %dma_wait3A_1031 : memref<1x8x128xf32, #tpu.memory_space<vmem>> -> memref<8x128xf32, #tpu.memory_space<vmem>>
    %dma_wait3A_1033 = arith.constant 0 : i32
    %dma_wait3A_1034 = arith.constant 0 : i32
    %dma_wait3A_1035 = tpu.memref_slice %arg2[%dma_wait3A_1033, %dma_wait3A_1034] : memref<1024x100000xf32, #tpu.memory_space<hbm>> -> memref<8x128xf32, #tpu.memory_space<hbm>>
    %dma_wait3A_1036 = arith.constant 0 : i32
    %dma_wait3A_1037 = arith.constant 0 : i32
    %dma_wait3A_1038 = tpu.memref_slice %arg6[%dma_wait3A_1028, %dma_wait3A_1036, %dma_wait3A_1037] : memref<32x8x128xf32, #tpu.memory_space<vmem>> -> memref<1x8x128xf32, #tpu.memory_space<vmem>>
    %dma_wait3A_1039 = tpu.memref_squeeze %dma_wait3A_1038 : memref<1x8x128xf32, #tpu.memory_space<vmem>> -> memref<8x128xf32, #tpu.memory_space<vmem>>
    %dma_wait3A_1040 = arith.constant 0 : i32
    %dma_wait3A_1041 = arith.constant 0 : i32
    %dma_wait3A_1042 = tpu.memref_slice %arg2[%dma_wait3A_1040, %dma_wait3A_1041] : memref<1024x100000xf32, #tpu.memory_space<hbm>> -> memref<8x128xf32, #tpu.memory_space<hbm>>
    tpu.wait_dma2 semaphore(%arg9 : memref<!tpu.dma_semaphore, #tpu.memory_space<semaphore_mem>>) src(%dma_wait3A_1042 : memref<8x128xf32, #tpu.memory_space<hbm>>) dst(%dma_wait3A_1039 : memref<8x128xf32, #tpu.memory_space<vmem>>)
    %dma_wait3A_1043 = arith.constant 16 : i32
    %dma_wait3A_1044 = arith.constant 0 : i32
    %dma_wait3A_1045 = arith.constant 0 : i32
    %dma_wait3A_1046 = tpu.memref_slice %arg6[%dma_wait3A_1043, %dma_wait3A_1044, %dma_wait3A_1045] : memref<32x8x128xf32, #tpu.memory_space<vmem>> -> memref<1x8x128xf32, #tpu.memory_space<vmem>>
    %dma_wait3A_1047 = tpu.memref_squeeze %dma_wait3A_1046 : memref<1x8x128xf32, #tpu.memory_space<vmem>> -> memref<8x128xf32, #tpu.memory_space<vmem>>
    %dma_wait3A_1048 = arith.constant 0 : i32
    %dma_wait3A_1049 = arith.constant 0 : i32
    %dma_wait3A_1050 = tpu.memref_slice %arg2[%dma_wait3A_1048, %dma_wait3A_1049] : memref<1024x100000xf32, #tpu.memory_space<hbm>> -> memref<8x128xf32, #tpu.memory_space<hbm>>
    %dma_wait3A_1051 = arith.constant 0 : i32
    %dma_wait3A_1052 = arith.constant 0 : i32
    %dma_wait3A_1053 = tpu.memref_slice %arg6[%dma_wait3A_1043, %dma_wait3A_1051, %dma_wait3A_1052] : memref<32x8x128xf32, #tpu.memory_space<vmem>> -> memref<1x8x128xf32, #tpu.memory_space<vmem>>
    %dma_wait3A_1054 = tpu.memref_squeeze %dma_wait3A_1053 : memref<1x8x128xf32, #tpu.memory_space<vmem>> -> memref<8x128xf32, #tpu.memory_space<vmem>>
    %dma_wait3A_1055 = arith.constant 0 : i32
    %dma_wait3A_1056 = arith.constant 0 : i32
    %dma_wait3A_1057 = tpu.memref_slice %arg2[%dma_wait3A_1055, %dma_wait3A_1056] : memref<1024x100000xf32, #tpu.memory_space<hbm>> -> memref<8x128xf32, #tpu.memory_space<hbm>>
    tpu.wait_dma2 semaphore(%arg9 : memref<!tpu.dma_semaphore, #tpu.memory_space<semaphore_mem>>) src(%dma_wait3A_1057 : memref<8x128xf32, #tpu.memory_space<hbm>>) dst(%dma_wait3A_1054 : memref<8x128xf32, #tpu.memory_space<vmem>>)
    %dma_wait3A_1058 = arith.constant 17 : i32
    %dma_wait3A_1059 = arith.constant 0 : i32
    %dma_wait3A_1060 = arith.constant 0 : i32
    %dma_wait3A_1061 = tpu.memref_slice %arg6[%dma_wait3A_1058, %dma_wait3A_1059, %dma_wait3A_1060] : memref<32x8x128xf32, #tpu.memory_space<vmem>> -> memref<1x8x128xf32, #tpu.memory_space<vmem>>
    %dma_wait3A_1062 = tpu.memref_squeeze %dma_wait3A_1061 : memref<1x8x128xf32, #tpu.memory_space<vmem>> -> memref<8x128xf32, #tpu.memory_space<vmem>>
    %dma_wait3A_1063 = arith.constant 0 : i32
    %dma_wait3A_1064 = arith.constant 0 : i32
    %dma_wait3A_1065 = tpu.memref_slice %arg2[%dma_wait3A_1063, %dma_wait3A_1064] : memref<1024x100000xf32, #tpu.memory_space<hbm>> -> memref<8x128xf32, #tpu.memory_space<hbm>>
    %dma_wait3A_1066 = arith.constant 0 : i32
    %dma_wait3A_1067 = arith.constant 0 : i32
    %dma_wait3A_1068 = tpu.memref_slice %arg6[%dma_wait3A_1058, %dma_wait3A_1066, %dma_wait3A_1067] : memref<32x8x128xf32, #tpu.memory_space<vmem>> -> memref<1x8x128xf32, #tpu.memory_space<vmem>>
    %dma_wait3A_1069 = tpu.memref_squeeze %dma_wait3A_1068 : memref<1x8x128xf32, #tpu.memory_space<vmem>> -> memref<8x128xf32, #tpu.memory_space<vmem>>
    %dma_wait3A_1070 = arith.constant 0 : i32
    %dma_wait3A_1071 = arith.constant 0 : i32
    %dma_wait3A_1072 = tpu.memref_slice %arg2[%dma_wait3A_1070, %dma_wait3A_1071] : memref<1024x100000xf32, #tpu.memory_space<hbm>> -> memref<8x128xf32, #tpu.memory_space<hbm>>
    tpu.wait_dma2 semaphore(%arg9 : memref<!tpu.dma_semaphore, #tpu.memory_space<semaphore_mem>>) src(%dma_wait3A_1072 : memref<8x128xf32, #tpu.memory_space<hbm>>) dst(%dma_wait3A_1069 : memref<8x128xf32, #tpu.memory_space<vmem>>)
    %dma_wait3A_1073 = arith.constant 18 : i32
    %dma_wait3A_1074 = arith.constant 0 : i32
    %dma_wait3A_1075 = arith.constant 0 : i32
    %dma_wait3A_1076 = tpu.memref_slice %arg6[%dma_wait3A_1073, %dma_wait3A_1074, %dma_wait3A_1075] : memref<32x8x128xf32, #tpu.memory_space<vmem>> -> memref<1x8x128xf32, #tpu.memory_space<vmem>>
    %dma_wait3A_1077 = tpu.memref_squeeze %dma_wait3A_1076 : memref<1x8x128xf32, #tpu.memory_space<vmem>> -> memref<8x128xf32, #tpu.memory_space<vmem>>
    %dma_wait3A_1078 = arith.constant 0 : i32
    %dma_wait3A_1079 = arith.constant 0 : i32
    %dma_wait3A_1080 = tpu.memref_slice %arg2[%dma_wait3A_1078, %dma_wait3A_1079] : memref<1024x100000xf32, #tpu.memory_space<hbm>> -> memref<8x128xf32, #tpu.memory_space<hbm>>
    %dma_wait3A_1081 = arith.constant 0 : i32
    %dma_wait3A_1082 = arith.constant 0 : i32
    %dma_wait3A_1083 = tpu.memref_slice %arg6[%dma_wait3A_1073, %dma_wait3A_1081, %dma_wait3A_1082] : memref<32x8x128xf32, #tpu.memory_space<vmem>> -> memref<1x8x128xf32, #tpu.memory_space<vmem>>
    %dma_wait3A_1084 = tpu.memref_squeeze %dma_wait3A_1083 : memref<1x8x128xf32, #tpu.memory_space<vmem>> -> memref<8x128xf32, #tpu.memory_space<vmem>>
    %dma_wait3A_1085 = arith.constant 0 : i32
    %dma_wait3A_1086 = arith.constant 0 : i32
    %dma_wait3A_1087 = tpu.memref_slice %arg2[%dma_wait3A_1085, %dma_wait3A_1086] : memref<1024x100000xf32, #tpu.memory_space<hbm>> -> memref<8x128xf32, #tpu.memory_space<hbm>>
    tpu.wait_dma2 semaphore(%arg9 : memref<!tpu.dma_semaphore, #tpu.memory_space<semaphore_mem>>) src(%dma_wait3A_1087 : memref<8x128xf32, #tpu.memory_space<hbm>>) dst(%dma_wait3A_1084 : memref<8x128xf32, #tpu.memory_space<vmem>>)
    %dma_wait3A_1088 = arith.constant 19 : i32
    %dma_wait3A_1089 = arith.constant 0 : i32
    %dma_wait3A_1090 = arith.constant 0 : i32
    %dma_wait3A_1091 = tpu.memref_slice %arg6[%dma_wait3A_1088, %dma_wait3A_1089, %dma_wait3A_1090] : memref<32x8x128xf32, #tpu.memory_space<vmem>> -> memref<1x8x128xf32, #tpu.memory_space<vmem>>
    %dma_wait3A_1092 = tpu.memref_squeeze %dma_wait3A_1091 : memref<1x8x128xf32, #tpu.memory_space<vmem>> -> memref<8x128xf32, #tpu.memory_space<vmem>>
    %dma_wait3A_1093 = arith.constant 0 : i32
    %dma_wait3A_1094 = arith.constant 0 : i32
    %dma_wait3A_1095 = tpu.memref_slice %arg2[%dma_wait3A_1093, %dma_wait3A_1094] : memref<1024x100000xf32, #tpu.memory_space<hbm>> -> memref<8x128xf32, #tpu.memory_space<hbm>>
    %dma_wait3A_1096 = arith.constant 0 : i32
    %dma_wait3A_1097 = arith.constant 0 : i32
    %dma_wait3A_1098 = tpu.memref_slice %arg6[%dma_wait3A_1088, %dma_wait3A_1096, %dma_wait3A_1097] : memref<32x8x128xf32, #tpu.memory_space<vmem>> -> memref<1x8x128xf32, #tpu.memory_space<vmem>>
    %dma_wait3A_1099 = tpu.memref_squeeze %dma_wait3A_1098 : memref<1x8x128xf32, #tpu.memory_space<vmem>> -> memref<8x128xf32, #tpu.memory_space<vmem>>
    %dma_wait3A_1100 = arith.constant 0 : i32
    %dma_wait3A_1101 = arith.constant 0 : i32
    %dma_wait3A_1102 = tpu.memref_slice %arg2[%dma_wait3A_1100, %dma_wait3A_1101] : memref<1024x100000xf32, #tpu.memory_space<hbm>> -> memref<8x128xf32, #tpu.memory_space<hbm>>
    tpu.wait_dma2 semaphore(%arg9 : memref<!tpu.dma_semaphore, #tpu.memory_space<semaphore_mem>>) src(%dma_wait3A_1102 : memref<8x128xf32, #tpu.memory_space<hbm>>) dst(%dma_wait3A_1099 : memref<8x128xf32, #tpu.memory_space<vmem>>)
    %dma_wait3A_1103 = arith.constant 20 : i32
    %dma_wait3A_1104 = arith.constant 0 : i32
    %dma_wait3A_1105 = arith.constant 0 : i32
    %dma_wait3A_1106 = tpu.memref_slice %arg6[%dma_wait3A_1103, %dma_wait3A_1104, %dma_wait3A_1105] : memref<32x8x128xf32, #tpu.memory_space<vmem>> -> memref<1x8x128xf32, #tpu.memory_space<vmem>>
    %dma_wait3A_1107 = tpu.memref_squeeze %dma_wait3A_1106 : memref<1x8x128xf32, #tpu.memory_space<vmem>> -> memref<8x128xf32, #tpu.memory_space<vmem>>
    %dma_wait3A_1108 = arith.constant 0 : i32
    %dma_wait3A_1109 = arith.constant 0 : i32
    %dma_wait3A_1110 = tpu.memref_slice %arg2[%dma_wait3A_1108, %dma_wait3A_1109] : memref<1024x100000xf32, #tpu.memory_space<hbm>> -> memref<8x128xf32, #tpu.memory_space<hbm>>
    %dma_wait3A_1111 = arith.constant 0 : i32
    %dma_wait3A_1112 = arith.constant 0 : i32
    %dma_wait3A_1113 = tpu.memref_slice %arg6[%dma_wait3A_1103, %dma_wait3A_1111, %dma_wait3A_1112] : memref<32x8x128xf32, #tpu.memory_space<vmem>> -> memref<1x8x128xf32, #tpu.memory_space<vmem>>
    %dma_wait3A_1114 = tpu.memref_squeeze %dma_wait3A_1113 : memref<1x8x128xf32, #tpu.memory_space<vmem>> -> memref<8x128xf32, #tpu.memory_space<vmem>>
    %dma_wait3A_1115 = arith.constant 0 : i32
    %dma_wait3A_1116 = arith.constant 0 : i32
    %dma_wait3A_1117 = tpu.memref_slice %arg2[%dma_wait3A_1115, %dma_wait3A_1116] : memref<1024x100000xf32, #tpu.memory_space<hbm>> -> memref<8x128xf32, #tpu.memory_space<hbm>>
    tpu.wait_dma2 semaphore(%arg9 : memref<!tpu.dma_semaphore, #tpu.memory_space<semaphore_mem>>) src(%dma_wait3A_1117 : memref<8x128xf32, #tpu.memory_space<hbm>>) dst(%dma_wait3A_1114 : memref<8x128xf32, #tpu.memory_space<vmem>>)
    %dma_wait3A_1118 = arith.constant 21 : i32
    %dma_wait3A_1119 = arith.constant 0 : i32
    %dma_wait3A_1120 = arith.constant 0 : i32
    %dma_wait3A_1121 = tpu.memref_slice %arg6[%dma_wait3A_1118, %dma_wait3A_1119, %dma_wait3A_1120] : memref<32x8x128xf32, #tpu.memory_space<vmem>> -> memref<1x8x128xf32, #tpu.memory_space<vmem>>
    %dma_wait3A_1122 = tpu.memref_squeeze %dma_wait3A_1121 : memref<1x8x128xf32, #tpu.memory_space<vmem>> -> memref<8x128xf32, #tpu.memory_space<vmem>>
    %dma_wait3A_1123 = arith.constant 0 : i32
    %dma_wait3A_1124 = arith.constant 0 : i32
    %dma_wait3A_1125 = tpu.memref_slice %arg2[%dma_wait3A_1123, %dma_wait3A_1124] : memref<1024x100000xf32, #tpu.memory_space<hbm>> -> memref<8x128xf32, #tpu.memory_space<hbm>>
    %dma_wait3A_1126 = arith.constant 0 : i32
    %dma_wait3A_1127 = arith.constant 0 : i32
    %dma_wait3A_1128 = tpu.memref_slice %arg6[%dma_wait3A_1118, %dma_wait3A_1126, %dma_wait3A_1127] : memref<32x8x128xf32, #tpu.memory_space<vmem>> -> memref<1x8x128xf32, #tpu.memory_space<vmem>>
    %dma_wait3A_1129 = tpu.memref_squeeze %dma_wait3A_1128 : memref<1x8x128xf32, #tpu.memory_space<vmem>> -> memref<8x128xf32, #tpu.memory_space<vmem>>
    %dma_wait3A_1130 = arith.constant 0 : i32
    %dma_wait3A_1131 = arith.constant 0 : i32
    %dma_wait3A_1132 = tpu.memref_slice %arg2[%dma_wait3A_1130, %dma_wait3A_1131] : memref<1024x100000xf32, #tpu.memory_space<hbm>> -> memref<8x128xf32, #tpu.memory_space<hbm>>
    tpu.wait_dma2 semaphore(%arg9 : memref<!tpu.dma_semaphore, #tpu.memory_space<semaphore_mem>>) src(%dma_wait3A_1132 : memref<8x128xf32, #tpu.memory_space<hbm>>) dst(%dma_wait3A_1129 : memref<8x128xf32, #tpu.memory_space<vmem>>)
    %dma_wait3A_1133 = arith.constant 22 : i32
    %dma_wait3A_1134 = arith.constant 0 : i32
    %dma_wait3A_1135 = arith.constant 0 : i32
    %dma_wait3A_1136 = tpu.memref_slice %arg6[%dma_wait3A_1133, %dma_wait3A_1134, %dma_wait3A_1135] : memref<32x8x128xf32, #tpu.memory_space<vmem>> -> memref<1x8x128xf32, #tpu.memory_space<vmem>>
    %dma_wait3A_1137 = tpu.memref_squeeze %dma_wait3A_1136 : memref<1x8x128xf32, #tpu.memory_space<vmem>> -> memref<8x128xf32, #tpu.memory_space<vmem>>
    %dma_wait3A_1138 = arith.constant 0 : i32
    %dma_wait3A_1139 = arith.constant 0 : i32
    %dma_wait3A_1140 = tpu.memref_slice %arg2[%dma_wait3A_1138, %dma_wait3A_1139] : memref<1024x100000xf32, #tpu.memory_space<hbm>> -> memref<8x128xf32, #tpu.memory_space<hbm>>
    %dma_wait3A_1141 = arith.constant 0 : i32
    %dma_wait3A_1142 = arith.constant 0 : i32
    %dma_wait3A_1143 = tpu.memref_slice %arg6[%dma_wait3A_1133, %dma_wait3A_1141, %dma_wait3A_1142] : memref<32x8x128xf32, #tpu.memory_space<vmem>> -> memref<1x8x128xf32, #tpu.memory_space<vmem>>
    %dma_wait3A_1144 = tpu.memref_squeeze %dma_wait3A_1143 : memref<1x8x128xf32, #tpu.memory_space<vmem>> -> memref<8x128xf32, #tpu.memory_space<vmem>>
    %dma_wait3A_1145 = arith.constant 0 : i32
    %dma_wait3A_1146 = arith.constant 0 : i32
    %dma_wait3A_1147 = tpu.memref_slice %arg2[%dma_wait3A_1145, %dma_wait3A_1146] : memref<1024x100000xf32, #tpu.memory_space<hbm>> -> memref<8x128xf32, #tpu.memory_space<hbm>>
    tpu.wait_dma2 semaphore(%arg9 : memref<!tpu.dma_semaphore, #tpu.memory_space<semaphore_mem>>) src(%dma_wait3A_1147 : memref<8x128xf32, #tpu.memory_space<hbm>>) dst(%dma_wait3A_1144 : memref<8x128xf32, #tpu.memory_space<vmem>>)
    %dma_wait3A_1148 = arith.constant 23 : i32
    %dma_wait3A_1149 = arith.constant 0 : i32
    %dma_wait3A_1150 = arith.constant 0 : i32
    %dma_wait3A_1151 = tpu.memref_slice %arg6[%dma_wait3A_1148, %dma_wait3A_1149, %dma_wait3A_1150] : memref<32x8x128xf32, #tpu.memory_space<vmem>> -> memref<1x8x128xf32, #tpu.memory_space<vmem>>
    %dma_wait3A_1152 = tpu.memref_squeeze %dma_wait3A_1151 : memref<1x8x128xf32, #tpu.memory_space<vmem>> -> memref<8x128xf32, #tpu.memory_space<vmem>>
    %dma_wait3A_1153 = arith.constant 0 : i32
    %dma_wait3A_1154 = arith.constant 0 : i32
    %dma_wait3A_1155 = tpu.memref_slice %arg2[%dma_wait3A_1153, %dma_wait3A_1154] : memref<1024x100000xf32, #tpu.memory_space<hbm>> -> memref<8x128xf32, #tpu.memory_space<hbm>>
    %dma_wait3A_1156 = arith.constant 0 : i32
    %dma_wait3A_1157 = arith.constant 0 : i32
    %dma_wait3A_1158 = tpu.memref_slice %arg6[%dma_wait3A_1148, %dma_wait3A_1156, %dma_wait3A_1157] : memref<32x8x128xf32, #tpu.memory_space<vmem>> -> memref<1x8x128xf32, #tpu.memory_space<vmem>>
    %dma_wait3A_1159 = tpu.memref_squeeze %dma_wait3A_1158 : memref<1x8x128xf32, #tpu.memory_space<vmem>> -> memref<8x128xf32, #tpu.memory_space<vmem>>
    %dma_wait3A_1160 = arith.constant 0 : i32
    %dma_wait3A_1161 = arith.constant 0 : i32
    %dma_wait3A_1162 = tpu.memref_slice %arg2[%dma_wait3A_1160, %dma_wait3A_1161] : memref<1024x100000xf32, #tpu.memory_space<hbm>> -> memref<8x128xf32, #tpu.memory_space<hbm>>
    tpu.wait_dma2 semaphore(%arg9 : memref<!tpu.dma_semaphore, #tpu.memory_space<semaphore_mem>>) src(%dma_wait3A_1162 : memref<8x128xf32, #tpu.memory_space<hbm>>) dst(%dma_wait3A_1159 : memref<8x128xf32, #tpu.memory_space<vmem>>)
    %dma_wait3A_1163 = arith.constant 24 : i32
    %dma_wait3A_1164 = arith.constant 0 : i32
    %dma_wait3A_1165 = arith.constant 0 : i32
    %dma_wait3A_1166 = tpu.memref_slice %arg6[%dma_wait3A_1163, %dma_wait3A_1164, %dma_wait3A_1165] : memref<32x8x128xf32, #tpu.memory_space<vmem>> -> memref<1x8x128xf32, #tpu.memory_space<vmem>>
    %dma_wait3A_1167 = tpu.memref_squeeze %dma_wait3A_1166 : memref<1x8x128xf32, #tpu.memory_space<vmem>> -> memref<8x128xf32, #tpu.memory_space<vmem>>
    %dma_wait3A_1168 = arith.constant 0 : i32
    %dma_wait3A_1169 = arith.constant 0 : i32
    %dma_wait3A_1170 = tpu.memref_slice %arg2[%dma_wait3A_1168, %dma_wait3A_1169] : memref<1024x100000xf32, #tpu.memory_space<hbm>> -> memref<8x128xf32, #tpu.memory_space<hbm>>
    %dma_wait3A_1171 = arith.constant 0 : i32
    %dma_wait3A_1172 = arith.constant 0 : i32
    %dma_wait3A_1173 = tpu.memref_slice %arg6[%dma_wait3A_1163, %dma_wait3A_1171, %dma_wait3A_1172] : memref<32x8x128xf32, #tpu.memory_space<vmem>> -> memref<1x8x128xf32, #tpu.memory_space<vmem>>
    %dma_wait3A_1174 = tpu.memref_squeeze %dma_wait3A_1173 : memref<1x8x128xf32, #tpu.memory_space<vmem>> -> memref<8x128xf32, #tpu.memory_space<vmem>>
    %dma_wait3A_1175 = arith.constant 0 : i32
    %dma_wait3A_1176 = arith.constant 0 : i32
    %dma_wait3A_1177 = tpu.memref_slice %arg2[%dma_wait3A_1175, %dma_wait3A_1176] : memref<1024x100000xf32, #tpu.memory_space<hbm>> -> memref<8x128xf32, #tpu.memory_space<hbm>>
    tpu.wait_dma2 semaphore(%arg9 : memref<!tpu.dma_semaphore, #tpu.memory_space<semaphore_mem>>) src(%dma_wait3A_1177 : memref<8x128xf32, #tpu.memory_space<hbm>>) dst(%dma_wait3A_1174 : memref<8x128xf32, #tpu.memory_space<vmem>>)
    %dma_wait3A_1178 = arith.constant 25 : i32
    %dma_wait3A_1179 = arith.constant 0 : i32
    %dma_wait3A_1180 = arith.constant 0 : i32
    %dma_wait3A_1181 = tpu.memref_slice %arg6[%dma_wait3A_1178, %dma_wait3A_1179, %dma_wait3A_1180] : memref<32x8x128xf32, #tpu.memory_space<vmem>> -> memref<1x8x128xf32, #tpu.memory_space<vmem>>
    %dma_wait3A_1182 = tpu.memref_squeeze %dma_wait3A_1181 : memref<1x8x128xf32, #tpu.memory_space<vmem>> -> memref<8x128xf32, #tpu.memory_space<vmem>>
    %dma_wait3A_1183 = arith.constant 0 : i32
    %dma_wait3A_1184 = arith.constant 0 : i32
    %dma_wait3A_1185 = tpu.memref_slice %arg2[%dma_wait3A_1183, %dma_wait3A_1184] : memref<1024x100000xf32, #tpu.memory_space<hbm>> -> memref<8x128xf32, #tpu.memory_space<hbm>>
    %dma_wait3A_1186 = arith.constant 0 : i32
    %dma_wait3A_1187 = arith.constant 0 : i32
    %dma_wait3A_1188 = tpu.memref_slice %arg6[%dma_wait3A_1178, %dma_wait3A_1186, %dma_wait3A_1187] : memref<32x8x128xf32, #tpu.memory_space<vmem>> -> memref<1x8x128xf32, #tpu.memory_space<vmem>>
    %dma_wait3A_1189 = tpu.memref_squeeze %dma_wait3A_1188 : memref<1x8x128xf32, #tpu.memory_space<vmem>> -> memref<8x128xf32, #tpu.memory_space<vmem>>
    %dma_wait3A_1190 = arith.constant 0 : i32
    %dma_wait3A_1191 = arith.constant 0 : i32
    %dma_wait3A_1192 = tpu.memref_slice %arg2[%dma_wait3A_1190, %dma_wait3A_1191] : memref<1024x100000xf32, #tpu.memory_space<hbm>> -> memref<8x128xf32, #tpu.memory_space<hbm>>
    tpu.wait_dma2 semaphore(%arg9 : memref<!tpu.dma_semaphore, #tpu.memory_space<semaphore_mem>>) src(%dma_wait3A_1192 : memref<8x128xf32, #tpu.memory_space<hbm>>) dst(%dma_wait3A_1189 : memref<8x128xf32, #tpu.memory_space<vmem>>)
    %dma_wait3A_1193 = arith.constant 26 : i32
    %dma_wait3A_1194 = arith.constant 0 : i32
    %dma_wait3A_1195 = arith.constant 0 : i32
    %dma_wait3A_1196 = tpu.memref_slice %arg6[%dma_wait3A_1193, %dma_wait3A_1194, %dma_wait3A_1195] : memref<32x8x128xf32, #tpu.memory_space<vmem>> -> memref<1x8x128xf32, #tpu.memory_space<vmem>>
    %dma_wait3A_1197 = tpu.memref_squeeze %dma_wait3A_1196 : memref<1x8x128xf32, #tpu.memory_space<vmem>> -> memref<8x128xf32, #tpu.memory_space<vmem>>
    %dma_wait3A_1198 = arith.constant 0 : i32
    %dma_wait3A_1199 = arith.constant 0 : i32
    %dma_wait3A_1200 = tpu.memref_slice %arg2[%dma_wait3A_1198, %dma_wait3A_1199] : memref<1024x100000xf32, #tpu.memory_space<hbm>> -> memref<8x128xf32, #tpu.memory_space<hbm>>
    %dma_wait3A_1201 = arith.constant 0 : i32
    %dma_wait3A_1202 = arith.constant 0 : i32
    %dma_wait3A_1203 = tpu.memref_slice %arg6[%dma_wait3A_1193, %dma_wait3A_1201, %dma_wait3A_1202] : memref<32x8x128xf32, #tpu.memory_space<vmem>> -> memref<1x8x128xf32, #tpu.memory_space<vmem>>
    %dma_wait3A_1204 = tpu.memref_squeeze %dma_wait3A_1203 : memref<1x8x128xf32, #tpu.memory_space<vmem>> -> memref<8x128xf32, #tpu.memory_space<vmem>>
    %dma_wait3A_1205 = arith.constant 0 : i32
    %dma_wait3A_1206 = arith.constant 0 : i32
    %dma_wait3A_1207 = tpu.memref_slice %arg2[%dma_wait3A_1205, %dma_wait3A_1206] : memref<1024x100000xf32, #tpu.memory_space<hbm>> -> memref<8x128xf32, #tpu.memory_space<hbm>>
    tpu.wait_dma2 semaphore(%arg9 : memref<!tpu.dma_semaphore, #tpu.memory_space<semaphore_mem>>) src(%dma_wait3A_1207 : memref<8x128xf32, #tpu.memory_space<hbm>>) dst(%dma_wait3A_1204 : memref<8x128xf32, #tpu.memory_space<vmem>>)
    %dma_wait3A_1208 = arith.constant 27 : i32
    %dma_wait3A_1209 = arith.constant 0 : i32
    %dma_wait3A_1210 = arith.constant 0 : i32
    %dma_wait3A_1211 = tpu.memref_slice %arg6[%dma_wait3A_1208, %dma_wait3A_1209, %dma_wait3A_1210] : memref<32x8x128xf32, #tpu.memory_space<vmem>> -> memref<1x8x128xf32, #tpu.memory_space<vmem>>
    %dma_wait3A_1212 = tpu.memref_squeeze %dma_wait3A_1211 : memref<1x8x128xf32, #tpu.memory_space<vmem>> -> memref<8x128xf32, #tpu.memory_space<vmem>>
    %dma_wait3A_1213 = arith.constant 0 : i32
    %dma_wait3A_1214 = arith.constant 0 : i32
    %dma_wait3A_1215 = tpu.memref_slice %arg2[%dma_wait3A_1213, %dma_wait3A_1214] : memref<1024x100000xf32, #tpu.memory_space<hbm>> -> memref<8x128xf32, #tpu.memory_space<hbm>>
    %dma_wait3A_1216 = arith.constant 0 : i32
    %dma_wait3A_1217 = arith.constant 0 : i32
    %dma_wait3A_1218 = tpu.memref_slice %arg6[%dma_wait3A_1208, %dma_wait3A_1216, %dma_wait3A_1217] : memref<32x8x128xf32, #tpu.memory_space<vmem>> -> memref<1x8x128xf32, #tpu.memory_space<vmem>>
    %dma_wait3A_1219 = tpu.memref_squeeze %dma_wait3A_1218 : memref<1x8x128xf32, #tpu.memory_space<vmem>> -> memref<8x128xf32, #tpu.memory_space<vmem>>
    %dma_wait3A_1220 = arith.constant 0 : i32
    %dma_wait3A_1221 = arith.constant 0 : i32
    %dma_wait3A_1222 = tpu.memref_slice %arg2[%dma_wait3A_1220, %dma_wait3A_1221] : memref<1024x100000xf32, #tpu.memory_space<hbm>> -> memref<8x128xf32, #tpu.memory_space<hbm>>
    tpu.wait_dma2 semaphore(%arg9 : memref<!tpu.dma_semaphore, #tpu.memory_space<semaphore_mem>>) src(%dma_wait3A_1222 : memref<8x128xf32, #tpu.memory_space<hbm>>) dst(%dma_wait3A_1219 : memref<8x128xf32, #tpu.memory_space<vmem>>)
    %dma_wait3A_1223 = arith.constant 28 : i32
    %dma_wait3A_1224 = arith.constant 0 : i32
    %dma_wait3A_1225 = arith.constant 0 : i32
    %dma_wait3A_1226 = tpu.memref_slice %arg6[%dma_wait3A_1223, %dma_wait3A_1224, %dma_wait3A_1225] : memref<32x8x128xf32, #tpu.memory_space<vmem>> -> memref<1x8x128xf32, #tpu.memory_space<vmem>>
    %dma_wait3A_1227 = tpu.memref_squeeze %dma_wait3A_1226 : memref<1x8x128xf32, #tpu.memory_space<vmem>> -> memref<8x128xf32, #tpu.memory_space<vmem>>
    %dma_wait3A_1228 = arith.constant 0 : i32
    %dma_wait3A_1229 = arith.constant 0 : i32
    %dma_wait3A_1230 = tpu.memref_slice %arg2[%dma_wait3A_1228, %dma_wait3A_1229] : memref<1024x100000xf32, #tpu.memory_space<hbm>> -> memref<8x128xf32, #tpu.memory_space<hbm>>
    %dma_wait3A_1231 = arith.constant 0 : i32
    %dma_wait3A_1232 = arith.constant 0 : i32
    %dma_wait3A_1233 = tpu.memref_slice %arg6[%dma_wait3A_1223, %dma_wait3A_1231, %dma_wait3A_1232] : memref<32x8x128xf32, #tpu.memory_space<vmem>> -> memref<1x8x128xf32, #tpu.memory_space<vmem>>
    %dma_wait3A_1234 = tpu.memref_squeeze %dma_wait3A_1233 : memref<1x8x128xf32, #tpu.memory_space<vmem>> -> memref<8x128xf32, #tpu.memory_space<vmem>>
    %dma_wait3A_1235 = arith.constant 0 : i32
    %dma_wait3A_1236 = arith.constant 0 : i32
    %dma_wait3A_1237 = tpu.memref_slice %arg2[%dma_wait3A_1235, %dma_wait3A_1236] : memref<1024x100000xf32, #tpu.memory_space<hbm>> -> memref<8x128xf32, #tpu.memory_space<hbm>>
    tpu.wait_dma2 semaphore(%arg9 : memref<!tpu.dma_semaphore, #tpu.memory_space<semaphore_mem>>) src(%dma_wait3A_1237 : memref<8x128xf32, #tpu.memory_space<hbm>>) dst(%dma_wait3A_1234 : memref<8x128xf32, #tpu.memory_space<vmem>>)
    %dma_wait3A_1238 = arith.constant 29 : i32
    %dma_wait3A_1239 = arith.constant 0 : i32
    %dma_wait3A_1240 = arith.constant 0 : i32
    %dma_wait3A_1241 = tpu.memref_slice %arg6[%dma_wait3A_1238, %dma_wait3A_1239, %dma_wait3A_1240] : memref<32x8x128xf32, #tpu.memory_space<vmem>> -> memref<1x8x128xf32, #tpu.memory_space<vmem>>
    %dma_wait3A_1242 = tpu.memref_squeeze %dma_wait3A_1241 : memref<1x8x128xf32, #tpu.memory_space<vmem>> -> memref<8x128xf32, #tpu.memory_space<vmem>>
    %dma_wait3A_1243 = arith.constant 0 : i32
    %dma_wait3A_1244 = arith.constant 0 : i32
    %dma_wait3A_1245 = tpu.memref_slice %arg2[%dma_wait3A_1243, %dma_wait3A_1244] : memref<1024x100000xf32, #tpu.memory_space<hbm>> -> memref<8x128xf32, #tpu.memory_space<hbm>>
    %dma_wait3A_1246 = arith.constant 0 : i32
    %dma_wait3A_1247 = arith.constant 0 : i32
    %dma_wait3A_1248 = tpu.memref_slice %arg6[%dma_wait3A_1238, %dma_wait3A_1246, %dma_wait3A_1247] : memref<32x8x128xf32, #tpu.memory_space<vmem>> -> memref<1x8x128xf32, #tpu.memory_space<vmem>>
    %dma_wait3A_1249 = tpu.memref_squeeze %dma_wait3A_1248 : memref<1x8x128xf32, #tpu.memory_space<vmem>> -> memref<8x128xf32, #tpu.memory_space<vmem>>
    %dma_wait3A_1250 = arith.constant 0 : i32
    %dma_wait3A_1251 = arith.constant 0 : i32
    %dma_wait3A_1252 = tpu.memref_slice %arg2[%dma_wait3A_1250, %dma_wait3A_1251] : memref<1024x100000xf32, #tpu.memory_space<hbm>> -> memref<8x128xf32, #tpu.memory_space<hbm>>
    tpu.wait_dma2 semaphore(%arg9 : memref<!tpu.dma_semaphore, #tpu.memory_space<semaphore_mem>>) src(%dma_wait3A_1252 : memref<8x128xf32, #tpu.memory_space<hbm>>) dst(%dma_wait3A_1249 : memref<8x128xf32, #tpu.memory_space<vmem>>)
    %dma_wait3A_1253 = arith.constant 30 : i32
    %dma_wait3A_1254 = arith.constant 0 : i32
    %dma_wait3A_1255 = arith.constant 0 : i32
    %dma_wait3A_1256 = tpu.memref_slice %arg6[%dma_wait3A_1253, %dma_wait3A_1254, %dma_wait3A_1255] : memref<32x8x128xf32, #tpu.memory_space<vmem>> -> memref<1x8x128xf32, #tpu.memory_space<vmem>>
    %dma_wait3A_1257 = tpu.memref_squeeze %dma_wait3A_1256 : memref<1x8x128xf32, #tpu.memory_space<vmem>> -> memref<8x128xf32, #tpu.memory_space<vmem>>
    %dma_wait3A_1258 = arith.constant 0 : i32
    %dma_wait3A_1259 = arith.constant 0 : i32
    %dma_wait3A_1260 = tpu.memref_slice %arg2[%dma_wait3A_1258, %dma_wait3A_1259] : memref<1024x100000xf32, #tpu.memory_space<hbm>> -> memref<8x128xf32, #tpu.memory_space<hbm>>
    %dma_wait3A_1261 = arith.constant 0 : i32
    %dma_wait3A_1262 = arith.constant 0 : i32
    %dma_wait3A_1263 = tpu.memref_slice %arg6[%dma_wait3A_1253, %dma_wait3A_1261, %dma_wait3A_1262] : memref<32x8x128xf32, #tpu.memory_space<vmem>> -> memref<1x8x128xf32, #tpu.memory_space<vmem>>
    %dma_wait3A_1264 = tpu.memref_squeeze %dma_wait3A_1263 : memref<1x8x128xf32, #tpu.memory_space<vmem>> -> memref<8x128xf32, #tpu.memory_space<vmem>>
    %dma_wait3A_1265 = arith.constant 0 : i32
    %dma_wait3A_1266 = arith.constant 0 : i32
    %dma_wait3A_1267 = tpu.memref_slice %arg2[%dma_wait3A_1265, %dma_wait3A_1266] : memref<1024x100000xf32, #tpu.memory_space<hbm>> -> memref<8x128xf32, #tpu.memory_space<hbm>>
    tpu.wait_dma2 semaphore(%arg9 : memref<!tpu.dma_semaphore, #tpu.memory_space<semaphore_mem>>) src(%dma_wait3A_1267 : memref<8x128xf32, #tpu.memory_space<hbm>>) dst(%dma_wait3A_1264 : memref<8x128xf32, #tpu.memory_space<vmem>>)
    %dma_wait3A_1268 = arith.constant 31 : i32
    %dma_wait3A_1269 = arith.constant 0 : i32
    %dma_wait3A_1270 = arith.constant 0 : i32
    %dma_wait3A_1271 = tpu.memref_slice %arg6[%dma_wait3A_1268, %dma_wait3A_1269, %dma_wait3A_1270] : memref<32x8x128xf32, #tpu.memory_space<vmem>> -> memref<1x8x128xf32, #tpu.memory_space<vmem>>
    %dma_wait3A_1272 = tpu.memref_squeeze %dma_wait3A_1271 : memref<1x8x128xf32, #tpu.memory_space<vmem>> -> memref<8x128xf32, #tpu.memory_space<vmem>>
    %dma_wait3A_1273 = arith.constant 0 : i32
    %dma_wait3A_1274 = arith.constant 0 : i32
    %dma_wait3A_1275 = tpu.memref_slice %arg2[%dma_wait3A_1273, %dma_wait3A_1274] : memref<1024x100000xf32, #tpu.memory_space<hbm>> -> memref<8x128xf32, #tpu.memory_space<hbm>>
    %dma_wait3A_1276 = arith.constant 0 : i32
    %dma_wait3A_1277 = arith.constant 0 : i32
    %dma_wait3A_1278 = tpu.memref_slice %arg6[%dma_wait3A_1268, %dma_wait3A_1276, %dma_wait3A_1277] : memref<32x8x128xf32, #tpu.memory_space<vmem>> -> memref<1x8x128xf32, #tpu.memory_space<vmem>>
    %dma_wait3A_1279 = tpu.memref_squeeze %dma_wait3A_1278 : memref<1x8x128xf32, #tpu.memory_space<vmem>> -> memref<8x128xf32, #tpu.memory_space<vmem>>
    %dma_wait3A_1280 = arith.constant 0 : i32
    %dma_wait3A_1281 = arith.constant 0 : i32
    %dma_wait3A_1282 = tpu.memref_slice %arg2[%dma_wait3A_1280, %dma_wait3A_1281] : memref<1024x100000xf32, #tpu.memory_space<hbm>> -> memref<8x128xf32, #tpu.memory_space<hbm>>
    tpu.wait_dma2 semaphore(%arg9 : memref<!tpu.dma_semaphore, #tpu.memory_space<semaphore_mem>>) src(%dma_wait3A_1282 : memref<8x128xf32, #tpu.memory_space<hbm>>) dst(%dma_wait3A_1279 : memref<8x128xf32, #tpu.memory_space<vmem>>)
    %add3A_1283 = arith.constant 0 : i32
    %add3A_1284 = arith.addi %mul3A_2, %add3A_1283 : i32
    %and3A_1285 = arith.constant 7 : i32
    %and3A_1286 = arith.andi %add3A_1284, %and3A_1285 : i32
    %get3A_1287 = arith.constant 0 : i32
    %get3A_1288 = arith.index_cast %get3A_1287 : i32 to index
    %get3A_1289 = arith.index_cast %and3A_1286 : i32 to index
    %get3A_1290 = arith.constant 0 : index
    %get3A_1291 = tpu.vector_load %arg6[%get3A_1288, %get3A_1289, %get3A_1290] {strides = array<i32>} : memref<32x8x128xf32, #tpu.memory_space<vmem>>, vector<1x1x16xf32>,
    %get3A_1292 = vector.shape_cast %get3A_1291 : vector<1x1x16xf32> to vector<16xf32>
    %swap3A = arith.constant 0 : i32
    %swap3A_1293 = arith.index_cast %swap3A : i32 to index
    %swap3A_1294 = arith.constant 0 : index
    %swap3A_1295 = tpu.vector_load %arg7[%swap3A_1293, %swap3A_1294] {strides = array<i32>} : memref<32x128xf32, #tpu.memory_space<vmem>>, vector<1x16xf32>,
    %swap3A_1296 = vector.shape_cast %swap3A_1295 : vector<1x16xf32> to vector<16xf32>
    %swap3A_1297 = vector.shape_cast %get3A_1292 : vector<16xf32> to vector<1x16xf32>
    tpu.vector_store %arg7[%swap3A_1293, %swap3A_1294], %swap3A_1297 {strides = array<i32>} : memref<32x128xf32, #tpu.memory_space<vmem>>, vector<1x16xf32>,
    %get3A_1298 = arith.constant 0 : i32
    %get3A_1299 = arith.index_cast %get3A_1298 : i32 to index
    %get3A_1300 = arith.index_cast %and3A_1286 : i32 to index
    %get3A_1301 = arith.constant 16 : index
    %get3A_1302 = tpu.vector_load %arg6[%get3A_1299, %get3A_1300, %get3A_1301] {strides = array<i32>} : memref<32x8x128xf32, #tpu.memory_space<vmem>>, vector<1x1x16xf32>,
    %get3A_1303 = vector.shape_cast %get3A_1302 : vector<1x1x16xf32> to vector<16xf32>
    %swap3A_1304 = arith.constant 0 : i32
    %swap3A_1305 = arith.index_cast %swap3A_1304 : i32 to index
    %swap3A_1306 = arith.constant 16 : index
    %swap3A_1307 = tpu.vector_load %arg7[%swap3A_1305, %swap3A_1306] {strides = array<i32>} : memref<32x128xf32, #tpu.memory_space<vmem>>, vector<1x16xf32>,
    %swap3A_1308 = vector.shape_cast %swap3A_1307 : vector<1x16xf32> to vector<16xf32>
    %swap3A_1309 = vector.shape_cast %get3A_1303 : vector<16xf32> to vector<1x16xf32>
    tpu.vector_store %arg7[%swap3A_1305, %swap3A_1306], %swap3A_1309 {strides = array<i32>} : memref<32x128xf32, #tpu.memory_space<vmem>>, vector<1x16xf32>,
    %get3A_1310 = arith.constant 0 : i32
    %get3A_1311 = arith.index_cast %get3A_1310 : i32 to index
    %get3A_1312 = arith.index_cast %and3A_1286 : i32 to index
    %get3A_1313 = arith.constant 32 : index
    %get3A_1314 = tpu.vector_load %arg6[%get3A_1311, %get3A_1312, %get3A_1313] {strides = array<i32>} : memref<32x8x128xf32, #tpu.memory_space<vmem>>, vector<1x1x16xf32>,
    %get3A_1315 = vector.shape_cast %get3A_1314 : vector<1x1x16xf32> to vector<16xf32>
    %swap3A_1316 = arith.constant 0 : i32
    %swap3A_1317 = arith.index_cast %swap3A_1316 : i32 to index
    %swap3A_1318 = arith.constant 32 : index
    %swap3A_1319 = tpu.vector_load %arg7[%swap3A_1317, %swap3A_1318] {strides = array<i32>} : memref<32x128xf32, #tpu.memory_space<vmem>>, vector<1x16xf32>,
    %swap3A_1320 = vector.shape_cast %swap3A_1319 : vector<1x16xf32> to vector<16xf32>
    %swap3A_1321 = vector.shape_cast %get3A_1315 : vector<16xf32> to vector<1x16xf32>
    tpu.vector_store %arg7[%swap3A_1317, %swap3A_1318], %swap3A_1321 {strides = array<i32>} : memref<32x128xf32, #tpu.memory_space<vmem>>, vector<1x16xf32>,
    %get3A_1322 = arith.constant 0 : i32
    %get3A_1323 = arith.index_cast %get3A_1322 : i32 to index
    %get3A_1324 = arith.index_cast %and3A_1286 : i32 to index
    %get3A_1325 = arith.constant 48 : index
    %get3A_1326 = tpu.vector_load %arg6[%get3A_1323, %get3A_1324, %get3A_1325] {strides = array<i32>} : memref<32x8x128xf32, #tpu.memory_space<vmem>>, vector<1x1x16xf32>,
    %get3A_1327 = vector.shape_cast %get3A_1326 : vector<1x1x16xf32> to vector<16xf32>
    %swap3A_1328 = arith.constant 0 : i32
    %swap3A_1329 = arith.index_cast %swap3A_1328 : i32 to index
    %swap3A_1330 = arith.constant 48 : index
    %swap3A_1331 = tpu.vector_load %arg7[%swap3A_1329, %swap3A_1330] {strides = array<i32>} : memref<32x128xf32, #tpu.memory_space<vmem>>, vector<1x16xf32>,
    %swap3A_1332 = vector.shape_cast %swap3A_1331 : vector<1x16xf32> to vector<16xf32>
    %swap3A_1333 = vector.shape_cast %get3A_1327 : vector<16xf32> to vector<1x16xf32>
    tpu.vector_store %arg7[%swap3A_1329, %swap3A_1330], %swap3A_1333 {strides = array<i32>} : memref<32x128xf32, #tpu.memory_space<vmem>>, vector<1x16xf32>,
    %get3A_1334 = arith.constant 0 : i32
    %get3A_1335 = arith.index_cast %get3A_1334 : i32 to index
    %get3A_1336 = arith.index_cast %and3A_1286 : i32 to index
    %get3A_1337 = arith.constant 64 : index
    %get3A_1338 = tpu.vector_load %arg6[%get3A_1335, %get3A_1336, %get3A_1337] {strides = array<i32>} : memref<32x8x128xf32, #tpu.memory_space<vmem>>, vector<1x1x16xf32>,
    %get3A_1339 = vector.shape_cast %get3A_1338 : vector<1x1x16xf32> to vector<16xf32>
    %swap3A_1340 = arith.constant 0 : i32
    %swap3A_1341 = arith.index_cast %swap3A_1340 : i32 to index
    %swap3A_1342 = arith.constant 64 : index
    %swap3A_1343 = tpu.vector_load %arg7[%swap3A_1341, %swap3A_1342] {strides = array<i32>} : memref<32x128xf32, #tpu.memory_space<vmem>>, vector<1x16xf32>,
    %swap3A_1344 = vector.shape_cast %swap3A_1343 : vector<1x16xf32> to vector<16xf32>
    %swap3A_1345 = vector.shape_cast %get3A_1339 : vector<16xf32> to vector<1x16xf32>
    tpu.vector_store %arg7[%swap3A_1341, %swap3A_1342], %swap3A_1345 {strides = array<i32>} : memref<32x128xf32, #tpu.memory_space<vmem>>, vector<1x16xf32>,
    %get3A_1346 = arith.constant 0 : i32
    %get3A_1347 = arith.index_cast %get3A_1346 : i32 to index
    %get3A_1348 = arith.index_cast %and3A_1286 : i32 to index
    %get3A_1349 = arith.constant 80 : index
    %get3A_1350 = tpu.vector_load %arg6[%get3A_1347, %get3A_1348, %get3A_1349] {strides = array<i32>} : memref<32x8x128xf32, #tpu.memory_space<vmem>>, vector<1x1x16xf32>,
    %get3A_1351 = vector.shape_cast %get3A_1350 : vector<1x1x16xf32> to vector<16xf32>
    %swap3A_1352 = arith.constant 0 : i32
    %swap3A_1353 = arith.index_cast %swap3A_1352 : i32 to index
    %swap3A_1354 = arith.constant 80 : index
    %swap3A_1355 = tpu.vector_load %arg7[%swap3A_1353, %swap3A_1354] {strides = array<i32>} : memref<32x128xf32, #tpu.memory_space<vmem>>, vector<1x16xf32>,
    %swap3A_1356 = vector.shape_cast %swap3A_1355 : vector<1x16xf32> to vector<16xf32>
    %swap3A_1357 = vector.shape_cast %get3A_1351 : vector<16xf32> to vector<1x16xf32>
    tpu.vector_store %arg7[%swap3A_1353, %swap3A_1354], %swap3A_1357 {strides = array<i32>} : memref<32x128xf32, #tpu.memory_space<vmem>>, vector<1x16xf32>,
    %get3A_1358 = arith.constant 0 : i32
    %get3A_1359 = arith.index_cast %get3A_1358 : i32 to index
    %get3A_1360 = arith.index_cast %and3A_1286 : i32 to index
    %get3A_1361 = arith.constant 96 : index
    %get3A_1362 = tpu.vector_load %arg6[%get3A_1359, %get3A_1360, %get3A_1361] {strides = array<i32>} : memref<32x8x128xf32, #tpu.memory_space<vmem>>, vector<1x1x16xf32>,
    %get3A_1363 = vector.shape_cast %get3A_1362 : vector<1x1x16xf32> to vector<16xf32>
    %swap3A_1364 = arith.constant 0 : i32
    %swap3A_1365 = arith.index_cast %swap3A_1364 : i32 to index
    %swap3A_1366 = arith.constant 96 : index
    %swap3A_1367 = tpu.vector_load %arg7[%swap3A_1365, %swap3A_1366] {strides = array<i32>} : memref<32x128xf32, #tpu.memory_space<vmem>>, vector<1x16xf32>,
    %swap3A_1368 = vector.shape_cast %swap3A_1367 : vector<1x16xf32> to vector<16xf32>
    %swap3A_1369 = vector.shape_cast %get3A_1363 : vector<16xf32> to vector<1x16xf32>
    tpu.vector_store %arg7[%swap3A_1365, %swap3A_1366], %swap3A_1369 {strides = array<i32>} : memref<32x128xf32, #tpu.memory_space<vmem>>, vector<1x16xf32>,
    %get3A_1370 = arith.constant 0 : i32
    %get3A_1371 = arith.index_cast %get3A_1370 : i32 to index
    %get3A_1372 = arith.index_cast %and3A_1286 : i32 to index
    %get3A_1373 = arith.constant 112 : index
    %get3A_1374 = tpu.vector_load %arg6[%get3A_1371, %get3A_1372, %get3A_1373] {strides = array<i32>} : memref<32x8x128xf32, #tpu.memory_space<vmem>>, vector<1x1x16xf32>,
    %get3A_1375 = vector.shape_cast %get3A_1374 : vector<1x1x16xf32> to vector<16xf32>
    %swap3A_1376 = arith.constant 0 : i32
    %swap3A_1377 = arith.index_cast %swap3A_1376 : i32 to index
    %swap3A_1378 = arith.constant 112 : index
    %swap3A_1379 = tpu.vector_load %arg7[%swap3A_1377, %swap3A_1378] {strides = array<i32>} : memref<32x128xf32, #tpu.memory_space<vmem>>, vector<1x16xf32>,
    %swap3A_1380 = vector.shape_cast %swap3A_1379 : vector<1x16xf32> to vector<16xf32>
    %swap3A_1381 = vector.shape_cast %get3A_1375 : vector<16xf32> to vector<1x16xf32>
    tpu.vector_store %arg7[%swap3A_1377, %swap3A_1378], %swap3A_1381 {strides = array<i32>} : memref<32x128xf32, #tpu.memory_space<vmem>>, vector<1x16xf32>,
    %add3A_1382 = arith.constant 1 : i32
    %add3A_1383 = arith.addi %mul3A_2, %add3A_1382 : i32
    %and3A_1384 = arith.constant 7 : i32
    %and3A_1385 = arith.andi %add3A_1383, %and3A_1384 : i32
    %get3A_1386 = arith.constant 1 : i32
    %get3A_1387 = arith.index_cast %get3A_1386 : i32 to index
    %get3A_1388 = arith.index_cast %and3A_1385 : i32 to index
    %get3A_1389 = arith.constant 0 : index
    %get3A_1390 = tpu.vector_load %arg6[%get3A_1387, %get3A_1388, %get3A_1389] {strides = array<i32>} : memref<32x8x128xf32, #tpu.memory_space<vmem>>, vector<1x1x16xf32>,
    %get3A_1391 = vector.shape_cast %get3A_1390 : vector<1x1x16xf32> to vector<16xf32>
    %swap3A_1392 = arith.constant 1 : i32
    %swap3A_1393 = arith.index_cast %swap3A_1392 : i32 to index
    %swap3A_1394 = arith.constant 0 : index
    %swap3A_1395 = tpu.vector_load %arg7[%swap3A_1393, %swap3A_1394] {strides = array<i32>} : memref<32x128xf32, #tpu.memory_space<vmem>>, vector<1x16xf32>,
    %swap3A_1396 = vector.shape_cast %swap3A_1395 : vector<1x16xf32> to vector<16xf32>
    %swap3A_1397 = vector.shape_cast %get3A_1391 : vector<16xf32> to vector<1x16xf32>
    tpu.vector_store %arg7[%swap3A_1393, %swap3A_1394], %swap3A_1397 {strides = array<i32>} : memref<32x128xf32, #tpu.memory_space<vmem>>, vector<1x16xf32>,
    %get3A_1398 = arith.constant 1 : i32
    %get3A_1399 = arith.index_cast %get3A_1398 : i32 to index
    %get3A_1400 = arith.index_cast %and3A_1385 : i32 to index
    %get3A_1401 = arith.constant 16 : index
    %get3A_1402 = tpu.vector_load %arg6[%get3A_1399, %get3A_1400, %get3A_1401] {strides = array<i32>} : memref<32x8x128xf32, #tpu.memory_space<vmem>>, vector<1x1x16xf32>,
    %get3A_1403 = vector.shape_cast %get3A_1402 : vector<1x1x16xf32> to vector<16xf32>
    %swap3A_1404 = arith.constant 1 : i32
    %swap3A_1405 = arith.index_cast %swap3A_1404 : i32 to index
    %swap3A_1406 = arith.constant 16 : index
    %swap3A_1407 = tpu.vector_load %arg7[%swap3A_1405, %swap3A_1406] {strides = array<i32>} : memref<32x128xf32, #tpu.memory_space<vmem>>, vector<1x16xf32>,
    %swap3A_1408 = vector.shape_cast %swap3A_1407 : vector<1x16xf32> to vector<16xf32>
    %swap3A_1409 = vector.shape_cast %get3A_1403 : vector<16xf32> to vector<1x16xf32>
    tpu.vector_store %arg7[%swap3A_1405, %swap3A_1406], %swap3A_1409 {strides = array<i32>} : memref<32x128xf32, #tpu.memory_space<vmem>>, vector<1x16xf32>,
    %get3A_1410 = arith.constant 1 : i32
    %get3A_1411 = arith.index_cast %get3A_1410 : i32 to index
    %get3A_1412 = arith.index_cast %and3A_1385 : i32 to index
    %get3A_1413 = arith.constant 32 : index
    %get3A_1414 = tpu.vector_load %arg6[%get3A_1411, %get3A_1412, %get3A_1413] {strides = array<i32>} : memref<32x8x128xf32, #tpu.memory_space<vmem>>, vector<1x1x16xf32>,
    %get3A_1415 = vector.shape_cast %get3A_1414 : vector<1x1x16xf32> to vector<16xf32>
    %swap3A_1416 = arith.constant 1 : i32
    %swap3A_1417 = arith.index_cast %swap3A_1416 : i32 to index
    %swap3A_1418 = arith.constant 32 : index
    %swap3A_1419 = tpu.vector_load %arg7[%swap3A_1417, %swap3A_1418] {strides = array<i32>} : memref<32x128xf32, #tpu.memory_space<vmem>>, vector<1x16xf32>,
    %swap3A_1420 = vector.shape_cast %swap3A_1419 : vector<1x16xf32> to vector<16xf32>
    %swap3A_1421 = vector.shape_cast %get3A_1415 : vector<16xf32> to vector<1x16xf32>
    tpu.vector_store %arg7[%swap3A_1417, %swap3A_1418], %swap3A_1421 {strides = array<i32>} : memref<32x128xf32, #tpu.memory_space<vmem>>, vector<1x16xf32>,
    %get3A_1422 = arith.constant 1 : i32
    %get3A_1423 = arith.index_cast %get3A_1422 : i32 to index
    %get3A_1424 = arith.index_cast %and3A_1385 : i32 to index
    %get3A_1425 = arith.constant 48 : index
    %get3A_1426 = tpu.vector_load %arg6[%get3A_1423, %get3A_1424, %get3A_1425] {strides = array<i32>} : memref<32x8x128xf32, #tpu.memory_space<vmem>>, vector<1x1x16xf32>,
    %get3A_1427 = vector.shape_cast %get3A_1426 : vector<1x1x16xf32> to vector<16xf32>
    %swap3A_1428 = arith.constant 1 : i32
    %swap3A_1429 = arith.index_cast %swap3A_1428 : i32 to index
    %swap3A_1430 = arith.constant 48 : index
    %swap3A_1431 = tpu.vector_load %arg7[%swap3A_1429, %swap3A_1430] {strides = array<i32>} : memref<32x128xf32, #tpu.memory_space<vmem>>, vector<1x16xf32>,
    %swap3A_1432 = vector.shape_cast %swap3A_1431 : vector<1x16xf32> to vector<16xf32>
    %swap3A_1433 = vector.shape_cast %get3A_1427 : vector<16xf32> to vector<1x16xf32>
    tpu.vector_store %arg7[%swap3A_1429, %swap3A_1430], %swap3A_1433 {strides = array<i32>} : memref<32x128xf32, #tpu.memory_space<vmem>>, vector<1x16xf32>,
    %get3A_1434 = arith.constant 1 : i32
    %get3A_1435 = arith.index_cast %get3A_1434 : i32 to index
    %get3A_1436 = arith.index_cast %and3A_1385 : i32 to index
    %get3A_1437 = arith.constant 64 : index
    %get3A_1438 = tpu.vector_load %arg6[%get3A_1435, %get3A_1436, %get3A_1437] {strides = array<i32>} : memref<32x8x128xf32, #tpu.memory_space<vmem>>, vector<1x1x16xf32>,
    %get3A_1439 = vector.shape_cast %get3A_1438 : vector<1x1x16xf32> to vector<16xf32>
    %swap3A_1440 = arith.constant 1 : i32
    %swap3A_1441 = arith.index_cast %swap3A_1440 : i32 to index
    %swap3A_1442 = arith.constant 64 : index
    %swap3A_1443 = tpu.vector_load %arg7[%swap3A_1441, %swap3A_1442] {strides = array<i32>} : memref<32x128xf32, #tpu.memory_space<vmem>>, vector<1x16xf32>,
    %swap3A_1444 = vector.shape_cast %swap3A_1443 : vector<1x16xf32> to vector<16xf32>
    %swap3A_1445 = vector.shape_cast %get3A_1439 : vector<16xf32> to vector<1x16xf32>
    tpu.vector_store %arg7[%swap3A_1441, %swap3A_1442], %swap3A_1445 {strides = array<i32>} : memref<32x128xf32, #tpu.memory_space<vmem>>, vector<1x16xf32>,
    %get3A_1446 = arith.constant 1 : i32
    %get3A_1447 = arith.index_cast %get3A_1446 : i32 to index
    %get3A_1448 = arith.index_cast %and3A_1385 : i32 to index
    %get3A_1449 = arith.constant 80 : index
    %get3A_1450 = tpu.vector_load %arg6[%get3A_1447, %get3A_1448, %get3A_1449] {strides = array<i32>} : memref<32x8x128xf32, #tpu.memory_space<vmem>>, vector<1x1x16xf32>,
    %get3A_1451 = vector.shape_cast %get3A_1450 : vector<1x1x16xf32> to vector<16xf32>
    %swap3A_1452 = arith.constant 1 : i32
    %swap3A_1453 = arith.index_cast %swap3A_1452 : i32 to index
    %swap3A_1454 = arith.constant 80 : index
    %swap3A_1455 = tpu.vector_load %arg7[%swap3A_1453, %swap3A_1454] {strides = array<i32>} : memref<32x128xf32, #tpu.memory_space<vmem>>, vector<1x16xf32>,
    %swap3A_1456 = vector.shape_cast %swap3A_1455 : vector<1x16xf32> to vector<16xf32>
    %swap3A_1457 = vector.shape_cast %get3A_1451 : vector<16xf32> to vector<1x16xf32>
    tpu.vector_store %arg7[%swap3A_1453, %swap3A_1454], %swap3A_1457 {strides = array<i32>} : memref<32x128xf32, #tpu.memory_space<vmem>>, vector<1x16xf32>,
    %get3A_1458 = arith.constant 1 : i32
    %get3A_1459 = arith.index_cast %get3A_1458 : i32 to index
    %get3A_1460 = arith.index_cast %and3A_1385 : i32 to index
    %get3A_1461 = arith.constant 96 : index
    %get3A_1462 = tpu.vector_load %arg6[%get3A_1459, %get3A_1460, %get3A_1461] {strides = array<i32>} : memref<32x8x128xf32, #tpu.memory_space<vmem>>, vector<1x1x16xf32>,
    %get3A_1463 = vector.shape_cast %get3A_1462 : vector<1x1x16xf32> to vector<16xf32>
    %swap3A_1464 = arith.constant 1 : i32
    %swap3A_1465 = arith.index_cast %swap3A_1464 : i32 to index
    %swap3A_1466 = arith.constant 96 : index
    %swap3A_1467 = tpu.vector_load %arg7[%swap3A_1465, %swap3A_1466] {strides = array<i32>} : memref<32x128xf32, #tpu.memory_space<vmem>>, vector<1x16xf32>,
    %swap3A_1468 = vector.shape_cast %swap3A_1467 : vector<1x16xf32> to vector<16xf32>
    %swap3A_1469 = vector.shape_cast %get3A_1463 : vector<16xf32> to vector<1x16xf32>
    tpu.vector_store %arg7[%swap3A_1465, %swap3A_1466], %swap3A_1469 {strides = array<i32>} : memref<32x128xf32, #tpu.memory_space<vmem>>, vector<1x16xf32>,
    %get3A_1470 = arith.constant 1 : i32
    %get3A_1471 = arith.index_cast %get3A_1470 : i32 to index
    %get3A_1472 = arith.index_cast %and3A_1385 : i32 to index
    %get3A_1473 = arith.constant 112 : index
    %get3A_1474 = tpu.vector_load %arg6[%get3A_1471, %get3A_1472, %get3A_1473] {strides = array<i32>} : memref<32x8x128xf32, #tpu.memory_space<vmem>>, vector<1x1x16xf32>,
    %get3A_1475 = vector.shape_cast %get3A_1474 : vector<1x1x16xf32> to vector<16xf32>
    %swap3A_1476 = arith.constant 1 : i32
    %swap3A_1477 = arith.index_cast %swap3A_1476 : i32 to index
    %swap3A_1478 = arith.constant 112 : index
    %swap3A_1479 = tpu.vector_load %arg7[%swap3A_1477, %swap3A_1478] {strides = array<i32>} : memref<32x128xf32, #tpu.memory_space<vmem>>, vector<1x16xf32>,
    %swap3A_1480 = vector.shape_cast %swap3A_1479 : vector<1x16xf32> to vector<16xf32>
    %swap3A_1481 = vector.shape_cast %get3A_1475 : vector<16xf32> to vector<1x16xf32>
    tpu.vector_store %arg7[%swap3A_1477, %swap3A_1478], %swap3A_1481 {strides = array<i32>} : memref<32x128xf32, #tpu.memory_space<vmem>>, vector<1x16xf32>,
    %add3A_1482 = arith.constant 2 : i32
    %add3A_1483 = arith.addi %mul3A_2, %add3A_1482 : i32
    %and3A_1484 = arith.constant 7 : i32
    %and3A_1485 = arith.andi %add3A_1483, %and3A_1484 : i32
    %get3A_1486 = arith.constant 2 : i32
    %get3A_1487 = arith.index_cast %get3A_1486 : i32 to index
    %get3A_1488 = arith.index_cast %and3A_1485 : i32 to index
    %get3A_1489 = arith.constant 0 : index
    %get3A_1490 = tpu.vector_load %arg6[%get3A_1487, %get3A_1488, %get3A_1489] {strides = array<i32>} : memref<32x8x128xf32, #tpu.memory_space<vmem>>, vector<1x1x16xf32>,
    %get3A_1491 = vector.shape_cast %get3A_1490 : vector<1x1x16xf32> to vector<16xf32>
    %swap3A_1492 = arith.constant 2 : i32
    %swap3A_1493 = arith.index_cast %swap3A_1492 : i32 to index
    %swap3A_1494 = arith.constant 0 : index
    %swap3A_1495 = tpu.vector_load %arg7[%swap3A_1493, %swap3A_1494] {strides = array<i32>} : memref<32x128xf32, #tpu.memory_space<vmem>>, vector<1x16xf32>,
    %swap3A_1496 = vector.shape_cast %swap3A_1495 : vector<1x16xf32> to vector<16xf32>
    %swap3A_1497 = vector.shape_cast %get3A_1491 : vector<16xf32> to vector<1x16xf32>
    tpu.vector_store %arg7[%swap3A_1493, %swap3A_1494], %swap3A_1497 {strides = array<i32>} : memref<32x128xf32, #tpu.memory_space<vmem>>, vector<1x16xf32>,
    %get3A_1498 = arith.constant 2 : i32
    %get3A_1499 = arith.index_cast %get3A_1498 : i32 to index
    %get3A_1500 = arith.index_cast %and3A_1485 : i32 to index
    %get3A_1501 = arith.constant 16 : index
    %get3A_1502 = tpu.vector_load %arg6[%get3A_1499, %get3A_1500, %get3A_1501] {strides = array<i32>} : memref<32x8x128xf32, #tpu.memory_space<vmem>>, vector<1x1x16xf32>,
    %get3A_1503 = vector.shape_cast %get3A_1502 : vector<1x1x16xf32> to vector<16xf32>
    %swap3A_1504 = arith.constant 2 : i32
    %swap3A_1505 = arith.index_cast %swap3A_1504 : i32 to index
    %swap3A_1506 = arith.constant 16 : index
    %swap3A_1507 = tpu.vector_load %arg7[%swap3A_1505, %swap3A_1506] {strides = array<i32>} : memref<32x128xf32, #tpu.memory_space<vmem>>, vector<1x16xf32>,
    %swap3A_1508 = vector.shape_cast %swap3A_1507 : vector<1x16xf32> to vector<16xf32>
    %swap3A_1509 = vector.shape_cast %get3A_1503 : vector<16xf32> to vector<1x16xf32>
    tpu.vector_store %arg7[%swap3A_1505, %swap3A_1506], %swap3A_1509 {strides = array<i32>} : memref<32x128xf32, #tpu.memory_space<vmem>>, vector<1x16xf32>,
    %get3A_1510 = arith.constant 2 : i32
    %get3A_1511 = arith.index_cast %get3A_1510 : i32 to index
    %get3A_1512 = arith.index_cast %and3A_1485 : i32 to index
    %get3A_1513 = arith.constant 32 : index
    %get3A_1514 = tpu.vector_load %arg6[%get3A_1511, %get3A_1512, %get3A_1513] {strides = array<i32>} : memref<32x8x128xf32, #tpu.memory_space<vmem>>, vector<1x1x16xf32>,
    %get3A_1515 = vector.shape_cast %get3A_1514 : vector<1x1x16xf32> to vector<16xf32>
    %swap3A_1516 = arith.constant 2 : i32
    %swap3A_1517 = arith.index_cast %swap3A_1516 : i32 to index
    %swap3A_1518 = arith.constant 32 : index
    %swap3A_1519 = tpu.vector_load %arg7[%swap3A_1517, %swap3A_1518] {strides = array<i32>} : memref<32x128xf32, #tpu.memory_space<vmem>>, vector<1x16xf32>,
    %swap3A_1520 = vector.shape_cast %swap3A_1519 : vector<1x16xf32> to vector<16xf32>
    %swap3A_1521 = vector.shape_cast %get3A_1515 : vector<16xf32> to vector<1x16xf32>
    tpu.vector_store %arg7[%swap3A_1517, %swap3A_1518], %swap3A_1521 {strides = array<i32>} : memref<32x128xf32, #tpu.memory_space<vmem>>, vector<1x16xf32>,
    %get3A_1522 = arith.constant 2 : i32
    %get3A_1523 = arith.index_cast %get3A_1522 : i32 to index
    %get3A_1524 = arith.index_cast %and3A_1485 : i32 to index
    %get3A_1525 = arith.constant 48 : index
    %get3A_1526 = tpu.vector_load %arg6[%get3A_1523, %get3A_1524, %get3A_1525] {strides = array<i32>} : memref<32x8x128xf32, #tpu.memory_space<vmem>>, vector<1x1x16xf32>,
    %get3A_1527 = vector.shape_cast %get3A_1526 : vector<1x1x16xf32> to vector<16xf32>
    %swap3A_1528 = arith.constant 2 : i32
    %swap3A_1529 = arith.index_cast %swap3A_1528 : i32 to index
    %swap3A_1530 = arith.constant 48 : index
    %swap3A_1531 = tpu.vector_load %arg7[%swap3A_1529, %swap3A_1530] {strides = array<i32>} : memref<32x128xf32, #tpu.memory_space<vmem>>, vector<1x16xf32>,
    %swap3A_1532 = vector.shape_cast %swap3A_1531 : vector<1x16xf32> to vector<16xf32>
    %swap3A_1533 = vector.shape_cast %get3A_1527 : vector<16xf32> to vector<1x16xf32>
    tpu.vector_store %arg7[%swap3A_1529, %swap3A_1530], %swap3A_1533 {strides = array<i32>} : memref<32x128xf32, #tpu.memory_space<vmem>>, vector<1x16xf32>,
    %get3A_1534 = arith.constant 2 : i32
    %get3A_1535 = arith.index_cast %get3A_1534 : i32 to index
    %get3A_1536 = arith.index_cast %and3A_1485 : i32 to index
    %get3A_1537 = arith.constant 64 : index
    %get3A_1538 = tpu.vector_load %arg6[%get3A_1535, %get3A_1536, %get3A_1537] {strides = array<i32>} : memref<32x8x128xf32, #tpu.memory_space<vmem>>, vector<1x1x16xf32>,
    %get3A_1539 = vector.shape_cast %get3A_1538 : vector<1x1x16xf32> to vector<16xf32>
    %swap3A_1540 = arith.constant 2 : i32
    %swap3A_1541 = arith.index_cast %swap3A_1540 : i32 to index
    %swap3A_1542 = arith.constant 64 : index
    %swap3A_1543 = tpu.vector_load %arg7[%swap3A_1541, %swap3A_1542] {strides = array<i32>} : memref<32x128xf32, #tpu.memory_space<vmem>>, vector<1x16xf32>,
    %swap3A_1544 = vector.shape_cast %swap3A_1543 : vector<1x16xf32> to vector<16xf32>
    %swap3A_1545 = vector.shape_cast %get3A_1539 : vector<16xf32> to vector<1x16xf32>
    tpu.vector_store %arg7[%swap3A_1541, %swap3A_1542], %swap3A_1545 {strides = array<i32>} : memref<32x128xf32, #tpu.memory_space<vmem>>, vector<1x16xf32>,
    %get3A_1546 = arith.constant 2 : i32
    %get3A_1547 = arith.index_cast %get3A_1546 : i32 to index
    %get3A_1548 = arith.index_cast %and3A_1485 : i32 to index
    %get3A_1549 = arith.constant 80 : index
    %get3A_1550 = tpu.vector_load %arg6[%get3A_1547, %get3A_1548, %get3A_1549] {strides = array<i32>} : memref<32x8x128xf32, #tpu.memory_space<vmem>>, vector<1x1x16xf32>,
    %get3A_1551 = vector.shape_cast %get3A_1550 : vector<1x1x16xf32> to vector<16xf32>
    %swap3A_1552 = arith.constant 2 : i32
    %swap3A_1553 = arith.index_cast %swap3A_1552 : i32 to index
    %swap3A_1554 = arith.constant 80 : index
    %swap3A_1555 = tpu.vector_load %arg7[%swap3A_1553, %swap3A_1554] {strides = array<i32>} : memref<32x128xf32, #tpu.memory_space<vmem>>, vector<1x16xf32>,
    %swap3A_1556 = vector.shape_cast %swap3A_1555 : vector<1x16xf32> to vector<16xf32>
    %swap3A_1557 = vector.shape_cast %get3A_1551 : vector<16xf32> to vector<1x16xf32>
    tpu.vector_store %arg7[%swap3A_1553, %swap3A_1554], %swap3A_1557 {strides = array<i32>} : memref<32x128xf32, #tpu.memory_space<vmem>>, vector<1x16xf32>,
    %get3A_1558 = arith.constant 2 : i32
    %get3A_1559 = arith.index_cast %get3A_1558 : i32 to index
    %get3A_1560 = arith.index_cast %and3A_1485 : i32 to index
    %get3A_1561 = arith.constant 96 : index
    %get3A_1562 = tpu.vector_load %arg6[%get3A_1559, %get3A_1560, %get3A_1561] {strides = array<i32>} : memref<32x8x128xf32, #tpu.memory_space<vmem>>, vector<1x1x16xf32>,
    %get3A_1563 = vector.shape_cast %get3A_1562 : vector<1x1x16xf32> to vector<16xf32>
    %swap3A_1564 = arith.constant 2 : i32
    %swap3A_1565 = arith.index_cast %swap3A_1564 : i32 to index
    %swap3A_1566 = arith.constant 96 : index
    %swap3A_1567 = tpu.vector_load %arg7[%swap3A_1565, %swap3A_1566] {strides = array<i32>} : memref<32x128xf32, #tpu.memory_space<vmem>>, vector<1x16xf32>,
    %swap3A_1568 = vector.shape_cast %swap3A_1567 : vector<1x16xf32> to vector<16xf32>
    %swap3A_1569 = vector.shape_cast %get3A_1563 : vector<16xf32> to vector<1x16xf32>
    tpu.vector_store %arg7[%swap3A_1565, %swap3A_1566], %swap3A_1569 {strides = array<i32>} : memref<32x128xf32, #tpu.memory_space<vmem>>, vector<1x16xf32>,
    %get3A_1570 = arith.constant 2 : i32
    %get3A_1571 = arith.index_cast %get3A_1570 : i32 to index
    %get3A_1572 = arith.index_cast %and3A_1485 : i32 to index
    %get3A_1573 = arith.constant 112 : index
    %get3A_1574 = tpu.vector_load %arg6[%get3A_1571, %get3A_1572, %get3A_1573] {strides = array<i32>} : memref<32x8x128xf32, #tpu.memory_space<vmem>>, vector<1x1x16xf32>,
    %get3A_1575 = vector.shape_cast %get3A_1574 : vector<1x1x16xf32> to vector<16xf32>
    %swap3A_1576 = arith.constant 2 : i32
    %swap3A_1577 = arith.index_cast %swap3A_1576 : i32 to index
    %swap3A_1578 = arith.constant 112 : index
    %swap3A_1579 = tpu.vector_load %arg7[%swap3A_1577, %swap3A_1578] {strides = array<i32>} : memref<32x128xf32, #tpu.memory_space<vmem>>, vector<1x16xf32>,
    %swap3A_1580 = vector.shape_cast %swap3A_1579 : vector<1x16xf32> to vector<16xf32>
    %swap3A_1581 = vector.shape_cast %get3A_1575 : vector<16xf32> to vector<1x16xf32>
    tpu.vector_store %arg7[%swap3A_1577, %swap3A_1578], %swap3A_1581 {strides = array<i32>} : memref<32x128xf32, #tpu.memory_space<vmem>>, vector<1x16xf32>,
    %add3A_1582 = arith.constant 3 : i32
    %add3A_1583 = arith.addi %mul3A_2, %add3A_1582 : i32
    %and3A_1584 = arith.constant 7 : i32
    %and3A_1585 = arith.andi %add3A_1583, %and3A_1584 : i32
    %get3A_1586 = arith.constant 3 : i32
    %get3A_1587 = arith.index_cast %get3A_1586 : i32 to index
    %get3A_1588 = arith.index_cast %and3A_1585 : i32 to index
    %get3A_1589 = arith.constant 0 : index
    %get3A_1590 = tpu.vector_load %arg6[%get3A_1587, %get3A_1588, %get3A_1589] {strides = array<i32>} : memref<32x8x128xf32, #tpu.memory_space<vmem>>, vector<1x1x16xf32>,
    %get3A_1591 = vector.shape_cast %get3A_1590 : vector<1x1x16xf32> to vector<16xf32>
    %swap3A_1592 = arith.constant 3 : i32
    %swap3A_1593 = arith.index_cast %swap3A_1592 : i32 to index
    %swap3A_1594 = arith.constant 0 : index
    %swap3A_1595 = tpu.vector_load %arg7[%swap3A_1593, %swap3A_1594] {strides = array<i32>} : memref<32x128xf32, #tpu.memory_space<vmem>>, vector<1x16xf32>,
    %swap3A_1596 = vector.shape_cast %swap3A_1595 : vector<1x16xf32> to vector<16xf32>
    %swap3A_1597 = vector.shape_cast %get3A_1591 : vector<16xf32> to vector<1x16xf32>
    tpu.vector_store %arg7[%swap3A_1593, %swap3A_1594], %swap3A_1597 {strides = array<i32>} : memref<32x128xf32, #tpu.memory_space<vmem>>, vector<1x16xf32>,
    %get3A_1598 = arith.constant 3 : i32
    %get3A_1599 = arith.index_cast %get3A_1598 : i32 to index
    %get3A_1600 = arith.index_cast %and3A_1585 : i32 to index
    %get3A_1601 = arith.constant 16 : index
    %get3A_1602 = tpu.vector_load %arg6[%get3A_1599, %get3A_1600, %get3A_1601] {strides = array<i32>} : memref<32x8x128xf32, #tpu.memory_space<vmem>>, vector<1x1x16xf32>,
    %get3A_1603 = vector.shape_cast %get3A_1602 : vector<1x1x16xf32> to vector<16xf32>
    %swap3A_1604 = arith.constant 3 : i32
    %swap3A_1605 = arith.index_cast %swap3A_1604 : i32 to index
    %swap3A_1606 = arith.constant 16 : index
    %swap3A_1607 = tpu.vector_load %arg7[%swap3A_1605, %swap3A_1606] {strides = array<i32>} : memref<32x128xf32, #tpu.memory_space<vmem>>, vector<1x16xf32>,
    %swap3A_1608 = vector.shape_cast %swap3A_1607 : vector<1x16xf32> to vector<16xf32>
    %swap3A_1609 = vector.shape_cast %get3A_1603 : vector<16xf32> to vector<1x16xf32>
    tpu.vector_store %arg7[%swap3A_1605, %swap3A_1606], %swap3A_1609 {strides = array<i32>} : memref<32x128xf32, #tpu.memory_space<vmem>>, vector<1x16xf32>,
    %get3A_1610 = arith.constant 3 : i32
    %get3A_1611 = arith.index_cast %get3A_1610 : i32 to index
    %get3A_1612 = arith.index_cast %and3A_1585 : i32 to index
    %get3A_1613 = arith.constant 32 : index
    %get3A_1614 = tpu.vector_load %arg6[%get3A_1611, %get3A_1612, %get3A_1613] {strides = array<i32>} : memref<32x8x128xf32, #tpu.memory_space<vmem>>, vector<1x1x16xf32>,
    %get3A_1615 = vector.shape_cast %get3A_1614 : vector<1x1x16xf32> to vector<16xf32>
    %swap3A_1616 = arith.constant 3 : i32
    %swap3A_1617 = arith.index_cast %swap3A_1616 : i32 to index
    %swap3A_1618 = arith.constant 32 : index
    %swap3A_1619 = tpu.vector_load %arg7[%swap3A_1617, %swap3A_1618] {strides = array<i32>} : memref<32x128xf32, #tpu.memory_space<vmem>>, vector<1x16xf32>,
    %swap3A_1620 = vector.shape_cast %swap3A_1619 : vector<1x16xf32> to vector<16xf32>
    %swap3A_1621 = vector.shape_cast %get3A_1615 : vector<16xf32> to vector<1x16xf32>
    tpu.vector_store %arg7[%swap3A_1617, %swap3A_1618], %swap3A_1621 {strides = array<i32>} : memref<32x128xf32, #tpu.memory_space<vmem>>, vector<1x16xf32>,
    %get3A_1622 = arith.constant 3 : i32
    %get3A_1623 = arith.index_cast %get3A_1622 : i32 to index
    %get3A_1624 = arith.index_cast %and3A_1585 : i32 to index
    %get3A_1625 = arith.constant 48 : index
    %get3A_1626 = tpu.vector_load %arg6[%get3A_1623, %get3A_1624, %get3A_1625] {strides = array<i32>} : memref<32x8x128xf32, #tpu.memory_space<vmem>>, vector<1x1x16xf32>,
    %get3A_1627 = vector.shape_cast %get3A_1626 : vector<1x1x16xf32> to vector<16xf32>
    %swap3A_1628 = arith.constant 3 : i32
    %swap3A_1629 = arith.index_cast %swap3A_1628 : i32 to index
    %swap3A_1630 = arith.constant 48 : index
    %swap3A_1631 = tpu.vector_load %arg7[%swap3A_1629, %swap3A_1630] {strides = array<i32>} : memref<32x128xf32, #tpu.memory_space<vmem>>, vector<1x16xf32>,
    %swap3A_1632 = vector.shape_cast %swap3A_1631 : vector<1x16xf32> to vector<16xf32>
    %swap3A_1633 = vector.shape_cast %get3A_1627 : vector<16xf32> to vector<1x16xf32>
    tpu.vector_store %arg7[%swap3A_1629, %swap3A_1630], %swap3A_1633 {strides = array<i32>} : memref<32x128xf32, #tpu.memory_space<vmem>>, vector<1x16xf32>,
    %get3A_1634 = arith.constant 3 : i32
    %get3A_1635 = arith.index_cast %get3A_1634 : i32 to index
    %get3A_1636 = arith.index_cast %and3A_1585 : i32 to index
    %get3A_1637 = arith.constant 64 : index
    %get3A_1638 = tpu.vector_load %arg6[%get3A_1635, %get3A_1636, %get3A_1637] {strides = array<i32>} : memref<32x8x128xf32, #tpu.memory_space<vmem>>, vector<1x1x16xf32>,
    %get3A_1639 = vector.shape_cast %get3A_1638 : vector<1x1x16xf32> to vector<16xf32>
    %swap3A_1640 = arith.constant 3 : i32
    %swap3A_1641 = arith.index_cast %swap3A_1640 : i32 to index
    %swap3A_1642 = arith.constant 64 : index
    %swap3A_1643 = tpu.vector_load %arg7[%swap3A_1641, %swap3A_1642] {strides = array<i32>} : memref<32x128xf32, #tpu.memory_space<vmem>>, vector<1x16xf32>,
    %swap3A_1644 = vector.shape_cast %swap3A_1643 : vector<1x16xf32> to vector<16xf32>
    %swap3A_1645 = vector.shape_cast %get3A_1639 : vector<16xf32> to vector<1x16xf32>
    tpu.vector_store %arg7[%swap3A_1641, %swap3A_1642], %swap3A_1645 {strides = array<i32>} : memref<32x128xf32, #tpu.memory_space<vmem>>, vector<1x16xf32>,
    %get3A_1646 = arith.constant 3 : i32
    %get3A_1647 = arith.index_cast %get3A_1646 : i32 to index
    %get3A_1648 = arith.index_cast %and3A_1585 : i32 to index
    %get3A_1649 = arith.constant 80 : index
    %get3A_1650 = tpu.vector_load %arg6[%get3A_1647, %get3A_1648, %get3A_1649] {strides = array<i32>} : memref<32x8x128xf32, #tpu.memory_space<vmem>>, vector<1x1x16xf32>,
    %get3A_1651 = vector.shape_cast %get3A_1650 : vector<1x1x16xf32> to vector<16xf32>
    %swap3A_1652 = arith.constant 3 : i32
    %swap3A_1653 = arith.index_cast %swap3A_1652 : i32 to index
    %swap3A_1654 = arith.constant 80 : index
    %swap3A_1655 = tpu.vector_load %arg7[%swap3A_1653, %swap3A_1654] {strides = array<i32>} : memref<32x128xf32, #tpu.memory_space<vmem>>, vector<1x16xf32>,
    %swap3A_1656 = vector.shape_cast %swap3A_1655 : vector<1x16xf32> to vector<16xf32>
    %swap3A_1657 = vector.shape_cast %get3A_1651 : vector<16xf32> to vector<1x16xf32>
    tpu.vector_store %arg7[%swap3A_1653, %swap3A_1654], %swap3A_1657 {strides = array<i32>} : memref<32x128xf32, #tpu.memory_space<vmem>>, vector<1x16xf32>,
    %get3A_1658 = arith.constant 3 : i32
    %get3A_1659 = arith.index_cast %get3A_1658 : i32 to index
    %get3A_1660 = arith.index_cast %and3A_1585 : i32 to index
    %get3A_1661 = arith.constant 96 : index
    %get3A_1662 = tpu.vector_load %arg6[%get3A_1659, %get3A_1660, %get3A_1661] {strides = array<i32>} : memref<32x8x128xf32, #tpu.memory_space<vmem>>, vector<1x1x16xf32>,
    %get3A_1663 = vector.shape_cast %get3A_1662 : vector<1x1x16xf32> to vector<16xf32>
    %swap3A_1664 = arith.constant 3 : i32
    %swap3A_1665 = arith.index_cast %swap3A_1664 : i32 to index
    %swap3A_1666 = arith.constant 96 : index
    %swap3A_1667 = tpu.vector_load %arg7[%swap3A_1665, %swap3A_1666] {strides = array<i32>} : memref<32x128xf32, #tpu.memory_space<vmem>>, vector<1x16xf32>,
    %swap3A_1668 = vector.shape_cast %swap3A_1667 : vector<1x16xf32> to vector<16xf32>
    %swap3A_1669 = vector.shape_cast %get3A_1663 : vector<16xf32> to vector<1x16xf32>
    tpu.vector_store %arg7[%swap3A_1665, %swap3A_1666], %swap3A_1669 {strides = array<i32>} : memref<32x128xf32, #tpu.memory_space<vmem>>, vector<1x16xf32>,
    %get3A_1670 = arith.constant 3 : i32
    %get3A_1671 = arith.index_cast %get3A_1670 : i32 to index
    %get3A_1672 = arith.index_cast %and3A_1585 : i32 to index
    %get3A_1673 = arith.constant 112 : index
    %get3A_1674 = tpu.vector_load %arg6[%get3A_1671, %get3A_1672, %get3A_1673] {strides = array<i32>} : memref<32x8x128xf32, #tpu.memory_space<vmem>>, vector<1x1x16xf32>,
    %get3A_1675 = vector.shape_cast %get3A_1674 : vector<1x1x16xf32> to vector<16xf32>
    %swap3A_1676 = arith.constant 3 : i32
    %swap3A_1677 = arith.index_cast %swap3A_1676 : i32 to index
    %swap3A_1678 = arith.constant 112 : index
    %swap3A_1679 = tpu.vector_load %arg7[%swap3A_1677, %swap3A_1678] {strides = array<i32>} : memref<32x128xf32, #tpu.memory_space<vmem>>, vector<1x16xf32>,
    %swap3A_1680 = vector.shape_cast %swap3A_1679 : vector<1x16xf32> to vector<16xf32>
    %swap3A_1681 = vector.shape_cast %get3A_1675 : vector<16xf32> to vector<1x16xf32>
    tpu.vector_store %arg7[%swap3A_1677, %swap3A_1678], %swap3A_1681 {strides = array<i32>} : memref<32x128xf32, #tpu.memory_space<vmem>>, vector<1x16xf32>,
    %add3A_1682 = arith.constant 4 : i32
    %add3A_1683 = arith.addi %mul3A_2, %add3A_1682 : i32
    %and3A_1684 = arith.constant 7 : i32
    %and3A_1685 = arith.andi %add3A_1683, %and3A_1684 : i32
    %get3A_1686 = arith.constant 4 : i32
    %get3A_1687 = arith.index_cast %get3A_1686 : i32 to index
    %get3A_1688 = arith.index_cast %and3A_1685 : i32 to index
    %get3A_1689 = arith.constant 0 : index
    %get3A_1690 = tpu.vector_load %arg6[%get3A_1687, %get3A_1688, %get3A_1689] {strides = array<i32>} : memref<32x8x128xf32, #tpu.memory_space<vmem>>, vector<1x1x16xf32>,
    %get3A_1691 = vector.shape_cast %get3A_1690 : vector<1x1x16xf32> to vector<16xf32>
    %swap3A_1692 = arith.constant 4 : i32
    %swap3A_1693 = arith.index_cast %swap3A_1692 : i32 to index
    %swap3A_1694 = arith.constant 0 : index
    %swap3A_1695 = tpu.vector_load %arg7[%swap3A_1693, %swap3A_1694] {strides = array<i32>} : memref<32x128xf32, #tpu.memory_space<vmem>>, vector<1x16xf32>,
    %swap3A_1696 = vector.shape_cast %swap3A_1695 : vector<1x16xf32> to vector<16xf32>
    %swap3A_1697 = vector.shape_cast %get3A_1691 : vector<16xf32> to vector<1x16xf32>
    tpu.vector_store %arg7[%swap3A_1693, %swap3A_1694], %swap3A_1697 {strides = array<i32>} : memref<32x128xf32, #tpu.memory_space<vmem>>, vector<1x16xf32>,
    %get3A_1698 = arith.constant 4 : i32
    %get3A_1699 = arith.index_cast %get3A_1698 : i32 to index
    %get3A_1700 = arith.index_cast %and3A_1685 : i32 to index
    %get3A_1701 = arith.constant 16 : index
    %get3A_1702 = tpu.vector_load %arg6[%get3A_1699, %get3A_1700, %get3A_1701] {strides = array<i32>} : memref<32x8x128xf32, #tpu.memory_space<vmem>>, vector<1x1x16xf32>,
    %get3A_1703 = vector.shape_cast %get3A_1702 : vector<1x1x16xf32> to vector<16xf32>
    %swap3A_1704 = arith.constant 4 : i32
    %swap3A_1705 = arith.index_cast %swap3A_1704 : i32 to index
    %swap3A_1706 = arith.constant 16 : index
    %swap3A_1707 = tpu.vector_load %arg7[%swap3A_1705, %swap3A_1706] {strides = array<i32>} : memref<32x128xf32, #tpu.memory_space<vmem>>, vector<1x16xf32>,
    %swap3A_1708 = vector.shape_cast %swap3A_1707 : vector<1x16xf32> to vector<16xf32>
    %swap3A_1709 = vector.shape_cast %get3A_1703 : vector<16xf32> to vector<1x16xf32>
    tpu.vector_store %arg7[%swap3A_1705, %swap3A_1706], %swap3A_1709 {strides = array<i32>} : memref<32x128xf32, #tpu.memory_space<vmem>>, vector<1x16xf32>,
    %get3A_1710 = arith.constant 4 : i32
    %get3A_1711 = arith.index_cast %get3A_1710 : i32 to index
    %get3A_1712 = arith.index_cast %and3A_1685 : i32 to index
    %get3A_1713 = arith.constant 32 : index
    %get3A_1714 = tpu.vector_load %arg6[%get3A_1711, %get3A_1712, %get3A_1713] {strides = array<i32>} : memref<32x8x128xf32, #tpu.memory_space<vmem>>, vector<1x1x16xf32>,
    %get3A_1715 = vector.shape_cast %get3A_1714 : vector<1x1x16xf32> to vector<16xf32>
    %swap3A_1716 = arith.constant 4 : i32
    %swap3A_1717 = arith.index_cast %swap3A_1716 : i32 to index
    %swap3A_1718 = arith.constant 32 : index
    %swap3A_1719 = tpu.vector_load %arg7[%swap3A_1717, %swap3A_1718] {strides = array<i32>} : memref<32x128xf32, #tpu.memory_space<vmem>>, vector<1x16xf32>,
    %swap3A_1720 = vector.shape_cast %swap3A_1719 : vector<1x16xf32> to vector<16xf32>
    %swap3A_1721 = vector.shape_cast %get3A_1715 : vector<16xf32> to vector<1x16xf32>
    tpu.vector_store %arg7[%swap3A_1717, %swap3A_1718], %swap3A_1721 {strides = array<i32>} : memref<32x128xf32, #tpu.memory_space<vmem>>, vector<1x16xf32>,
    %get3A_1722 = arith.constant 4 : i32
    %get3A_1723 = arith.index_cast %get3A_1722 : i32 to index
    %get3A_1724 = arith.index_cast %and3A_1685 : i32 to index
    %get3A_1725 = arith.constant 48 : index
    %get3A_1726 = tpu.vector_load %arg6[%get3A_1723, %get3A_1724, %get3A_1725] {strides = array<i32>} : memref<32x8x128xf32, #tpu.memory_space<vmem>>, vector<1x1x16xf32>,
    %get3A_1727 = vector.shape_cast %get3A_1726 : vector<1x1x16xf32> to vector<16xf32>
    %swap3A_1728 = arith.constant 4 : i32
    %swap3A_1729 = arith.index_cast %swap3A_1728 : i32 to index
    %swap3A_1730 = arith.constant 48 : index
    %swap3A_1731 = tpu.vector_load %arg7[%swap3A_1729, %swap3A_1730] {strides = array<i32>} : memref<32x128xf32, #tpu.memory_space<vmem>>, vector<1x16xf32>,
    %swap3A_1732 = vector.shape_cast %swap3A_1731 : vector<1x16xf32> to vector<16xf32>
    %swap3A_1733 = vector.shape_cast %get3A_1727 : vector<16xf32> to vector<1x16xf32>
    tpu.vector_store %arg7[%swap3A_1729, %swap3A_1730], %swap3A_1733 {strides = array<i32>} : memref<32x128xf32, #tpu.memory_space<vmem>>, vector<1x16xf32>,
    %get3A_1734 = arith.constant 4 : i32
    %get3A_1735 = arith.index_cast %get3A_1734 : i32 to index
    %get3A_1736 = arith.index_cast %and3A_1685 : i32 to index
    %get3A_1737 = arith.constant 64 : index
    %get3A_1738 = tpu.vector_load %arg6[%get3A_1735, %get3A_1736, %get3A_1737] {strides = array<i32>} : memref<32x8x128xf32, #tpu.memory_space<vmem>>, vector<1x1x16xf32>,
    %get3A_1739 = vector.shape_cast %get3A_1738 : vector<1x1x16xf32> to vector<16xf32>
    %swap3A_1740 = arith.constant 4 : i32
    %swap3A_1741 = arith.index_cast %swap3A_1740 : i32 to index
    %swap3A_1742 = arith.constant 64 : index
    %swap3A_1743 = tpu.vector_load %arg7[%swap3A_1741, %swap3A_1742] {strides = array<i32>} : memref<32x128xf32, #tpu.memory_space<vmem>>, vector<1x16xf32>,
    %swap3A_1744 = vector.shape_cast %swap3A_1743 : vector<1x16xf32> to vector<16xf32>
    %swap3A_1745 = vector.shape_cast %get3A_1739 : vector<16xf32> to vector<1x16xf32>
    tpu.vector_store %arg7[%swap3A_1741, %swap3A_1742], %swap3A_1745 {strides = array<i32>} : memref<32x128xf32, #tpu.memory_space<vmem>>, vector<1x16xf32>,
    %get3A_1746 = arith.constant 4 : i32
    %get3A_1747 = arith.index_cast %get3A_1746 : i32 to index
    %get3A_1748 = arith.index_cast %and3A_1685 : i32 to index
    %get3A_1749 = arith.constant 80 : index
    %get3A_1750 = tpu.vector_load %arg6[%get3A_1747, %get3A_1748, %get3A_1749] {strides = array<i32>} : memref<32x8x128xf32, #tpu.memory_space<vmem>>, vector<1x1x16xf32>,
    %get3A_1751 = vector.shape_cast %get3A_1750 : vector<1x1x16xf32> to vector<16xf32>
    %swap3A_1752 = arith.constant 4 : i32
    %swap3A_1753 = arith.index_cast %swap3A_1752 : i32 to index
    %swap3A_1754 = arith.constant 80 : index
    %swap3A_1755 = tpu.vector_load %arg7[%swap3A_1753, %swap3A_1754] {strides = array<i32>} : memref<32x128xf32, #tpu.memory_space<vmem>>, vector<1x16xf32>,
    %swap3A_1756 = vector.shape_cast %swap3A_1755 : vector<1x16xf32> to vector<16xf32>
    %swap3A_1757 = vector.shape_cast %get3A_1751 : vector<16xf32> to vector<1x16xf32>
    tpu.vector_store %arg7[%swap3A_1753, %swap3A_1754], %swap3A_1757 {strides = array<i32>} : memref<32x128xf32, #tpu.memory_space<vmem>>, vector<1x16xf32>,
    %get3A_1758 = arith.constant 4 : i32
    %get3A_1759 = arith.index_cast %get3A_1758 : i32 to index
    %get3A_1760 = arith.index_cast %and3A_1685 : i32 to index
    %get3A_1761 = arith.constant 96 : index
    %get3A_1762 = tpu.vector_load %arg6[%get3A_1759, %get3A_1760, %get3A_1761] {strides = array<i32>} : memref<32x8x128xf32, #tpu.memory_space<vmem>>, vector<1x1x16xf32>,
    %get3A_1763 = vector.shape_cast %get3A_1762 : vector<1x1x16xf32> to vector<16xf32>
    %swap3A_1764 = arith.constant 4 : i32
    %swap3A_1765 = arith.index_cast %swap3A_1764 : i32 to index
    %swap3A_1766 = arith.constant 96 : index
    %swap3A_1767 = tpu.vector_load %arg7[%swap3A_1765, %swap3A_1766] {strides = array<i32>} : memref<32x128xf32, #tpu.memory_space<vmem>>, vector<1x16xf32>,
    %swap3A_1768 = vector.shape_cast %swap3A_1767 : vector<1x16xf32> to vector<16xf32>
    %swap3A_1769 = vector.shape_cast %get3A_1763 : vector<16xf32> to vector<1x16xf32>
    tpu.vector_store %arg7[%swap3A_1765, %swap3A_1766], %swap3A_1769 {strides = array<i32>} : memref<32x128xf32, #tpu.memory_space<vmem>>, vector<1x16xf32>,
    %get3A_1770 = arith.constant 4 : i32
    %get3A_1771 = arith.index_cast %get3A_1770 : i32 to index
    %get3A_1772 = arith.index_cast %and3A_1685 : i32 to index
    %get3A_1773 = arith.constant 112 : index
    %get3A_1774 = tpu.vector_load %arg6[%get3A_1771, %get3A_1772, %get3A_1773] {strides = array<i32>} : memref<32x8x128xf32, #tpu.memory_space<vmem>>, vector<1x1x16xf32>,
    %get3A_1775 = vector.shape_cast %get3A_1774 : vector<1x1x16xf32> to vector<16xf32>
    %swap3A_1776 = arith.constant 4 : i32
    %swap3A_1777 = arith.index_cast %swap3A_1776 : i32 to index
    %swap3A_1778 = arith.constant 112 : index
    %swap3A_1779 = tpu.vector_load %arg7[%swap3A_1777, %swap3A_1778] {strides = array<i32>} : memref<32x128xf32, #tpu.memory_space<vmem>>, vector<1x16xf32>,
    %swap3A_1780 = vector.shape_cast %swap3A_1779 : vector<1x16xf32> to vector<16xf32>
    %swap3A_1781 = vector.shape_cast %get3A_1775 : vector<16xf32> to vector<1x16xf32>
    tpu.vector_store %arg7[%swap3A_1777, %swap3A_1778], %swap3A_1781 {strides = array<i32>} : memref<32x128xf32, #tpu.memory_space<vmem>>, vector<1x16xf32>,
    %add3A_1782 = arith.constant 5 : i32
    %add3A_1783 = arith.addi %mul3A_2, %add3A_1782 : i32
    %and3A_1784 = arith.constant 7 : i32
    %and3A_1785 = arith.andi %add3A_1783, %and3A_1784 : i32
    %get3A_1786 = arith.constant 5 : i32
    %get3A_1787 = arith.index_cast %get3A_1786 : i32 to index
    %get3A_1788 = arith.index_cast %and3A_1785 : i32 to index
    %get3A_1789 = arith.constant 0 : index
    %get3A_1790 = tpu.vector_load %arg6[%get3A_1787, %get3A_1788, %get3A_1789] {strides = array<i32>} : memref<32x8x128xf32, #tpu.memory_space<vmem>>, vector<1x1x16xf32>,
    %get3A_1791 = vector.shape_cast %get3A_1790 : vector<1x1x16xf32> to vector<16xf32>
    %swap3A_1792 = arith.constant 5 : i32
    %swap3A_1793 = arith.index_cast %swap3A_1792 : i32 to index
    %swap3A_1794 = arith.constant 0 : index
    %swap3A_1795 = tpu.vector_load %arg7[%swap3A_1793, %swap3A_1794] {strides = array<i32>} : memref<32x128xf32, #tpu.memory_space<vmem>>, vector<1x16xf32>,
    %swap3A_1796 = vector.shape_cast %swap3A_1795 : vector<1x16xf32> to vector<16xf32>
    %swap3A_1797 = vector.shape_cast %get3A_1791 : vector<16xf32> to vector<1x16xf32>
    tpu.vector_store %arg7[%swap3A_1793, %swap3A_1794], %swap3A_1797 {strides = array<i32>} : memref<32x128xf32, #tpu.memory_space<vmem>>, vector<1x16xf32>,
    %get3A_1798 = arith.constant 5 : i32
    %get3A_1799 = arith.index_cast %get3A_1798 : i32 to index
    %get3A_1800 = arith.index_cast %and3A_1785 : i32 to index
    %get3A_1801 = arith.constant 16 : index
    %get3A_1802 = tpu.vector_load %arg6[%get3A_1799, %get3A_1800, %get3A_1801] {strides = array<i32>} : memref<32x8x128xf32, #tpu.memory_space<vmem>>, vector<1x1x16xf32>,
    %get3A_1803 = vector.shape_cast %get3A_1802 : vector<1x1x16xf32> to vector<16xf32>
    %swap3A_1804 = arith.constant 5 : i32
    %swap3A_1805 = arith.index_cast %swap3A_1804 : i32 to index
    %swap3A_1806 = arith.constant 16 : index
    %swap3A_1807 = tpu.vector_load %arg7[%swap3A_1805, %swap3A_1806] {strides = array<i32>} : memref<32x128xf32, #tpu.memory_space<vmem>>, vector<1x16xf32>,
    %swap3A_1808 = vector.shape_cast %swap3A_1807 : vector<1x16xf32> to vector<16xf32>
    %swap3A_1809 = vector.shape_cast %get3A_1803 : vector<16xf32> to vector<1x16xf32>
    tpu.vector_store %arg7[%swap3A_1805, %swap3A_1806], %swap3A_1809 {strides = array<i32>} : memref<32x128xf32, #tpu.memory_space<vmem>>, vector<1x16xf32>,
    %get3A_1810 = arith.constant 5 : i32
    %get3A_1811 = arith.index_cast %get3A_1810 : i32 to index
    %get3A_1812 = arith.index_cast %and3A_1785 : i32 to index
    %get3A_1813 = arith.constant 32 : index
    %get3A_1814 = tpu.vector_load %arg6[%get3A_1811, %get3A_1812, %get3A_1813] {strides = array<i32>} : memref<32x8x128xf32, #tpu.memory_space<vmem>>, vector<1x1x16xf32>,
    %get3A_1815 = vector.shape_cast %get3A_1814 : vector<1x1x16xf32> to vector<16xf32>
    %swap3A_1816 = arith.constant 5 : i32
    %swap3A_1817 = arith.index_cast %swap3A_1816 : i32 to index
    %swap3A_1818 = arith.constant 32 : index
    %swap3A_1819 = tpu.vector_load %arg7[%swap3A_1817, %swap3A_1818] {strides = array<i32>} : memref<32x128xf32, #tpu.memory_space<vmem>>, vector<1x16xf32>,
    %swap3A_1820 = vector.shape_cast %swap3A_1819 : vector<1x16xf32> to vector<16xf32>
    %swap3A_1821 = vector.shape_cast %get3A_1815 : vector<16xf32> to vector<1x16xf32>
    tpu.vector_store %arg7[%swap3A_1817, %swap3A_1818], %swap3A_1821 {strides = array<i32>} : memref<32x128xf32, #tpu.memory_space<vmem>>, vector<1x16xf32>,
    %get3A_1822 = arith.constant 5 : i32
    %get3A_1823 = arith.index_cast %get3A_1822 : i32 to index
    %get3A_1824 = arith.index_cast %and3A_1785 : i32 to index
    %get3A_1825 = arith.constant 48 : index
    %get3A_1826 = tpu.vector_load %arg6[%get3A_1823, %get3A_1824, %get3A_1825] {strides = array<i32>} : memref<32x8x128xf32, #tpu.memory_space<vmem>>, vector<1x1x16xf32>,
    %get3A_1827 = vector.shape_cast %get3A_1826 : vector<1x1x16xf32> to vector<16xf32>
    %swap3A_1828 = arith.constant 5 : i32
    %swap3A_1829 = arith.index_cast %swap3A_1828 : i32 to index
    %swap3A_1830 = arith.constant 48 : index
    %swap3A_1831 = tpu.vector_load %arg7[%swap3A_1829, %swap3A_1830] {strides = array<i32>} : memref<32x128xf32, #tpu.memory_space<vmem>>, vector<1x16xf32>,
    %swap3A_1832 = vector.shape_cast %swap3A_1831 : vector<1x16xf32> to vector<16xf32>
    %swap3A_1833 = vector.shape_cast %get3A_1827 : vector<16xf32> to vector<1x16xf32>
    tpu.vector_store %arg7[%swap3A_1829, %swap3A_1830], %swap3A_1833 {strides = array<i32>} : memref<32x128xf32, #tpu.memory_space<vmem>>, vector<1x16xf32>,
    %get3A_1834 = arith.constant 5 : i32
    %get3A_1835 = arith.index_cast %get3A_1834 : i32 to index
    %get3A_1836 = arith.index_cast %and3A_1785 : i32 to index
    %get3A_1837 = arith.constant 64 : index
    %get3A_1838 = tpu.vector_load %arg6[%get3A_1835, %get3A_1836, %get3A_1837] {strides = array<i32>} : memref<32x8x128xf32, #tpu.memory_space<vmem>>, vector<1x1x16xf32>,
    %get3A_1839 = vector.shape_cast %get3A_1838 : vector<1x1x16xf32> to vector<16xf32>
    %swap3A_1840 = arith.constant 5 : i32
    %swap3A_1841 = arith.index_cast %swap3A_1840 : i32 to index
    %swap3A_1842 = arith.constant 64 : index
    %swap3A_1843 = tpu.vector_load %arg7[%swap3A_1841, %swap3A_1842] {strides = array<i32>} : memref<32x128xf32, #tpu.memory_space<vmem>>, vector<1x16xf32>,
    %swap3A_1844 = vector.shape_cast %swap3A_1843 : vector<1x16xf32> to vector<16xf32>
    %swap3A_1845 = vector.shape_cast %get3A_1839 : vector<16xf32> to vector<1x16xf32>
    tpu.vector_store %arg7[%swap3A_1841, %swap3A_1842], %swap3A_1845 {strides = array<i32>} : memref<32x128xf32, #tpu.memory_space<vmem>>, vector<1x16xf32>,
    %get3A_1846 = arith.constant 5 : i32
    %get3A_1847 = arith.index_cast %get3A_1846 : i32 to index
    %get3A_1848 = arith.index_cast %and3A_1785 : i32 to index
    %get3A_1849 = arith.constant 80 : index
    %get3A_1850 = tpu.vector_load %arg6[%get3A_1847, %get3A_1848, %get3A_1849] {strides = array<i32>} : memref<32x8x128xf32, #tpu.memory_space<vmem>>, vector<1x1x16xf32>,
    %get3A_1851 = vector.shape_cast %get3A_1850 : vector<1x1x16xf32> to vector<16xf32>
    %swap3A_1852 = arith.constant 5 : i32
    %swap3A_1853 = arith.index_cast %swap3A_1852 : i32 to index
    %swap3A_1854 = arith.constant 80 : index
    %swap3A_1855 = tpu.vector_load %arg7[%swap3A_1853, %swap3A_1854] {strides = array<i32>} : memref<32x128xf32, #tpu.memory_space<vmem>>, vector<1x16xf32>,
    %swap3A_1856 = vector.shape_cast %swap3A_1855 : vector<1x16xf32> to vector<16xf32>
    %swap3A_1857 = vector.shape_cast %get3A_1851 : vector<16xf32> to vector<1x16xf32>
    tpu.vector_store %arg7[%swap3A_1853, %swap3A_1854], %swap3A_1857 {strides = array<i32>} : memref<32x128xf32, #tpu.memory_space<vmem>>, vector<1x16xf32>,
    %get3A_1858 = arith.constant 5 : i32
    %get3A_1859 = arith.index_cast %get3A_1858 : i32 to index
    %get3A_1860 = arith.index_cast %and3A_1785 : i32 to index
    %get3A_1861 = arith.constant 96 : index
    %get3A_1862 = tpu.vector_load %arg6[%get3A_1859, %get3A_1860, %get3A_1861] {strides = array<i32>} : memref<32x8x128xf32, #tpu.memory_space<vmem>>, vector<1x1x16xf32>,
    %get3A_1863 = vector.shape_cast %get3A_1862 : vector<1x1x16xf32> to vector<16xf32>
    %swap3A_1864 = arith.constant 5 : i32
    %swap3A_1865 = arith.index_cast %swap3A_1864 : i32 to index
    %swap3A_1866 = arith.constant 96 : index
    %swap3A_1867 = tpu.vector_load %arg7[%swap3A_1865, %swap3A_1866] {strides = array<i32>} : memref<32x128xf32, #tpu.memory_space<vmem>>, vector<1x16xf32>,
    %swap3A_1868 = vector.shape_cast %swap3A_1867 : vector<1x16xf32> to vector<16xf32>
    %swap3A_1869 = vector.shape_cast %get3A_1863 : vector<16xf32> to vector<1x16xf32>
    tpu.vector_store %arg7[%swap3A_1865, %swap3A_1866], %swap3A_1869 {strides = array<i32>} : memref<32x128xf32, #tpu.memory_space<vmem>>, vector<1x16xf32>,
    %get3A_1870 = arith.constant 5 : i32
    %get3A_1871 = arith.index_cast %get3A_1870 : i32 to index
    %get3A_1872 = arith.index_cast %and3A_1785 : i32 to index
    %get3A_1873 = arith.constant 112 : index
    %get3A_1874 = tpu.vector_load %arg6[%get3A_1871, %get3A_1872, %get3A_1873] {strides = array<i32>} : memref<32x8x128xf32, #tpu.memory_space<vmem>>, vector<1x1x16xf32>,
    %get3A_1875 = vector.shape_cast %get3A_1874 : vector<1x1x16xf32> to vector<16xf32>
    %swap3A_1876 = arith.constant 5 : i32
    %swap3A_1877 = arith.index_cast %swap3A_1876 : i32 to index
    %swap3A_1878 = arith.constant 112 : index
    %swap3A_1879 = tpu.vector_load %arg7[%swap3A_1877, %swap3A_1878] {strides = array<i32>} : memref<32x128xf32, #tpu.memory_space<vmem>>, vector<1x16xf32>,
    %swap3A_1880 = vector.shape_cast %swap3A_1879 : vector<1x16xf32> to vector<16xf32>
    %swap3A_1881 = vector.shape_cast %get3A_1875 : vector<16xf32> to vector<1x16xf32>
    tpu.vector_store %arg7[%swap3A_1877, %swap3A_1878], %swap3A_1881 {strides = array<i32>} : memref<32x128xf32, #tpu.memory_space<vmem>>, vector<1x16xf32>,
    %add3A_1882 = arith.constant 6 : i32
    %add3A_1883 = arith.addi %mul3A_2, %add3A_1882 : i32
    %and3A_1884 = arith.constant 7 : i32
    %and3A_1885 = arith.andi %add3A_1883, %and3A_1884 : i32
    %get3A_1886 = arith.constant 6 : i32
    %get3A_1887 = arith.index_cast %get3A_1886 : i32 to index
    %get3A_1888 = arith.index_cast %and3A_1885 : i32 to index
    %get3A_1889 = arith.constant 0 : index
    %get3A_1890 = tpu.vector_load %arg6[%get3A_1887, %get3A_1888, %get3A_1889] {strides = array<i32>} : memref<32x8x128xf32, #tpu.memory_space<vmem>>, vector<1x1x16xf32>,
    %get3A_1891 = vector.shape_cast %get3A_1890 : vector<1x1x16xf32> to vector<16xf32>
    %swap3A_1892 = arith.constant 6 : i32
    %swap3A_1893 = arith.index_cast %swap3A_1892 : i32 to index
    %swap3A_1894 = arith.constant 0 : index
    %swap3A_1895 = tpu.vector_load %arg7[%swap3A_1893, %swap3A_1894] {strides = array<i32>} : memref<32x128xf32, #tpu.memory_space<vmem>>, vector<1x16xf32>,
    %swap3A_1896 = vector.shape_cast %swap3A_1895 : vector<1x16xf32> to vector<16xf32>
    %swap3A_1897 = vector.shape_cast %get3A_1891 : vector<16xf32> to vector<1x16xf32>
    tpu.vector_store %arg7[%swap3A_1893, %swap3A_1894], %swap3A_1897 {strides = array<i32>} : memref<32x128xf32, #tpu.memory_space<vmem>>, vector<1x16xf32>,
    %get3A_1898 = arith.constant 6 : i32
    %get3A_1899 = arith.index_cast %get3A_1898 : i32 to index
    %get3A_1900 = arith.index_cast %and3A_1885 : i32 to index
    %get3A_1901 = arith.constant 16 : index
    %get3A_1902 = tpu.vector_load %arg6[%get3A_1899, %get3A_1900, %get3A_1901] {strides = array<i32>} : memref<32x8x128xf32, #tpu.memory_space<vmem>>, vector<1x1x16xf32>,
    %get3A_1903 = vector.shape_cast %get3A_1902 : vector<1x1x16xf32> to vector<16xf32>
    %swap3A_1904 = arith.constant 6 : i32
    %swap3A_1905 = arith.index_cast %swap3A_1904 : i32 to index
    %swap3A_1906 = arith.constant 16 : index
    %swap3A_1907 = tpu.vector_load %arg7[%swap3A_1905, %swap3A_1906] {strides = array<i32>} : memref<32x128xf32, #tpu.memory_space<vmem>>, vector<1x16xf32>,
    %swap3A_1908 = vector.shape_cast %swap3A_1907 : vector<1x16xf32> to vector<16xf32>
    %swap3A_1909 = vector.shape_cast %get3A_1903 : vector<16xf32> to vector<1x16xf32>
    tpu.vector_store %arg7[%swap3A_1905, %swap3A_1906], %swap3A_1909 {strides = array<i32>} : memref<32x128xf32, #tpu.memory_space<vmem>>, vector<1x16xf32>,
    %get3A_1910 = arith.constant 6 : i32
    %get3A_1911 = arith.index_cast %get3A_1910 : i32 to index
    %get3A_1912 = arith.index_cast %and3A_1885 : i32 to index
    %get3A_1913 = arith.constant 32 : index
    %get3A_1914 = tpu.vector_load %arg6[%get3A_1911, %get3A_1912, %get3A_1913] {strides = array<i32>} : memref<32x8x128xf32, #tpu.memory_space<vmem>>, vector<1x1x16xf32>,
    %get3A_1915 = vector.shape_cast %get3A_1914 : vector<1x1x16xf32> to vector<16xf32>
    %swap3A_1916 = arith.constant 6 : i32
    %swap3A_1917 = arith.index_cast %swap3A_1916 : i32 to index
    %swap3A_1918 = arith.constant 32 : index
    %swap3A_1919 = tpu.vector_load %arg7[%swap3A_1917, %swap3A_1918] {strides = array<i32>} : memref<32x128xf32, #tpu.memory_space<vmem>>, vector<1x16xf32>,
    %swap3A_1920 = vector.shape_cast %swap3A_1919 : vector<1x16xf32> to vector<16xf32>
    %swap3A_1921 = vector.shape_cast %get3A_1915 : vector<16xf32> to vector<1x16xf32>
    tpu.vector_store %arg7[%swap3A_1917, %swap3A_1918], %swap3A_1921 {strides = array<i32>} : memref<32x128xf32, #tpu.memory_space<vmem>>, vector<1x16xf32>,
    %get3A_1922 = arith.constant 6 : i32
    %get3A_1923 = arith.index_cast %get3A_1922 : i32 to index
    %get3A_1924 = arith.index_cast %and3A_1885 : i32 to index
    %get3A_1925 = arith.constant 48 : index
    %get3A_1926 = tpu.vector_load %arg6[%get3A_1923, %get3A_1924, %get3A_1925] {strides = array<i32>} : memref<32x8x128xf32, #tpu.memory_space<vmem>>, vector<1x1x16xf32>,
    %get3A_1927 = vector.shape_cast %get3A_1926 : vector<1x1x16xf32> to vector<16xf32>
    %swap3A_1928 = arith.constant 6 : i32
    %swap3A_1929 = arith.index_cast %swap3A_1928 : i32 to index
    %swap3A_1930 = arith.constant 48 : index
    %swap3A_1931 = tpu.vector_load %arg7[%swap3A_1929, %swap3A_1930] {strides = array<i32>} : memref<32x128xf32, #tpu.memory_space<vmem>>, vector<1x16xf32>,
    %swap3A_1932 = vector.shape_cast %swap3A_1931 : vector<1x16xf32> to vector<16xf32>
    %swap3A_1933 = vector.shape_cast %get3A_1927 : vector<16xf32> to vector<1x16xf32>
    tpu.vector_store %arg7[%swap3A_1929, %swap3A_1930], %swap3A_1933 {strides = array<i32>} : memref<32x128xf32, #tpu.memory_space<vmem>>, vector<1x16xf32>,
    %get3A_1934 = arith.constant 6 : i32
    %get3A_1935 = arith.index_cast %get3A_1934 : i32 to index
    %get3A_1936 = arith.index_cast %and3A_1885 : i32 to index
    %get3A_1937 = arith.constant 64 : index
    %get3A_1938 = tpu.vector_load %arg6[%get3A_1935, %get3A_1936, %get3A_1937] {strides = array<i32>} : memref<32x8x128xf32, #tpu.memory_space<vmem>>, vector<1x1x16xf32>,
    %get3A_1939 = vector.shape_cast %get3A_1938 : vector<1x1x16xf32> to vector<16xf32>
    %swap3A_1940 = arith.constant 6 : i32
    %swap3A_1941 = arith.index_cast %swap3A_1940 : i32 to index
    %swap3A_1942 = arith.constant 64 : index
    %swap3A_1943 = tpu.vector_load %arg7[%swap3A_1941, %swap3A_1942] {strides = array<i32>} : memref<32x128xf32, #tpu.memory_space<vmem>>, vector<1x16xf32>,
    %swap3A_1944 = vector.shape_cast %swap3A_1943 : vector<1x16xf32> to vector<16xf32>
    %swap3A_1945 = vector.shape_cast %get3A_1939 : vector<16xf32> to vector<1x16xf32>
    tpu.vector_store %arg7[%swap3A_1941, %swap3A_1942], %swap3A_1945 {strides = array<i32>} : memref<32x128xf32, #tpu.memory_space<vmem>>, vector<1x16xf32>,
    %get3A_1946 = arith.constant 6 : i32
    %get3A_1947 = arith.index_cast %get3A_1946 : i32 to index
    %get3A_1948 = arith.index_cast %and3A_1885 : i32 to index
    %get3A_1949 = arith.constant 80 : index
    %get3A_1950 = tpu.vector_load %arg6[%get3A_1947, %get3A_1948, %get3A_1949] {strides = array<i32>} : memref<32x8x128xf32, #tpu.memory_space<vmem>>, vector<1x1x16xf32>,
    %get3A_1951 = vector.shape_cast %get3A_1950 : vector<1x1x16xf32> to vector<16xf32>
    %swap3A_1952 = arith.constant 6 : i32
    %swap3A_1953 = arith.index_cast %swap3A_1952 : i32 to index
    %swap3A_1954 = arith.constant 80 : index
    %swap3A_1955 = tpu.vector_load %arg7[%swap3A_1953, %swap3A_1954] {strides = array<i32>} : memref<32x128xf32, #tpu.memory_space<vmem>>, vector<1x16xf32>,
    %swap3A_1956 = vector.shape_cast %swap3A_1955 : vector<1x16xf32> to vector<16xf32>
    %swap3A_1957 = vector.shape_cast %get3A_1951 : vector<16xf32> to vector<1x16xf32>
    tpu.vector_store %arg7[%swap3A_1953, %swap3A_1954], %swap3A_1957 {strides = array<i32>} : memref<32x128xf32, #tpu.memory_space<vmem>>, vector<1x16xf32>,
    %get3A_1958 = arith.constant 6 : i32
    %get3A_1959 = arith.index_cast %get3A_1958 : i32 to index
    %get3A_1960 = arith.index_cast %and3A_1885 : i32 to index
    %get3A_1961 = arith.constant 96 : index
    %get3A_1962 = tpu.vector_load %arg6[%get3A_1959, %get3A_1960, %get3A_1961] {strides = array<i32>} : memref<32x8x128xf32, #tpu.memory_space<vmem>>, vector<1x1x16xf32>,
    %get3A_1963 = vector.shape_cast %get3A_1962 : vector<1x1x16xf32> to vector<16xf32>
    %swap3A_1964 = arith.constant 6 : i32
    %swap3A_1965 = arith.index_cast %swap3A_1964 : i32 to index
    %swap3A_1966 = arith.constant 96 : index
    %swap3A_1967 = tpu.vector_load %arg7[%swap3A_1965, %swap3A_1966] {strides = array<i32>} : memref<32x128xf32, #tpu.memory_space<vmem>>, vector<1x16xf32>,
    %swap3A_1968 = vector.shape_cast %swap3A_1967 : vector<1x16xf32> to vector<16xf32>
    %swap3A_1969 = vector.shape_cast %get3A_1963 : vector<16xf32> to vector<1x16xf32>
    tpu.vector_store %arg7[%swap3A_1965, %swap3A_1966], %swap3A_1969 {strides = array<i32>} : memref<32x128xf32, #tpu.memory_space<vmem>>, vector<1x16xf32>,
    %get3A_1970 = arith.constant 6 : i32
    %get3A_1971 = arith.index_cast %get3A_1970 : i32 to index
    %get3A_1972 = arith.index_cast %and3A_1885 : i32 to index
    %get3A_1973 = arith.constant 112 : index
    %get3A_1974 = tpu.vector_load %arg6[%get3A_1971, %get3A_1972, %get3A_1973] {strides = array<i32>} : memref<32x8x128xf32, #tpu.memory_space<vmem>>, vector<1x1x16xf32>,
    %get3A_1975 = vector.shape_cast %get3A_1974 : vector<1x1x16xf32> to vector<16xf32>
    %swap3A_1976 = arith.constant 6 : i32
    %swap3A_1977 = arith.index_cast %swap3A_1976 : i32 to index
    %swap3A_1978 = arith.constant 112 : index
    %swap3A_1979 = tpu.vector_load %arg7[%swap3A_1977, %swap3A_1978] {strides = array<i32>} : memref<32x128xf32, #tpu.memory_space<vmem>>, vector<1x16xf32>,
    %swap3A_1980 = vector.shape_cast %swap3A_1979 : vector<1x16xf32> to vector<16xf32>
    %swap3A_1981 = vector.shape_cast %get3A_1975 : vector<16xf32> to vector<1x16xf32>
    tpu.vector_store %arg7[%swap3A_1977, %swap3A_1978], %swap3A_1981 {strides = array<i32>} : memref<32x128xf32, #tpu.memory_space<vmem>>, vector<1x16xf32>,
    %add3A_1982 = arith.constant 7 : i32
    %add3A_1983 = arith.addi %mul3A_2, %add3A_1982 : i32
    %and3A_1984 = arith.constant 7 : i32
    %and3A_1985 = arith.andi %add3A_1983, %and3A_1984 : i32
    %get3A_1986 = arith.constant 7 : i32
    %get3A_1987 = arith.index_cast %get3A_1986 : i32 to index
    %get3A_1988 = arith.index_cast %and3A_1985 : i32 to index
    %get3A_1989 = arith.constant 0 : index
    %get3A_1990 = tpu.vector_load %arg6[%get3A_1987, %get3A_1988, %get3A_1989] {strides = array<i32>} : memref<32x8x128xf32, #tpu.memory_space<vmem>>, vector<1x1x16xf32>,
    %get3A_1991 = vector.shape_cast %get3A_1990 : vector<1x1x16xf32> to vector<16xf32>
    %swap3A_1992 = arith.constant 7 : i32
    %swap3A_1993 = arith.index_cast %swap3A_1992 : i32 to index
    %swap3A_1994 = arith.constant 0 : index
    %swap3A_1995 = tpu.vector_load %arg7[%swap3A_1993, %swap3A_1994] {strides = array<i32>} : memref<32x128xf32, #tpu.memory_space<vmem>>, vector<1x16xf32>,
    %swap3A_1996 = vector.shape_cast %swap3A_1995 : vector<1x16xf32> to vector<16xf32>
    %swap3A_1997 = vector.shape_cast %get3A_1991 : vector<16xf32> to vector<1x16xf32>
    tpu.vector_store %arg7[%swap3A_1993, %swap3A_1994], %swap3A_1997 {strides = array<i32>} : memref<32x128xf32, #tpu.memory_space<vmem>>, vector<1x16xf32>,
    %get3A_1998 = arith.constant 7 : i32
    %get3A_1999 = arith.index_cast %get3A_1998 : i32 to index
    %get3A_2000 = arith.index_cast %and3A_1985 : i32 to index
    %get3A_2001 = arith.constant 16 : index
    %get3A_2002 = tpu.vector_load %arg6[%get3A_1999, %get3A_2000, %get3A_2001] {strides = array<i32>} : memref<32x8x128xf32, #tpu.memory_space<vmem>>, vector<1x1x16xf32>,
    %get3A_2003 = vector.shape_cast %get3A_2002 : vector<1x1x16xf32> to vector<16xf32>
    %swap3A_2004 = arith.constant 7 : i32
    %swap3A_2005 = arith.index_cast %swap3A_2004 : i32 to index
    %swap3A_2006 = arith.constant 16 : index
    %swap3A_2007 = tpu.vector_load %arg7[%swap3A_2005, %swap3A_2006] {strides = array<i32>} : memref<32x128xf32, #tpu.memory_space<vmem>>, vector<1x16xf32>,
    %swap3A_2008 = vector.shape_cast %swap3A_2007 : vector<1x16xf32> to vector<16xf32>
    %swap3A_2009 = vector.shape_cast %get3A_2003 : vector<16xf32> to vector<1x16xf32>
    tpu.vector_store %arg7[%swap3A_2005, %swap3A_2006], %swap3A_2009 {strides = array<i32>} : memref<32x128xf32, #tpu.memory_space<vmem>>, vector<1x16xf32>,
    %get3A_2010 = arith.constant 7 : i32
    %get3A_2011 = arith.index_cast %get3A_2010 : i32 to index
    %get3A_2012 = arith.index_cast %and3A_1985 : i32 to index
    %get3A_2013 = arith.constant 32 : index
    %get3A_2014 = tpu.vector_load %arg6[%get3A_2011, %get3A_2012, %get3A_2013] {strides = array<i32>} : memref<32x8x128xf32, #tpu.memory_space<vmem>>, vector<1x1x16xf32>,
    %get3A_2015 = vector.shape_cast %get3A_2014 : vector<1x1x16xf32> to vector<16xf32>
    %swap3A_2016 = arith.constant 7 : i32
    %swap3A_2017 = arith.index_cast %swap3A_2016 : i32 to index
    %swap3A_2018 = arith.constant 32 : index
    %swap3A_2019 = tpu.vector_load %arg7[%swap3A_2017, %swap3A_2018] {strides = array<i32>} : memref<32x128xf32, #tpu.memory_space<vmem>>, vector<1x16xf32>,
    %swap3A_2020 = vector.shape_cast %swap3A_2019 : vector<1x16xf32> to vector<16xf32>
    %swap3A_2021 = vector.shape_cast %get3A_2015 : vector<16xf32> to vector<1x16xf32>
    tpu.vector_store %arg7[%swap3A_2017, %swap3A_2018], %swap3A_2021 {strides = array<i32>} : memref<32x128xf32, #tpu.memory_space<vmem>>, vector<1x16xf32>,
    %get3A_2022 = arith.constant 7 : i32
    %get3A_2023 = arith.index_cast %get3A_2022 : i32 to index
    %get3A_2024 = arith.index_cast %and3A_1985 : i32 to index
    %get3A_2025 = arith.constant 48 : index
    %get3A_2026 = tpu.vector_load %arg6[%get3A_2023, %get3A_2024, %get3A_2025] {strides = array<i32>} : memref<32x8x128xf32, #tpu.memory_space<vmem>>, vector<1x1x16xf32>,
    %get3A_2027 = vector.shape_cast %get3A_2026 : vector<1x1x16xf32> to vector<16xf32>
    %swap3A_2028 = arith.constant 7 : i32
    %swap3A_2029 = arith.index_cast %swap3A_2028 : i32 to index
    %swap3A_2030 = arith.constant 48 : index
    %swap3A_2031 = tpu.vector_load %arg7[%swap3A_2029, %swap3A_2030] {strides = array<i32>} : memref<32x128xf32, #tpu.memory_space<vmem>>, vector<1x16xf32>,
    %swap3A_2032 = vector.shape_cast %swap3A_2031 : vector<1x16xf32> to vector<16xf32>
    %swap3A_2033 = vector.shape_cast %get3A_2027 : vector<16xf32> to vector<1x16xf32>
    tpu.vector_store %arg7[%swap3A_2029, %swap3A_2030], %swap3A_2033 {strides = array<i32>} : memref<32x128xf32, #tpu.memory_space<vmem>>, vector<1x16xf32>,
    %get3A_2034 = arith.constant 7 : i32
    %get3A_2035 = arith.index_cast %get3A_2034 : i32 to index
    %get3A_2036 = arith.index_cast %and3A_1985 : i32 to index
    %get3A_2037 = arith.constant 64 : index
    %get3A_2038 = tpu.vector_load %arg6[%get3A_2035, %get3A_2036, %get3A_2037] {strides = array<i32>} : memref<32x8x128xf32, #tpu.memory_space<vmem>>, vector<1x1x16xf32>,
    %get3A_2039 = vector.shape_cast %get3A_2038 : vector<1x1x16xf32> to vector<16xf32>
    %swap3A_2040 = arith.constant 7 : i32
    %swap3A_2041 = arith.index_cast %swap3A_2040 : i32 to index
    %swap3A_2042 = arith.constant 64 : index
    %swap3A_2043 = tpu.vector_load %arg7[%swap3A_2041, %swap3A_2042] {strides = array<i32>} : memref<32x128xf32, #tpu.memory_space<vmem>>, vector<1x16xf32>,
    %swap3A_2044 = vector.shape_cast %swap3A_2043 : vector<1x16xf32> to vector<16xf32>
    %swap3A_2045 = vector.shape_cast %get3A_2039 : vector<16xf32> to vector<1x16xf32>
    tpu.vector_store %arg7[%swap3A_2041, %swap3A_2042], %swap3A_2045 {strides = array<i32>} : memref<32x128xf32, #tpu.memory_space<vmem>>, vector<1x16xf32>,
    %get3A_2046 = arith.constant 7 : i32
    %get3A_2047 = arith.index_cast %get3A_2046 : i32 to index
    %get3A_2048 = arith.index_cast %and3A_1985 : i32 to index
    %get3A_2049 = arith.constant 80 : index
    %get3A_2050 = tpu.vector_load %arg6[%get3A_2047, %get3A_2048, %get3A_2049] {strides = array<i32>} : memref<32x8x128xf32, #tpu.memory_space<vmem>>, vector<1x1x16xf32>,
    %get3A_2051 = vector.shape_cast %get3A_2050 : vector<1x1x16xf32> to vector<16xf32>
    %swap3A_2052 = arith.constant 7 : i32
    %swap3A_2053 = arith.index_cast %swap3A_2052 : i32 to index
    %swap3A_2054 = arith.constant 80 : index
    %swap3A_2055 = tpu.vector_load %arg7[%swap3A_2053, %swap3A_2054] {strides = array<i32>} : memref<32x128xf32, #tpu.memory_space<vmem>>, vector<1x16xf32>,
    %swap3A_2056 = vector.shape_cast %swap3A_2055 : vector<1x16xf32> to vector<16xf32>
    %swap3A_2057 = vector.shape_cast %get3A_2051 : vector<16xf32> to vector<1x16xf32>
    tpu.vector_store %arg7[%swap3A_2053, %swap3A_2054], %swap3A_2057 {strides = array<i32>} : memref<32x128xf32, #tpu.memory_space<vmem>>, vector<1x16xf32>,
    %get3A_2058 = arith.constant 7 : i32
    %get3A_2059 = arith.index_cast %get3A_2058 : i32 to index
    %get3A_2060 = arith.index_cast %and3A_1985 : i32 to index
    %get3A_2061 = arith.constant 96 : index
    %get3A_2062 = tpu.vector_load %arg6[%get3A_2059, %get3A_2060, %get3A_2061] {strides = array<i32>} : memref<32x8x128xf32, #tpu.memory_space<vmem>>, vector<1x1x16xf32>,
    %get3A_2063 = vector.shape_cast %get3A_2062 : vector<1x1x16xf32> to vector<16xf32>
    %swap3A_2064 = arith.constant 7 : i32
    %swap3A_2065 = arith.index_cast %swap3A_2064 : i32 to index
    %swap3A_2066 = arith.constant 96 : index
    %swap3A_2067 = tpu.vector_load %arg7[%swap3A_2065, %swap3A_2066] {strides = array<i32>} : memref<32x128xf32, #tpu.memory_space<vmem>>, vector<1x16xf32>,
    %swap3A_2068 = vector.shape_cast %swap3A_2067 : vector<1x16xf32> to vector<16xf32>
    %swap3A_2069 = vector.shape_cast %get3A_2063 : vector<16xf32> to vector<1x16xf32>
    tpu.vector_store %arg7[%swap3A_2065, %swap3A_2066], %swap3A_2069 {strides = array<i32>} : memref<32x128xf32, #tpu.memory_space<vmem>>, vector<1x16xf32>,
    %get3A_2070 = arith.constant 7 : i32
    %get3A_2071 = arith.index_cast %get3A_2070 : i32 to index
    %get3A_2072 = arith.index_cast %and3A_1985 : i32 to index
    %get3A_2073 = arith.constant 112 : index
    %get3A_2074 = tpu.vector_load %arg6[%get3A_2071, %get3A_2072, %get3A_2073] {strides = array<i32>} : memref<32x8x128xf32, #tpu.memory_space<vmem>>, vector<1x1x16xf32>,
    %get3A_2075 = vector.shape_cast %get3A_2074 : vector<1x1x16xf32> to vector<16xf32>
    %swap3A_2076 = arith.constant 7 : i32
    %swap3A_2077 = arith.index_cast %swap3A_2076 : i32 to index
    %swap3A_2078 = arith.constant 112 : index
    %swap3A_2079 = tpu.vector_load %arg7[%swap3A_2077, %swap3A_2078] {strides = array<i32>} : memref<32x128xf32, #tpu.memory_space<vmem>>, vector<1x16xf32>,
    %swap3A_2080 = vector.shape_cast %swap3A_2079 : vector<1x16xf32> to vector<16xf32>
    %swap3A_2081 = vector.shape_cast %get3A_2075 : vector<16xf32> to vector<1x16xf32>
    tpu.vector_store %arg7[%swap3A_2077, %swap3A_2078], %swap3A_2081 {strides = array<i32>} : memref<32x128xf32, #tpu.memory_space<vmem>>, vector<1x16xf32>,
    %add3A_2082 = arith.constant 8 : i32
    %add3A_2083 = arith.addi %mul3A_2, %add3A_2082 : i32
    %and3A_2084 = arith.constant 7 : i32
    %and3A_2085 = arith.andi %add3A_2083, %and3A_2084 : i32
    %get3A_2086 = arith.constant 8 : i32
    %get3A_2087 = arith.index_cast %get3A_2086 : i32 to index
    %get3A_2088 = arith.index_cast %and3A_2085 : i32 to index
    %get3A_2089 = arith.constant 0 : index
    %get3A_2090 = tpu.vector_load %arg6[%get3A_2087, %get3A_2088, %get3A_2089] {strides = array<i32>} : memref<32x8x128xf32, #tpu.memory_space<vmem>>, vector<1x1x16xf32>,
    %get3A_2091 = vector.shape_cast %get3A_2090 : vector<1x1x16xf32> to vector<16xf32>
    %swap3A_2092 = arith.constant 8 : i32
    %swap3A_2093 = arith.index_cast %swap3A_2092 : i32 to index
    %swap3A_2094 = arith.constant 0 : index
    %swap3A_2095 = tpu.vector_load %arg7[%swap3A_2093, %swap3A_2094] {strides = array<i32>} : memref<32x128xf32, #tpu.memory_space<vmem>>, vector<1x16xf32>,
    %swap3A_2096 = vector.shape_cast %swap3A_2095 : vector<1x16xf32> to vector<16xf32>
    %swap3A_2097 = vector.shape_cast %get3A_2091 : vector<16xf32> to vector<1x16xf32>
    tpu.vector_store %arg7[%swap3A_2093, %swap3A_2094], %swap3A_2097 {strides = array<i32>} : memref<32x128xf32, #tpu.memory_space<vmem>>, vector<1x16xf32>,
    %get3A_2098 = arith.constant 8 : i32
    %get3A_2099 = arith.index_cast %get3A_2098 : i32 to index
    %get3A_2100 = arith.index_cast %and3A_2085 : i32 to index
    %get3A_2101 = arith.constant 16 : index
    %get3A_2102 = tpu.vector_load %arg6[%get3A_2099, %get3A_2100, %get3A_2101] {strides = array<i32>} : memref<32x8x128xf32, #tpu.memory_space<vmem>>, vector<1x1x16xf32>,
    %get3A_2103 = vector.shape_cast %get3A_2102 : vector<1x1x16xf32> to vector<16xf32>
    %swap3A_2104 = arith.constant 8 : i32
    %swap3A_2105 = arith.index_cast %swap3A_2104 : i32 to index
    %swap3A_2106 = arith.constant 16 : index
    %swap3A_2107 = tpu.vector_load %arg7[%swap3A_2105, %swap3A_2106] {strides = array<i32>} : memref<32x128xf32, #tpu.memory_space<vmem>>, vector<1x16xf32>,
    %swap3A_2108 = vector.shape_cast %swap3A_2107 : vector<1x16xf32> to vector<16xf32>
    %swap3A_2109 = vector.shape_cast %get3A_2103 : vector<16xf32> to vector<1x16xf32>
    tpu.vector_store %arg7[%swap3A_2105, %swap3A_2106], %swap3A_2109 {strides = array<i32>} : memref<32x128xf32, #tpu.memory_space<vmem>>, vector<1x16xf32>,
    %get3A_2110 = arith.constant 8 : i32
    %get3A_2111 = arith.index_cast %get3A_2110 : i32 to index
    %get3A_2112 = arith.index_cast %and3A_2085 : i32 to index
    %get3A_2113 = arith.constant 32 : index
    %get3A_2114 = tpu.vector_load %arg6[%get3A_2111, %get3A_2112, %get3A_2113] {strides = array<i32>} : memref<32x8x128xf32, #tpu.memory_space<vmem>>, vector<1x1x16xf32>,
    %get3A_2115 = vector.shape_cast %get3A_2114 : vector<1x1x16xf32> to vector<16xf32>
    %swap3A_2116 = arith.constant 8 : i32
    %swap3A_2117 = arith.index_cast %swap3A_2116 : i32 to index
    %swap3A_2118 = arith.constant 32 : index
    %swap3A_2119 = tpu.vector_load %arg7[%swap3A_2117, %swap3A_2118] {strides = array<i32>} : memref<32x128xf32, #tpu.memory_space<vmem>>, vector<1x16xf32>,
    %swap3A_2120 = vector.shape_cast %swap3A_2119 : vector<1x16xf32> to vector<16xf32>
    %swap3A_2121 = vector.shape_cast %get3A_2115 : vector<16xf32> to vector<1x16xf32>
    tpu.vector_store %arg7[%swap3A_2117, %swap3A_2118], %swap3A_2121 {strides = array<i32>} : memref<32x128xf32, #tpu.memory_space<vmem>>, vector<1x16xf32>,
    %get3A_2122 = arith.constant 8 : i32
    %get3A_2123 = arith.index_cast %get3A_2122 : i32 to index
    %get3A_2124 = arith.index_cast %and3A_2085 : i32 to index
    %get3A_2125 = arith.constant 48 : index
    %get3A_2126 = tpu.vector_load %arg6[%get3A_2123, %get3A_2124, %get3A_2125] {strides = array<i32>} : memref<32x8x128xf32, #tpu.memory_space<vmem>>, vector<1x1x16xf32>,
    %get3A_2127 = vector.shape_cast %get3A_2126 : vector<1x1x16xf32> to vector<16xf32>
    %swap3A_2128 = arith.constant 8 : i32
    %swap3A_2129 = arith.index_cast %swap3A_2128 : i32 to index
    %swap3A_2130 = arith.constant 48 : index
    %swap3A_2131 = tpu.vector_load %arg7[%swap3A_2129, %swap3A_2130] {strides = array<i32>} : memref<32x128xf32, #tpu.memory_space<vmem>>, vector<1x16xf32>,
    %swap3A_2132 = vector.shape_cast %swap3A_2131 : vector<1x16xf32> to vector<16xf32>
    %swap3A_2133 = vector.shape_cast %get3A_2127 : vector<16xf32> to vector<1x16xf32>
    tpu.vector_store %arg7[%swap3A_2129, %swap3A_2130], %swap3A_2133 {strides = array<i32>} : memref<32x128xf32, #tpu.memory_space<vmem>>, vector<1x16xf32>,
    %get3A_2134 = arith.constant 8 : i32
    %get3A_2135 = arith.index_cast %get3A_2134 : i32 to index
    %get3A_2136 = arith.index_cast %and3A_2085 : i32 to index
    %get3A_2137 = arith.constant 64 : index
    %get3A_2138 = tpu.vector_load %arg6[%get3A_2135, %get3A_2136, %get3A_2137] {strides = array<i32>} : memref<32x8x128xf32, #tpu.memory_space<vmem>>, vector<1x1x16xf32>,
    %get3A_2139 = vector.shape_cast %get3A_2138 : vector<1x1x16xf32> to vector<16xf32>
    %swap3A_2140 = arith.constant 8 : i32
    %swap3A_2141 = arith.index_cast %swap3A_2140 : i32 to index
    %swap3A_2142 = arith.constant 64 : index
    %swap3A_2143 = tpu.vector_load %arg7[%swap3A_2141, %swap3A_2142] {strides = array<i32>} : memref<32x128xf32, #tpu.memory_space<vmem>>, vector<1x16xf32>,
    %swap3A_2144 = vector.shape_cast %swap3A_2143 : vector<1x16xf32> to vector<16xf32>
    %swap3A_2145 = vector.shape_cast %get3A_2139 : vector<16xf32> to vector<1x16xf32>
    tpu.vector_store %arg7[%swap3A_2141, %swap3A_2142], %swap3A_2145 {strides = array<i32>} : memref<32x128xf32, #tpu.memory_space<vmem>>, vector<1x16xf32>,
    %get3A_2146 = arith.constant 8 : i32
    %get3A_2147 = arith.index_cast %get3A_2146 : i32 to index
    %get3A_2148 = arith.index_cast %and3A_2085 : i32 to index
    %get3A_2149 = arith.constant 80 : index
    %get3A_2150 = tpu.vector_load %arg6[%get3A_2147, %get3A_2148, %get3A_2149] {strides = array<i32>} : memref<32x8x128xf32, #tpu.memory_space<vmem>>, vector<1x1x16xf32>,
    %get3A_2151 = vector.shape_cast %get3A_2150 : vector<1x1x16xf32> to vector<16xf32>
    %swap3A_2152 = arith.constant 8 : i32
    %swap3A_2153 = arith.index_cast %swap3A_2152 : i32 to index
    %swap3A_2154 = arith.constant 80 : index
    %swap3A_2155 = tpu.vector_load %arg7[%swap3A_2153, %swap3A_2154] {strides = array<i32>} : memref<32x128xf32, #tpu.memory_space<vmem>>, vector<1x16xf32>,
    %swap3A_2156 = vector.shape_cast %swap3A_2155 : vector<1x16xf32> to vector<16xf32>
    %swap3A_2157 = vector.shape_cast %get3A_2151 : vector<16xf32> to vector<1x16xf32>
    tpu.vector_store %arg7[%swap3A_2153, %swap3A_2154], %swap3A_2157 {strides = array<i32>} : memref<32x128xf32, #tpu.memory_space<vmem>>, vector<1x16xf32>,
    %get3A_2158 = arith.constant 8 : i32
    %get3A_2159 = arith.index_cast %get3A_2158 : i32 to index
    %get3A_2160 = arith.index_cast %and3A_2085 : i32 to index
    %get3A_2161 = arith.constant 96 : index
    %get3A_2162 = tpu.vector_load %arg6[%get3A_2159, %get3A_2160, %get3A_2161] {strides = array<i32>} : memref<32x8x128xf32, #tpu.memory_space<vmem>>, vector<1x1x16xf32>,
    %get3A_2163 = vector.shape_cast %get3A_2162 : vector<1x1x16xf32> to vector<16xf32>
    %swap3A_2164 = arith.constant 8 : i32
    %swap3A_2165 = arith.index_cast %swap3A_2164 : i32 to index
    %swap3A_2166 = arith.constant 96 : index
    %swap3A_2167 = tpu.vector_load %arg7[%swap3A_2165, %swap3A_2166] {strides = array<i32>} : memref<32x128xf32, #tpu.memory_space<vmem>>, vector<1x16xf32>,
    %swap3A_2168 = vector.shape_cast %swap3A_2167 : vector<1x16xf32> to vector<16xf32>
    %swap3A_2169 = vector.shape_cast %get3A_2163 : vector<16xf32> to vector<1x16xf32>
    tpu.vector_store %arg7[%swap3A_2165, %swap3A_2166], %swap3A_2169 {strides = array<i32>} : memref<32x128xf32, #tpu.memory_space<vmem>>, vector<1x16xf32>,
    %get3A_2170 = arith.constant 8 : i32
    %get3A_2171 = arith.index_cast %get3A_2170 : i32 to index
    %get3A_2172 = arith.index_cast %and3A_2085 : i32 to index
    %get3A_2173 = arith.constant 112 : index
    %get3A_2174 = tpu.vector_load %arg6[%get3A_2171, %get3A_2172, %get3A_2173] {strides = array<i32>} : memref<32x8x128xf32, #tpu.memory_space<vmem>>, vector<1x1x16xf32>,
    %get3A_2175 = vector.shape_cast %get3A_2174 : vector<1x1x16xf32> to vector<16xf32>
    %swap3A_2176 = arith.constant 8 : i32
    %swap3A_2177 = arith.index_cast %swap3A_2176 : i32 to index
    %swap3A_2178 = arith.constant 112 : index
    %swap3A_2179 = tpu.vector_load %arg7[%swap3A_2177, %swap3A_2178] {strides = array<i32>} : memref<32x128xf32, #tpu.memory_space<vmem>>, vector<1x16xf32>,
    %swap3A_2180 = vector.shape_cast %swap3A_2179 : vector<1x16xf32> to vector<16xf32>
    %swap3A_2181 = vector.shape_cast %get3A_2175 : vector<16xf32> to vector<1x16xf32>
    tpu.vector_store %arg7[%swap3A_2177, %swap3A_2178], %swap3A_2181 {strides = array<i32>} : memref<32x128xf32, #tpu.memory_space<vmem>>, vector<1x16xf32>,
    %add3A_2182 = arith.constant 9 : i32
    %add3A_2183 = arith.addi %mul3A_2, %add3A_2182 : i32
    %and3A_2184 = arith.constant 7 : i32
    %and3A_2185 = arith.andi %add3A_2183, %and3A_2184 : i32
    %get3A_2186 = arith.constant 9 : i32
    %get3A_2187 = arith.index_cast %get3A_2186 : i32 to index
    %get3A_2188 = arith.index_cast %and3A_2185 : i32 to index
    %get3A_2189 = arith.constant 0 : index
    %get3A_2190 = tpu.vector_load %arg6[%get3A_2187, %get3A_2188, %get3A_2189] {strides = array<i32>} : memref<32x8x128xf32, #tpu.memory_space<vmem>>, vector<1x1x16xf32>,
    %get3A_2191 = vector.shape_cast %get3A_2190 : vector<1x1x16xf32> to vector<16xf32>
    %swap3A_2192 = arith.constant 9 : i32
    %swap3A_2193 = arith.index_cast %swap3A_2192 : i32 to index
    %swap3A_2194 = arith.constant 0 : index
    %swap3A_2195 = tpu.vector_load %arg7[%swap3A_2193, %swap3A_2194] {strides = array<i32>} : memref<32x128xf32, #tpu.memory_space<vmem>>, vector<1x16xf32>,
    %swap3A_2196 = vector.shape_cast %swap3A_2195 : vector<1x16xf32> to vector<16xf32>
    %swap3A_2197 = vector.shape_cast %get3A_2191 : vector<16xf32> to vector<1x16xf32>
    tpu.vector_store %arg7[%swap3A_2193, %swap3A_2194], %swap3A_2197 {strides = array<i32>} : memref<32x128xf32, #tpu.memory_space<vmem>>, vector<1x16xf32>,
    %get3A_2198 = arith.constant 9 : i32
    %get3A_2199 = arith.index_cast %get3A_2198 : i32 to index
    %get3A_2200 = arith.index_cast %and3A_2185 : i32 to index
    %get3A_2201 = arith.constant 16 : index
    %get3A_2202 = tpu.vector_load %arg6[%get3A_2199, %get3A_2200, %get3A_2201] {strides = array<i32>} : memref<32x8x128xf32, #tpu.memory_space<vmem>>, vector<1x1x16xf32>,
    %get3A_2203 = vector.shape_cast %get3A_2202 : vector<1x1x16xf32> to vector<16xf32>
    %swap3A_2204 = arith.constant 9 : i32
    %swap3A_2205 = arith.index_cast %swap3A_2204 : i32 to index
    %swap3A_2206 = arith.constant 16 : index
    %swap3A_2207 = tpu.vector_load %arg7[%swap3A_2205, %swap3A_2206] {strides = array<i32>} : memref<32x128xf32, #tpu.memory_space<vmem>>, vector<1x16xf32>,
    %swap3A_2208 = vector.shape_cast %swap3A_2207 : vector<1x16xf32> to vector<16xf32>
    %swap3A_2209 = vector.shape_cast %get3A_2203 : vector<16xf32> to vector<1x16xf32>
    tpu.vector_store %arg7[%swap3A_2205, %swap3A_2206], %swap3A_2209 {strides = array<i32>} : memref<32x128xf32, #tpu.memory_space<vmem>>, vector<1x16xf32>,
    %get3A_2210 = arith.constant 9 : i32
    %get3A_2211 = arith.index_cast %get3A_2210 : i32 to index
    %get3A_2212 = arith.index_cast %and3A_2185 : i32 to index
    %get3A_2213 = arith.constant 32 : index
    %get3A_2214 = tpu.vector_load %arg6[%get3A_2211, %get3A_2212, %get3A_2213] {strides = array<i32>} : memref<32x8x128xf32, #tpu.memory_space<vmem>>, vector<1x1x16xf32>,
    %get3A_2215 = vector.shape_cast %get3A_2214 : vector<1x1x16xf32> to vector<16xf32>
    %swap3A_2216 = arith.constant 9 : i32
    %swap3A_2217 = arith.index_cast %swap3A_2216 : i32 to index
    %swap3A_2218 = arith.constant 32 : index
    %swap3A_2219 = tpu.vector_load %arg7[%swap3A_2217, %swap3A_2218] {strides = array<i32>} : memref<32x128xf32, #tpu.memory_space<vmem>>, vector<1x16xf32>,
    %swap3A_2220 = vector.shape_cast %swap3A_2219 : vector<1x16xf32> to vector<16xf32>
    %swap3A_2221 = vector.shape_cast %get3A_2215 : vector<16xf32> to vector<1x16xf32>
    tpu.vector_store %arg7[%swap3A_2217, %swap3A_2218], %swap3A_2221 {strides = array<i32>} : memref<32x128xf32, #tpu.memory_space<vmem>>, vector<1x16xf32>,
    %get3A_2222 = arith.constant 9 : i32
    %get3A_2223 = arith.index_cast %get3A_2222 : i32 to index
    %get3A_2224 = arith.index_cast %and3A_2185 : i32 to index
    %get3A_2225 = arith.constant 48 : index
    %get3A_2226 = tpu.vector_load %arg6[%get3A_2223, %get3A_2224, %get3A_2225] {strides = array<i32>} : memref<32x8x128xf32, #tpu.memory_space<vmem>>, vector<1x1x16xf32>,
    %get3A_2227 = vector.shape_cast %get3A_2226 : vector<1x1x16xf32> to vector<16xf32>
    %swap3A_2228 = arith.constant 9 : i32
    %swap3A_2229 = arith.index_cast %swap3A_2228 : i32 to index
    %swap3A_2230 = arith.constant 48 : index
    %swap3A_2231 = tpu.vector_load %arg7[%swap3A_2229, %swap3A_2230] {strides = array<i32>} : memref<32x128xf32, #tpu.memory_space<vmem>>, vector<1x16xf32>,
    %swap3A_2232 = vector.shape_cast %swap3A_2231 : vector<1x16xf32> to vector<16xf32>
    %swap3A_2233 = vector.shape_cast %get3A_2227 : vector<16xf32> to vector<1x16xf32>
    tpu.vector_store %arg7[%swap3A_2229, %swap3A_2230], %swap3A_2233 {strides = array<i32>} : memref<32x128xf32, #tpu.memory_space<vmem>>, vector<1x16xf32>,
    %get3A_2234 = arith.constant 9 : i32
    %get3A_2235 = arith.index_cast %get3A_2234 : i32 to index
    %get3A_2236 = arith.index_cast %and3A_2185 : i32 to index
    %get3A_2237 = arith.constant 64 : index
    %get3A_2238 = tpu.vector_load %arg6[%get3A_2235, %get3A_2236, %get3A_2237] {strides = array<i32>} : memref<32x8x128xf32, #tpu.memory_space<vmem>>, vector<1x1x16xf32>,
    %get3A_2239 = vector.shape_cast %get3A_2238 : vector<1x1x16xf32> to vector<16xf32>
    %swap3A_2240 = arith.constant 9 : i32
    %swap3A_2241 = arith.index_cast %swap3A_2240 : i32 to index
    %swap3A_2242 = arith.constant 64 : index
    %swap3A_2243 = tpu.vector_load %arg7[%swap3A_2241, %swap3A_2242] {strides = array<i32>} : memref<32x128xf32, #tpu.memory_space<vmem>>, vector<1x16xf32>,
    %swap3A_2244 = vector.shape_cast %swap3A_2243 : vector<1x16xf32> to vector<16xf32>
    %swap3A_2245 = vector.shape_cast %get3A_2239 : vector<16xf32> to vector<1x16xf32>
    tpu.vector_store %arg7[%swap3A_2241, %swap3A_2242], %swap3A_2245 {strides = array<i32>} : memref<32x128xf32, #tpu.memory_space<vmem>>, vector<1x16xf32>,
    %get3A_2246 = arith.constant 9 : i32
    %get3A_2247 = arith.index_cast %get3A_2246 : i32 to index
    %get3A_2248 = arith.index_cast %and3A_2185 : i32 to index
    %get3A_2249 = arith.constant 80 : index
    %get3A_2250 = tpu.vector_load %arg6[%get3A_2247, %get3A_2248, %get3A_2249] {strides = array<i32>} : memref<32x8x128xf32, #tpu.memory_space<vmem>>, vector<1x1x16xf32>,
    %get3A_2251 = vector.shape_cast %get3A_2250 : vector<1x1x16xf32> to vector<16xf32>
    %swap3A_2252 = arith.constant 9 : i32
    %swap3A_2253 = arith.index_cast %swap3A_2252 : i32 to index
    %swap3A_2254 = arith.constant 80 : index
    %swap3A_2255 = tpu.vector_load %arg7[%swap3A_2253, %swap3A_2254] {strides = array<i32>} : memref<32x128xf32, #tpu.memory_space<vmem>>, vector<1x16xf32>,
    %swap3A_2256 = vector.shape_cast %swap3A_2255 : vector<1x16xf32> to vector<16xf32>
    %swap3A_2257 = vector.shape_cast %get3A_2251 : vector<16xf32> to vector<1x16xf32>
    tpu.vector_store %arg7[%swap3A_2253, %swap3A_2254], %swap3A_2257 {strides = array<i32>} : memref<32x128xf32, #tpu.memory_space<vmem>>, vector<1x16xf32>,
    %get3A_2258 = arith.constant 9 : i32
    %get3A_2259 = arith.index_cast %get3A_2258 : i32 to index
    %get3A_2260 = arith.index_cast %and3A_2185 : i32 to index
    %get3A_2261 = arith.constant 96 : index
    %get3A_2262 = tpu.vector_load %arg6[%get3A_2259, %get3A_2260, %get3A_2261] {strides = array<i32>} : memref<32x8x128xf32, #tpu.memory_space<vmem>>, vector<1x1x16xf32>,
    %get3A_2263 = vector.shape_cast %get3A_2262 : vector<1x1x16xf32> to vector<16xf32>
    %swap3A_2264 = arith.constant 9 : i32
    %swap3A_2265 = arith.index_cast %swap3A_2264 : i32 to index
    %swap3A_2266 = arith.constant 96 : index
    %swap3A_2267 = tpu.vector_load %arg7[%swap3A_2265, %swap3A_2266] {strides = array<i32>} : memref<32x128xf32, #tpu.memory_space<vmem>>, vector<1x16xf32>,
    %swap3A_2268 = vector.shape_cast %swap3A_2267 : vector<1x16xf32> to vector<16xf32>
    %swap3A_2269 = vector.shape_cast %get3A_2263 : vector<16xf32> to vector<1x16xf32>
    tpu.vector_store %arg7[%swap3A_2265, %swap3A_2266], %swap3A_2269 {strides = array<i32>} : memref<32x128xf32, #tpu.memory_space<vmem>>, vector<1x16xf32>,
    %get3A_2270 = arith.constant 9 : i32
    %get3A_2271 = arith.index_cast %get3A_2270 : i32 to index
    %get3A_2272 = arith.index_cast %and3A_2185 : i32 to index
    %get3A_2273 = arith.constant 112 : index
    %get3A_2274 = tpu.vector_load %arg6[%get3A_2271, %get3A_2272, %get3A_2273] {strides = array<i32>} : memref<32x8x128xf32, #tpu.memory_space<vmem>>, vector<1x1x16xf32>,
    %get3A_2275 = vector.shape_cast %get3A_2274 : vector<1x1x16xf32> to vector<16xf32>
    %swap3A_2276 = arith.constant 9 : i32
    %swap3A_2277 = arith.index_cast %swap3A_2276 : i32 to index
    %swap3A_2278 = arith.constant 112 : index
    %swap3A_2279 = tpu.vector_load %arg7[%swap3A_2277, %swap3A_2278] {strides = array<i32>} : memref<32x128xf32, #tpu.memory_space<vmem>>, vector<1x16xf32>,
    %swap3A_2280 = vector.shape_cast %swap3A_2279 : vector<1x16xf32> to vector<16xf32>
    %swap3A_2281 = vector.shape_cast %get3A_2275 : vector<16xf32> to vector<1x16xf32>
    tpu.vector_store %arg7[%swap3A_2277, %swap3A_2278], %swap3A_2281 {strides = array<i32>} : memref<32x128xf32, #tpu.memory_space<vmem>>, vector<1x16xf32>,
    %add3A_2282 = arith.constant 10 : i32
    %add3A_2283 = arith.addi %mul3A_2, %add3A_2282 : i32
    %and3A_2284 = arith.constant 7 : i32
    %and3A_2285 = arith.andi %add3A_2283, %and3A_2284 : i32
    %get3A_2286 = arith.constant 10 : i32
    %get3A_2287 = arith.index_cast %get3A_2286 : i32 to index
    %get3A_2288 = arith.index_cast %and3A_2285 : i32 to index
    %get3A_2289 = arith.constant 0 : index
    %get3A_2290 = tpu.vector_load %arg6[%get3A_2287, %get3A_2288, %get3A_2289] {strides = array<i32>} : memref<32x8x128xf32, #tpu.memory_space<vmem>>, vector<1x1x16xf32>,
    %get3A_2291 = vector.shape_cast %get3A_2290 : vector<1x1x16xf32> to vector<16xf32>
    %swap3A_2292 = arith.constant 10 : i32
    %swap3A_2293 = arith.index_cast %swap3A_2292 : i32 to index
    %swap3A_2294 = arith.constant 0 : index
    %swap3A_2295 = tpu.vector_load %arg7[%swap3A_2293, %swap3A_2294] {strides = array<i32>} : memref<32x128xf32, #tpu.memory_space<vmem>>, vector<1x16xf32>,
    %swap3A_2296 = vector.shape_cast %swap3A_2295 : vector<1x16xf32> to vector<16xf32>
    %swap3A_2297 = vector.shape_cast %get3A_2291 : vector<16xf32> to vector<1x16xf32>
    tpu.vector_store %arg7[%swap3A_2293, %swap3A_2294], %swap3A_2297 {strides = array<i32>} : memref<32x128xf32, #tpu.memory_space<vmem>>, vector<1x16xf32>,
    %get3A_2298 = arith.constant 10 : i32
    %get3A_2299 = arith.index_cast %get3A_2298 : i32 to index
    %get3A_2300 = arith.index_cast %and3A_2285 : i32 to index
    %get3A_2301 = arith.constant 16 : index
    %get3A_2302 = tpu.vector_load %arg6[%get3A_2299, %get3A_2300, %get3A_2301] {strides = array<i32>} : memref<32x8x128xf32, #tpu.memory_space<vmem>>, vector<1x1x16xf32>,
    %get3A_2303 = vector.shape_cast %get3A_2302 : vector<1x1x16xf32> to vector<16xf32>
    %swap3A_2304 = arith.constant 10 : i32
    %swap3A_2305 = arith.index_cast %swap3A_2304 : i32 to index
    %swap3A_2306 = arith.constant 16 : index
    %swap3A_2307 = tpu.vector_load %arg7[%swap3A_2305, %swap3A_2306] {strides = array<i32>} : memref<32x128xf32, #tpu.memory_space<vmem>>, vector<1x16xf32>,
    %swap3A_2308 = vector.shape_cast %swap3A_2307 : vector<1x16xf32> to vector<16xf32>
    %swap3A_2309 = vector.shape_cast %get3A_2303 : vector<16xf32> to vector<1x16xf32>
    tpu.vector_store %arg7[%swap3A_2305, %swap3A_2306], %swap3A_2309 {strides = array<i32>} : memref<32x128xf32, #tpu.memory_space<vmem>>, vector<1x16xf32>,
    %get3A_2310 = arith.constant 10 : i32
    %get3A_2311 = arith.index_cast %get3A_2310 : i32 to index
    %get3A_2312 = arith.index_cast %and3A_2285 : i32 to index
    %get3A_2313 = arith.constant 32 : index
    %get3A_2314 = tpu.vector_load %arg6[%get3A_2311, %get3A_2312, %get3A_2313] {strides = array<i32>} : memref<32x8x128xf32, #tpu.memory_space<vmem>>, vector<1x1x16xf32>,
    %get3A_2315 = vector.shape_cast %get3A_2314 : vector<1x1x16xf32> to vector<16xf32>
    %swap3A_2316 = arith.constant 10 : i32
    %swap3A_2317 = arith.index_cast %swap3A_2316 : i32 to index
    %swap3A_2318 = arith.constant 32 : index
    %swap3A_2319 = tpu.vector_load %arg7[%swap3A_2317, %swap3A_2318] {strides = array<i32>} : memref<32x128xf32, #tpu.memory_space<vmem>>, vector<1x16xf32>,
    %swap3A_2320 = vector.shape_cast %swap3A_2319 : vector<1x16xf32> to vector<16xf32>
    %swap3A_2321 = vector.shape_cast %get3A_2315 : vector<16xf32> to vector<1x16xf32>
    tpu.vector_store %arg7[%swap3A_2317, %swap3A_2318], %swap3A_2321 {strides = array<i32>} : memref<32x128xf32, #tpu.memory_space<vmem>>, vector<1x16xf32>,
    %get3A_2322 = arith.constant 10 : i32
    %get3A_2323 = arith.index_cast %get3A_2322 : i32 to index
    %get3A_2324 = arith.index_cast %and3A_2285 : i32 to index
    %get3A_2325 = arith.constant 48 : index
    %get3A_2326 = tpu.vector_load %arg6[%get3A_2323, %get3A_2324, %get3A_2325] {strides = array<i32>} : memref<32x8x128xf32, #tpu.memory_space<vmem>>, vector<1x1x16xf32>,
    %get3A_2327 = vector.shape_cast %get3A_2326 : vector<1x1x16xf32> to vector<16xf32>
    %swap3A_2328 = arith.constant 10 : i32
    %swap3A_2329 = arith.index_cast %swap3A_2328 : i32 to index
    %swap3A_2330 = arith.constant 48 : index
    %swap3A_2331 = tpu.vector_load %arg7[%swap3A_2329, %swap3A_2330] {strides = array<i32>} : memref<32x128xf32, #tpu.memory_space<vmem>>, vector<1x16xf32>,
    %swap3A_2332 = vector.shape_cast %swap3A_2331 : vector<1x16xf32> to vector<16xf32>
    %swap3A_2333 = vector.shape_cast %get3A_2327 : vector<16xf32> to vector<1x16xf32>
    tpu.vector_store %arg7[%swap3A_2329, %swap3A_2330], %swap3A_2333 {strides = array<i32>} : memref<32x128xf32, #tpu.memory_space<vmem>>, vector<1x16xf32>,
    %get3A_2334 = arith.constant 10 : i32
    %get3A_2335 = arith.index_cast %get3A_2334 : i32 to index
    %get3A_2336 = arith.index_cast %and3A_2285 : i32 to index
    %get3A_2337 = arith.constant 64 : index
    %get3A_2338 = tpu.vector_load %arg6[%get3A_2335, %get3A_2336, %get3A_2337] {strides = array<i32>} : memref<32x8x128xf32, #tpu.memory_space<vmem>>, vector<1x1x16xf32>,
    %get3A_2339 = vector.shape_cast %get3A_2338 : vector<1x1x16xf32> to vector<16xf32>
    %swap3A_2340 = arith.constant 10 : i32
    %swap3A_2341 = arith.index_cast %swap3A_2340 : i32 to index
    %swap3A_2342 = arith.constant 64 : index
    %swap3A_2343 = tpu.vector_load %arg7[%swap3A_2341, %swap3A_2342] {strides = array<i32>} : memref<32x128xf32, #tpu.memory_space<vmem>>, vector<1x16xf32>,
    %swap3A_2344 = vector.shape_cast %swap3A_2343 : vector<1x16xf32> to vector<16xf32>
    %swap3A_2345 = vector.shape_cast %get3A_2339 : vector<16xf32> to vector<1x16xf32>
    tpu.vector_store %arg7[%swap3A_2341, %swap3A_2342], %swap3A_2345 {strides = array<i32>} : memref<32x128xf32, #tpu.memory_space<vmem>>, vector<1x16xf32>,
    %get3A_2346 = arith.constant 10 : i32
    %get3A_2347 = arith.index_cast %get3A_2346 : i32 to index
    %get3A_2348 = arith.index_cast %and3A_2285 : i32 to index
    %get3A_2349 = arith.constant 80 : index
    %get3A_2350 = tpu.vector_load %arg6[%get3A_2347, %get3A_2348, %get3A_2349] {strides = array<i32>} : memref<32x8x128xf32, #tpu.memory_space<vmem>>, vector<1x1x16xf32>,
    %get3A_2351 = vector.shape_cast %get3A_2350 : vector<1x1x16xf32> to vector<16xf32>
    %swap3A_2352 = arith.constant 10 : i32
    %swap3A_2353 = arith.index_cast %swap3A_2352 : i32 to index
    %swap3A_2354 = arith.constant 80 : index
    %swap3A_2355 = tpu.vector_load %arg7[%swap3A_2353, %swap3A_2354] {strides = array<i32>} : memref<32x128xf32, #tpu.memory_space<vmem>>, vector<1x16xf32>,
    %swap3A_2356 = vector.shape_cast %swap3A_2355 : vector<1x16xf32> to vector<16xf32>
    %swap3A_2357 = vector.shape_cast %get3A_2351 : vector<16xf32> to vector<1x16xf32>
    tpu.vector_store %arg7[%swap3A_2353, %swap3A_2354], %swap3A_2357 {strides = array<i32>} : memref<32x128xf32, #tpu.memory_space<vmem>>, vector<1x16xf32>,
    %get3A_2358 = arith.constant 10 : i32
    %get3A_2359 = arith.index_cast %get3A_2358 : i32 to index
    %get3A_2360 = arith.index_cast %and3A_2285 : i32 to index
    %get3A_2361 = arith.constant 96 : index
    %get3A_2362 = tpu.vector_load %arg6[%get3A_2359, %get3A_2360, %get3A_2361] {strides = array<i32>} : memref<32x8x128xf32, #tpu.memory_space<vmem>>, vector<1x1x16xf32>,
    %get3A_2363 = vector.shape_cast %get3A_2362 : vector<1x1x16xf32> to vector<16xf32>
    %swap3A_2364 = arith.constant 10 : i32
    %swap3A_2365 = arith.index_cast %swap3A_2364 : i32 to index
    %swap3A_2366 = arith.constant 96 : index
    %swap3A_2367 = tpu.vector_load %arg7[%swap3A_2365, %swap3A_2366] {strides = array<i32>} : memref<32x128xf32, #tpu.memory_space<vmem>>, vector<1x16xf32>,
    %swap3A_2368 = vector.shape_cast %swap3A_2367 : vector<1x16xf32> to vector<16xf32>
    %swap3A_2369 = vector.shape_cast %get3A_2363 : vector<16xf32> to vector<1x16xf32>
    tpu.vector_store %arg7[%swap3A_2365, %swap3A_2366], %swap3A_2369 {strides = array<i32>} : memref<32x128xf32, #tpu.memory_space<vmem>>, vector<1x16xf32>,
    %get3A_2370 = arith.constant 10 : i32
    %get3A_2371 = arith.index_cast %get3A_2370 : i32 to index
    %get3A_2372 = arith.index_cast %and3A_2285 : i32 to index
    %get3A_2373 = arith.constant 112 : index
    %get3A_2374 = tpu.vector_load %arg6[%get3A_2371, %get3A_2372, %get3A_2373] {strides = array<i32>} : memref<32x8x128xf32, #tpu.memory_space<vmem>>, vector<1x1x16xf32>,
    %get3A_2375 = vector.shape_cast %get3A_2374 : vector<1x1x16xf32> to vector<16xf32>
    %swap3A_2376 = arith.constant 10 : i32
    %swap3A_2377 = arith.index_cast %swap3A_2376 : i32 to index
    %swap3A_2378 = arith.constant 112 : index
    %swap3A_2379 = tpu.vector_load %arg7[%swap3A_2377, %swap3A_2378] {strides = array<i32>} : memref<32x128xf32, #tpu.memory_space<vmem>>, vector<1x16xf32>,
    %swap3A_2380 = vector.shape_cast %swap3A_2379 : vector<1x16xf32> to vector<16xf32>
    %swap3A_2381 = vector.shape_cast %get3A_2375 : vector<16xf32> to vector<1x16xf32>
    tpu.vector_store %arg7[%swap3A_2377, %swap3A_2378], %swap3A_2381 {strides = array<i32>} : memref<32x128xf32, #tpu.memory_space<vmem>>, vector<1x16xf32>,
    %add3A_2382 = arith.constant 11 : i32
    %add3A_2383 = arith.addi %mul3A_2, %add3A_2382 : i32
    %and3A_2384 = arith.constant 7 : i32
    %and3A_2385 = arith.andi %add3A_2383, %and3A_2384 : i32
    %get3A_2386 = arith.constant 11 : i32
    %get3A_2387 = arith.index_cast %get3A_2386 : i32 to index
    %get3A_2388 = arith.index_cast %and3A_2385 : i32 to index
    %get3A_2389 = arith.constant 0 : index
    %get3A_2390 = tpu.vector_load %arg6[%get3A_2387, %get3A_2388, %get3A_2389] {strides = array<i32>} : memref<32x8x128xf32, #tpu.memory_space<vmem>>, vector<1x1x16xf32>,
    %get3A_2391 = vector.shape_cast %get3A_2390 : vector<1x1x16xf32> to vector<16xf32>
    %swap3A_2392 = arith.constant 11 : i32
    %swap3A_2393 = arith.index_cast %swap3A_2392 : i32 to index
    %swap3A_2394 = arith.constant 0 : index
    %swap3A_2395 = tpu.vector_load %arg7[%swap3A_2393, %swap3A_2394] {strides = array<i32>} : memref<32x128xf32, #tpu.memory_space<vmem>>, vector<1x16xf32>,
    %swap3A_2396 = vector.shape_cast %swap3A_2395 : vector<1x16xf32> to vector<16xf32>
    %swap3A_2397 = vector.shape_cast %get3A_2391 : vector<16xf32> to vector<1x16xf32>
    tpu.vector_store %arg7[%swap3A_2393, %swap3A_2394], %swap3A_2397 {strides = array<i32>} : memref<32x128xf32, #tpu.memory_space<vmem>>, vector<1x16xf32>,
    %get3A_2398 = arith.constant 11 : i32
    %get3A_2399 = arith.index_cast %get3A_2398 : i32 to index
    %get3A_2400 = arith.index_cast %and3A_2385 : i32 to index
    %get3A_2401 = arith.constant 16 : index
    %get3A_2402 = tpu.vector_load %arg6[%get3A_2399, %get3A_2400, %get3A_2401] {strides = array<i32>} : memref<32x8x128xf32, #tpu.memory_space<vmem>>, vector<1x1x16xf32>,
    %get3A_2403 = vector.shape_cast %get3A_2402 : vector<1x1x16xf32> to vector<16xf32>
    %swap3A_2404 = arith.constant 11 : i32
    %swap3A_2405 = arith.index_cast %swap3A_2404 : i32 to index
    %swap3A_2406 = arith.constant 16 : index
    %swap3A_2407 = tpu.vector_load %arg7[%swap3A_2405, %swap3A_2406] {strides = array<i32>} : memref<32x128xf32, #tpu.memory_space<vmem>>, vector<1x16xf32>,
    %swap3A_2408 = vector.shape_cast %swap3A_2407 : vector<1x16xf32> to vector<16xf32>
    %swap3A_2409 = vector.shape_cast %get3A_2403 : vector<16xf32> to vector<1x16xf32>
    tpu.vector_store %arg7[%swap3A_2405, %swap3A_2406], %swap3A_2409 {strides = array<i32>} : memref<32x128xf32, #tpu.memory_space<vmem>>, vector<1x16xf32>,
    %get3A_2410 = arith.constant 11 : i32
    %get3A_2411 = arith.index_cast %get3A_2410 : i32 to index
    %get3A_2412 = arith.index_cast %and3A_2385 : i32 to index
    %get3A_2413 = arith.constant 32 : index
    %get3A_2414 = tpu.vector_load %arg6[%get3A_2411, %get3A_2412, %get3A_2413] {strides = array<i32>} : memref<32x8x128xf32, #tpu.memory_space<vmem>>, vector<1x1x16xf32>,
    %get3A_2415 = vector.shape_cast %get3A_2414 : vector<1x1x16xf32> to vector<16xf32>
    %swap3A_2416 = arith.constant 11 : i32
    %swap3A_2417 = arith.index_cast %swap3A_2416 : i32 to index
    %swap3A_2418 = arith.constant 32 : index
    %swap3A_2419 = tpu.vector_load %arg7[%swap3A_2417, %swap3A_2418] {strides = array<i32>} : memref<32x128xf32, #tpu.memory_space<vmem>>, vector<1x16xf32>,
    %swap3A_2420 = vector.shape_cast %swap3A_2419 : vector<1x16xf32> to vector<16xf32>
    %swap3A_2421 = vector.shape_cast %get3A_2415 : vector<16xf32> to vector<1x16xf32>
    tpu.vector_store %arg7[%swap3A_2417, %swap3A_2418], %swap3A_2421 {strides = array<i32>} : memref<32x128xf32, #tpu.memory_space<vmem>>, vector<1x16xf32>,
    %get3A_2422 = arith.constant 11 : i32
    %get3A_2423 = arith.index_cast %get3A_2422 : i32 to index
    %get3A_2424 = arith.index_cast %and3A_2385 : i32 to index
    %get3A_2425 = arith.constant 48 : index
    %get3A_2426 = tpu.vector_load %arg6[%get3A_2423, %get3A_2424, %get3A_2425] {strides = array<i32>} : memref<32x8x128xf32, #tpu.memory_space<vmem>>, vector<1x1x16xf32>,
    %get3A_2427 = vector.shape_cast %get3A_2426 : vector<1x1x16xf32> to vector<16xf32>
    %swap3A_2428 = arith.constant 11 : i32
    %swap3A_2429 = arith.index_cast %swap3A_2428 : i32 to index
    %swap3A_2430 = arith.constant 48 : index
    %swap3A_2431 = tpu.vector_load %arg7[%swap3A_2429, %swap3A_2430] {strides = array<i32>} : memref<32x128xf32, #tpu.memory_space<vmem>>, vector<1x16xf32>,
    %swap3A_2432 = vector.shape_cast %swap3A_2431 : vector<1x16xf32> to vector<16xf32>
    %swap3A_2433 = vector.shape_cast %get3A_2427 : vector<16xf32> to vector<1x16xf32>
    tpu.vector_store %arg7[%swap3A_2429, %swap3A_2430], %swap3A_2433 {strides = array<i32>} : memref<32x128xf32, #tpu.memory_space<vmem>>, vector<1x16xf32>,
    %get3A_2434 = arith.constant 11 : i32
    %get3A_2435 = arith.index_cast %get3A_2434 : i32 to index
    %get3A_2436 = arith.index_cast %and3A_2385 : i32 to index
    %get3A_2437 = arith.constant 64 : index
    %get3A_2438 = tpu.vector_load %arg6[%get3A_2435, %get3A_2436, %get3A_2437] {strides = array<i32>} : memref<32x8x128xf32, #tpu.memory_space<vmem>>, vector<1x1x16xf32>,
    %get3A_2439 = vector.shape_cast %get3A_2438 : vector<1x1x16xf32> to vector<16xf32>
    %swap3A_2440 = arith.constant 11 : i32
    %swap3A_2441 = arith.index_cast %swap3A_2440 : i32 to index
    %swap3A_2442 = arith.constant 64 : index
    %swap3A_2443 = tpu.vector_load %arg7[%swap3A_2441, %swap3A_2442] {strides = array<i32>} : memref<32x128xf32, #tpu.memory_space<vmem>>, vector<1x16xf32>,
    %swap3A_2444 = vector.shape_cast %swap3A_2443 : vector<1x16xf32> to vector<16xf32>
    %swap3A_2445 = vector.shape_cast %get3A_2439 : vector<16xf32> to vector<1x16xf32>
    tpu.vector_store %arg7[%swap3A_2441, %swap3A_2442], %swap3A_2445 {strides = array<i32>} : memref<32x128xf32, #tpu.memory_space<vmem>>, vector<1x16xf32>,
    %get3A_2446 = arith.constant 11 : i32
    %get3A_2447 = arith.index_cast %get3A_2446 : i32 to index
    %get3A_2448 = arith.index_cast %and3A_2385 : i32 to index
    %get3A_2449 = arith.constant 80 : index
    %get3A_2450 = tpu.vector_load %arg6[%get3A_2447, %get3A_2448, %get3A_2449] {strides = array<i32>} : memref<32x8x128xf32, #tpu.memory_space<vmem>>, vector<1x1x16xf32>,
    %get3A_2451 = vector.shape_cast %get3A_2450 : vector<1x1x16xf32> to vector<16xf32>
    %swap3A_2452 = arith.constant 11 : i32
    %swap3A_2453 = arith.index_cast %swap3A_2452 : i32 to index
    %swap3A_2454 = arith.constant 80 : index
    %swap3A_2455 = tpu.vector_load %arg7[%swap3A_2453, %swap3A_2454] {strides = array<i32>} : memref<32x128xf32, #tpu.memory_space<vmem>>, vector<1x16xf32>,
    %swap3A_2456 = vector.shape_cast %swap3A_2455 : vector<1x16xf32> to vector<16xf32>
    %swap3A_2457 = vector.shape_cast %get3A_2451 : vector<16xf32> to vector<1x16xf32>
    tpu.vector_store %arg7[%swap3A_2453, %swap3A_2454], %swap3A_2457 {strides = array<i32>} : memref<32x128xf32, #tpu.memory_space<vmem>>, vector<1x16xf32>,
    %get3A_2458 = arith.constant 11 : i32
    %get3A_2459 = arith.index_cast %get3A_2458 : i32 to index
    %get3A_2460 = arith.index_cast %and3A_2385 : i32 to index
    %get3A_2461 = arith.constant 96 : index
    %get3A_2462 = tpu.vector_load %arg6[%get3A_2459, %get3A_2460, %get3A_2461] {strides = array<i32>} : memref<32x8x128xf32, #tpu.memory_space<vmem>>, vector<1x1x16xf32>,
    %get3A_2463 = vector.shape_cast %get3A_2462 : vector<1x1x16xf32> to vector<16xf32>
    %swap3A_2464 = arith.constant 11 : i32
    %swap3A_2465 = arith.index_cast %swap3A_2464 : i32 to index
    %swap3A_2466 = arith.constant 96 : index
    %swap3A_2467 = tpu.vector_load %arg7[%swap3A_2465, %swap3A_2466] {strides = array<i32>} : memref<32x128xf32, #tpu.memory_space<vmem>>, vector<1x16xf32>,
    %swap3A_2468 = vector.shape_cast %swap3A_2467 : vector<1x16xf32> to vector<16xf32>
    %swap3A_2469 = vector.shape_cast %get3A_2463 : vector<16xf32> to vector<1x16xf32>
    tpu.vector_store %arg7[%swap3A_2465, %swap3A_2466], %swap3A_2469 {strides = array<i32>} : memref<32x128xf32, #tpu.memory_space<vmem>>, vector<1x16xf32>,
    %get3A_2470 = arith.constant 11 : i32
    %get3A_2471 = arith.index_cast %get3A_2470 : i32 to index
    %get3A_2472 = arith.index_cast %and3A_2385 : i32 to index
    %get3A_2473 = arith.constant 112 : index
    %get3A_2474 = tpu.vector_load %arg6[%get3A_2471, %get3A_2472, %get3A_2473] {strides = array<i32>} : memref<32x8x128xf32, #tpu.memory_space<vmem>>, vector<1x1x16xf32>,
    %get3A_2475 = vector.shape_cast %get3A_2474 : vector<1x1x16xf32> to vector<16xf32>
    %swap3A_2476 = arith.constant 11 : i32
    %swap3A_2477 = arith.index_cast %swap3A_2476 : i32 to index
    %swap3A_2478 = arith.constant 112 : index
    %swap3A_2479 = tpu.vector_load %arg7[%swap3A_2477, %swap3A_2478] {strides = array<i32>} : memref<32x128xf32, #tpu.memory_space<vmem>>, vector<1x16xf32>,
    %swap3A_2480 = vector.shape_cast %swap3A_2479 : vector<1x16xf32> to vector<16xf32>
    %swap3A_2481 = vector.shape_cast %get3A_2475 : vector<16xf32> to vector<1x16xf32>
    tpu.vector_store %arg7[%swap3A_2477, %swap3A_2478], %swap3A_2481 {strides = array<i32>} : memref<32x128xf32, #tpu.memory_space<vmem>>, vector<1x16xf32>,
    %add3A_2482 = arith.constant 12 : i32
    %add3A_2483 = arith.addi %mul3A_2, %add3A_2482 : i32
    %and3A_2484 = arith.constant 7 : i32
    %and3A_2485 = arith.andi %add3A_2483, %and3A_2484 : i32
    %get3A_2486 = arith.constant 12 : i32
    %get3A_2487 = arith.index_cast %get3A_2486 : i32 to index
    %get3A_2488 = arith.index_cast %and3A_2485 : i32 to index
    %get3A_2489 = arith.constant 0 : index
    %get3A_2490 = tpu.vector_load %arg6[%get3A_2487, %get3A_2488, %get3A_2489] {strides = array<i32>} : memref<32x8x128xf32, #tpu.memory_space<vmem>>, vector<1x1x16xf32>,
    %get3A_2491 = vector.shape_cast %get3A_2490 : vector<1x1x16xf32> to vector<16xf32>
    %swap3A_2492 = arith.constant 12 : i32
    %swap3A_2493 = arith.index_cast %swap3A_2492 : i32 to index
    %swap3A_2494 = arith.constant 0 : index
    %swap3A_2495 = tpu.vector_load %arg7[%swap3A_2493, %swap3A_2494] {strides = array<i32>} : memref<32x128xf32, #tpu.memory_space<vmem>>, vector<1x16xf32>,
    %swap3A_2496 = vector.shape_cast %swap3A_2495 : vector<1x16xf32> to vector<16xf32>
    %swap3A_2497 = vector.shape_cast %get3A_2491 : vector<16xf32> to vector<1x16xf32>
    tpu.vector_store %arg7[%swap3A_2493, %swap3A_2494], %swap3A_2497 {strides = array<i32>} : memref<32x128xf32, #tpu.memory_space<vmem>>, vector<1x16xf32>,
    %get3A_2498 = arith.constant 12 : i32
    %get3A_2499 = arith.index_cast %get3A_2498 : i32 to index
    %get3A_2500 = arith.index_cast %and3A_2485 : i32 to index
    %get3A_2501 = arith.constant 16 : index
    %get3A_2502 = tpu.vector_load %arg6[%get3A_2499, %get3A_2500, %get3A_2501] {strides = array<i32>} : memref<32x8x128xf32, #tpu.memory_space<vmem>>, vector<1x1x16xf32>,
    %get3A_2503 = vector.shape_cast %get3A_2502 : vector<1x1x16xf32> to vector<16xf32>
    %swap3A_2504 = arith.constant 12 : i32
    %swap3A_2505 = arith.index_cast %swap3A_2504 : i32 to index
    %swap3A_2506 = arith.constant 16 : index
    %swap3A_2507 = tpu.vector_load %arg7[%swap3A_2505, %swap3A_2506] {strides = array<i32>} : memref<32x128xf32, #tpu.memory_space<vmem>>, vector<1x16xf32>,
    %swap3A_2508 = vector.shape_cast %swap3A_2507 : vector<1x16xf32> to vector<16xf32>
    %swap3A_2509 = vector.shape_cast %get3A_2503 : vector<16xf32> to vector<1x16xf32>
    tpu.vector_store %arg7[%swap3A_2505, %swap3A_2506], %swap3A_2509 {strides = array<i32>} : memref<32x128xf32, #tpu.memory_space<vmem>>, vector<1x16xf32>,
    %get3A_2510 = arith.constant 12 : i32
    %get3A_2511 = arith.index_cast %get3A_2510 : i32 to index
    %get3A_2512 = arith.index_cast %and3A_2485 : i32 to index
    %get3A_2513 = arith.constant 32 : index
    %get3A_2514 = tpu.vector_load %arg6[%get3A_2511, %get3A_2512, %get3A_2513] {strides = array<i32>} : memref<32x8x128xf32, #tpu.memory_space<vmem>>, vector<1x1x16xf32>,
    %get3A_2515 = vector.shape_cast %get3A_2514 : vector<1x1x16xf32> to vector<16xf32>
    %swap3A_2516 = arith.constant 12 : i32
    %swap3A_2517 = arith.index_cast %swap3A_2516 : i32 to index
    %swap3A_2518 = arith.constant 32 : index
    %swap3A_2519 = tpu.vector_load %arg7[%swap3A_2517, %swap3A_2518] {strides = array<i32>} : memref<32x128xf32, #tpu.memory_space<vmem>>, vector<1x16xf32>,
    %swap3A_2520 = vector.shape_cast %swap3A_2519 : vector<1x16xf32> to vector<16xf32>
    %swap3A_2521 = vector.shape_cast %get3A_2515 : vector<16xf32> to vector<1x16xf32>
    tpu.vector_store %arg7[%swap3A_2517, %swap3A_2518], %swap3A_2521 {strides = array<i32>} : memref<32x128xf32, #tpu.memory_space<vmem>>, vector<1x16xf32>,
    %get3A_2522 = arith.constant 12 : i32
    %get3A_2523 = arith.index_cast %get3A_2522 : i32 to index
    %get3A_2524 = arith.index_cast %and3A_2485 : i32 to index
    %get3A_2525 = arith.constant 48 : index
    %get3A_2526 = tpu.vector_load %arg6[%get3A_2523, %get3A_2524, %get3A_2525] {strides = array<i32>} : memref<32x8x128xf32, #tpu.memory_space<vmem>>, vector<1x1x16xf32>,
    %get3A_2527 = vector.shape_cast %get3A_2526 : vector<1x1x16xf32> to vector<16xf32>
    %swap3A_2528 = arith.constant 12 : i32
    %swap3A_2529 = arith.index_cast %swap3A_2528 : i32 to index
    %swap3A_2530 = arith.constant 48 : index
    %swap3A_2531 = tpu.vector_load %arg7[%swap3A_2529, %swap3A_2530] {strides = array<i32>} : memref<32x128xf32, #tpu.memory_space<vmem>>, vector<1x16xf32>,
    %swap3A_2532 = vector.shape_cast %swap3A_2531 : vector<1x16xf32> to vector<16xf32>
    %swap3A_2533 = vector.shape_cast %get3A_2527 : vector<16xf32> to vector<1x16xf32>
    tpu.vector_store %arg7[%swap3A_2529, %swap3A_2530], %swap3A_2533 {strides = array<i32>} : memref<32x128xf32, #tpu.memory_space<vmem>>, vector<1x16xf32>,
    %get3A_2534 = arith.constant 12 : i32
    %get3A_2535 = arith.index_cast %get3A_2534 : i32 to index
    %get3A_2536 = arith.index_cast %and3A_2485 : i32 to index
    %get3A_2537 = arith.constant 64 : index
    %get3A_2538 = tpu.vector_load %arg6[%get3A_2535, %get3A_2536, %get3A_2537] {strides = array<i32>} : memref<32x8x128xf32, #tpu.memory_space<vmem>>, vector<1x1x16xf32>,
    %get3A_2539 = vector.shape_cast %get3A_2538 : vector<1x1x16xf32> to vector<16xf32>
    %swap3A_2540 = arith.constant 12 : i32
    %swap3A_2541 = arith.index_cast %swap3A_2540 : i32 to index
    %swap3A_2542 = arith.constant 64 : index
    %swap3A_2543 = tpu.vector_load %arg7[%swap3A_2541, %swap3A_2542] {strides = array<i32>} : memref<32x128xf32, #tpu.memory_space<vmem>>, vector<1x16xf32>,
    %swap3A_2544 = vector.shape_cast %swap3A_2543 : vector<1x16xf32> to vector<16xf32>
    %swap3A_2545 = vector.shape_cast %get3A_2539 : vector<16xf32> to vector<1x16xf32>
    tpu.vector_store %arg7[%swap3A_2541, %swap3A_2542], %swap3A_2545 {strides = array<i32>} : memref<32x128xf32, #tpu.memory_space<vmem>>, vector<1x16xf32>,
    %get3A_2546 = arith.constant 12 : i32
    %get3A_2547 = arith.index_cast %get3A_2546 : i32 to index
    %get3A_2548 = arith.index_cast %and3A_2485 : i32 to index
    %get3A_2549 = arith.constant 80 : index
    %get3A_2550 = tpu.vector_load %arg6[%get3A_2547, %get3A_2548, %get3A_2549] {strides = array<i32>} : memref<32x8x128xf32, #tpu.memory_space<vmem>>, vector<1x1x16xf32>,
    %get3A_2551 = vector.shape_cast %get3A_2550 : vector<1x1x16xf32> to vector<16xf32>
    %swap3A_2552 = arith.constant 12 : i32
    %swap3A_2553 = arith.index_cast %swap3A_2552 : i32 to index
    %swap3A_2554 = arith.constant 80 : index
    %swap3A_2555 = tpu.vector_load %arg7[%swap3A_2553, %swap3A_2554] {strides = array<i32>} : memref<32x128xf32, #tpu.memory_space<vmem>>, vector<1x16xf32>,
    %swap3A_2556 = vector.shape_cast %swap3A_2555 : vector<1x16xf32> to vector<16xf32>
    %swap3A_2557 = vector.shape_cast %get3A_2551 : vector<16xf32> to vector<1x16xf32>
    tpu.vector_store %arg7[%swap3A_2553, %swap3A_2554], %swap3A_2557 {strides = array<i32>} : memref<32x128xf32, #tpu.memory_space<vmem>>, vector<1x16xf32>,
    %get3A_2558 = arith.constant 12 : i32
    %get3A_2559 = arith.index_cast %get3A_2558 : i32 to index
    %get3A_2560 = arith.index_cast %and3A_2485 : i32 to index
    %get3A_2561 = arith.constant 96 : index
    %get3A_2562 = tpu.vector_load %arg6[%get3A_2559, %get3A_2560, %get3A_2561] {strides = array<i32>} : memref<32x8x128xf32, #tpu.memory_space<vmem>>, vector<1x1x16xf32>,
    %get3A_2563 = vector.shape_cast %get3A_2562 : vector<1x1x16xf32> to vector<16xf32>
    %swap3A_2564 = arith.constant 12 : i32
    %swap3A_2565 = arith.index_cast %swap3A_2564 : i32 to index
    %swap3A_2566 = arith.constant 96 : index
    %swap3A_2567 = tpu.vector_load %arg7[%swap3A_2565, %swap3A_2566] {strides = array<i32>} : memref<32x128xf32, #tpu.memory_space<vmem>>, vector<1x16xf32>,
    %swap3A_2568 = vector.shape_cast %swap3A_2567 : vector<1x16xf32> to vector<16xf32>
    %swap3A_2569 = vector.shape_cast %get3A_2563 : vector<16xf32> to vector<1x16xf32>
    tpu.vector_store %arg7[%swap3A_2565, %swap3A_2566], %swap3A_2569 {strides = array<i32>} : memref<32x128xf32, #tpu.memory_space<vmem>>, vector<1x16xf32>,
    %get3A_2570 = arith.constant 12 : i32
    %get3A_2571 = arith.index_cast %get3A_2570 : i32 to index
    %get3A_2572 = arith.index_cast %and3A_2485 : i32 to index
    %get3A_2573 = arith.constant 112 : index
    %get3A_2574 = tpu.vector_load %arg6[%get3A_2571, %get3A_2572, %get3A_2573] {strides = array<i32>} : memref<32x8x128xf32, #tpu.memory_space<vmem>>, vector<1x1x16xf32>,
    %get3A_2575 = vector.shape_cast %get3A_2574 : vector<1x1x16xf32> to vector<16xf32>
    %swap3A_2576 = arith.constant 12 : i32
    %swap3A_2577 = arith.index_cast %swap3A_2576 : i32 to index
    %swap3A_2578 = arith.constant 112 : index
    %swap3A_2579 = tpu.vector_load %arg7[%swap3A_2577, %swap3A_2578] {strides = array<i32>} : memref<32x128xf32, #tpu.memory_space<vmem>>, vector<1x16xf32>,
    %swap3A_2580 = vector.shape_cast %swap3A_2579 : vector<1x16xf32> to vector<16xf32>
    %swap3A_2581 = vector.shape_cast %get3A_2575 : vector<16xf32> to vector<1x16xf32>
    tpu.vector_store %arg7[%swap3A_2577, %swap3A_2578], %swap3A_2581 {strides = array<i32>} : memref<32x128xf32, #tpu.memory_space<vmem>>, vector<1x16xf32>,
    %add3A_2582 = arith.constant 13 : i32
    %add3A_2583 = arith.addi %mul3A_2, %add3A_2582 : i32
    %and3A_2584 = arith.constant 7 : i32
    %and3A_2585 = arith.andi %add3A_2583, %and3A_2584 : i32
    %get3A_2586 = arith.constant 13 : i32
    %get3A_2587 = arith.index_cast %get3A_2586 : i32 to index
    %get3A_2588 = arith.index_cast %and3A_2585 : i32 to index
    %get3A_2589 = arith.constant 0 : index
    %get3A_2590 = tpu.vector_load %arg6[%get3A_2587, %get3A_2588, %get3A_2589] {strides = array<i32>} : memref<32x8x128xf32, #tpu.memory_space<vmem>>, vector<1x1x16xf32>,
    %get3A_2591 = vector.shape_cast %get3A_2590 : vector<1x1x16xf32> to vector<16xf32>
    %swap3A_2592 = arith.constant 13 : i32
    %swap3A_2593 = arith.index_cast %swap3A_2592 : i32 to index
    %swap3A_2594 = arith.constant 0 : index
    %swap3A_2595 = tpu.vector_load %arg7[%swap3A_2593, %swap3A_2594] {strides = array<i32>} : memref<32x128xf32, #tpu.memory_space<vmem>>, vector<1x16xf32>,
    %swap3A_2596 = vector.shape_cast %swap3A_2595 : vector<1x16xf32> to vector<16xf32>
    %swap3A_2597 = vector.shape_cast %get3A_2591 : vector<16xf32> to vector<1x16xf32>
    tpu.vector_store %arg7[%swap3A_2593, %swap3A_2594], %swap3A_2597 {strides = array<i32>} : memref<32x128xf32, #tpu.memory_space<vmem>>, vector<1x16xf32>,
    %get3A_2598 = arith.constant 13 : i32
    %get3A_2599 = arith.index_cast %get3A_2598 : i32 to index
    %get3A_2600 = arith.index_cast %and3A_2585 : i32 to index
    %get3A_2601 = arith.constant 16 : index
    %get3A_2602 = tpu.vector_load %arg6[%get3A_2599, %get3A_2600, %get3A_2601] {strides = array<i32>} : memref<32x8x128xf32, #tpu.memory_space<vmem>>, vector<1x1x16xf32>,
    %get3A_2603 = vector.shape_cast %get3A_2602 : vector<1x1x16xf32> to vector<16xf32>
    %swap3A_2604 = arith.constant 13 : i32
    %swap3A_2605 = arith.index_cast %swap3A_2604 : i32 to index
    %swap3A_2606 = arith.constant 16 : index
    %swap3A_2607 = tpu.vector_load %arg7[%swap3A_2605, %swap3A_2606] {strides = array<i32>} : memref<32x128xf32, #tpu.memory_space<vmem>>, vector<1x16xf32>,
    %swap3A_2608 = vector.shape_cast %swap3A_2607 : vector<1x16xf32> to vector<16xf32>
    %swap3A_2609 = vector.shape_cast %get3A_2603 : vector<16xf32> to vector<1x16xf32>
    tpu.vector_store %arg7[%swap3A_2605, %swap3A_2606], %swap3A_2609 {strides = array<i32>} : memref<32x128xf32, #tpu.memory_space<vmem>>, vector<1x16xf32>,
    %get3A_2610 = arith.constant 13 : i32
    %get3A_2611 = arith.index_cast %get3A_2610 : i32 to index
    %get3A_2612 = arith.index_cast %and3A_2585 : i32 to index
    %get3A_2613 = arith.constant 32 : index
    %get3A_2614 = tpu.vector_load %arg6[%get3A_2611, %get3A_2612, %get3A_2613] {strides = array<i32>} : memref<32x8x128xf32, #tpu.memory_space<vmem>>, vector<1x1x16xf32>,
    %get3A_2615 = vector.shape_cast %get3A_2614 : vector<1x1x16xf32> to vector<16xf32>
    %swap3A_2616 = arith.constant 13 : i32
    %swap3A_2617 = arith.index_cast %swap3A_2616 : i32 to index
    %swap3A_2618 = arith.constant 32 : index
    %swap3A_2619 = tpu.vector_load %arg7[%swap3A_2617, %swap3A_2618] {strides = array<i32>} : memref<32x128xf32, #tpu.memory_space<vmem>>, vector<1x16xf32>,
    %swap3A_2620 = vector.shape_cast %swap3A_2619 : vector<1x16xf32> to vector<16xf32>
    %swap3A_2621 = vector.shape_cast %get3A_2615 : vector<16xf32> to vector<1x16xf32>
    tpu.vector_store %arg7[%swap3A_2617, %swap3A_2618], %swap3A_2621 {strides = array<i32>} : memref<32x128xf32, #tpu.memory_space<vmem>>, vector<1x16xf32>,
    %get3A_2622 = arith.constant 13 : i32
    %get3A_2623 = arith.index_cast %get3A_2622 : i32 to index
    %get3A_2624 = arith.index_cast %and3A_2585 : i32 to index
    %get3A_2625 = arith.constant 48 : index
    %get3A_2626 = tpu.vector_load %arg6[%get3A_2623, %get3A_2624, %get3A_2625] {strides = array<i32>} : memref<32x8x128xf32, #tpu.memory_space<vmem>>, vector<1x1x16xf32>,
    %get3A_2627 = vector.shape_cast %get3A_2626 : vector<1x1x16xf32> to vector<16xf32>
    %swap3A_2628 = arith.constant 13 : i32
    %swap3A_2629 = arith.index_cast %swap3A_2628 : i32 to index
    %swap3A_2630 = arith.constant 48 : index
    %swap3A_2631 = tpu.vector_load %arg7[%swap3A_2629, %swap3A_2630] {strides = array<i32>} : memref<32x128xf32, #tpu.memory_space<vmem>>, vector<1x16xf32>,
    %swap3A_2632 = vector.shape_cast %swap3A_2631 : vector<1x16xf32> to vector<16xf32>
    %swap3A_2633 = vector.shape_cast %get3A_2627 : vector<16xf32> to vector<1x16xf32>
    tpu.vector_store %arg7[%swap3A_2629, %swap3A_2630], %swap3A_2633 {strides = array<i32>} : memref<32x128xf32, #tpu.memory_space<vmem>>, vector<1x16xf32>,
    %get3A_2634 = arith.constant 13 : i32
    %get3A_2635 = arith.index_cast %get3A_2634 : i32 to index
    %get3A_2636 = arith.index_cast %and3A_2585 : i32 to index
    %get3A_2637 = arith.constant 64 : index
    %get3A_2638 = tpu.vector_load %arg6[%get3A_2635, %get3A_2636, %get3A_2637] {strides = array<i32>} : memref<32x8x128xf32, #tpu.memory_space<vmem>>, vector<1x1x16xf32>,
    %get3A_2639 = vector.shape_cast %get3A_2638 : vector<1x1x16xf32> to vector<16xf32>
    %swap3A_2640 = arith.constant 13 : i32
    %swap3A_2641 = arith.index_cast %swap3A_2640 : i32 to index
    %swap3A_2642 = arith.constant 64 : index
    %swap3A_2643 = tpu.vector_load %arg7[%swap3A_2641, %swap3A_2642] {strides = array<i32>} : memref<32x128xf32, #tpu.memory_space<vmem>>, vector<1x16xf32>,
    %swap3A_2644 = vector.shape_cast %swap3A_2643 : vector<1x16xf32> to vector<16xf32>
    %swap3A_2645 = vector.shape_cast %get3A_2639 : vector<16xf32> to vector<1x16xf32>
    tpu.vector_store %arg7[%swap3A_2641, %swap3A_2642], %swap3A_2645 {strides = array<i32>} : memref<32x128xf32, #tpu.memory_space<vmem>>, vector<1x16xf32>,
    %get3A_2646 = arith.constant 13 : i32
    %get3A_2647 = arith.index_cast %get3A_2646 : i32 to index
    %get3A_2648 = arith.index_cast %and3A_2585 : i32 to index
    %get3A_2649 = arith.constant 80 : index
    %get3A_2650 = tpu.vector_load %arg6[%get3A_2647, %get3A_2648, %get3A_2649] {strides = array<i32>} : memref<32x8x128xf32, #tpu.memory_space<vmem>>, vector<1x1x16xf32>,
    %get3A_2651 = vector.shape_cast %get3A_2650 : vector<1x1x16xf32> to vector<16xf32>
    %swap3A_2652 = arith.constant 13 : i32
    %swap3A_2653 = arith.index_cast %swap3A_2652 : i32 to index
    %swap3A_2654 = arith.constant 80 : index
    %swap3A_2655 = tpu.vector_load %arg7[%swap3A_2653, %swap3A_2654] {strides = array<i32>} : memref<32x128xf32, #tpu.memory_space<vmem>>, vector<1x16xf32>,
    %swap3A_2656 = vector.shape_cast %swap3A_2655 : vector<1x16xf32> to vector<16xf32>
    %swap3A_2657 = vector.shape_cast %get3A_2651 : vector<16xf32> to vector<1x16xf32>
    tpu.vector_store %arg7[%swap3A_2653, %swap3A_2654], %swap3A_2657 {strides = array<i32>} : memref<32x128xf32, #tpu.memory_space<vmem>>, vector<1x16xf32>,
    %get3A_2658 = arith.constant 13 : i32
    %get3A_2659 = arith.index_cast %get3A_2658 : i32 to index
    %get3A_2660 = arith.index_cast %and3A_2585 : i32 to index
    %get3A_2661 = arith.constant 96 : index
    %get3A_2662 = tpu.vector_load %arg6[%get3A_2659, %get3A_2660, %get3A_2661] {strides = array<i32>} : memref<32x8x128xf32, #tpu.memory_space<vmem>>, vector<1x1x16xf32>,
    %get3A_2663 = vector.shape_cast %get3A_2662 : vector<1x1x16xf32> to vector<16xf32>
    %swap3A_2664 = arith.constant 13 : i32
    %swap3A_2665 = arith.index_cast %swap3A_2664 : i32 to index
    %swap3A_2666 = arith.constant 96 : index
    %swap3A_2667 = tpu.vector_load %arg7[%swap3A_2665, %swap3A_2666] {strides = array<i32>} : memref<32x128xf32, #tpu.memory_space<vmem>>, vector<1x16xf32>,
    %swap3A_2668 = vector.shape_cast %swap3A_2667 : vector<1x16xf32> to vector<16xf32>
    %swap3A_2669 = vector.shape_cast %get3A_2663 : vector<16xf32> to vector<1x16xf32>
    tpu.vector_store %arg7[%swap3A_2665, %swap3A_2666], %swap3A_2669 {strides = array<i32>} : memref<32x128xf32, #tpu.memory_space<vmem>>, vector<1x16xf32>,
    %get3A_2670 = arith.constant 13 : i32
    %get3A_2671 = arith.index_cast %get3A_2670 : i32 to index
    %get3A_2672 = arith.index_cast %and3A_2585 : i32 to index
    %get3A_2673 = arith.constant 112 : index
    %get3A_2674 = tpu.vector_load %arg6[%get3A_2671, %get3A_2672, %get3A_2673] {strides = array<i32>} : memref<32x8x128xf32, #tpu.memory_space<vmem>>, vector<1x1x16xf32>,
    %get3A_2675 = vector.shape_cast %get3A_2674 : vector<1x1x16xf32> to vector<16xf32>
    %swap3A_2676 = arith.constant 13 : i32
    %swap3A_2677 = arith.index_cast %swap3A_2676 : i32 to index
    %swap3A_2678 = arith.constant 112 : index
    %swap3A_2679 = tpu.vector_load %arg7[%swap3A_2677, %swap3A_2678] {strides = array<i32>} : memref<32x128xf32, #tpu.memory_space<vmem>>, vector<1x16xf32>,
    %swap3A_2680 = vector.shape_cast %swap3A_2679 : vector<1x16xf32> to vector<16xf32>
    %swap3A_2681 = vector.shape_cast %get3A_2675 : vector<16xf32> to vector<1x16xf32>
    tpu.vector_store %arg7[%swap3A_2677, %swap3A_2678], %swap3A_2681 {strides = array<i32>} : memref<32x128xf32, #tpu.memory_space<vmem>>, vector<1x16xf32>,
    %add3A_2682 = arith.constant 14 : i32
    %add3A_2683 = arith.addi %mul3A_2, %add3A_2682 : i32
    %and3A_2684 = arith.constant 7 : i32
    %and3A_2685 = arith.andi %add3A_2683, %and3A_2684 : i32
    %get3A_2686 = arith.constant 14 : i32
    %get3A_2687 = arith.index_cast %get3A_2686 : i32 to index
    %get3A_2688 = arith.index_cast %and3A_2685 : i32 to index
    %get3A_2689 = arith.constant 0 : index
    %get3A_2690 = tpu.vector_load %arg6[%get3A_2687, %get3A_2688, %get3A_2689] {strides = array<i32>} : memref<32x8x128xf32, #tpu.memory_space<vmem>>, vector<1x1x16xf32>,
    %get3A_2691 = vector.shape_cast %get3A_2690 : vector<1x1x16xf32> to vector<16xf32>
    %swap3A_2692 = arith.constant 14 : i32
    %swap3A_2693 = arith.index_cast %swap3A_2692 : i32 to index
    %swap3A_2694 = arith.constant 0 : index
    %swap3A_2695 = tpu.vector_load %arg7[%swap3A_2693, %swap3A_2694] {strides = array<i32>} : memref<32x128xf32, #tpu.memory_space<vmem>>, vector<1x16xf32>,
    %swap3A_2696 = vector.shape_cast %swap3A_2695 : vector<1x16xf32> to vector<16xf32>
    %swap3A_2697 = vector.shape_cast %get3A_2691 : vector<16xf32> to vector<1x16xf32>
    tpu.vector_store %arg7[%swap3A_2693, %swap3A_2694], %swap3A_2697 {strides = array<i32>} : memref<32x128xf32, #tpu.memory_space<vmem>>, vector<1x16xf32>,
    %get3A_2698 = arith.constant 14 : i32
    %get3A_2699 = arith.index_cast %get3A_2698 : i32 to index
    %get3A_2700 = arith.index_cast %and3A_2685 : i32 to index
    %get3A_2701 = arith.constant 16 : index
    %get3A_2702 = tpu.vector_load %arg6[%get3A_2699, %get3A_2700, %get3A_2701] {strides = array<i32>} : memref<32x8x128xf32, #tpu.memory_space<vmem>>, vector<1x1x16xf32>,
    %get3A_2703 = vector.shape_cast %get3A_2702 : vector<1x1x16xf32> to vector<16xf32>
    %swap3A_2704 = arith.constant 14 : i32
    %swap3A_2705 = arith.index_cast %swap3A_2704 : i32 to index
    %swap3A_2706 = arith.constant 16 : index
    %swap3A_2707 = tpu.vector_load %arg7[%swap3A_2705, %swap3A_2706] {strides = array<i32>} : memref<32x128xf32, #tpu.memory_space<vmem>>, vector<1x16xf32>,
    %swap3A_2708 = vector.shape_cast %swap3A_2707 : vector<1x16xf32> to vector<16xf32>
    %swap3A_2709 = vector.shape_cast %get3A_2703 : vector<16xf32> to vector<1x16xf32>
    tpu.vector_store %arg7[%swap3A_2705, %swap3A_2706], %swap3A_2709 {strides = array<i32>} : memref<32x128xf32, #tpu.memory_space<vmem>>, vector<1x16xf32>,
    %get3A_2710 = arith.constant 14 : i32
    %get3A_2711 = arith.index_cast %get3A_2710 : i32 to index
    %get3A_2712 = arith.index_cast %and3A_2685 : i32 to index
    %get3A_2713 = arith.constant 32 : index
    %get3A_2714 = tpu.vector_load %arg6[%get3A_2711, %get3A_2712, %get3A_2713] {strides = array<i32>} : memref<32x8x128xf32, #tpu.memory_space<vmem>>, vector<1x1x16xf32>,
    %get3A_2715 = vector.shape_cast %get3A_2714 : vector<1x1x16xf32> to vector<16xf32>
    %swap3A_2716 = arith.constant 14 : i32
    %swap3A_2717 = arith.index_cast %swap3A_2716 : i32 to index
    %swap3A_2718 = arith.constant 32 : index
    %swap3A_2719 = tpu.vector_load %arg7[%swap3A_2717, %swap3A_2718] {strides = array<i32>} : memref<32x128xf32, #tpu.memory_space<vmem>>, vector<1x16xf32>,
    %swap3A_2720 = vector.shape_cast %swap3A_2719 : vector<1x16xf32> to vector<16xf32>
    %swap3A_2721 = vector.shape_cast %get3A_2715 : vector<16xf32> to vector<1x16xf32>
    tpu.vector_store %arg7[%swap3A_2717, %swap3A_2718], %swap3A_2721 {strides = array<i32>} : memref<32x128xf32, #tpu.memory_space<vmem>>, vector<1x16xf32>,
    %get3A_2722 = arith.constant 14 : i32
    %get3A_2723 = arith.index_cast %get3A_2722 : i32 to index
    %get3A_2724 = arith.index_cast %and3A_2685 : i32 to index
    %get3A_2725 = arith.constant 48 : index
    %get3A_2726 = tpu.vector_load %arg6[%get3A_2723, %get3A_2724, %get3A_2725] {strides = array<i32>} : memref<32x8x128xf32, #tpu.memory_space<vmem>>, vector<1x1x16xf32>,
    %get3A_2727 = vector.shape_cast %get3A_2726 : vector<1x1x16xf32> to vector<16xf32>
    %swap3A_2728 = arith.constant 14 : i32
    %swap3A_2729 = arith.index_cast %swap3A_2728 : i32 to index
    %swap3A_2730 = arith.constant 48 : index
    %swap3A_2731 = tpu.vector_load %arg7[%swap3A_2729, %swap3A_2730] {strides = array<i32>} : memref<32x128xf32, #tpu.memory_space<vmem>>, vector<1x16xf32>,
    %swap3A_2732 = vector.shape_cast %swap3A_2731 : vector<1x16xf32> to vector<16xf32>
    %swap3A_2733 = vector.shape_cast %get3A_2727 : vector<16xf32> to vector<1x16xf32>
    tpu.vector_store %arg7[%swap3A_2729, %swap3A_2730], %swap3A_2733 {strides = array<i32>} : memref<32x128xf32, #tpu.memory_space<vmem>>, vector<1x16xf32>,
    %get3A_2734 = arith.constant 14 : i32
    %get3A_2735 = arith.index_cast %get3A_2734 : i32 to index
    %get3A_2736 = arith.index_cast %and3A_2685 : i32 to index
    %get3A_2737 = arith.constant 64 : index
    %get3A_2738 = tpu.vector_load %arg6[%get3A_2735, %get3A_2736, %get3A_2737] {strides = array<i32>} : memref<32x8x128xf32, #tpu.memory_space<vmem>>, vector<1x1x16xf32>,
    %get3A_2739 = vector.shape_cast %get3A_2738 : vector<1x1x16xf32> to vector<16xf32>
    %swap3A_2740 = arith.constant 14 : i32
    %swap3A_2741 = arith.index_cast %swap3A_2740 : i32 to index
    %swap3A_2742 = arith.constant 64 : index
    %swap3A_2743 = tpu.vector_load %arg7[%swap3A_2741, %swap3A_2742] {strides = array<i32>} : memref<32x128xf32, #tpu.memory_space<vmem>>, vector<1x16xf32>,
    %swap3A_2744 = vector.shape_cast %swap3A_2743 : vector<1x16xf32> to vector<16xf32>
    %swap3A_2745 = vector.shape_cast %get3A_2739 : vector<16xf32> to vector<1x16xf32>
    tpu.vector_store %arg7[%swap3A_2741, %swap3A_2742], %swap3A_2745 {strides = array<i32>} : memref<32x128xf32, #tpu.memory_space<vmem>>, vector<1x16xf32>,
    %get3A_2746 = arith.constant 14 : i32
    %get3A_2747 = arith.index_cast %get3A_2746 : i32 to index
    %get3A_2748 = arith.index_cast %and3A_2685 : i32 to index
    %get3A_2749 = arith.constant 80 : index
    %get3A_2750 = tpu.vector_load %arg6[%get3A_2747, %get3A_2748, %get3A_2749] {strides = array<i32>} : memref<32x8x128xf32, #tpu.memory_space<vmem>>, vector<1x1x16xf32>,
    %get3A_2751 = vector.shape_cast %get3A_2750 : vector<1x1x16xf32> to vector<16xf32>
    %swap3A_2752 = arith.constant 14 : i32
    %swap3A_2753 = arith.index_cast %swap3A_2752 : i32 to index
    %swap3A_2754 = arith.constant 80 : index
    %swap3A_2755 = tpu.vector_load %arg7[%swap3A_2753, %swap3A_2754] {strides = array<i32>} : memref<32x128xf32, #tpu.memory_space<vmem>>, vector<1x16xf32>,
    %swap3A_2756 = vector.shape_cast %swap3A_2755 : vector<1x16xf32> to vector<16xf32>
    %swap3A_2757 = vector.shape_cast %get3A_2751 : vector<16xf32> to vector<1x16xf32>
    tpu.vector_store %arg7[%swap3A_2753, %swap3A_2754], %swap3A_2757 {strides = array<i32>} : memref<32x128xf32, #tpu.memory_space<vmem>>, vector<1x16xf32>,
    %get3A_2758 = arith.constant 14 : i32
    %get3A_2759 = arith.index_cast %get3A_2758 : i32 to index
    %get3A_2760 = arith.index_cast %and3A_2685 : i32 to index
    %get3A_2761 = arith.constant 96 : index
    %get3A_2762 = tpu.vector_load %arg6[%get3A_2759, %get3A_2760, %get3A_2761] {strides = array<i32>} : memref<32x8x128xf32, #tpu.memory_space<vmem>>, vector<1x1x16xf32>,
    %get3A_2763 = vector.shape_cast %get3A_2762 : vector<1x1x16xf32> to vector<16xf32>
    %swap3A_2764 = arith.constant 14 : i32
    %swap3A_2765 = arith.index_cast %swap3A_2764 : i32 to index
    %swap3A_2766 = arith.constant 96 : index
    %swap3A_2767 = tpu.vector_load %arg7[%swap3A_2765, %swap3A_2766] {strides = array<i32>} : memref<32x128xf32, #tpu.memory_space<vmem>>, vector<1x16xf32>,
    %swap3A_2768 = vector.shape_cast %swap3A_2767 : vector<1x16xf32> to vector<16xf32>
    %swap3A_2769 = vector.shape_cast %get3A_2763 : vector<16xf32> to vector<1x16xf32>
    tpu.vector_store %arg7[%swap3A_2765, %swap3A_2766], %swap3A_2769 {strides = array<i32>} : memref<32x128xf32, #tpu.memory_space<vmem>>, vector<1x16xf32>,
    %get3A_2770 = arith.constant 14 : i32
    %get3A_2771 = arith.index_cast %get3A_2770 : i32 to index
    %get3A_2772 = arith.index_cast %and3A_2685 : i32 to index
    %get3A_2773 = arith.constant 112 : index
    %get3A_2774 = tpu.vector_load %arg6[%get3A_2771, %get3A_2772, %get3A_2773] {strides = array<i32>} : memref<32x8x128xf32, #tpu.memory_space<vmem>>, vector<1x1x16xf32>,
    %get3A_2775 = vector.shape_cast %get3A_2774 : vector<1x1x16xf32> to vector<16xf32>
    %swap3A_2776 = arith.constant 14 : i32
    %swap3A_2777 = arith.index_cast %swap3A_2776 : i32 to index
    %swap3A_2778 = arith.constant 112 : index
    %swap3A_2779 = tpu.vector_load %arg7[%swap3A_2777, %swap3A_2778] {strides = array<i32>} : memref<32x128xf32, #tpu.memory_space<vmem>>, vector<1x16xf32>,
    %swap3A_2780 = vector.shape_cast %swap3A_2779 : vector<1x16xf32> to vector<16xf32>
    %swap3A_2781 = vector.shape_cast %get3A_2775 : vector<16xf32> to vector<1x16xf32>
    tpu.vector_store %arg7[%swap3A_2777, %swap3A_2778], %swap3A_2781 {strides = array<i32>} : memref<32x128xf32, #tpu.memory_space<vmem>>, vector<1x16xf32>,
    %add3A_2782 = arith.constant 15 : i32
    %add3A_2783 = arith.addi %mul3A_2, %add3A_2782 : i32
    %and3A_2784 = arith.constant 7 : i32
    %and3A_2785 = arith.andi %add3A_2783, %and3A_2784 : i32
    %get3A_2786 = arith.constant 15 : i32
    %get3A_2787 = arith.index_cast %get3A_2786 : i32 to index
    %get3A_2788 = arith.index_cast %and3A_2785 : i32 to index
    %get3A_2789 = arith.constant 0 : index
    %get3A_2790 = tpu.vector_load %arg6[%get3A_2787, %get3A_2788, %get3A_2789] {strides = array<i32>} : memref<32x8x128xf32, #tpu.memory_space<vmem>>, vector<1x1x16xf32>,
    %get3A_2791 = vector.shape_cast %get3A_2790 : vector<1x1x16xf32> to vector<16xf32>
    %swap3A_2792 = arith.constant 15 : i32
    %swap3A_2793 = arith.index_cast %swap3A_2792 : i32 to index
    %swap3A_2794 = arith.constant 0 : index
    %swap3A_2795 = tpu.vector_load %arg7[%swap3A_2793, %swap3A_2794] {strides = array<i32>} : memref<32x128xf32, #tpu.memory_space<vmem>>, vector<1x16xf32>,
    %swap3A_2796 = vector.shape_cast %swap3A_2795 : vector<1x16xf32> to vector<16xf32>
    %swap3A_2797 = vector.shape_cast %get3A_2791 : vector<16xf32> to vector<1x16xf32>
    tpu.vector_store %arg7[%swap3A_2793, %swap3A_2794], %swap3A_2797 {strides = array<i32>} : memref<32x128xf32, #tpu.memory_space<vmem>>, vector<1x16xf32>,
    %get3A_2798 = arith.constant 15 : i32
    %get3A_2799 = arith.index_cast %get3A_2798 : i32 to index
    %get3A_2800 = arith.index_cast %and3A_2785 : i32 to index
    %get3A_2801 = arith.constant 16 : index
    %get3A_2802 = tpu.vector_load %arg6[%get3A_2799, %get3A_2800, %get3A_2801] {strides = array<i32>} : memref<32x8x128xf32, #tpu.memory_space<vmem>>, vector<1x1x16xf32>,
    %get3A_2803 = vector.shape_cast %get3A_2802 : vector<1x1x16xf32> to vector<16xf32>
    %swap3A_2804 = arith.constant 15 : i32
    %swap3A_2805 = arith.index_cast %swap3A_2804 : i32 to index
    %swap3A_2806 = arith.constant 16 : index
    %swap3A_2807 = tpu.vector_load %arg7[%swap3A_2805, %swap3A_2806] {strides = array<i32>} : memref<32x128xf32, #tpu.memory_space<vmem>>, vector<1x16xf32>,
    %swap3A_2808 = vector.shape_cast %swap3A_2807 : vector<1x16xf32> to vector<16xf32>
    %swap3A_2809 = vector.shape_cast %get3A_2803 : vector<16xf32> to vector<1x16xf32>
    tpu.vector_store %arg7[%swap3A_2805, %swap3A_2806], %swap3A_2809 {strides = array<i32>} : memref<32x128xf32, #tpu.memory_space<vmem>>, vector<1x16xf32>,
    %get3A_2810 = arith.constant 15 : i32
    %get3A_2811 = arith.index_cast %get3A_2810 : i32 to index
    %get3A_2812 = arith.index_cast %and3A_2785 : i32 to index
    %get3A_2813 = arith.constant 32 : index
    %get3A_2814 = tpu.vector_load %arg6[%get3A_2811, %get3A_2812, %get3A_2813] {strides = array<i32>} : memref<32x8x128xf32, #tpu.memory_space<vmem>>, vector<1x1x16xf32>,
    %get3A_2815 = vector.shape_cast %get3A_2814 : vector<1x1x16xf32> to vector<16xf32>
    %swap3A_2816 = arith.constant 15 : i32
    %swap3A_2817 = arith.index_cast %swap3A_2816 : i32 to index
    %swap3A_2818 = arith.constant 32 : index
    %swap3A_2819 = tpu.vector_load %arg7[%swap3A_2817, %swap3A_2818] {strides = array<i32>} : memref<32x128xf32, #tpu.memory_space<vmem>>, vector<1x16xf32>,
    %swap3A_2820 = vector.shape_cast %swap3A_2819 : vector<1x16xf32> to vector<16xf32>
    %swap3A_2821 = vector.shape_cast %get3A_2815 : vector<16xf32> to vector<1x16xf32>
    tpu.vector_store %arg7[%swap3A_2817, %swap3A_2818], %swap3A_2821 {strides = array<i32>} : memref<32x128xf32, #tpu.memory_space<vmem>>, vector<1x16xf32>,
    %get3A_2822 = arith.constant 15 : i32
    %get3A_2823 = arith.index_cast %get3A_2822 : i32 to index
    %get3A_2824 = arith.index_cast %and3A_2785 : i32 to index
    %get3A_2825 = arith.constant 48 : index
    %get3A_2826 = tpu.vector_load %arg6[%get3A_2823, %get3A_2824, %get3A_2825] {strides = array<i32>} : memref<32x8x128xf32, #tpu.memory_space<vmem>>, vector<1x1x16xf32>,
    %get3A_2827 = vector.shape_cast %get3A_2826 : vector<1x1x16xf32> to vector<16xf32>
    %swap3A_2828 = arith.constant 15 : i32
    %swap3A_2829 = arith.index_cast %swap3A_2828 : i32 to index
    %swap3A_2830 = arith.constant 48 : index
    %swap3A_2831 = tpu.vector_load %arg7[%swap3A_2829, %swap3A_2830] {strides = array<i32>} : memref<32x128xf32, #tpu.memory_space<vmem>>, vector<1x16xf32>,
    %swap3A_2832 = vector.shape_cast %swap3A_2831 : vector<1x16xf32> to vector<16xf32>
    %swap3A_2833 = vector.shape_cast %get3A_2827 : vector<16xf32> to vector<1x16xf32>
    tpu.vector_store %arg7[%swap3A_2829, %swap3A_2830], %swap3A_2833 {strides = array<i32>} : memref<32x128xf32, #tpu.memory_space<vmem>>, vector<1x16xf32>,
    %get3A_2834 = arith.constant 15 : i32
    %get3A_2835 = arith.index_cast %get3A_2834 : i32 to index
    %get3A_2836 = arith.index_cast %and3A_2785 : i32 to index
    %get3A_2837 = arith.constant 64 : index
    %get3A_2838 = tpu.vector_load %arg6[%get3A_2835, %get3A_2836, %get3A_2837] {strides = array<i32>} : memref<32x8x128xf32, #tpu.memory_space<vmem>>, vector<1x1x16xf32>,
    %get3A_2839 = vector.shape_cast %get3A_2838 : vector<1x1x16xf32> to vector<16xf32>
    %swap3A_2840 = arith.constant 15 : i32
    %swap3A_2841 = arith.index_cast %swap3A_2840 : i32 to index
    %swap3A_2842 = arith.constant 64 : index
    %swap3A_2843 = tpu.vector_load %arg7[%swap3A_2841, %swap3A_2842] {strides = array<i32>} : memref<32x128xf32, #tpu.memory_space<vmem>>, vector<1x16xf32>,
    %swap3A_2844 = vector.shape_cast %swap3A_2843 : vector<1x16xf32> to vector<16xf32>
    %swap3A_2845 = vector.shape_cast %get3A_2839 : vector<16xf32> to vector<1x16xf32>
    tpu.vector_store %arg7[%swap3A_2841, %swap3A_2842], %swap3A_2845 {strides = array<i32>} : memref<32x128xf32, #tpu.memory_space<vmem>>, vector<1x16xf32>,
    %get3A_2846 = arith.constant 15 : i32
    %get3A_2847 = arith.index_cast %get3A_2846 : i32 to index
    %get3A_2848 = arith.index_cast %and3A_2785 : i32 to index
    %get3A_2849 = arith.constant 80 : index
    %get3A_2850 = tpu.vector_load %arg6[%get3A_2847, %get3A_2848, %get3A_2849] {strides = array<i32>} : memref<32x8x128xf32, #tpu.memory_space<vmem>>, vector<1x1x16xf32>,
    %get3A_2851 = vector.shape_cast %get3A_2850 : vector<1x1x16xf32> to vector<16xf32>
    %swap3A_2852 = arith.constant 15 : i32
    %swap3A_2853 = arith.index_cast %swap3A_2852 : i32 to index
    %swap3A_2854 = arith.constant 80 : index
    %swap3A_2855 = tpu.vector_load %arg7[%swap3A_2853, %swap3A_2854] {strides = array<i32>} : memref<32x128xf32, #tpu.memory_space<vmem>>, vector<1x16xf32>,
    %swap3A_2856 = vector.shape_cast %swap3A_2855 : vector<1x16xf32> to vector<16xf32>
    %swap3A_2857 = vector.shape_cast %get3A_2851 : vector<16xf32> to vector<1x16xf32>
    tpu.vector_store %arg7[%swap3A_2853, %swap3A_2854], %swap3A_2857 {strides = array<i32>} : memref<32x128xf32, #tpu.memory_space<vmem>>, vector<1x16xf32>,
    %get3A_2858 = arith.constant 15 : i32
    %get3A_2859 = arith.index_cast %get3A_2858 : i32 to index
    %get3A_2860 = arith.index_cast %and3A_2785 : i32 to index
    %get3A_2861 = arith.constant 96 : index
    %get3A_2862 = tpu.vector_load %arg6[%get3A_2859, %get3A_2860, %get3A_2861] {strides = array<i32>} : memref<32x8x128xf32, #tpu.memory_space<vmem>>, vector<1x1x16xf32>,
    %get3A_2863 = vector.shape_cast %get3A_2862 : vector<1x1x16xf32> to vector<16xf32>
    %swap3A_2864 = arith.constant 15 : i32
    %swap3A_2865 = arith.index_cast %swap3A_2864 : i32 to index
    %swap3A_2866 = arith.constant 96 : index
    %swap3A_2867 = tpu.vector_load %arg7[%swap3A_2865, %swap3A_2866] {strides = array<i32>} : memref<32x128xf32, #tpu.memory_space<vmem>>, vector<1x16xf32>,
    %swap3A_2868 = vector.shape_cast %swap3A_2867 : vector<1x16xf32> to vector<16xf32>
    %swap3A_2869 = vector.shape_cast %get3A_2863 : vector<16xf32> to vector<1x16xf32>
    tpu.vector_store %arg7[%swap3A_2865, %swap3A_2866], %swap3A_2869 {strides = array<i32>} : memref<32x128xf32, #tpu.memory_space<vmem>>, vector<1x16xf32>,
    %get3A_2870 = arith.constant 15 : i32
    %get3A_2871 = arith.index_cast %get3A_2870 : i32 to index
    %get3A_2872 = arith.index_cast %and3A_2785 : i32 to index
    %get3A_2873 = arith.constant 112 : index
    %get3A_2874 = tpu.vector_load %arg6[%get3A_2871, %get3A_2872, %get3A_2873] {strides = array<i32>} : memref<32x8x128xf32, #tpu.memory_space<vmem>>, vector<1x1x16xf32>,
    %get3A_2875 = vector.shape_cast %get3A_2874 : vector<1x1x16xf32> to vector<16xf32>
    %swap3A_2876 = arith.constant 15 : i32
    %swap3A_2877 = arith.index_cast %swap3A_2876 : i32 to index
    %swap3A_2878 = arith.constant 112 : index
    %swap3A_2879 = tpu.vector_load %arg7[%swap3A_2877, %swap3A_2878] {strides = array<i32>} : memref<32x128xf32, #tpu.memory_space<vmem>>, vector<1x16xf32>,
    %swap3A_2880 = vector.shape_cast %swap3A_2879 : vector<1x16xf32> to vector<16xf32>
    %swap3A_2881 = vector.shape_cast %get3A_2875 : vector<16xf32> to vector<1x16xf32>
    tpu.vector_store %arg7[%swap3A_2877, %swap3A_2878], %swap3A_2881 {strides = array<i32>} : memref<32x128xf32, #tpu.memory_space<vmem>>, vector<1x16xf32>,
    %add3A_2882 = arith.constant 16 : i32
    %add3A_2883 = arith.addi %mul3A_2, %add3A_2882 : i32
    %and3A_2884 = arith.constant 7 : i32
    %and3A_2885 = arith.andi %add3A_2883, %and3A_2884 : i32
    %get3A_2886 = arith.constant 16 : i32
    %get3A_2887 = arith.index_cast %get3A_2886 : i32 to index
    %get3A_2888 = arith.index_cast %and3A_2885 : i32 to index
    %get3A_2889 = arith.constant 0 : index
    %get3A_2890 = tpu.vector_load %arg6[%get3A_2887, %get3A_2888, %get3A_2889] {strides = array<i32>} : memref<32x8x128xf32, #tpu.memory_space<vmem>>, vector<1x1x16xf32>,
    %get3A_2891 = vector.shape_cast %get3A_2890 : vector<1x1x16xf32> to vector<16xf32>
    %swap3A_2892 = arith.constant 16 : i32
    %swap3A_2893 = arith.index_cast %swap3A_2892 : i32 to index
    %swap3A_2894 = arith.constant 0 : index
    %swap3A_2895 = tpu.vector_load %arg7[%swap3A_2893, %swap3A_2894] {strides = array<i32>} : memref<32x128xf32, #tpu.memory_space<vmem>>, vector<1x16xf32>,
    %swap3A_2896 = vector.shape_cast %swap3A_2895 : vector<1x16xf32> to vector<16xf32>
    %swap3A_2897 = vector.shape_cast %get3A_2891 : vector<16xf32> to vector<1x16xf32>
    tpu.vector_store %arg7[%swap3A_2893, %swap3A_2894], %swap3A_2897 {strides = array<i32>} : memref<32x128xf32, #tpu.memory_space<vmem>>, vector<1x16xf32>,
    %get3A_2898 = arith.constant 16 : i32
    %get3A_2899 = arith.index_cast %get3A_2898 : i32 to index
    %get3A_2900 = arith.index_cast %and3A_2885 : i32 to index
    %get3A_2901 = arith.constant 16 : index
    %get3A_2902 = tpu.vector_load %arg6[%get3A_2899, %get3A_2900, %get3A_2901] {strides = array<i32>} : memref<32x8x128xf32, #tpu.memory_space<vmem>>, vector<1x1x16xf32>,
    %get3A_2903 = vector.shape_cast %get3A_2902 : vector<1x1x16xf32> to vector<16xf32>
    %swap3A_2904 = arith.constant 16 : i32
    %swap3A_2905 = arith.index_cast %swap3A_2904 : i32 to index
    %swap3A_2906 = arith.constant 16 : index
    %swap3A_2907 = tpu.vector_load %arg7[%swap3A_2905, %swap3A_2906] {strides = array<i32>} : memref<32x128xf32, #tpu.memory_space<vmem>>, vector<1x16xf32>,
    %swap3A_2908 = vector.shape_cast %swap3A_2907 : vector<1x16xf32> to vector<16xf32>
    %swap3A_2909 = vector.shape_cast %get3A_2903 : vector<16xf32> to vector<1x16xf32>
    tpu.vector_store %arg7[%swap3A_2905, %swap3A_2906], %swap3A_2909 {strides = array<i32>} : memref<32x128xf32, #tpu.memory_space<vmem>>, vector<1x16xf32>,
    %get3A_2910 = arith.constant 16 : i32
    %get3A_2911 = arith.index_cast %get3A_2910 : i32 to index
    %get3A_2912 = arith.index_cast %and3A_2885 : i32 to index
    %get3A_2913 = arith.constant 32 : index
    %get3A_2914 = tpu.vector_load %arg6[%get3A_2911, %get3A_2912, %get3A_2913] {strides = array<i32>} : memref<32x8x128xf32, #tpu.memory_space<vmem>>, vector<1x1x16xf32>,
    %get3A_2915 = vector.shape_cast %get3A_2914 : vector<1x1x16xf32> to vector<16xf32>
    %swap3A_2916 = arith.constant 16 : i32
    %swap3A_2917 = arith.index_cast %swap3A_2916 : i32 to index
    %swap3A_2918 = arith.constant 32 : index
    %swap3A_2919 = tpu.vector_load %arg7[%swap3A_2917, %swap3A_2918] {strides = array<i32>} : memref<32x128xf32, #tpu.memory_space<vmem>>, vector<1x16xf32>,
    %swap3A_2920 = vector.shape_cast %swap3A_2919 : vector<1x16xf32> to vector<16xf32>
    %swap3A_2921 = vector.shape_cast %get3A_2915 : vector<16xf32> to vector<1x16xf32>
    tpu.vector_store %arg7[%swap3A_2917, %swap3A_2918], %swap3A_2921 {strides = array<i32>} : memref<32x128xf32, #tpu.memory_space<vmem>>, vector<1x16xf32>,
    %get3A_2922 = arith.constant 16 : i32
    %get3A_2923 = arith.index_cast %get3A_2922 : i32 to index
    %get3A_2924 = arith.index_cast %and3A_2885 : i32 to index
    %get3A_2925 = arith.constant 48 : index
    %get3A_2926 = tpu.vector_load %arg6[%get3A_2923, %get3A_2924, %get3A_2925] {strides = array<i32>} : memref<32x8x128xf32, #tpu.memory_space<vmem>>, vector<1x1x16xf32>,
    %get3A_2927 = vector.shape_cast %get3A_2926 : vector<1x1x16xf32> to vector<16xf32>
    %swap3A_2928 = arith.constant 16 : i32
    %swap3A_2929 = arith.index_cast %swap3A_2928 : i32 to index
    %swap3A_2930 = arith.constant 48 : index
    %swap3A_2931 = tpu.vector_load %arg7[%swap3A_2929, %swap3A_2930] {strides = array<i32>} : memref<32x128xf32, #tpu.memory_space<vmem>>, vector<1x16xf32>,
    %swap3A_2932 = vector.shape_cast %swap3A_2931 : vector<1x16xf32> to vector<16xf32>
    %swap3A_2933 = vector.shape_cast %get3A_2927 : vector<16xf32> to vector<1x16xf32>
    tpu.vector_store %arg7[%swap3A_2929, %swap3A_2930], %swap3A_2933 {strides = array<i32>} : memref<32x128xf32, #tpu.memory_space<vmem>>, vector<1x16xf32>,
    %get3A_2934 = arith.constant 16 : i32
    %get3A_2935 = arith.index_cast %get3A_2934 : i32 to index
    %get3A_2936 = arith.index_cast %and3A_2885 : i32 to index
    %get3A_2937 = arith.constant 64 : index
    %get3A_2938 = tpu.vector_load %arg6[%get3A_2935, %get3A_2936, %get3A_2937] {strides = array<i32>} : memref<32x8x128xf32, #tpu.memory_space<vmem>>, vector<1x1x16xf32>,
    %get3A_2939 = vector.shape_cast %get3A_2938 : vector<1x1x16xf32> to vector<16xf32>
    %swap3A_2940 = arith.constant 16 : i32
    %swap3A_2941 = arith.index_cast %swap3A_2940 : i32 to index
    %swap3A_2942 = arith.constant 64 : index
    %swap3A_2943 = tpu.vector_load %arg7[%swap3A_2941, %swap3A_2942] {strides = array<i32>} : memref<32x128xf32, #tpu.memory_space<vmem>>, vector<1x16xf32>,
    %swap3A_2944 = vector.shape_cast %swap3A_2943 : vector<1x16xf32> to vector<16xf32>
    %swap3A_2945 = vector.shape_cast %get3A_2939 : vector<16xf32> to vector<1x16xf32>
    tpu.vector_store %arg7[%swap3A_2941, %swap3A_2942], %swap3A_2945 {strides = array<i32>} : memref<32x128xf32, #tpu.memory_space<vmem>>, vector<1x16xf32>,
    %get3A_2946 = arith.constant 16 : i32
    %get3A_2947 = arith.index_cast %get3A_2946 : i32 to index
    %get3A_2948 = arith.index_cast %and3A_2885 : i32 to index
    %get3A_2949 = arith.constant 80 : index
    %get3A_2950 = tpu.vector_load %arg6[%get3A_2947, %get3A_2948, %get3A_2949] {strides = array<i32>} : memref<32x8x128xf32, #tpu.memory_space<vmem>>, vector<1x1x16xf32>,
    %get3A_2951 = vector.shape_cast %get3A_2950 : vector<1x1x16xf32> to vector<16xf32>
    %swap3A_2952 = arith.constant 16 : i32
    %swap3A_2953 = arith.index_cast %swap3A_2952 : i32 to index
    %swap3A_2954 = arith.constant 80 : index
    %swap3A_2955 = tpu.vector_load %arg7[%swap3A_2953, %swap3A_2954] {strides = array<i32>} : memref<32x128xf32, #tpu.memory_space<vmem>>, vector<1x16xf32>,
    %swap3A_2956 = vector.shape_cast %swap3A_2955 : vector<1x16xf32> to vector<16xf32>
    %swap3A_2957 = vector.shape_cast %get3A_2951 : vector<16xf32> to vector<1x16xf32>
    tpu.vector_store %arg7[%swap3A_2953, %swap3A_2954], %swap3A_2957 {strides = array<i32>} : memref<32x128xf32, #tpu.memory_space<vmem>>, vector<1x16xf32>,
    %get3A_2958 = arith.constant 16 : i32
    %get3A_2959 = arith.index_cast %get3A_2958 : i32 to index
    %get3A_2960 = arith.index_cast %and3A_2885 : i32 to index
    %get3A_2961 = arith.constant 96 : index
    %get3A_2962 = tpu.vector_load %arg6[%get3A_2959, %get3A_2960, %get3A_2961] {strides = array<i32>} : memref<32x8x128xf32, #tpu.memory_space<vmem>>, vector<1x1x16xf32>,
    %get3A_2963 = vector.shape_cast %get3A_2962 : vector<1x1x16xf32> to vector<16xf32>
    %swap3A_2964 = arith.constant 16 : i32
    %swap3A_2965 = arith.index_cast %swap3A_2964 : i32 to index
    %swap3A_2966 = arith.constant 96 : index
    %swap3A_2967 = tpu.vector_load %arg7[%swap3A_2965, %swap3A_2966] {strides = array<i32>} : memref<32x128xf32, #tpu.memory_space<vmem>>, vector<1x16xf32>,
    %swap3A_2968 = vector.shape_cast %swap3A_2967 : vector<1x16xf32> to vector<16xf32>
    %swap3A_2969 = vector.shape_cast %get3A_2963 : vector<16xf32> to vector<1x16xf32>
    tpu.vector_store %arg7[%swap3A_2965, %swap3A_2966], %swap3A_2969 {strides = array<i32>} : memref<32x128xf32, #tpu.memory_space<vmem>>, vector<1x16xf32>,
    %get3A_2970 = arith.constant 16 : i32
    %get3A_2971 = arith.index_cast %get3A_2970 : i32 to index
    %get3A_2972 = arith.index_cast %and3A_2885 : i32 to index
    %get3A_2973 = arith.constant 112 : index
    %get3A_2974 = tpu.vector_load %arg6[%get3A_2971, %get3A_2972, %get3A_2973] {strides = array<i32>} : memref<32x8x128xf32, #tpu.memory_space<vmem>>, vector<1x1x16xf32>,
    %get3A_2975 = vector.shape_cast %get3A_2974 : vector<1x1x16xf32> to vector<16xf32>
    %swap3A_2976 = arith.constant 16 : i32
    %swap3A_2977 = arith.index_cast %swap3A_2976 : i32 to index
    %swap3A_2978 = arith.constant 112 : index
    %swap3A_2979 = tpu.vector_load %arg7[%swap3A_2977, %swap3A_2978] {strides = array<i32>} : memref<32x128xf32, #tpu.memory_space<vmem>>, vector<1x16xf32>,
    %swap3A_2980 = vector.shape_cast %swap3A_2979 : vector<1x16xf32> to vector<16xf32>
    %swap3A_2981 = vector.shape_cast %get3A_2975 : vector<16xf32> to vector<1x16xf32>
    tpu.vector_store %arg7[%swap3A_2977, %swap3A_2978], %swap3A_2981 {strides = array<i32>} : memref<32x128xf32, #tpu.memory_space<vmem>>, vector<1x16xf32>,
    %add3A_2982 = arith.constant 17 : i32
    %add3A_2983 = arith.addi %mul3A_2, %add3A_2982 : i32
    %and3A_2984 = arith.constant 7 : i32
    %and3A_2985 = arith.andi %add3A_2983, %and3A_2984 : i32
    %get3A_2986 = arith.constant 17 : i32
    %get3A_2987 = arith.index_cast %get3A_2986 : i32 to index
    %get3A_2988 = arith.index_cast %and3A_2985 : i32 to index
    %get3A_2989 = arith.constant 0 : index
    %get3A_2990 = tpu.vector_load %arg6[%get3A_2987, %get3A_2988, %get3A_2989] {strides = array<i32>} : memref<32x8x128xf32, #tpu.memory_space<vmem>>, vector<1x1x16xf32>,
    %get3A_2991 = vector.shape_cast %get3A_2990 : vector<1x1x16xf32> to vector<16xf32>
    %swap3A_2992 = arith.constant 17 : i32
    %swap3A_2993 = arith.index_cast %swap3A_2992 : i32 to index
    %swap3A_2994 = arith.constant 0 : index
    %swap3A_2995 = tpu.vector_load %arg7[%swap3A_2993, %swap3A_2994] {strides = array<i32>} : memref<32x128xf32, #tpu.memory_space<vmem>>, vector<1x16xf32>,
    %swap3A_2996 = vector.shape_cast %swap3A_2995 : vector<1x16xf32> to vector<16xf32>
    %swap3A_2997 = vector.shape_cast %get3A_2991 : vector<16xf32> to vector<1x16xf32>
    tpu.vector_store %arg7[%swap3A_2993, %swap3A_2994], %swap3A_2997 {strides = array<i32>} : memref<32x128xf32, #tpu.memory_space<vmem>>, vector<1x16xf32>,
    %get3A_2998 = arith.constant 17 : i32
    %get3A_2999 = arith.index_cast %get3A_2998 : i32 to index
    %get3A_3000 = arith.index_cast %and3A_2985 : i32 to index
    %get3A_3001 = arith.constant 16 : index
    %get3A_3002 = tpu.vector_load %arg6[%get3A_2999, %get3A_3000, %get3A_3001] {strides = array<i32>} : memref<32x8x128xf32, #tpu.memory_space<vmem>>, vector<1x1x16xf32>,
    %get3A_3003 = vector.shape_cast %get3A_3002 : vector<1x1x16xf32> to vector<16xf32>
    %swap3A_3004 = arith.constant 17 : i32
    %swap3A_3005 = arith.index_cast %swap3A_3004 : i32 to index
    %swap3A_3006 = arith.constant 16 : index
    %swap3A_3007 = tpu.vector_load %arg7[%swap3A_3005, %swap3A_3006] {strides = array<i32>} : memref<32x128xf32, #tpu.memory_space<vmem>>, vector<1x16xf32>,
    %swap3A_3008 = vector.shape_cast %swap3A_3007 : vector<1x16xf32> to vector<16xf32>
    %swap3A_3009 = vector.shape_cast %get3A_3003 : vector<16xf32> to vector<1x16xf32>
    tpu.vector_store %arg7[%swap3A_3005, %swap3A_3006], %swap3A_3009 {strides = array<i32>} : memref<32x128xf32, #tpu.memory_space<vmem>>, vector<1x16xf32>,
    %get3A_3010 = arith.constant 17 : i32
    %get3A_3011 = arith.index_cast %get3A_3010 : i32 to index
    %get3A_3012 = arith.index_cast %and3A_2985 : i32 to index
    %get3A_3013 = arith.constant 32 : index
    %get3A_3014 = tpu.vector_load %arg6[%get3A_3011, %get3A_3012, %get3A_3013] {strides = array<i32>} : memref<32x8x128xf32, #tpu.memory_space<vmem>>, vector<1x1x16xf32>,
    %get3A_3015 = vector.shape_cast %get3A_3014 : vector<1x1x16xf32> to vector<16xf32>
    %swap3A_3016 = arith.constant 17 : i32
    %swap3A_3017 = arith.index_cast %swap3A_3016 : i32 to index
    %swap3A_3018 = arith.constant 32 : index
    %swap3A_3019 = tpu.vector_load %arg7[%swap3A_3017, %swap3A_3018] {strides = array<i32>} : memref<32x128xf32, #tpu.memory_space<vmem>>, vector<1x16xf32>,
    %swap3A_3020 = vector.shape_cast %swap3A_3019 : vector<1x16xf32> to vector<16xf32>
    %swap3A_3021 = vector.shape_cast %get3A_3015 : vector<16xf32> to vector<1x16xf32>
    tpu.vector_store %arg7[%swap3A_3017, %swap3A_3018], %swap3A_3021 {strides = array<i32>} : memref<32x128xf32, #tpu.memory_space<vmem>>, vector<1x16xf32>,
    %get3A_3022 = arith.constant 17 : i32
    %get3A_3023 = arith.index_cast %get3A_3022 : i32 to index
    %get3A_3024 = arith.index_cast %and3A_2985 : i32 to index
    %get3A_3025 = arith.constant 48 : index
    %get3A_3026 = tpu.vector_load %arg6[%get3A_3023, %get3A_3024, %get3A_3025] {strides = array<i32>} : memref<32x8x128xf32, #tpu.memory_space<vmem>>, vector<1x1x16xf32>,
    %get3A_3027 = vector.shape_cast %get3A_3026 : vector<1x1x16xf32> to vector<16xf32>
    %swap3A_3028 = arith.constant 17 : i32
    %swap3A_3029 = arith.index_cast %swap3A_3028 : i32 to index
    %swap3A_3030 = arith.constant 48 : index
    %swap3A_3031 = tpu.vector_load %arg7[%swap3A_3029, %swap3A_3030] {strides = array<i32>} : memref<32x128xf32, #tpu.memory_space<vmem>>, vector<1x16xf32>,
    %swap3A_3032 = vector.shape_cast %swap3A_3031 : vector<1x16xf32> to vector<16xf32>
    %swap3A_3033 = vector.shape_cast %get3A_3027 : vector<16xf32> to vector<1x16xf32>
    tpu.vector_store %arg7[%swap3A_3029, %swap3A_3030], %swap3A_3033 {strides = array<i32>} : memref<32x128xf32, #tpu.memory_space<vmem>>, vector<1x16xf32>,
    %get3A_3034 = arith.constant 17 : i32
    %get3A_3035 = arith.index_cast %get3A_3034 : i32 to index
    %get3A_3036 = arith.index_cast %and3A_2985 : i32 to index
    %get3A_3037 = arith.constant 64 : index
    %get3A_3038 = tpu.vector_load %arg6[%get3A_3035, %get3A_3036, %get3A_3037] {strides = array<i32>} : memref<32x8x128xf32, #tpu.memory_space<vmem>>, vector<1x1x16xf32>,
    %get3A_3039 = vector.shape_cast %get3A_3038 : vector<1x1x16xf32> to vector<16xf32>
    %swap3A_3040 = arith.constant 17 : i32
    %swap3A_3041 = arith.index_cast %swap3A_3040 : i32 to index
    %swap3A_3042 = arith.constant 64 : index
    %swap3A_3043 = tpu.vector_load %arg7[%swap3A_3041, %swap3A_3042] {strides = array<i32>} : memref<32x128xf32, #tpu.memory_space<vmem>>, vector<1x16xf32>,
    %swap3A_3044 = vector.shape_cast %swap3A_3043 : vector<1x16xf32> to vector<16xf32>
    %swap3A_3045 = vector.shape_cast %get3A_3039 : vector<16xf32> to vector<1x16xf32>
    tpu.vector_store %arg7[%swap3A_3041, %swap3A_3042], %swap3A_3045 {strides = array<i32>} : memref<32x128xf32, #tpu.memory_space<vmem>>, vector<1x16xf32>,
    %get3A_3046 = arith.constant 17 : i32
    %get3A_3047 = arith.index_cast %get3A_3046 : i32 to index
    %get3A_3048 = arith.index_cast %and3A_2985 : i32 to index
    %get3A_3049 = arith.constant 80 : index
    %get3A_3050 = tpu.vector_load %arg6[%get3A_3047, %get3A_3048, %get3A_3049] {strides = array<i32>} : memref<32x8x128xf32, #tpu.memory_space<vmem>>, vector<1x1x16xf32>,
    %get3A_3051 = vector.shape_cast %get3A_3050 : vector<1x1x16xf32> to vector<16xf32>
    %swap3A_3052 = arith.constant 17 : i32
    %swap3A_3053 = arith.index_cast %swap3A_3052 : i32 to index
    %swap3A_3054 = arith.constant 80 : index
    %swap3A_3055 = tpu.vector_load %arg7[%swap3A_3053, %swap3A_3054] {strides = array<i32>} : memref<32x128xf32, #tpu.memory_space<vmem>>, vector<1x16xf32>,
    %swap3A_3056 = vector.shape_cast %swap3A_3055 : vector<1x16xf32> to vector<16xf32>
    %swap3A_3057 = vector.shape_cast %get3A_3051 : vector<16xf32> to vector<1x16xf32>
    tpu.vector_store %arg7[%swap3A_3053, %swap3A_3054], %swap3A_3057 {strides = array<i32>} : memref<32x128xf32, #tpu.memory_space<vmem>>, vector<1x16xf32>,
    %get3A_3058 = arith.constant 17 : i32
    %get3A_3059 = arith.index_cast %get3A_3058 : i32 to index
    %get3A_3060 = arith.index_cast %and3A_2985 : i32 to index
    %get3A_3061 = arith.constant 96 : index
    %get3A_3062 = tpu.vector_load %arg6[%get3A_3059, %get3A_3060, %get3A_3061] {strides = array<i32>} : memref<32x8x128xf32, #tpu.memory_space<vmem>>, vector<1x1x16xf32>,
    %get3A_3063 = vector.shape_cast %get3A_3062 : vector<1x1x16xf32> to vector<16xf32>
    %swap3A_3064 = arith.constant 17 : i32
    %swap3A_3065 = arith.index_cast %swap3A_3064 : i32 to index
    %swap3A_3066 = arith.constant 96 : index
    %swap3A_3067 = tpu.vector_load %arg7[%swap3A_3065, %swap3A_3066] {strides = array<i32>} : memref<32x128xf32, #tpu.memory_space<vmem>>, vector<1x16xf32>,
    %swap3A_3068 = vector.shape_cast %swap3A_3067 : vector<1x16xf32> to vector<16xf32>
    %swap3A_3069 = vector.shape_cast %get3A_3063 : vector<16xf32> to vector<1x16xf32>
    tpu.vector_store %arg7[%swap3A_3065, %swap3A_3066], %swap3A_3069 {strides = array<i32>} : memref<32x128xf32, #tpu.memory_space<vmem>>, vector<1x16xf32>,
    %get3A_3070 = arith.constant 17 : i32
    %get3A_3071 = arith.index_cast %get3A_3070 : i32 to index
    %get3A_3072 = arith.index_cast %and3A_2985 : i32 to index
    %get3A_3073 = arith.constant 112 : index
    %get3A_3074 = tpu.vector_load %arg6[%get3A_3071, %get3A_3072, %get3A_3073] {strides = array<i32>} : memref<32x8x128xf32, #tpu.memory_space<vmem>>, vector<1x1x16xf32>,
    %get3A_3075 = vector.shape_cast %get3A_3074 : vector<1x1x16xf32> to vector<16xf32>
    %swap3A_3076 = arith.constant 17 : i32
    %swap3A_3077 = arith.index_cast %swap3A_3076 : i32 to index
    %swap3A_3078 = arith.constant 112 : index
    %swap3A_3079 = tpu.vector_load %arg7[%swap3A_3077, %swap3A_3078] {strides = array<i32>} : memref<32x128xf32, #tpu.memory_space<vmem>>, vector<1x16xf32>,
    %swap3A_3080 = vector.shape_cast %swap3A_3079 : vector<1x16xf32> to vector<16xf32>
    %swap3A_3081 = vector.shape_cast %get3A_3075 : vector<16xf32> to vector<1x16xf32>
    tpu.vector_store %arg7[%swap3A_3077, %swap3A_3078], %swap3A_3081 {strides = array<i32>} : memref<32x128xf32, #tpu.memory_space<vmem>>, vector<1x16xf32>,
    %add3A_3082 = arith.constant 18 : i32
    %add3A_3083 = arith.addi %mul3A_2, %add3A_3082 : i32
    %and3A_3084 = arith.constant 7 : i32
    %and3A_3085 = arith.andi %add3A_3083, %and3A_3084 : i32
    %get3A_3086 = arith.constant 18 : i32
    %get3A_3087 = arith.index_cast %get3A_3086 : i32 to index
    %get3A_3088 = arith.index_cast %and3A_3085 : i32 to index
    %get3A_3089 = arith.constant 0 : index
    %get3A_3090 = tpu.vector_load %arg6[%get3A_3087, %get3A_3088, %get3A_3089] {strides = array<i32>} : memref<32x8x128xf32, #tpu.memory_space<vmem>>, vector<1x1x16xf32>,
    %get3A_3091 = vector.shape_cast %get3A_3090 : vector<1x1x16xf32> to vector<16xf32>
    %swap3A_3092 = arith.constant 18 : i32
    %swap3A_3093 = arith.index_cast %swap3A_3092 : i32 to index
    %swap3A_3094 = arith.constant 0 : index
    %swap3A_3095 = tpu.vector_load %arg7[%swap3A_3093, %swap3A_3094] {strides = array<i32>} : memref<32x128xf32, #tpu.memory_space<vmem>>, vector<1x16xf32>,
    %swap3A_3096 = vector.shape_cast %swap3A_3095 : vector<1x16xf32> to vector<16xf32>
    %swap3A_3097 = vector.shape_cast %get3A_3091 : vector<16xf32> to vector<1x16xf32>
    tpu.vector_store %arg7[%swap3A_3093, %swap3A_3094], %swap3A_3097 {strides = array<i32>} : memref<32x128xf32, #tpu.memory_space<vmem>>, vector<1x16xf32>,
    %get3A_3098 = arith.constant 18 : i32
    %get3A_3099 = arith.index_cast %get3A_3098 : i32 to index
    %get3A_3100 = arith.index_cast %and3A_3085 : i32 to index
    %get3A_3101 = arith.constant 16 : index
    %get3A_3102 = tpu.vector_load %arg6[%get3A_3099, %get3A_3100, %get3A_3101] {strides = array<i32>} : memref<32x8x128xf32, #tpu.memory_space<vmem>>, vector<1x1x16xf32>,
    %get3A_3103 = vector.shape_cast %get3A_3102 : vector<1x1x16xf32> to vector<16xf32>
    %swap3A_3104 = arith.constant 18 : i32
    %swap3A_3105 = arith.index_cast %swap3A_3104 : i32 to index
    %swap3A_3106 = arith.constant 16 : index
    %swap3A_3107 = tpu.vector_load %arg7[%swap3A_3105, %swap3A_3106] {strides = array<i32>} : memref<32x128xf32, #tpu.memory_space<vmem>>, vector<1x16xf32>,
    %swap3A_3108 = vector.shape_cast %swap3A_3107 : vector<1x16xf32> to vector<16xf32>
    %swap3A_3109 = vector.shape_cast %get3A_3103 : vector<16xf32> to vector<1x16xf32>
    tpu.vector_store %arg7[%swap3A_3105, %swap3A_3106], %swap3A_3109 {strides = array<i32>} : memref<32x128xf32, #tpu.memory_space<vmem>>, vector<1x16xf32>,
    %get3A_3110 = arith.constant 18 : i32
    %get3A_3111 = arith.index_cast %get3A_3110 : i32 to index
    %get3A_3112 = arith.index_cast %and3A_3085 : i32 to index
    %get3A_3113 = arith.constant 32 : index
    %get3A_3114 = tpu.vector_load %arg6[%get3A_3111, %get3A_3112, %get3A_3113] {strides = array<i32>} : memref<32x8x128xf32, #tpu.memory_space<vmem>>, vector<1x1x16xf32>,
    %get3A_3115 = vector.shape_cast %get3A_3114 : vector<1x1x16xf32> to vector<16xf32>
    %swap3A_3116 = arith.constant 18 : i32
    %swap3A_3117 = arith.index_cast %swap3A_3116 : i32 to index
    %swap3A_3118 = arith.constant 32 : index
    %swap3A_3119 = tpu.vector_load %arg7[%swap3A_3117, %swap3A_3118] {strides = array<i32>} : memref<32x128xf32, #tpu.memory_space<vmem>>, vector<1x16xf32>,
    %swap3A_3120 = vector.shape_cast %swap3A_3119 : vector<1x16xf32> to vector<16xf32>
    %swap3A_3121 = vector.shape_cast %get3A_3115 : vector<16xf32> to vector<1x16xf32>
    tpu.vector_store %arg7[%swap3A_3117, %swap3A_3118], %swap3A_3121 {strides = array<i32>} : memref<32x128xf32, #tpu.memory_space<vmem>>, vector<1x16xf32>,
    %get3A_3122 = arith.constant 18 : i32
    %get3A_3123 = arith.index_cast %get3A_3122 : i32 to index
    %get3A_3124 = arith.index_cast %and3A_3085 : i32 to index
    %get3A_3125 = arith.constant 48 : index
    %get3A_3126 = tpu.vector_load %arg6[%get3A_3123, %get3A_3124, %get3A_3125] {strides = array<i32>} : memref<32x8x128xf32, #tpu.memory_space<vmem>>, vector<1x1x16xf32>,
    %get3A_3127 = vector.shape_cast %get3A_3126 : vector<1x1x16xf32> to vector<16xf32>
    %swap3A_3128 = arith.constant 18 : i32
    %swap3A_3129 = arith.index_cast %swap3A_3128 : i32 to index
    %swap3A_3130 = arith.constant 48 : index
    %swap3A_3131 = tpu.vector_load %arg7[%swap3A_3129, %swap3A_3130] {strides = array<i32>} : memref<32x128xf32, #tpu.memory_space<vmem>>, vector<1x16xf32>,
    %swap3A_3132 = vector.shape_cast %swap3A_3131 : vector<1x16xf32> to vector<16xf32>
    %swap3A_3133 = vector.shape_cast %get3A_3127 : vector<16xf32> to vector<1x16xf32>
    tpu.vector_store %arg7[%swap3A_3129, %swap3A_3130], %swap3A_3133 {strides = array<i32>} : memref<32x128xf32, #tpu.memory_space<vmem>>, vector<1x16xf32>,
    %get3A_3134 = arith.constant 18 : i32
    %get3A_3135 = arith.index_cast %get3A_3134 : i32 to index
    %get3A_3136 = arith.index_cast %and3A_3085 : i32 to index
    %get3A_3137 = arith.constant 64 : index
    %get3A_3138 = tpu.vector_load %arg6[%get3A_3135, %get3A_3136, %get3A_3137] {strides = array<i32>} : memref<32x8x128xf32, #tpu.memory_space<vmem>>, vector<1x1x16xf32>,
    %get3A_3139 = vector.shape_cast %get3A_3138 : vector<1x1x16xf32> to vector<16xf32>
    %swap3A_3140 = arith.constant 18 : i32
    %swap3A_3141 = arith.index_cast %swap3A_3140 : i32 to index
    %swap3A_3142 = arith.constant 64 : index
    %swap3A_3143 = tpu.vector_load %arg7[%swap3A_3141, %swap3A_3142] {strides = array<i32>} : memref<32x128xf32, #tpu.memory_space<vmem>>, vector<1x16xf32>,
    %swap3A_3144 = vector.shape_cast %swap3A_3143 : vector<1x16xf32> to vector<16xf32>
    %swap3A_3145 = vector.shape_cast %get3A_3139 : vector<16xf32> to vector<1x16xf32>
    tpu.vector_store %arg7[%swap3A_3141, %swap3A_3142], %swap3A_3145 {strides = array<i32>} : memref<32x128xf32, #tpu.memory_space<vmem>>, vector<1x16xf32>,
    %get3A_3146 = arith.constant 18 : i32
    %get3A_3147 = arith.index_cast %get3A_3146 : i32 to index
    %get3A_3148 = arith.index_cast %and3A_3085 : i32 to index
    %get3A_3149 = arith.constant 80 : index
    %get3A_3150 = tpu.vector_load %arg6[%get3A_3147, %get3A_3148, %get3A_3149] {strides = array<i32>} : memref<32x8x128xf32, #tpu.memory_space<vmem>>, vector<1x1x16xf32>,
    %get3A_3151 = vector.shape_cast %get3A_3150 : vector<1x1x16xf32> to vector<16xf32>
    %swap3A_3152 = arith.constant 18 : i32
    %swap3A_3153 = arith.index_cast %swap3A_3152 : i32 to index
    %swap3A_3154 = arith.constant 80 : index
    %swap3A_3155 = tpu.vector_load %arg7[%swap3A_3153, %swap3A_3154] {strides = array<i32>} : memref<32x128xf32, #tpu.memory_space<vmem>>, vector<1x16xf32>,
    %swap3A_3156 = vector.shape_cast %swap3A_3155 : vector<1x16xf32> to vector<16xf32>
    %swap3A_3157 = vector.shape_cast %get3A_3151 : vector<16xf32> to vector<1x16xf32>
    tpu.vector_store %arg7[%swap3A_3153, %swap3A_3154], %swap3A_3157 {strides = array<i32>} : memref<32x128xf32, #tpu.memory_space<vmem>>, vector<1x16xf32>,
    %get3A_3158 = arith.constant 18 : i32
    %get3A_3159 = arith.index_cast %get3A_3158 : i32 to index
    %get3A_3160 = arith.index_cast %and3A_3085 : i32 to index
    %get3A_3161 = arith.constant 96 : index
    %get3A_3162 = tpu.vector_load %arg6[%get3A_3159, %get3A_3160, %get3A_3161] {strides = array<i32>} : memref<32x8x128xf32, #tpu.memory_space<vmem>>, vector<1x1x16xf32>,
    %get3A_3163 = vector.shape_cast %get3A_3162 : vector<1x1x16xf32> to vector<16xf32>
    %swap3A_3164 = arith.constant 18 : i32
    %swap3A_3165 = arith.index_cast %swap3A_3164 : i32 to index
    %swap3A_3166 = arith.constant 96 : index
    %swap3A_3167 = tpu.vector_load %arg7[%swap3A_3165, %swap3A_3166] {strides = array<i32>} : memref<32x128xf32, #tpu.memory_space<vmem>>, vector<1x16xf32>,
    %swap3A_3168 = vector.shape_cast %swap3A_3167 : vector<1x16xf32> to vector<16xf32>
    %swap3A_3169 = vector.shape_cast %get3A_3163 : vector<16xf32> to vector<1x16xf32>
    tpu.vector_store %arg7[%swap3A_3165, %swap3A_3166], %swap3A_3169 {strides = array<i32>} : memref<32x128xf32, #tpu.memory_space<vmem>>, vector<1x16xf32>,
    %get3A_3170 = arith.constant 18 : i32
    %get3A_3171 = arith.index_cast %get3A_3170 : i32 to index
    %get3A_3172 = arith.index_cast %and3A_3085 : i32 to index
    %get3A_3173 = arith.constant 112 : index
    %get3A_3174 = tpu.vector_load %arg6[%get3A_3171, %get3A_3172, %get3A_3173] {strides = array<i32>} : memref<32x8x128xf32, #tpu.memory_space<vmem>>, vector<1x1x16xf32>,
    %get3A_3175 = vector.shape_cast %get3A_3174 : vector<1x1x16xf32> to vector<16xf32>
    %swap3A_3176 = arith.constant 18 : i32
    %swap3A_3177 = arith.index_cast %swap3A_3176 : i32 to index
    %swap3A_3178 = arith.constant 112 : index
    %swap3A_3179 = tpu.vector_load %arg7[%swap3A_3177, %swap3A_3178] {strides = array<i32>} : memref<32x128xf32, #tpu.memory_space<vmem>>, vector<1x16xf32>,
    %swap3A_3180 = vector.shape_cast %swap3A_3179 : vector<1x16xf32> to vector<16xf32>
    %swap3A_3181 = vector.shape_cast %get3A_3175 : vector<16xf32> to vector<1x16xf32>
    tpu.vector_store %arg7[%swap3A_3177, %swap3A_3178], %swap3A_3181 {strides = array<i32>} : memref<32x128xf32, #tpu.memory_space<vmem>>, vector<1x16xf32>,
    %add3A_3182 = arith.constant 19 : i32
    %add3A_3183 = arith.addi %mul3A_2, %add3A_3182 : i32
    %and3A_3184 = arith.constant 7 : i32
    %and3A_3185 = arith.andi %add3A_3183, %and3A_3184 : i32
    %get3A_3186 = arith.constant 19 : i32
    %get3A_3187 = arith.index_cast %get3A_3186 : i32 to index
    %get3A_3188 = arith.index_cast %and3A_3185 : i32 to index
    %get3A_3189 = arith.constant 0 : index
    %get3A_3190 = tpu.vector_load %arg6[%get3A_3187, %get3A_3188, %get3A_3189] {strides = array<i32>} : memref<32x8x128xf32, #tpu.memory_space<vmem>>, vector<1x1x16xf32>,
    %get3A_3191 = vector.shape_cast %get3A_3190 : vector<1x1x16xf32> to vector<16xf32>
    %swap3A_3192 = arith.constant 19 : i32
    %swap3A_3193 = arith.index_cast %swap3A_3192 : i32 to index
    %swap3A_3194 = arith.constant 0 : index
    %swap3A_3195 = tpu.vector_load %arg7[%swap3A_3193, %swap3A_3194] {strides = array<i32>} : memref<32x128xf32, #tpu.memory_space<vmem>>, vector<1x16xf32>,
    %swap3A_3196 = vector.shape_cast %swap3A_3195 : vector<1x16xf32> to vector<16xf32>
    %swap3A_3197 = vector.shape_cast %get3A_3191 : vector<16xf32> to vector<1x16xf32>
    tpu.vector_store %arg7[%swap3A_3193, %swap3A_3194], %swap3A_3197 {strides = array<i32>} : memref<32x128xf32, #tpu.memory_space<vmem>>, vector<1x16xf32>,
    %get3A_3198 = arith.constant 19 : i32
    %get3A_3199 = arith.index_cast %get3A_3198 : i32 to index
    %get3A_3200 = arith.index_cast %and3A_3185 : i32 to index
    %get3A_3201 = arith.constant 16 : index
    %get3A_3202 = tpu.vector_load %arg6[%get3A_3199, %get3A_3200, %get3A_3201] {strides = array<i32>} : memref<32x8x128xf32, #tpu.memory_space<vmem>>, vector<1x1x16xf32>,
    %get3A_3203 = vector.shape_cast %get3A_3202 : vector<1x1x16xf32> to vector<16xf32>
    %swap3A_3204 = arith.constant 19 : i32
    %swap3A_3205 = arith.index_cast %swap3A_3204 : i32 to index
    %swap3A_3206 = arith.constant 16 : index
    %swap3A_3207 = tpu.vector_load %arg7[%swap3A_3205, %swap3A_3206] {strides = array<i32>} : memref<32x128xf32, #tpu.memory_space<vmem>>, vector<1x16xf32>,
    %swap3A_3208 = vector.shape_cast %swap3A_3207 : vector<1x16xf32> to vector<16xf32>
    %swap3A_3209 = vector.shape_cast %get3A_3203 : vector<16xf32> to vector<1x16xf32>
    tpu.vector_store %arg7[%swap3A_3205, %swap3A_3206], %swap3A_3209 {strides = array<i32>} : memref<32x128xf32, #tpu.memory_space<vmem>>, vector<1x16xf32>,
    %get3A_3210 = arith.constant 19 : i32
    %get3A_3211 = arith.index_cast %get3A_3210 : i32 to index
    %get3A_3212 = arith.index_cast %and3A_3185 : i32 to index
    %get3A_3213 = arith.constant 32 : index
    %get3A_3214 = tpu.vector_load %arg6[%get3A_3211, %get3A_3212, %get3A_3213] {strides = array<i32>} : memref<32x8x128xf32, #tpu.memory_space<vmem>>, vector<1x1x16xf32>,
    %get3A_3215 = vector.shape_cast %get3A_3214 : vector<1x1x16xf32> to vector<16xf32>
    %swap3A_3216 = arith.constant 19 : i32
    %swap3A_3217 = arith.index_cast %swap3A_3216 : i32 to index
    %swap3A_3218 = arith.constant 32 : index
    %swap3A_3219 = tpu.vector_load %arg7[%swap3A_3217, %swap3A_3218] {strides = array<i32>} : memref<32x128xf32, #tpu.memory_space<vmem>>, vector<1x16xf32>,
    %swap3A_3220 = vector.shape_cast %swap3A_3219 : vector<1x16xf32> to vector<16xf32>
    %swap3A_3221 = vector.shape_cast %get3A_3215 : vector<16xf32> to vector<1x16xf32>
    tpu.vector_store %arg7[%swap3A_3217, %swap3A_3218], %swap3A_3221 {strides = array<i32>} : memref<32x128xf32, #tpu.memory_space<vmem>>, vector<1x16xf32>,
    %get3A_3222 = arith.constant 19 : i32
    %get3A_3223 = arith.index_cast %get3A_3222 : i32 to index
    %get3A_3224 = arith.index_cast %and3A_3185 : i32 to index
    %get3A_3225 = arith.constant 48 : index
    %get3A_3226 = tpu.vector_load %arg6[%get3A_3223, %get3A_3224, %get3A_3225] {strides = array<i32>} : memref<32x8x128xf32, #tpu.memory_space<vmem>>, vector<1x1x16xf32>,
    %get3A_3227 = vector.shape_cast %get3A_3226 : vector<1x1x16xf32> to vector<16xf32>
    %swap3A_3228 = arith.constant 19 : i32
    %swap3A_3229 = arith.index_cast %swap3A_3228 : i32 to index
    %swap3A_3230 = arith.constant 48 : index
    %swap3A_3231 = tpu.vector_load %arg7[%swap3A_3229, %swap3A_3230] {strides = array<i32>} : memref<32x128xf32, #tpu.memory_space<vmem>>, vector<1x16xf32>,
    %swap3A_3232 = vector.shape_cast %swap3A_3231 : vector<1x16xf32> to vector<16xf32>
    %swap3A_3233 = vector.shape_cast %get3A_3227 : vector<16xf32> to vector<1x16xf32>
    tpu.vector_store %arg7[%swap3A_3229, %swap3A_3230], %swap3A_3233 {strides = array<i32>} : memref<32x128xf32, #tpu.memory_space<vmem>>, vector<1x16xf32>,
    %get3A_3234 = arith.constant 19 : i32
    %get3A_3235 = arith.index_cast %get3A_3234 : i32 to index
    %get3A_3236 = arith.index_cast %and3A_3185 : i32 to index
    %get3A_3237 = arith.constant 64 : index
    %get3A_3238 = tpu.vector_load %arg6[%get3A_3235, %get3A_3236, %get3A_3237] {strides = array<i32>} : memref<32x8x128xf32, #tpu.memory_space<vmem>>, vector<1x1x16xf32>,
    %get3A_3239 = vector.shape_cast %get3A_3238 : vector<1x1x16xf32> to vector<16xf32>
    %swap3A_3240 = arith.constant 19 : i32
    %swap3A_3241 = arith.index_cast %swap3A_3240 : i32 to index
    %swap3A_3242 = arith.constant 64 : index
    %swap3A_3243 = tpu.vector_load %arg7[%swap3A_3241, %swap3A_3242] {strides = array<i32>} : memref<32x128xf32, #tpu.memory_space<vmem>>, vector<1x16xf32>,
    %swap3A_3244 = vector.shape_cast %swap3A_3243 : vector<1x16xf32> to vector<16xf32>
    %swap3A_3245 = vector.shape_cast %get3A_3239 : vector<16xf32> to vector<1x16xf32>
    tpu.vector_store %arg7[%swap3A_3241, %swap3A_3242], %swap3A_3245 {strides = array<i32>} : memref<32x128xf32, #tpu.memory_space<vmem>>, vector<1x16xf32>,
    %get3A_3246 = arith.constant 19 : i32
    %get3A_3247 = arith.index_cast %get3A_3246 : i32 to index
    %get3A_3248 = arith.index_cast %and3A_3185 : i32 to index
    %get3A_3249 = arith.constant 80 : index
    %get3A_3250 = tpu.vector_load %arg6[%get3A_3247, %get3A_3248, %get3A_3249] {strides = array<i32>} : memref<32x8x128xf32, #tpu.memory_space<vmem>>, vector<1x1x16xf32>,
    %get3A_3251 = vector.shape_cast %get3A_3250 : vector<1x1x16xf32> to vector<16xf32>
    %swap3A_3252 = arith.constant 19 : i32
    %swap3A_3253 = arith.index_cast %swap3A_3252 : i32 to index
    %swap3A_3254 = arith.constant 80 : index
    %swap3A_3255 = tpu.vector_load %arg7[%swap3A_3253, %swap3A_3254] {strides = array<i32>} : memref<32x128xf32, #tpu.memory_space<vmem>>, vector<1x16xf32>,
    %swap3A_3256 = vector.shape_cast %swap3A_3255 : vector<1x16xf32> to vector<16xf32>
    %swap3A_3257 = vector.shape_cast %get3A_3251 : vector<16xf32> to vector<1x16xf32>
    tpu.vector_store %arg7[%swap3A_3253, %swap3A_3254], %swap3A_3257 {strides = array<i32>} : memref<32x128xf32, #tpu.memory_space<vmem>>, vector<1x16xf32>,
    %get3A_3258 = arith.constant 19 : i32
    %get3A_3259 = arith.index_cast %get3A_3258 : i32 to index
    %get3A_3260 = arith.index_cast %and3A_3185 : i32 to index
    %get3A_3261 = arith.constant 96 : index
    %get3A_3262 = tpu.vector_load %arg6[%get3A_3259, %get3A_3260, %get3A_3261] {strides = array<i32>} : memref<32x8x128xf32, #tpu.memory_space<vmem>>, vector<1x1x16xf32>,
    %get3A_3263 = vector.shape_cast %get3A_3262 : vector<1x1x16xf32> to vector<16xf32>
    %swap3A_3264 = arith.constant 19 : i32
    %swap3A_3265 = arith.index_cast %swap3A_3264 : i32 to index
    %swap3A_3266 = arith.constant 96 : index
    %swap3A_3267 = tpu.vector_load %arg7[%swap3A_3265, %swap3A_3266] {strides = array<i32>} : memref<32x128xf32, #tpu.memory_space<vmem>>, vector<1x16xf32>,
    %swap3A_3268 = vector.shape_cast %swap3A_3267 : vector<1x16xf32> to vector<16xf32>
    %swap3A_3269 = vector.shape_cast %get3A_3263 : vector<16xf32> to vector<1x16xf32>
    tpu.vector_store %arg7[%swap3A_3265, %swap3A_3266], %swap3A_3269 {strides = array<i32>} : memref<32x128xf32, #tpu.memory_space<vmem>>, vector<1x16xf32>,
    %get3A_3270 = arith.constant 19 : i32
    %get3A_3271 = arith.index_cast %get3A_3270 : i32 to index
    %get3A_3272 = arith.index_cast %and3A_3185 : i32 to index
    %get3A_3273 = arith.constant 112 : index
    %get3A_3274 = tpu.vector_load %arg6[%get3A_3271, %get3A_3272, %get3A_3273] {strides = array<i32>} : memref<32x8x128xf32, #tpu.memory_space<vmem>>, vector<1x1x16xf32>,
    %get3A_3275 = vector.shape_cast %get3A_3274 : vector<1x1x16xf32> to vector<16xf32>
    %swap3A_3276 = arith.constant 19 : i32
    %swap3A_3277 = arith.index_cast %swap3A_3276 : i32 to index
    %swap3A_3278 = arith.constant 112 : index
    %swap3A_3279 = tpu.vector_load %arg7[%swap3A_3277, %swap3A_3278] {strides = array<i32>} : memref<32x128xf32, #tpu.memory_space<vmem>>, vector<1x16xf32>,
    %swap3A_3280 = vector.shape_cast %swap3A_3279 : vector<1x16xf32> to vector<16xf32>
    %swap3A_3281 = vector.shape_cast %get3A_3275 : vector<16xf32> to vector<1x16xf32>
    tpu.vector_store %arg7[%swap3A_3277, %swap3A_3278], %swap3A_3281 {strides = array<i32>} : memref<32x128xf32, #tpu.memory_space<vmem>>, vector<1x16xf32>,
    %add3A_3282 = arith.constant 20 : i32
    %add3A_3283 = arith.addi %mul3A_2, %add3A_3282 : i32
    %and3A_3284 = arith.constant 7 : i32
    %and3A_3285 = arith.andi %add3A_3283, %and3A_3284 : i32
    %get3A_3286 = arith.constant 20 : i32
    %get3A_3287 = arith.index_cast %get3A_3286 : i32 to index
    %get3A_3288 = arith.index_cast %and3A_3285 : i32 to index
    %get3A_3289 = arith.constant 0 : index
    %get3A_3290 = tpu.vector_load %arg6[%get3A_3287, %get3A_3288, %get3A_3289] {strides = array<i32>} : memref<32x8x128xf32, #tpu.memory_space<vmem>>, vector<1x1x16xf32>,
    %get3A_3291 = vector.shape_cast %get3A_3290 : vector<1x1x16xf32> to vector<16xf32>
    %swap3A_3292 = arith.constant 20 : i32
    %swap3A_3293 = arith.index_cast %swap3A_3292 : i32 to index
    %swap3A_3294 = arith.constant 0 : index
    %swap3A_3295 = tpu.vector_load %arg7[%swap3A_3293, %swap3A_3294] {strides = array<i32>} : memref<32x128xf32, #tpu.memory_space<vmem>>, vector<1x16xf32>,
    %swap3A_3296 = vector.shape_cast %swap3A_3295 : vector<1x16xf32> to vector<16xf32>
    %swap3A_3297 = vector.shape_cast %get3A_3291 : vector<16xf32> to vector<1x16xf32>
    tpu.vector_store %arg7[%swap3A_3293, %swap3A_3294], %swap3A_3297 {strides = array<i32>} : memref<32x128xf32, #tpu.memory_space<vmem>>, vector<1x16xf32>,
    %get3A_3298 = arith.constant 20 : i32
    %get3A_3299 = arith.index_cast %get3A_3298 : i32 to index
    %get3A_3300 = arith.index_cast %and3A_3285 : i32 to index
    %get3A_3301 = arith.constant 16 : index
    %get3A_3302 = tpu.vector_load %arg6[%get3A_3299, %get3A_3300, %get3A_3301] {strides = array<i32>} : memref<32x8x128xf32, #tpu.memory_space<vmem>>, vector<1x1x16xf32>,
    %get3A_3303 = vector.shape_cast %get3A_3302 : vector<1x1x16xf32> to vector<16xf32>
    %swap3A_3304 = arith.constant 20 : i32
    %swap3A_3305 = arith.index_cast %swap3A_3304 : i32 to index
    %swap3A_3306 = arith.constant 16 : index
    %swap3A_3307 = tpu.vector_load %arg7[%swap3A_3305, %swap3A_3306] {strides = array<i32>} : memref<32x128xf32, #tpu.memory_space<vmem>>, vector<1x16xf32>,
    %swap3A_3308 = vector.shape_cast %swap3A_3307 : vector<1x16xf32> to vector<16xf32>
    %swap3A_3309 = vector.shape_cast %get3A_3303 : vector<16xf32> to vector<1x16xf32>
    tpu.vector_store %arg7[%swap3A_3305, %swap3A_3306], %swap3A_3309 {strides = array<i32>} : memref<32x128xf32, #tpu.memory_space<vmem>>, vector<1x16xf32>,
    %get3A_3310 = arith.constant 20 : i32
    %get3A_3311 = arith.index_cast %get3A_3310 : i32 to index
    %get3A_3312 = arith.index_cast %and3A_3285 : i32 to index
    %get3A_3313 = arith.constant 32 : index
    %get3A_3314 = tpu.vector_load %arg6[%get3A_3311, %get3A_3312, %get3A_3313] {strides = array<i32>} : memref<32x8x128xf32, #tpu.memory_space<vmem>>, vector<1x1x16xf32>,
    %get3A_3315 = vector.shape_cast %get3A_3314 : vector<1x1x16xf32> to vector<16xf32>
    %swap3A_3316 = arith.constant 20 : i32
    %swap3A_3317 = arith.index_cast %swap3A_3316 : i32 to index
    %swap3A_3318 = arith.constant 32 : index
    %swap3A_3319 = tpu.vector_load %arg7[%swap3A_3317, %swap3A_3318] {strides = array<i32>} : memref<32x128xf32, #tpu.memory_space<vmem>>, vector<1x16xf32>,
    %swap3A_3320 = vector.shape_cast %swap3A_3319 : vector<1x16xf32> to vector<16xf32>
    %swap3A_3321 = vector.shape_cast %get3A_3315 : vector<16xf32> to vector<1x16xf32>
    tpu.vector_store %arg7[%swap3A_3317, %swap3A_3318], %swap3A_3321 {strides = array<i32>} : memref<32x128xf32, #tpu.memory_space<vmem>>, vector<1x16xf32>,
    %get3A_3322 = arith.constant 20 : i32
    %get3A_3323 = arith.index_cast %get3A_3322 : i32 to index
    %get3A_3324 = arith.index_cast %and3A_3285 : i32 to index
    %get3A_3325 = arith.constant 48 : index
    %get3A_3326 = tpu.vector_load %arg6[%get3A_3323, %get3A_3324, %get3A_3325] {strides = array<i32>} : memref<32x8x128xf32, #tpu.memory_space<vmem>>, vector<1x1x16xf32>,
    %get3A_3327 = vector.shape_cast %get3A_3326 : vector<1x1x16xf32> to vector<16xf32>
    %swap3A_3328 = arith.constant 20 : i32
    %swap3A_3329 = arith.index_cast %swap3A_3328 : i32 to index
    %swap3A_3330 = arith.constant 48 : index
    %swap3A_3331 = tpu.vector_load %arg7[%swap3A_3329, %swap3A_3330] {strides = array<i32>} : memref<32x128xf32, #tpu.memory_space<vmem>>, vector<1x16xf32>,
    %swap3A_3332 = vector.shape_cast %swap3A_3331 : vector<1x16xf32> to vector<16xf32>
    %swap3A_3333 = vector.shape_cast %get3A_3327 : vector<16xf32> to vector<1x16xf32>
    tpu.vector_store %arg7[%swap3A_3329, %swap3A_3330], %swap3A_3333 {strides = array<i32>} : memref<32x128xf32, #tpu.memory_space<vmem>>, vector<1x16xf32>,
    %get3A_3334 = arith.constant 20 : i32
    %get3A_3335 = arith.index_cast %get3A_3334 : i32 to index
    %get3A_3336 = arith.index_cast %and3A_3285 : i32 to index
    %get3A_3337 = arith.constant 64 : index
    %get3A_3338 = tpu.vector_load %arg6[%get3A_3335, %get3A_3336, %get3A_3337] {strides = array<i32>} : memref<32x8x128xf32, #tpu.memory_space<vmem>>, vector<1x1x16xf32>,
    %get3A_3339 = vector.shape_cast %get3A_3338 : vector<1x1x16xf32> to vector<16xf32>
    %swap3A_3340 = arith.constant 20 : i32
    %swap3A_3341 = arith.index_cast %swap3A_3340 : i32 to index
    %swap3A_3342 = arith.constant 64 : index
    %swap3A_3343 = tpu.vector_load %arg7[%swap3A_3341, %swap3A_3342] {strides = array<i32>} : memref<32x128xf32, #tpu.memory_space<vmem>>, vector<1x16xf32>,
    %swap3A_3344 = vector.shape_cast %swap3A_3343 : vector<1x16xf32> to vector<16xf32>
    %swap3A_3345 = vector.shape_cast %get3A_3339 : vector<16xf32> to vector<1x16xf32>
    tpu.vector_store %arg7[%swap3A_3341, %swap3A_3342], %swap3A_3345 {strides = array<i32>} : memref<32x128xf32, #tpu.memory_space<vmem>>, vector<1x16xf32>,
    %get3A_3346 = arith.constant 20 : i32
    %get3A_3347 = arith.index_cast %get3A_3346 : i32 to index
    %get3A_3348 = arith.index_cast %and3A_3285 : i32 to index
    %get3A_3349 = arith.constant 80 : index
    %get3A_3350 = tpu.vector_load %arg6[%get3A_3347, %get3A_3348, %get3A_3349] {strides = array<i32>} : memref<32x8x128xf32, #tpu.memory_space<vmem>>, vector<1x1x16xf32>,
    %get3A_3351 = vector.shape_cast %get3A_3350 : vector<1x1x16xf32> to vector<16xf32>
    %swap3A_3352 = arith.constant 20 : i32
    %swap3A_3353 = arith.index_cast %swap3A_3352 : i32 to index
    %swap3A_3354 = arith.constant 80 : index
    %swap3A_3355 = tpu.vector_load %arg7[%swap3A_3353, %swap3A_3354] {strides = array<i32>} : memref<32x128xf32, #tpu.memory_space<vmem>>, vector<1x16xf32>,
    %swap3A_3356 = vector.shape_cast %swap3A_3355 : vector<1x16xf32> to vector<16xf32>
    %swap3A_3357 = vector.shape_cast %get3A_3351 : vector<16xf32> to vector<1x16xf32>
    tpu.vector_store %arg7[%swap3A_3353, %swap3A_3354], %swap3A_3357 {strides = array<i32>} : memref<32x128xf32, #tpu.memory_space<vmem>>, vector<1x16xf32>,
    %get3A_3358 = arith.constant 20 : i32
    %get3A_3359 = arith.index_cast %get3A_3358 : i32 to index
    %get3A_3360 = arith.index_cast %and3A_3285 : i32 to index
    %get3A_3361 = arith.constant 96 : index
    %get3A_3362 = tpu.vector_load %arg6[%get3A_3359, %get3A_3360, %get3A_3361] {strides = array<i32>} : memref<32x8x128xf32, #tpu.memory_space<vmem>>, vector<1x1x16xf32>,
    %get3A_3363 = vector.shape_cast %get3A_3362 : vector<1x1x16xf32> to vector<16xf32>
    %swap3A_3364 = arith.constant 20 : i32
    %swap3A_3365 = arith.index_cast %swap3A_3364 : i32 to index
    %swap3A_3366 = arith.constant 96 : index
    %swap3A_3367 = tpu.vector_load %arg7[%swap3A_3365, %swap3A_3366] {strides = array<i32>} : memref<32x128xf32, #tpu.memory_space<vmem>>, vector<1x16xf32>,
    %swap3A_3368 = vector.shape_cast %swap3A_3367 : vector<1x16xf32> to vector<16xf32>
    %swap3A_3369 = vector.shape_cast %get3A_3363 : vector<16xf32> to vector<1x16xf32>
    tpu.vector_store %arg7[%swap3A_3365, %swap3A_3366], %swap3A_3369 {strides = array<i32>} : memref<32x128xf32, #tpu.memory_space<vmem>>, vector<1x16xf32>,
    %get3A_3370 = arith.constant 20 : i32
    %get3A_3371 = arith.index_cast %get3A_3370 : i32 to index
    %get3A_3372 = arith.index_cast %and3A_3285 : i32 to index
    %get3A_3373 = arith.constant 112 : index
    %get3A_3374 = tpu.vector_load %arg6[%get3A_3371, %get3A_3372, %get3A_3373] {strides = array<i32>} : memref<32x8x128xf32, #tpu.memory_space<vmem>>, vector<1x1x16xf32>,
    %get3A_3375 = vector.shape_cast %get3A_3374 : vector<1x1x16xf32> to vector<16xf32>
    %swap3A_3376 = arith.constant 20 : i32
    %swap3A_3377 = arith.index_cast %swap3A_3376 : i32 to index
    %swap3A_3378 = arith.constant 112 : index
    %swap3A_3379 = tpu.vector_load %arg7[%swap3A_3377, %swap3A_3378] {strides = array<i32>} : memref<32x128xf32, #tpu.memory_space<vmem>>, vector<1x16xf32>,
    %swap3A_3380 = vector.shape_cast %swap3A_3379 : vector<1x16xf32> to vector<16xf32>
    %swap3A_3381 = vector.shape_cast %get3A_3375 : vector<16xf32> to vector<1x16xf32>
    tpu.vector_store %arg7[%swap3A_3377, %swap3A_3378], %swap3A_3381 {strides = array<i32>} : memref<32x128xf32, #tpu.memory_space<vmem>>, vector<1x16xf32>,
    %add3A_3382 = arith.constant 21 : i32
    %add3A_3383 = arith.addi %mul3A_2, %add3A_3382 : i32
    %and3A_3384 = arith.constant 7 : i32
    %and3A_3385 = arith.andi %add3A_3383, %and3A_3384 : i32
    %get3A_3386 = arith.constant 21 : i32
    %get3A_3387 = arith.index_cast %get3A_3386 : i32 to index
    %get3A_3388 = arith.index_cast %and3A_3385 : i32 to index
    %get3A_3389 = arith.constant 0 : index
    %get3A_3390 = tpu.vector_load %arg6[%get3A_3387, %get3A_3388, %get3A_3389] {strides = array<i32>} : memref<32x8x128xf32, #tpu.memory_space<vmem>>, vector<1x1x16xf32>,
    %get3A_3391 = vector.shape_cast %get3A_3390 : vector<1x1x16xf32> to vector<16xf32>
    %swap3A_3392 = arith.constant 21 : i32
    %swap3A_3393 = arith.index_cast %swap3A_3392 : i32 to index
    %swap3A_3394 = arith.constant 0 : index
    %swap3A_3395 = tpu.vector_load %arg7[%swap3A_3393, %swap3A_3394] {strides = array<i32>} : memref<32x128xf32, #tpu.memory_space<vmem>>, vector<1x16xf32>,
    %swap3A_3396 = vector.shape_cast %swap3A_3395 : vector<1x16xf32> to vector<16xf32>
    %swap3A_3397 = vector.shape_cast %get3A_3391 : vector<16xf32> to vector<1x16xf32>
    tpu.vector_store %arg7[%swap3A_3393, %swap3A_3394], %swap3A_3397 {strides = array<i32>} : memref<32x128xf32, #tpu.memory_space<vmem>>, vector<1x16xf32>,
    %get3A_3398 = arith.constant 21 : i32
    %get3A_3399 = arith.index_cast %get3A_3398 : i32 to index
    %get3A_3400 = arith.index_cast %and3A_3385 : i32 to index
    %get3A_3401 = arith.constant 16 : index
    %get3A_3402 = tpu.vector_load %arg6[%get3A_3399, %get3A_3400, %get3A_3401] {strides = array<i32>} : memref<32x8x128xf32, #tpu.memory_space<vmem>>, vector<1x1x16xf32>,
    %get3A_3403 = vector.shape_cast %get3A_3402 : vector<1x1x16xf32> to vector<16xf32>
    %swap3A_3404 = arith.constant 21 : i32
    %swap3A_3405 = arith.index_cast %swap3A_3404 : i32 to index
    %swap3A_3406 = arith.constant 16 : index
    %swap3A_3407 = tpu.vector_load %arg7[%swap3A_3405, %swap3A_3406] {strides = array<i32>} : memref<32x128xf32, #tpu.memory_space<vmem>>, vector<1x16xf32>,
    %swap3A_3408 = vector.shape_cast %swap3A_3407 : vector<1x16xf32> to vector<16xf32>
    %swap3A_3409 = vector.shape_cast %get3A_3403 : vector<16xf32> to vector<1x16xf32>
    tpu.vector_store %arg7[%swap3A_3405, %swap3A_3406], %swap3A_3409 {strides = array<i32>} : memref<32x128xf32, #tpu.memory_space<vmem>>, vector<1x16xf32>,
    %get3A_3410 = arith.constant 21 : i32
    %get3A_3411 = arith.index_cast %get3A_3410 : i32 to index
    %get3A_3412 = arith.index_cast %and3A_3385 : i32 to index
    %get3A_3413 = arith.constant 32 : index
    %get3A_3414 = tpu.vector_load %arg6[%get3A_3411, %get3A_3412, %get3A_3413] {strides = array<i32>} : memref<32x8x128xf32, #tpu.memory_space<vmem>>, vector<1x1x16xf32>,
    %get3A_3415 = vector.shape_cast %get3A_3414 : vector<1x1x16xf32> to vector<16xf32>
    %swap3A_3416 = arith.constant 21 : i32
    %swap3A_3417 = arith.index_cast %swap3A_3416 : i32 to index
    %swap3A_3418 = arith.constant 32 : index
    %swap3A_3419 = tpu.vector_load %arg7[%swap3A_3417, %swap3A_3418] {strides = array<i32>} : memref<32x128xf32, #tpu.memory_space<vmem>>, vector<1x16xf32>,
    %swap3A_3420 = vector.shape_cast %swap3A_3419 : vector<1x16xf32> to vector<16xf32>
    %swap3A_3421 = vector.shape_cast %get3A_3415 : vector<16xf32> to vector<1x16xf32>
    tpu.vector_store %arg7[%swap3A_3417, %swap3A_3418], %swap3A_3421 {strides = array<i32>} : memref<32x128xf32, #tpu.memory_space<vmem>>, vector<1x16xf32>,
    %get3A_3422 = arith.constant 21 : i32
    %get3A_3423 = arith.index_cast %get3A_3422 : i32 to index
    %get3A_3424 = arith.index_cast %and3A_3385 : i32 to index
    %get3A_3425 = arith.constant 48 : index
    %get3A_3426 = tpu.vector_load %arg6[%get3A_3423, %get3A_3424, %get3A_3425] {strides = array<i32>} : memref<32x8x128xf32, #tpu.memory_space<vmem>>, vector<1x1x16xf32>,
    %get3A_3427 = vector.shape_cast %get3A_3426 : vector<1x1x16xf32> to vector<16xf32>
    %swap3A_3428 = arith.constant 21 : i32
    %swap3A_3429 = arith.index_cast %swap3A_3428 : i32 to index
    %swap3A_3430 = arith.constant 48 : index
    %swap3A_3431 = tpu.vector_load %arg7[%swap3A_3429, %swap3A_3430] {strides = array<i32>} : memref<32x128xf32, #tpu.memory_space<vmem>>, vector<1x16xf32>,
    %swap3A_3432 = vector.shape_cast %swap3A_3431 : vector<1x16xf32> to vector<16xf32>
    %swap3A_3433 = vector.shape_cast %get3A_3427 : vector<16xf32> to vector<1x16xf32>
    tpu.vector_store %arg7[%swap3A_3429, %swap3A_3430], %swap3A_3433 {strides = array<i32>} : memref<32x128xf32, #tpu.memory_space<vmem>>, vector<1x16xf32>,
    %get3A_3434 = arith.constant 21 : i32
    %get3A_3435 = arith.index_cast %get3A_3434 : i32 to index
    %get3A_3436 = arith.index_cast %and3A_3385 : i32 to index
    %get3A_3437 = arith.constant 64 : index
    %get3A_3438 = tpu.vector_load %arg6[%get3A_3435, %get3A_3436, %get3A_3437] {strides = array<i32>} : memref<32x8x128xf32, #tpu.memory_space<vmem>>, vector<1x1x16xf32>,
    %get3A_3439 = vector.shape_cast %get3A_3438 : vector<1x1x16xf32> to vector<16xf32>
    %swap3A_3440 = arith.constant 21 : i32
    %swap3A_3441 = arith.index_cast %swap3A_3440 : i32 to index
    %swap3A_3442 = arith.constant 64 : index
    %swap3A_3443 = tpu.vector_load %arg7[%swap3A_3441, %swap3A_3442] {strides = array<i32>} : memref<32x128xf32, #tpu.memory_space<vmem>>, vector<1x16xf32>,
    %swap3A_3444 = vector.shape_cast %swap3A_3443 : vector<1x16xf32> to vector<16xf32>
    %swap3A_3445 = vector.shape_cast %get3A_3439 : vector<16xf32> to vector<1x16xf32>
    tpu.vector_store %arg7[%swap3A_3441, %swap3A_3442], %swap3A_3445 {strides = array<i32>} : memref<32x128xf32, #tpu.memory_space<vmem>>, vector<1x16xf32>,
    %get3A_3446 = arith.constant 21 : i32
    %get3A_3447 = arith.index_cast %get3A_3446 : i32 to index
    %get3A_3448 = arith.index_cast %and3A_3385 : i32 to index
    %get3A_3449 = arith.constant 80 : index
    %get3A_3450 = tpu.vector_load %arg6[%get3A_3447, %get3A_3448, %get3A_3449] {strides = array<i32>} : memref<32x8x128xf32, #tpu.memory_space<vmem>>, vector<1x1x16xf32>,
    %get3A_3451 = vector.shape_cast %get3A_3450 : vector<1x1x16xf32> to vector<16xf32>
    %swap3A_3452 = arith.constant 21 : i32
    %swap3A_3453 = arith.index_cast %swap3A_3452 : i32 to index
    %swap3A_3454 = arith.constant 80 : index
    %swap3A_3455 = tpu.vector_load %arg7[%swap3A_3453, %swap3A_3454] {strides = array<i32>} : memref<32x128xf32, #tpu.memory_space<vmem>>, vector<1x16xf32>,
    %swap3A_3456 = vector.shape_cast %swap3A_3455 : vector<1x16xf32> to vector<16xf32>
    %swap3A_3457 = vector.shape_cast %get3A_3451 : vector<16xf32> to vector<1x16xf32>
    tpu.vector_store %arg7[%swap3A_3453, %swap3A_3454], %swap3A_3457 {strides = array<i32>} : memref<32x128xf32, #tpu.memory_space<vmem>>, vector<1x16xf32>,
    %get3A_3458 = arith.constant 21 : i32
    %get3A_3459 = arith.index_cast %get3A_3458 : i32 to index
    %get3A_3460 = arith.index_cast %and3A_3385 : i32 to index
    %get3A_3461 = arith.constant 96 : index
    %get3A_3462 = tpu.vector_load %arg6[%get3A_3459, %get3A_3460, %get3A_3461] {strides = array<i32>} : memref<32x8x128xf32, #tpu.memory_space<vmem>>, vector<1x1x16xf32>,
    %get3A_3463 = vector.shape_cast %get3A_3462 : vector<1x1x16xf32> to vector<16xf32>
    %swap3A_3464 = arith.constant 21 : i32
    %swap3A_3465 = arith.index_cast %swap3A_3464 : i32 to index
    %swap3A_3466 = arith.constant 96 : index
    %swap3A_3467 = tpu.vector_load %arg7[%swap3A_3465, %swap3A_3466] {strides = array<i32>} : memref<32x128xf32, #tpu.memory_space<vmem>>, vector<1x16xf32>,
    %swap3A_3468 = vector.shape_cast %swap3A_3467 : vector<1x16xf32> to vector<16xf32>
    %swap3A_3469 = vector.shape_cast %get3A_3463 : vector<16xf32> to vector<1x16xf32>
    tpu.vector_store %arg7[%swap3A_3465, %swap3A_3466], %swap3A_3469 {strides = array<i32>} : memref<32x128xf32, #tpu.memory_space<vmem>>, vector<1x16xf32>,
    %get3A_3470 = arith.constant 21 : i32
    %get3A_3471 = arith.index_cast %get3A_3470 : i32 to index
    %get3A_3472 = arith.index_cast %and3A_3385 : i32 to index
    %get3A_3473 = arith.constant 112 : index
    %get3A_3474 = tpu.vector_load %arg6[%get3A_3471, %get3A_3472, %get3A_3473] {strides = array<i32>} : memref<32x8x128xf32, #tpu.memory_space<vmem>>, vector<1x1x16xf32>,
    %get3A_3475 = vector.shape_cast %get3A_3474 : vector<1x1x16xf32> to vector<16xf32>
    %swap3A_3476 = arith.constant 21 : i32
    %swap3A_3477 = arith.index_cast %swap3A_3476 : i32 to index
    %swap3A_3478 = arith.constant 112 : index
    %swap3A_3479 = tpu.vector_load %arg7[%swap3A_3477, %swap3A_3478] {strides = array<i32>} : memref<32x128xf32, #tpu.memory_space<vmem>>, vector<1x16xf32>,
    %swap3A_3480 = vector.shape_cast %swap3A_3479 : vector<1x16xf32> to vector<16xf32>
    %swap3A_3481 = vector.shape_cast %get3A_3475 : vector<16xf32> to vector<1x16xf32>
    tpu.vector_store %arg7[%swap3A_3477, %swap3A_3478], %swap3A_3481 {strides = array<i32>} : memref<32x128xf32, #tpu.memory_space<vmem>>, vector<1x16xf32>,
    %add3A_3482 = arith.constant 22 : i32
    %add3A_3483 = arith.addi %mul3A_2, %add3A_3482 : i32
    %and3A_3484 = arith.constant 7 : i32
    %and3A_3485 = arith.andi %add3A_3483, %and3A_3484 : i32
    %get3A_3486 = arith.constant 22 : i32
    %get3A_3487 = arith.index_cast %get3A_3486 : i32 to index
    %get3A_3488 = arith.index_cast %and3A_3485 : i32 to index
    %get3A_3489 = arith.constant 0 : index
    %get3A_3490 = tpu.vector_load %arg6[%get3A_3487, %get3A_3488, %get3A_3489] {strides = array<i32>} : memref<32x8x128xf32, #tpu.memory_space<vmem>>, vector<1x1x16xf32>,
    %get3A_3491 = vector.shape_cast %get3A_3490 : vector<1x1x16xf32> to vector<16xf32>
    %swap3A_3492 = arith.constant 22 : i32
    %swap3A_3493 = arith.index_cast %swap3A_3492 : i32 to index
    %swap3A_3494 = arith.constant 0 : index
    %swap3A_3495 = tpu.vector_load %arg7[%swap3A_3493, %swap3A_3494] {strides = array<i32>} : memref<32x128xf32, #tpu.memory_space<vmem>>, vector<1x16xf32>,
    %swap3A_3496 = vector.shape_cast %swap3A_3495 : vector<1x16xf32> to vector<16xf32>
    %swap3A_3497 = vector.shape_cast %get3A_3491 : vector<16xf32> to vector<1x16xf32>
    tpu.vector_store %arg7[%swap3A_3493, %swap3A_3494], %swap3A_3497 {strides = array<i32>} : memref<32x128xf32, #tpu.memory_space<vmem>>, vector<1x16xf32>,
    %get3A_3498 = arith.constant 22 : i32
    %get3A_3499 = arith.index_cast %get3A_3498 : i32 to index
    %get3A_3500 = arith.index_cast %and3A_3485 : i32 to index
    %get3A_3501 = arith.constant 16 : index
    %get3A_3502 = tpu.vector_load %arg6[%get3A_3499, %get3A_3500, %get3A_3501] {strides = array<i32>} : memref<32x8x128xf32, #tpu.memory_space<vmem>>, vector<1x1x16xf32>,
    %get3A_3503 = vector.shape_cast %get3A_3502 : vector<1x1x16xf32> to vector<16xf32>
    %swap3A_3504 = arith.constant 22 : i32
    %swap3A_3505 = arith.index_cast %swap3A_3504 : i32 to index
    %swap3A_3506 = arith.constant 16 : index
    %swap3A_3507 = tpu.vector_load %arg7[%swap3A_3505, %swap3A_3506] {strides = array<i32>} : memref<32x128xf32, #tpu.memory_space<vmem>>, vector<1x16xf32>,
    %swap3A_3508 = vector.shape_cast %swap3A_3507 : vector<1x16xf32> to vector<16xf32>
    %swap3A_3509 = vector.shape_cast %get3A_3503 : vector<16xf32> to vector<1x16xf32>
    tpu.vector_store %arg7[%swap3A_3505, %swap3A_3506], %swap3A_3509 {strides = array<i32>} : memref<32x128xf32, #tpu.memory_space<vmem>>, vector<1x16xf32>,
    %get3A_3510 = arith.constant 22 : i32
    %get3A_3511 = arith.index_cast %get3A_3510 : i32 to index
    %get3A_3512 = arith.index_cast %and3A_3485 : i32 to index
    %get3A_3513 = arith.constant 32 : index
    %get3A_3514 = tpu.vector_load %arg6[%get3A_3511, %get3A_3512, %get3A_3513] {strides = array<i32>} : memref<32x8x128xf32, #tpu.memory_space<vmem>>, vector<1x1x16xf32>,
    %get3A_3515 = vector.shape_cast %get3A_3514 : vector<1x1x16xf32> to vector<16xf32>
    %swap3A_3516 = arith.constant 22 : i32
    %swap3A_3517 = arith.index_cast %swap3A_3516 : i32 to index
    %swap3A_3518 = arith.constant 32 : index
    %swap3A_3519 = tpu.vector_load %arg7[%swap3A_3517, %swap3A_3518] {strides = array<i32>} : memref<32x128xf32, #tpu.memory_space<vmem>>, vector<1x16xf32>,
    %swap3A_3520 = vector.shape_cast %swap3A_3519 : vector<1x16xf32> to vector<16xf32>
    %swap3A_3521 = vector.shape_cast %get3A_3515 : vector<16xf32> to vector<1x16xf32>
    tpu.vector_store %arg7[%swap3A_3517, %swap3A_3518], %swap3A_3521 {strides = array<i32>} : memref<32x128xf32, #tpu.memory_space<vmem>>, vector<1x16xf32>,
    %get3A_3522 = arith.constant 22 : i32
    %get3A_3523 = arith.index_cast %get3A_3522 : i32 to index
    %get3A_3524 = arith.index_cast %and3A_3485 : i32 to index
    %get3A_3525 = arith.constant 48 : index
    %get3A_3526 = tpu.vector_load %arg6[%get3A_3523, %get3A_3524, %get3A_3525] {strides = array<i32>} : memref<32x8x128xf32, #tpu.memory_space<vmem>>, vector<1x1x16xf32>,
    %get3A_3527 = vector.shape_cast %get3A_3526 : vector<1x1x16xf32> to vector<16xf32>
    %swap3A_3528 = arith.constant 22 : i32
    %swap3A_3529 = arith.index_cast %swap3A_3528 : i32 to index
    %swap3A_3530 = arith.constant 48 : index
    %swap3A_3531 = tpu.vector_load %arg7[%swap3A_3529, %swap3A_3530] {strides = array<i32>} : memref<32x128xf32, #tpu.memory_space<vmem>>, vector<1x16xf32>,
    %swap3A_3532 = vector.shape_cast %swap3A_3531 : vector<1x16xf32> to vector<16xf32>
    %swap3A_3533 = vector.shape_cast %get3A_3527 : vector<16xf32> to vector<1x16xf32>
    tpu.vector_store %arg7[%swap3A_3529, %swap3A_3530], %swap3A_3533 {strides = array<i32>} : memref<32x128xf32, #tpu.memory_space<vmem>>, vector<1x16xf32>,
    %get3A_3534 = arith.constant 22 : i32
    %get3A_3535 = arith.index_cast %get3A_3534 : i32 to index
    %get3A_3536 = arith.index_cast %and3A_3485 : i32 to index
    %get3A_3537 = arith.constant 64 : index
    %get3A_3538 = tpu.vector_load %arg6[%get3A_3535, %get3A_3536, %get3A_3537] {strides = array<i32>} : memref<32x8x128xf32, #tpu.memory_space<vmem>>, vector<1x1x16xf32>,
    %get3A_3539 = vector.shape_cast %get3A_3538 : vector<1x1x16xf32> to vector<16xf32>
    %swap3A_3540 = arith.constant 22 : i32
    %swap3A_3541 = arith.index_cast %swap3A_3540 : i32 to index
    %swap3A_3542 = arith.constant 64 : index
    %swap3A_3543 = tpu.vector_load %arg7[%swap3A_3541, %swap3A_3542] {strides = array<i32>} : memref<32x128xf32, #tpu.memory_space<vmem>>, vector<1x16xf32>,
    %swap3A_3544 = vector.shape_cast %swap3A_3543 : vector<1x16xf32> to vector<16xf32>
    %swap3A_3545 = vector.shape_cast %get3A_3539 : vector<16xf32> to vector<1x16xf32>
    tpu.vector_store %arg7[%swap3A_3541, %swap3A_3542], %swap3A_3545 {strides = array<i32>} : memref<32x128xf32, #tpu.memory_space<vmem>>, vector<1x16xf32>,
    %get3A_3546 = arith.constant 22 : i32
    %get3A_3547 = arith.index_cast %get3A_3546 : i32 to index
    %get3A_3548 = arith.index_cast %and3A_3485 : i32 to index
    %get3A_3549 = arith.constant 80 : index
    %get3A_3550 = tpu.vector_load %arg6[%get3A_3547, %get3A_3548, %get3A_3549] {strides = array<i32>} : memref<32x8x128xf32, #tpu.memory_space<vmem>>, vector<1x1x16xf32>,
    %get3A_3551 = vector.shape_cast %get3A_3550 : vector<1x1x16xf32> to vector<16xf32>
    %swap3A_3552 = arith.constant 22 : i32
    %swap3A_3553 = arith.index_cast %swap3A_3552 : i32 to index
    %swap3A_3554 = arith.constant 80 : index
    %swap3A_3555 = tpu.vector_load %arg7[%swap3A_3553, %swap3A_3554] {strides = array<i32>} : memref<32x128xf32, #tpu.memory_space<vmem>>, vector<1x16xf32>,
    %swap3A_3556 = vector.shape_cast %swap3A_3555 : vector<1x16xf32> to vector<16xf32>
    %swap3A_3557 = vector.shape_cast %get3A_3551 : vector<16xf32> to vector<1x16xf32>
    tpu.vector_store %arg7[%swap3A_3553, %swap3A_3554], %swap3A_3557 {strides = array<i32>} : memref<32x128xf32, #tpu.memory_space<vmem>>, vector<1x16xf32>,
    %get3A_3558 = arith.constant 22 : i32
    %get3A_3559 = arith.index_cast %get3A_3558 : i32 to index
    %get3A_3560 = arith.index_cast %and3A_3485 : i32 to index
    %get3A_3561 = arith.constant 96 : index
    %get3A_3562 = tpu.vector_load %arg6[%get3A_3559, %get3A_3560, %get3A_3561] {strides = array<i32>} : memref<32x8x128xf32, #tpu.memory_space<vmem>>, vector<1x1x16xf32>,
    %get3A_3563 = vector.shape_cast %get3A_3562 : vector<1x1x16xf32> to vector<16xf32>
    %swap3A_3564 = arith.constant 22 : i32
    %swap3A_3565 = arith.index_cast %swap3A_3564 : i32 to index
    %swap3A_3566 = arith.constant 96 : index
    %swap3A_3567 = tpu.vector_load %arg7[%swap3A_3565, %swap3A_3566] {strides = array<i32>} : memref<32x128xf32, #tpu.memory_space<vmem>>, vector<1x16xf32>,
    %swap3A_3568 = vector.shape_cast %swap3A_3567 : vector<1x16xf32> to vector<16xf32>
    %swap3A_3569 = vector.shape_cast %get3A_3563 : vector<16xf32> to vector<1x16xf32>
    tpu.vector_store %arg7[%swap3A_3565, %swap3A_3566], %swap3A_3569 {strides = array<i32>} : memref<32x128xf32, #tpu.memory_space<vmem>>, vector<1x16xf32>,
    %get3A_3570 = arith.constant 22 : i32
    %get3A_3571 = arith.index_cast %get3A_3570 : i32 to index
    %get3A_3572 = arith.index_cast %and3A_3485 : i32 to index
    %get3A_3573 = arith.constant 112 : index
    %get3A_3574 = tpu.vector_load %arg6[%get3A_3571, %get3A_3572, %get3A_3573] {strides = array<i32>} : memref<32x8x128xf32, #tpu.memory_space<vmem>>, vector<1x1x16xf32>,
    %get3A_3575 = vector.shape_cast %get3A_3574 : vector<1x1x16xf32> to vector<16xf32>
    %swap3A_3576 = arith.constant 22 : i32
    %swap3A_3577 = arith.index_cast %swap3A_3576 : i32 to index
    %swap3A_3578 = arith.constant 112 : index
    %swap3A_3579 = tpu.vector_load %arg7[%swap3A_3577, %swap3A_3578] {strides = array<i32>} : memref<32x128xf32, #tpu.memory_space<vmem>>, vector<1x16xf32>,
    %swap3A_3580 = vector.shape_cast %swap3A_3579 : vector<1x16xf32> to vector<16xf32>
    %swap3A_3581 = vector.shape_cast %get3A_3575 : vector<16xf32> to vector<1x16xf32>
    tpu.vector_store %arg7[%swap3A_3577, %swap3A_3578], %swap3A_3581 {strides = array<i32>} : memref<32x128xf32, #tpu.memory_space<vmem>>, vector<1x16xf32>,
    %add3A_3582 = arith.constant 23 : i32
    %add3A_3583 = arith.addi %mul3A_2, %add3A_3582 : i32
    %and3A_3584 = arith.constant 7 : i32
    %and3A_3585 = arith.andi %add3A_3583, %and3A_3584 : i32
    %get3A_3586 = arith.constant 23 : i32
    %get3A_3587 = arith.index_cast %get3A_3586 : i32 to index
    %get3A_3588 = arith.index_cast %and3A_3585 : i32 to index
    %get3A_3589 = arith.constant 0 : index
    %get3A_3590 = tpu.vector_load %arg6[%get3A_3587, %get3A_3588, %get3A_3589] {strides = array<i32>} : memref<32x8x128xf32, #tpu.memory_space<vmem>>, vector<1x1x16xf32>,
    %get3A_3591 = vector.shape_cast %get3A_3590 : vector<1x1x16xf32> to vector<16xf32>
    %swap3A_3592 = arith.constant 23 : i32
    %swap3A_3593 = arith.index_cast %swap3A_3592 : i32 to index
    %swap3A_3594 = arith.constant 0 : index
    %swap3A_3595 = tpu.vector_load %arg7[%swap3A_3593, %swap3A_3594] {strides = array<i32>} : memref<32x128xf32, #tpu.memory_space<vmem>>, vector<1x16xf32>,
    %swap3A_3596 = vector.shape_cast %swap3A_3595 : vector<1x16xf32> to vector<16xf32>
    %swap3A_3597 = vector.shape_cast %get3A_3591 : vector<16xf32> to vector<1x16xf32>
    tpu.vector_store %arg7[%swap3A_3593, %swap3A_3594], %swap3A_3597 {strides = array<i32>} : memref<32x128xf32, #tpu.memory_space<vmem>>, vector<1x16xf32>,
    %get3A_3598 = arith.constant 23 : i32
    %get3A_3599 = arith.index_cast %get3A_3598 : i32 to index
    %get3A_3600 = arith.index_cast %and3A_3585 : i32 to index
    %get3A_3601 = arith.constant 16 : index
    %get3A_3602 = tpu.vector_load %arg6[%get3A_3599, %get3A_3600, %get3A_3601] {strides = array<i32>} : memref<32x8x128xf32, #tpu.memory_space<vmem>>, vector<1x1x16xf32>,
    %get3A_3603 = vector.shape_cast %get3A_3602 : vector<1x1x16xf32> to vector<16xf32>
    %swap3A_3604 = arith.constant 23 : i32
    %swap3A_3605 = arith.index_cast %swap3A_3604 : i32 to index
    %swap3A_3606 = arith.constant 16 : index
    %swap3A_3607 = tpu.vector_load %arg7[%swap3A_3605, %swap3A_3606] {strides = array<i32>} : memref<32x128xf32, #tpu.memory_space<vmem>>, vector<1x16xf32>,
    %swap3A_3608 = vector.shape_cast %swap3A_3607 : vector<1x16xf32> to vector<16xf32>
    %swap3A_3609 = vector.shape_cast %get3A_3603 : vector<16xf32> to vector<1x16xf32>
    tpu.vector_store %arg7[%swap3A_3605, %swap3A_3606], %swap3A_3609 {strides = array<i32>} : memref<32x128xf32, #tpu.memory_space<vmem>>, vector<1x16xf32>,
    %get3A_3610 = arith.constant 23 : i32
    %get3A_3611 = arith.index_cast %get3A_3610 : i32 to index
    %get3A_3612 = arith.index_cast %and3A_3585 : i32 to index
    %get3A_3613 = arith.constant 32 : index
    %get3A_3614 = tpu.vector_load %arg6[%get3A_3611, %get3A_3612, %get3A_3613] {strides = array<i32>} : memref<32x8x128xf32, #tpu.memory_space<vmem>>, vector<1x1x16xf32>,
    %get3A_3615 = vector.shape_cast %get3A_3614 : vector<1x1x16xf32> to vector<16xf32>
    %swap3A_3616 = arith.constant 23 : i32
    %swap3A_3617 = arith.index_cast %swap3A_3616 : i32 to index
    %swap3A_3618 = arith.constant 32 : index
    %swap3A_3619 = tpu.vector_load %arg7[%swap3A_3617, %swap3A_3618] {strides = array<i32>} : memref<32x128xf32, #tpu.memory_space<vmem>>, vector<1x16xf32>,
    %swap3A_3620 = vector.shape_cast %swap3A_3619 : vector<1x16xf32> to vector<16xf32>
    %swap3A_3621 = vector.shape_cast %get3A_3615 : vector<16xf32> to vector<1x16xf32>
    tpu.vector_store %arg7[%swap3A_3617, %swap3A_3618], %swap3A_3621 {strides = array<i32>} : memref<32x128xf32, #tpu.memory_space<vmem>>, vector<1x16xf32>,
    %get3A_3622 = arith.constant 23 : i32
    %get3A_3623 = arith.index_cast %get3A_3622 : i32 to index
    %get3A_3624 = arith.index_cast %and3A_3585 : i32 to index
    %get3A_3625 = arith.constant 48 : index
    %get3A_3626 = tpu.vector_load %arg6[%get3A_3623, %get3A_3624, %get3A_3625] {strides = array<i32>} : memref<32x8x128xf32, #tpu.memory_space<vmem>>, vector<1x1x16xf32>,
    %get3A_3627 = vector.shape_cast %get3A_3626 : vector<1x1x16xf32> to vector<16xf32>
    %swap3A_3628 = arith.constant 23 : i32
    %swap3A_3629 = arith.index_cast %swap3A_3628 : i32 to index
    %swap3A_3630 = arith.constant 48 : index
    %swap3A_3631 = tpu.vector_load %arg7[%swap3A_3629, %swap3A_3630] {strides = array<i32>} : memref<32x128xf32, #tpu.memory_space<vmem>>, vector<1x16xf32>,
    %swap3A_3632 = vector.shape_cast %swap3A_3631 : vector<1x16xf32> to vector<16xf32>
    %swap3A_3633 = vector.shape_cast %get3A_3627 : vector<16xf32> to vector<1x16xf32>
    tpu.vector_store %arg7[%swap3A_3629, %swap3A_3630], %swap3A_3633 {strides = array<i32>} : memref<32x128xf32, #tpu.memory_space<vmem>>, vector<1x16xf32>,
    %get3A_3634 = arith.constant 23 : i32
    %get3A_3635 = arith.index_cast %get3A_3634 : i32 to index
    %get3A_3636 = arith.index_cast %and3A_3585 : i32 to index
    %get3A_3637 = arith.constant 64 : index
    %get3A_3638 = tpu.vector_load %arg6[%get3A_3635, %get3A_3636, %get3A_3637] {strides = array<i32>} : memref<32x8x128xf32, #tpu.memory_space<vmem>>, vector<1x1x16xf32>,
    %get3A_3639 = vector.shape_cast %get3A_3638 : vector<1x1x16xf32> to vector<16xf32>
    %swap3A_3640 = arith.constant 23 : i32
    %swap3A_3641 = arith.index_cast %swap3A_3640 : i32 to index
    %swap3A_3642 = arith.constant 64 : index
    %swap3A_3643 = tpu.vector_load %arg7[%swap3A_3641, %swap3A_3642] {strides = array<i32>} : memref<32x128xf32, #tpu.memory_space<vmem>>, vector<1x16xf32>,
    %swap3A_3644 = vector.shape_cast %swap3A_3643 : vector<1x16xf32> to vector<16xf32>
    %swap3A_3645 = vector.shape_cast %get3A_3639 : vector<16xf32> to vector<1x16xf32>
    tpu.vector_store %arg7[%swap3A_3641, %swap3A_3642], %swap3A_3645 {strides = array<i32>} : memref<32x128xf32, #tpu.memory_space<vmem>>, vector<1x16xf32>,
    %get3A_3646 = arith.constant 23 : i32
    %get3A_3647 = arith.index_cast %get3A_3646 : i32 to index
    %get3A_3648 = arith.index_cast %and3A_3585 : i32 to index
    %get3A_3649 = arith.constant 80 : index
    %get3A_3650 = tpu.vector_load %arg6[%get3A_3647, %get3A_3648, %get3A_3649] {strides = array<i32>} : memref<32x8x128xf32, #tpu.memory_space<vmem>>, vector<1x1x16xf32>,
    %get3A_3651 = vector.shape_cast %get3A_3650 : vector<1x1x16xf32> to vector<16xf32>
    %swap3A_3652 = arith.constant 23 : i32
    %swap3A_3653 = arith.index_cast %swap3A_3652 : i32 to index
    %swap3A_3654 = arith.constant 80 : index
    %swap3A_3655 = tpu.vector_load %arg7[%swap3A_3653, %swap3A_3654] {strides = array<i32>} : memref<32x128xf32, #tpu.memory_space<vmem>>, vector<1x16xf32>,
    %swap3A_3656 = vector.shape_cast %swap3A_3655 : vector<1x16xf32> to vector<16xf32>
    %swap3A_3657 = vector.shape_cast %get3A_3651 : vector<16xf32> to vector<1x16xf32>
    tpu.vector_store %arg7[%swap3A_3653, %swap3A_3654], %swap3A_3657 {strides = array<i32>} : memref<32x128xf32, #tpu.memory_space<vmem>>, vector<1x16xf32>,
    %get3A_3658 = arith.constant 23 : i32
    %get3A_3659 = arith.index_cast %get3A_3658 : i32 to index
    %get3A_3660 = arith.index_cast %and3A_3585 : i32 to index
    %get3A_3661 = arith.constant 96 : index
    %get3A_3662 = tpu.vector_load %arg6[%get3A_3659, %get3A_3660, %get3A_3661] {strides = array<i32>} : memref<32x8x128xf32, #tpu.memory_space<vmem>>, vector<1x1x16xf32>,
    %get3A_3663 = vector.shape_cast %get3A_3662 : vector<1x1x16xf32> to vector<16xf32>
    %swap3A_3664 = arith.constant 23 : i32
    %swap3A_3665 = arith.index_cast %swap3A_3664 : i32 to index
    %swap3A_3666 = arith.constant 96 : index
    %swap3A_3667 = tpu.vector_load %arg7[%swap3A_3665, %swap3A_3666] {strides = array<i32>} : memref<32x128xf32, #tpu.memory_space<vmem>>, vector<1x16xf32>,
    %swap3A_3668 = vector.shape_cast %swap3A_3667 : vector<1x16xf32> to vector<16xf32>
    %swap3A_3669 = vector.shape_cast %get3A_3663 : vector<16xf32> to vector<1x16xf32>
    tpu.vector_store %arg7[%swap3A_3665, %swap3A_3666], %swap3A_3669 {strides = array<i32>} : memref<32x128xf32, #tpu.memory_space<vmem>>, vector<1x16xf32>,
    %get3A_3670 = arith.constant 23 : i32
    %get3A_3671 = arith.index_cast %get3A_3670 : i32 to index
    %get3A_3672 = arith.index_cast %and3A_3585 : i32 to index
    %get3A_3673 = arith.constant 112 : index
    %get3A_3674 = tpu.vector_load %arg6[%get3A_3671, %get3A_3672, %get3A_3673] {strides = array<i32>} : memref<32x8x128xf32, #tpu.memory_space<vmem>>, vector<1x1x16xf32>,
    %get3A_3675 = vector.shape_cast %get3A_3674 : vector<1x1x16xf32> to vector<16xf32>
    %swap3A_3676 = arith.constant 23 : i32
    %swap3A_3677 = arith.index_cast %swap3A_3676 : i32 to index
    %swap3A_3678 = arith.constant 112 : index
    %swap3A_3679 = tpu.vector_load %arg7[%swap3A_3677, %swap3A_3678] {strides = array<i32>} : memref<32x128xf32, #tpu.memory_space<vmem>>, vector<1x16xf32>,
    %swap3A_3680 = vector.shape_cast %swap3A_3679 : vector<1x16xf32> to vector<16xf32>
    %swap3A_3681 = vector.shape_cast %get3A_3675 : vector<16xf32> to vector<1x16xf32>
    tpu.vector_store %arg7[%swap3A_3677, %swap3A_3678], %swap3A_3681 {strides = array<i32>} : memref<32x128xf32, #tpu.memory_space<vmem>>, vector<1x16xf32>,
    %add3A_3682 = arith.constant 24 : i32
    %add3A_3683 = arith.addi %mul3A_2, %add3A_3682 : i32
    %and3A_3684 = arith.constant 7 : i32
    %and3A_3685 = arith.andi %add3A_3683, %and3A_3684 : i32
    %get3A_3686 = arith.constant 24 : i32
    %get3A_3687 = arith.index_cast %get3A_3686 : i32 to index
    %get3A_3688 = arith.index_cast %and3A_3685 : i32 to index
    %get3A_3689 = arith.constant 0 : index
    %get3A_3690 = tpu.vector_load %arg6[%get3A_3687, %get3A_3688, %get3A_3689] {strides = array<i32>} : memref<32x8x128xf32, #tpu.memory_space<vmem>>, vector<1x1x16xf32>,
    %get3A_3691 = vector.shape_cast %get3A_3690 : vector<1x1x16xf32> to vector<16xf32>
    %swap3A_3692 = arith.constant 24 : i32
    %swap3A_3693 = arith.index_cast %swap3A_3692 : i32 to index
    %swap3A_3694 = arith.constant 0 : index
    %swap3A_3695 = tpu.vector_load %arg7[%swap3A_3693, %swap3A_3694] {strides = array<i32>} : memref<32x128xf32, #tpu.memory_space<vmem>>, vector<1x16xf32>,
    %swap3A_3696 = vector.shape_cast %swap3A_3695 : vector<1x16xf32> to vector<16xf32>
    %swap3A_3697 = vector.shape_cast %get3A_3691 : vector<16xf32> to vector<1x16xf32>
    tpu.vector_store %arg7[%swap3A_3693, %swap3A_3694], %swap3A_3697 {strides = array<i32>} : memref<32x128xf32, #tpu.memory_space<vmem>>, vector<1x16xf32>,
    %get3A_3698 = arith.constant 24 : i32
    %get3A_3699 = arith.index_cast %get3A_3698 : i32 to index
    %get3A_3700 = arith.index_cast %and3A_3685 : i32 to index
    %get3A_3701 = arith.constant 16 : index
    %get3A_3702 = tpu.vector_load %arg6[%get3A_3699, %get3A_3700, %get3A_3701] {strides = array<i32>} : memref<32x8x128xf32, #tpu.memory_space<vmem>>, vector<1x1x16xf32>,
    %get3A_3703 = vector.shape_cast %get3A_3702 : vector<1x1x16xf32> to vector<16xf32>
    %swap3A_3704 = arith.constant 24 : i32
    %swap3A_3705 = arith.index_cast %swap3A_3704 : i32 to index
    %swap3A_3706 = arith.constant 16 : index
    %swap3A_3707 = tpu.vector_load %arg7[%swap3A_3705, %swap3A_3706] {strides = array<i32>} : memref<32x128xf32, #tpu.memory_space<vmem>>, vector<1x16xf32>,
    %swap3A_3708 = vector.shape_cast %swap3A_3707 : vector<1x16xf32> to vector<16xf32>
    %swap3A_3709 = vector.shape_cast %get3A_3703 : vector<16xf32> to vector<1x16xf32>
    tpu.vector_store %arg7[%swap3A_3705, %swap3A_3706], %swap3A_3709 {strides = array<i32>} : memref<32x128xf32, #tpu.memory_space<vmem>>, vector<1x16xf32>,
    %get3A_3710 = arith.constant 24 : i32
    %get3A_3711 = arith.index_cast %get3A_3710 : i32 to index
    %get3A_3712 = arith.index_cast %and3A_3685 : i32 to index
    %get3A_3713 = arith.constant 32 : index
    %get3A_3714 = tpu.vector_load %arg6[%get3A_3711, %get3A_3712, %get3A_3713] {strides = array<i32>} : memref<32x8x128xf32, #tpu.memory_space<vmem>>, vector<1x1x16xf32>,
    %get3A_3715 = vector.shape_cast %get3A_3714 : vector<1x1x16xf32> to vector<16xf32>
    %swap3A_3716 = arith.constant 24 : i32
    %swap3A_3717 = arith.index_cast %swap3A_3716 : i32 to index
    %swap3A_3718 = arith.constant 32 : index
    %swap3A_3719 = tpu.vector_load %arg7[%swap3A_3717, %swap3A_3718] {strides = array<i32>} : memref<32x128xf32, #tpu.memory_space<vmem>>, vector<1x16xf32>,
    %swap3A_3720 = vector.shape_cast %swap3A_3719 : vector<1x16xf32> to vector<16xf32>
    %swap3A_3721 = vector.shape_cast %get3A_3715 : vector<16xf32> to vector<1x16xf32>
    tpu.vector_store %arg7[%swap3A_3717, %swap3A_3718], %swap3A_3721 {strides = array<i32>} : memref<32x128xf32, #tpu.memory_space<vmem>>, vector<1x16xf32>,
    %get3A_3722 = arith.constant 24 : i32
    %get3A_3723 = arith.index_cast %get3A_3722 : i32 to index
    %get3A_3724 = arith.index_cast %and3A_3685 : i32 to index
    %get3A_3725 = arith.constant 48 : index
    %get3A_3726 = tpu.vector_load %arg6[%get3A_3723, %get3A_3724, %get3A_3725] {strides = array<i32>} : memref<32x8x128xf32, #tpu.memory_space<vmem>>, vector<1x1x16xf32>,
    %get3A_3727 = vector.shape_cast %get3A_3726 : vector<1x1x16xf32> to vector<16xf32>
    %swap3A_3728 = arith.constant 24 : i32
    %swap3A_3729 = arith.index_cast %swap3A_3728 : i32 to index
    %swap3A_3730 = arith.constant 48 : index
    %swap3A_3731 = tpu.vector_load %arg7[%swap3A_3729, %swap3A_3730] {strides = array<i32>} : memref<32x128xf32, #tpu.memory_space<vmem>>, vector<1x16xf32>,
    %swap3A_3732 = vector.shape_cast %swap3A_3731 : vector<1x16xf32> to vector<16xf32>
    %swap3A_3733 = vector.shape_cast %get3A_3727 : vector<16xf32> to vector<1x16xf32>
    tpu.vector_store %arg7[%swap3A_3729, %swap3A_3730], %swap3A_3733 {strides = array<i32>} : memref<32x128xf32, #tpu.memory_space<vmem>>, vector<1x16xf32>,
    %get3A_3734 = arith.constant 24 : i32
    %get3A_3735 = arith.index_cast %get3A_3734 : i32 to index
    %get3A_3736 = arith.index_cast %and3A_3685 : i32 to index
    %get3A_3737 = arith.constant 64 : index
    %get3A_3738 = tpu.vector_load %arg6[%get3A_3735, %get3A_3736, %get3A_3737] {strides = array<i32>} : memref<32x8x128xf32, #tpu.memory_space<vmem>>, vector<1x1x16xf32>,
    %get3A_3739 = vector.shape_cast %get3A_3738 : vector<1x1x16xf32> to vector<16xf32>
    %swap3A_3740 = arith.constant 24 : i32
    %swap3A_3741 = arith.index_cast %swap3A_3740 : i32 to index
    %swap3A_3742 = arith.constant 64 : index
    %swap3A_3743 = tpu.vector_load %arg7[%swap3A_3741, %swap3A_3742] {strides = array<i32>} : memref<32x128xf32, #tpu.memory_space<vmem>>, vector<1x16xf32>,
    %swap3A_3744 = vector.shape_cast %swap3A_3743 : vector<1x16xf32> to vector<16xf32>
    %swap3A_3745 = vector.shape_cast %get3A_3739 : vector<16xf32> to vector<1x16xf32>
    tpu.vector_store %arg7[%swap3A_3741, %swap3A_3742], %swap3A_3745 {strides = array<i32>} : memref<32x128xf32, #tpu.memory_space<vmem>>, vector<1x16xf32>,
    %get3A_3746 = arith.constant 24 : i32
    %get3A_3747 = arith.index_cast %get3A_3746 : i32 to index
    %get3A_3748 = arith.index_cast %and3A_3685 : i32 to index
    %get3A_3749 = arith.constant 80 : index
    %get3A_3750 = tpu.vector_load %arg6[%get3A_3747, %get3A_3748, %get3A_3749] {strides = array<i32>} : memref<32x8x128xf32, #tpu.memory_space<vmem>>, vector<1x1x16xf32>,
    %get3A_3751 = vector.shape_cast %get3A_3750 : vector<1x1x16xf32> to vector<16xf32>
    %swap3A_3752 = arith.constant 24 : i32
    %swap3A_3753 = arith.index_cast %swap3A_3752 : i32 to index
    %swap3A_3754 = arith.constant 80 : index
    %swap3A_3755 = tpu.vector_load %arg7[%swap3A_3753, %swap3A_3754] {strides = array<i32>} : memref<32x128xf32, #tpu.memory_space<vmem>>, vector<1x16xf32>,
    %swap3A_3756 = vector.shape_cast %swap3A_3755 : vector<1x16xf32> to vector<16xf32>
    %swap3A_3757 = vector.shape_cast %get3A_3751 : vector<16xf32> to vector<1x16xf32>
    tpu.vector_store %arg7[%swap3A_3753, %swap3A_3754], %swap3A_3757 {strides = array<i32>} : memref<32x128xf32, #tpu.memory_space<vmem>>, vector<1x16xf32>,
    %get3A_3758 = arith.constant 24 : i32
    %get3A_3759 = arith.index_cast %get3A_3758 : i32 to index
    %get3A_3760 = arith.index_cast %and3A_3685 : i32 to index
    %get3A_3761 = arith.constant 96 : index
    %get3A_3762 = tpu.vector_load %arg6[%get3A_3759, %get3A_3760, %get3A_3761] {strides = array<i32>} : memref<32x8x128xf32, #tpu.memory_space<vmem>>, vector<1x1x16xf32>,
    %get3A_3763 = vector.shape_cast %get3A_3762 : vector<1x1x16xf32> to vector<16xf32>
    %swap3A_3764 = arith.constant 24 : i32
    %swap3A_3765 = arith.index_cast %swap3A_3764 : i32 to index
    %swap3A_3766 = arith.constant 96 : index
    %swap3A_3767 = tpu.vector_load %arg7[%swap3A_3765, %swap3A_3766] {strides = array<i32>} : memref<32x128xf32, #tpu.memory_space<vmem>>, vector<1x16xf32>,
    %swap3A_3768 = vector.shape_cast %swap3A_3767 : vector<1x16xf32> to vector<16xf32>
    %swap3A_3769 = vector.shape_cast %get3A_3763 : vector<16xf32> to vector<1x16xf32>
    tpu.vector_store %arg7[%swap3A_3765, %swap3A_3766], %swap3A_3769 {strides = array<i32>} : memref<32x128xf32, #tpu.memory_space<vmem>>, vector<1x16xf32>,
    %get3A_3770 = arith.constant 24 : i32
    %get3A_3771 = arith.index_cast %get3A_3770 : i32 to index
    %get3A_3772 = arith.index_cast %and3A_3685 : i32 to index
    %get3A_3773 = arith.constant 112 : index
    %get3A_3774 = tpu.vector_load %arg6[%get3A_3771, %get3A_3772, %get3A_3773] {strides = array<i32>} : memref<32x8x128xf32, #tpu.memory_space<vmem>>, vector<1x1x16xf32>,
    %get3A_3775 = vector.shape_cast %get3A_3774 : vector<1x1x16xf32> to vector<16xf32>
    %swap3A_3776 = arith.constant 24 : i32
    %swap3A_3777 = arith.index_cast %swap3A_3776 : i32 to index
    %swap3A_3778 = arith.constant 112 : index
    %swap3A_3779 = tpu.vector_load %arg7[%swap3A_3777, %swap3A_3778] {strides = array<i32>} : memref<32x128xf32, #tpu.memory_space<vmem>>, vector<1x16xf32>,
    %swap3A_3780 = vector.shape_cast %swap3A_3779 : vector<1x16xf32> to vector<16xf32>
    %swap3A_3781 = vector.shape_cast %get3A_3775 : vector<16xf32> to vector<1x16xf32>
    tpu.vector_store %arg7[%swap3A_3777, %swap3A_3778], %swap3A_3781 {strides = array<i32>} : memref<32x128xf32, #tpu.memory_space<vmem>>, vector<1x16xf32>,
    %add3A_3782 = arith.constant 25 : i32
    %add3A_3783 = arith.addi %mul3A_2, %add3A_3782 : i32
    %and3A_3784 = arith.constant 7 : i32
    %and3A_3785 = arith.andi %add3A_3783, %and3A_3784 : i32
    %get3A_3786 = arith.constant 25 : i32
    %get3A_3787 = arith.index_cast %get3A_3786 : i32 to index
    %get3A_3788 = arith.index_cast %and3A_3785 : i32 to index
    %get3A_3789 = arith.constant 0 : index
    %get3A_3790 = tpu.vector_load %arg6[%get3A_3787, %get3A_3788, %get3A_3789] {strides = array<i32>} : memref<32x8x128xf32, #tpu.memory_space<vmem>>, vector<1x1x16xf32>,
    %get3A_3791 = vector.shape_cast %get3A_3790 : vector<1x1x16xf32> to vector<16xf32>
    %swap3A_3792 = arith.constant 25 : i32
    %swap3A_3793 = arith.index_cast %swap3A_3792 : i32 to index
    %swap3A_3794 = arith.constant 0 : index
    %swap3A_3795 = tpu.vector_load %arg7[%swap3A_3793, %swap3A_3794] {strides = array<i32>} : memref<32x128xf32, #tpu.memory_space<vmem>>, vector<1x16xf32>,
    %swap3A_3796 = vector.shape_cast %swap3A_3795 : vector<1x16xf32> to vector<16xf32>
    %swap3A_3797 = vector.shape_cast %get3A_3791 : vector<16xf32> to vector<1x16xf32>
    tpu.vector_store %arg7[%swap3A_3793, %swap3A_3794], %swap3A_3797 {strides = array<i32>} : memref<32x128xf32, #tpu.memory_space<vmem>>, vector<1x16xf32>,
    %get3A_3798 = arith.constant 25 : i32
    %get3A_3799 = arith.index_cast %get3A_3798 : i32 to index
    %get3A_3800 = arith.index_cast %and3A_3785 : i32 to index
    %get3A_3801 = arith.constant 16 : index
    %get3A_3802 = tpu.vector_load %arg6[%get3A_3799, %get3A_3800, %get3A_3801] {strides = array<i32>} : memref<32x8x128xf32, #tpu.memory_space<vmem>>, vector<1x1x16xf32>,
    %get3A_3803 = vector.shape_cast %get3A_3802 : vector<1x1x16xf32> to vector<16xf32>
    %swap3A_3804 = arith.constant 25 : i32
    %swap3A_3805 = arith.index_cast %swap3A_3804 : i32 to index
    %swap3A_3806 = arith.constant 16 : index
    %swap3A_3807 = tpu.vector_load %arg7[%swap3A_3805, %swap3A_3806] {strides = array<i32>} : memref<32x128xf32, #tpu.memory_space<vmem>>, vector<1x16xf32>,
    %swap3A_3808 = vector.shape_cast %swap3A_3807 : vector<1x16xf32> to vector<16xf32>
    %swap3A_3809 = vector.shape_cast %get3A_3803 : vector<16xf32> to vector<1x16xf32>
    tpu.vector_store %arg7[%swap3A_3805, %swap3A_3806], %swap3A_3809 {strides = array<i32>} : memref<32x128xf32, #tpu.memory_space<vmem>>, vector<1x16xf32>,
    %get3A_3810 = arith.constant 25 : i32
    %get3A_3811 = arith.index_cast %get3A_3810 : i32 to index
    %get3A_3812 = arith.index_cast %and3A_3785 : i32 to index
    %get3A_3813 = arith.constant 32 : index
    %get3A_3814 = tpu.vector_load %arg6[%get3A_3811, %get3A_3812, %get3A_3813] {strides = array<i32>} : memref<32x8x128xf32, #tpu.memory_space<vmem>>, vector<1x1x16xf32>,
    %get3A_3815 = vector.shape_cast %get3A_3814 : vector<1x1x16xf32> to vector<16xf32>
    %swap3A_3816 = arith.constant 25 : i32
    %swap3A_3817 = arith.index_cast %swap3A_3816 : i32 to index
    %swap3A_3818 = arith.constant 32 : index
    %swap3A_3819 = tpu.vector_load %arg7[%swap3A_3817, %swap3A_3818] {strides = array<i32>} : memref<32x128xf32, #tpu.memory_space<vmem>>, vector<1x16xf32>,
    %swap3A_3820 = vector.shape_cast %swap3A_3819 : vector<1x16xf32> to vector<16xf32>
    %swap3A_3821 = vector.shape_cast %get3A_3815 : vector<16xf32> to vector<1x16xf32>
    tpu.vector_store %arg7[%swap3A_3817, %swap3A_3818], %swap3A_3821 {strides = array<i32>} : memref<32x128xf32, #tpu.memory_space<vmem>>, vector<1x16xf32>,
    %get3A_3822 = arith.constant 25 : i32
    %get3A_3823 = arith.index_cast %get3A_3822 : i32 to index
    %get3A_3824 = arith.index_cast %and3A_3785 : i32 to index
    %get3A_3825 = arith.constant 48 : index
    %get3A_3826 = tpu.vector_load %arg6[%get3A_3823, %get3A_3824, %get3A_3825] {strides = array<i32>} : memref<32x8x128xf32, #tpu.memory_space<vmem>>, vector<1x1x16xf32>,
    %get3A_3827 = vector.shape_cast %get3A_3826 : vector<1x1x16xf32> to vector<16xf32>
    %swap3A_3828 = arith.constant 25 : i32
    %swap3A_3829 = arith.index_cast %swap3A_3828 : i32 to index
    %swap3A_3830 = arith.constant 48 : index
    %swap3A_3831 = tpu.vector_load %arg7[%swap3A_3829, %swap3A_3830] {strides = array<i32>} : memref<32x128xf32, #tpu.memory_space<vmem>>, vector<1x16xf32>,
    %swap3A_3832 = vector.shape_cast %swap3A_3831 : vector<1x16xf32> to vector<16xf32>
    %swap3A_3833 = vector.shape_cast %get3A_3827 : vector<16xf32> to vector<1x16xf32>
    tpu.vector_store %arg7[%swap3A_3829, %swap3A_3830], %swap3A_3833 {strides = array<i32>} : memref<32x128xf32, #tpu.memory_space<vmem>>, vector<1x16xf32>,
    %get3A_3834 = arith.constant 25 : i32
    %get3A_3835 = arith.index_cast %get3A_3834 : i32 to index
    %get3A_3836 = arith.index_cast %and3A_3785 : i32 to index
    %get3A_3837 = arith.constant 64 : index
    %get3A_3838 = tpu.vector_load %arg6[%get3A_3835, %get3A_3836, %get3A_3837] {strides = array<i32>} : memref<32x8x128xf32, #tpu.memory_space<vmem>>, vector<1x1x16xf32>,
    %get3A_3839 = vector.shape_cast %get3A_3838 : vector<1x1x16xf32> to vector<16xf32>
    %swap3A_3840 = arith.constant 25 : i32
    %swap3A_3841 = arith.index_cast %swap3A_3840 : i32 to index
    %swap3A_3842 = arith.constant 64 : index
    %swap3A_3843 = tpu.vector_load %arg7[%swap3A_3841, %swap3A_3842] {strides = array<i32>} : memref<32x128xf32, #tpu.memory_space<vmem>>, vector<1x16xf32>,
    %swap3A_3844 = vector.shape_cast %swap3A_3843 : vector<1x16xf32> to vector<16xf32>
    %swap3A_3845 = vector.shape_cast %get3A_3839 : vector<16xf32> to vector<1x16xf32>
    tpu.vector_store %arg7[%swap3A_3841, %swap3A_3842], %swap3A_3845 {strides = array<i32>} : memref<32x128xf32, #tpu.memory_space<vmem>>, vector<1x16xf32>,
    %get3A_3846 = arith.constant 25 : i32
    %get3A_3847 = arith.index_cast %get3A_3846 : i32 to index
    %get3A_3848 = arith.index_cast %and3A_3785 : i32 to index
    %get3A_3849 = arith.constant 80 : index
    %get3A_3850 = tpu.vector_load %arg6[%get3A_3847, %get3A_3848, %get3A_3849] {strides = array<i32>} : memref<32x8x128xf32, #tpu.memory_space<vmem>>, vector<1x1x16xf32>,
    %get3A_3851 = vector.shape_cast %get3A_3850 : vector<1x1x16xf32> to vector<16xf32>
    %swap3A_3852 = arith.constant 25 : i32
    %swap3A_3853 = arith.index_cast %swap3A_3852 : i32 to index
    %swap3A_3854 = arith.constant 80 : index
    %swap3A_3855 = tpu.vector_load %arg7[%swap3A_3853, %swap3A_3854] {strides = array<i32>} : memref<32x128xf32, #tpu.memory_space<vmem>>, vector<1x16xf32>,
    %swap3A_3856 = vector.shape_cast %swap3A_3855 : vector<1x16xf32> to vector<16xf32>
    %swap3A_3857 = vector.shape_cast %get3A_3851 : vector<16xf32> to vector<1x16xf32>
    tpu.vector_store %arg7[%swap3A_3853, %swap3A_3854], %swap3A_3857 {strides = array<i32>} : memref<32x128xf32, #tpu.memory_space<vmem>>, vector<1x16xf32>,
    %get3A_3858 = arith.constant 25 : i32
    %get3A_3859 = arith.index_cast %get3A_3858 : i32 to index
    %get3A_3860 = arith.index_cast %and3A_3785 : i32 to index
    %get3A_3861 = arith.constant 96 : index
    %get3A_3862 = tpu.vector_load %arg6[%get3A_3859, %get3A_3860, %get3A_3861] {strides = array<i32>} : memref<32x8x128xf32, #tpu.memory_space<vmem>>, vector<1x1x16xf32>,
    %get3A_3863 = vector.shape_cast %get3A_3862 : vector<1x1x16xf32> to vector<16xf32>
    %swap3A_3864 = arith.constant 25 : i32
    %swap3A_3865 = arith.index_cast %swap3A_3864 : i32 to index
    %swap3A_3866 = arith.constant 96 : index
    %swap3A_3867 = tpu.vector_load %arg7[%swap3A_3865, %swap3A_3866] {strides = array<i32>} : memref<32x128xf32, #tpu.memory_space<vmem>>, vector<1x16xf32>,
    %swap3A_3868 = vector.shape_cast %swap3A_3867 : vector<1x16xf32> to vector<16xf32>
    %swap3A_3869 = vector.shape_cast %get3A_3863 : vector<16xf32> to vector<1x16xf32>
    tpu.vector_store %arg7[%swap3A_3865, %swap3A_3866], %swap3A_3869 {strides = array<i32>} : memref<32x128xf32, #tpu.memory_space<vmem>>, vector<1x16xf32>,
    %get3A_3870 = arith.constant 25 : i32
    %get3A_3871 = arith.index_cast %get3A_3870 : i32 to index
    %get3A_3872 = arith.index_cast %and3A_3785 : i32 to index
    %get3A_3873 = arith.constant 112 : index
    %get3A_3874 = tpu.vector_load %arg6[%get3A_3871, %get3A_3872, %get3A_3873] {strides = array<i32>} : memref<32x8x128xf32, #tpu.memory_space<vmem>>, vector<1x1x16xf32>,
    %get3A_3875 = vector.shape_cast %get3A_3874 : vector<1x1x16xf32> to vector<16xf32>
    %swap3A_3876 = arith.constant 25 : i32
    %swap3A_3877 = arith.index_cast %swap3A_3876 : i32 to index
    %swap3A_3878 = arith.constant 112 : index
    %swap3A_3879 = tpu.vector_load %arg7[%swap3A_3877, %swap3A_3878] {strides = array<i32>} : memref<32x128xf32, #tpu.memory_space<vmem>>, vector<1x16xf32>,
    %swap3A_3880 = vector.shape_cast %swap3A_3879 : vector<1x16xf32> to vector<16xf32>
    %swap3A_3881 = vector.shape_cast %get3A_3875 : vector<16xf32> to vector<1x16xf32>
    tpu.vector_store %arg7[%swap3A_3877, %swap3A_3878], %swap3A_3881 {strides = array<i32>} : memref<32x128xf32, #tpu.memory_space<vmem>>, vector<1x16xf32>,
    %add3A_3882 = arith.constant 26 : i32
    %add3A_3883 = arith.addi %mul3A_2, %add3A_3882 : i32
    %and3A_3884 = arith.constant 7 : i32
    %and3A_3885 = arith.andi %add3A_3883, %and3A_3884 : i32
    %get3A_3886 = arith.constant 26 : i32
    %get3A_3887 = arith.index_cast %get3A_3886 : i32 to index
    %get3A_3888 = arith.index_cast %and3A_3885 : i32 to index
    %get3A_3889 = arith.constant 0 : index
    %get3A_3890 = tpu.vector_load %arg6[%get3A_3887, %get3A_3888, %get3A_3889] {strides = array<i32>} : memref<32x8x128xf32, #tpu.memory_space<vmem>>, vector<1x1x16xf32>,
    %get3A_3891 = vector.shape_cast %get3A_3890 : vector<1x1x16xf32> to vector<16xf32>
    %swap3A_3892 = arith.constant 26 : i32
    %swap3A_3893 = arith.index_cast %swap3A_3892 : i32 to index
    %swap3A_3894 = arith.constant 0 : index
    %swap3A_3895 = tpu.vector_load %arg7[%swap3A_3893, %swap3A_3894] {strides = array<i32>} : memref<32x128xf32, #tpu.memory_space<vmem>>, vector<1x16xf32>,
    %swap3A_3896 = vector.shape_cast %swap3A_3895 : vector<1x16xf32> to vector<16xf32>
    %swap3A_3897 = vector.shape_cast %get3A_3891 : vector<16xf32> to vector<1x16xf32>
    tpu.vector_store %arg7[%swap3A_3893, %swap3A_3894], %swap3A_3897 {strides = array<i32>} : memref<32x128xf32, #tpu.memory_space<vmem>>, vector<1x16xf32>,
    %get3A_3898 = arith.constant 26 : i32
    %get3A_3899 = arith.index_cast %get3A_3898 : i32 to index
    %get3A_3900 = arith.index_cast %and3A_3885 : i32 to index
    %get3A_3901 = arith.constant 16 : index
    %get3A_3902 = tpu.vector_load %arg6[%get3A_3899, %get3A_3900, %get3A_3901] {strides = array<i32>} : memref<32x8x128xf32, #tpu.memory_space<vmem>>, vector<1x1x16xf32>,
    %get3A_3903 = vector.shape_cast %get3A_3902 : vector<1x1x16xf32> to vector<16xf32>
    %swap3A_3904 = arith.constant 26 : i32
    %swap3A_3905 = arith.index_cast %swap3A_3904 : i32 to index
    %swap3A_3906 = arith.constant 16 : index
    %swap3A_3907 = tpu.vector_load %arg7[%swap3A_3905, %swap3A_3906] {strides = array<i32>} : memref<32x128xf32, #tpu.memory_space<vmem>>, vector<1x16xf32>,
    %swap3A_3908 = vector.shape_cast %swap3A_3907 : vector<1x16xf32> to vector<16xf32>
    %swap3A_3909 = vector.shape_cast %get3A_3903 : vector<16xf32> to vector<1x16xf32>
    tpu.vector_store %arg7[%swap3A_3905, %swap3A_3906], %swap3A_3909 {strides = array<i32>} : memref<32x128xf32, #tpu.memory_space<vmem>>, vector<1x16xf32>,
    %get3A_3910 = arith.constant 26 : i32
    %get3A_3911 = arith.index_cast %get3A_3910 : i32 to index
    %get3A_3912 = arith.index_cast %and3A_3885 : i32 to index
    %get3A_3913 = arith.constant 32 : index
    %get3A_3914 = tpu.vector_load %arg6[%get3A_3911, %get3A_3912, %get3A_3913] {strides = array<i32>} : memref<32x8x128xf32, #tpu.memory_space<vmem>>, vector<1x1x16xf32>,
    %get3A_3915 = vector.shape_cast %get3A_3914 : vector<1x1x16xf32> to vector<16xf32>
    %swap3A_3916 = arith.constant 26 : i32
    %swap3A_3917 = arith.index_cast %swap3A_3916 : i32 to index
    %swap3A_3918 = arith.constant 32 : index
    %swap3A_3919 = tpu.vector_load %arg7[%swap3A_3917, %swap3A_3918] {strides = array<i32>} : memref<32x128xf32, #tpu.memory_space<vmem>>, vector<1x16xf32>,
    %swap3A_3920 = vector.shape_cast %swap3A_3919 : vector<1x16xf32> to vector<16xf32>
    %swap3A_3921 = vector.shape_cast %get3A_3915 : vector<16xf32> to vector<1x16xf32>
    tpu.vector_store %arg7[%swap3A_3917, %swap3A_3918], %swap3A_3921 {strides = array<i32>} : memref<32x128xf32, #tpu.memory_space<vmem>>, vector<1x16xf32>,
    %get3A_3922 = arith.constant 26 : i32
    %get3A_3923 = arith.index_cast %get3A_3922 : i32 to index
    %get3A_3924 = arith.index_cast %and3A_3885 : i32 to index
    %get3A_3925 = arith.constant 48 : index
    %get3A_3926 = tpu.vector_load %arg6[%get3A_3923, %get3A_3924, %get3A_3925] {strides = array<i32>} : memref<32x8x128xf32, #tpu.memory_space<vmem>>, vector<1x1x16xf32>,
    %get3A_3927 = vector.shape_cast %get3A_3926 : vector<1x1x16xf32> to vector<16xf32>
    %swap3A_3928 = arith.constant 26 : i32
    %swap3A_3929 = arith.index_cast %swap3A_3928 : i32 to index
    %swap3A_3930 = arith.constant 48 : index
    %swap3A_3931 = tpu.vector_load %arg7[%swap3A_3929, %swap3A_3930] {strides = array<i32>} : memref<32x128xf32, #tpu.memory_space<vmem>>, vector<1x16xf32>,
    %swap3A_3932 = vector.shape_cast %swap3A_3931 : vector<1x16xf32> to vector<16xf32>
    %swap3A_3933 = vector.shape_cast %get3A_3927 : vector<16xf32> to vector<1x16xf32>
    tpu.vector_store %arg7[%swap3A_3929, %swap3A_3930], %swap3A_3933 {strides = array<i32>} : memref<32x128xf32, #tpu.memory_space<vmem>>, vector<1x16xf32>,
    %get3A_3934 = arith.constant 26 : i32
    %get3A_3935 = arith.index_cast %get3A_3934 : i32 to index
    %get3A_3936 = arith.index_cast %and3A_3885 : i32 to index
    %get3A_3937 = arith.constant 64 : index
    %get3A_3938 = tpu.vector_load %arg6[%get3A_3935, %get3A_3936, %get3A_3937] {strides = array<i32>} : memref<32x8x128xf32, #tpu.memory_space<vmem>>, vector<1x1x16xf32>,
    %get3A_3939 = vector.shape_cast %get3A_3938 : vector<1x1x16xf32> to vector<16xf32>
    %swap3A_3940 = arith.constant 26 : i32
    %swap3A_3941 = arith.index_cast %swap3A_3940 : i32 to index
    %swap3A_3942 = arith.constant 64 : index
    %swap3A_3943 = tpu.vector_load %arg7[%swap3A_3941, %swap3A_3942] {strides = array<i32>} : memref<32x128xf32, #tpu.memory_space<vmem>>, vector<1x16xf32>,
    %swap3A_3944 = vector.shape_cast %swap3A_3943 : vector<1x16xf32> to vector<16xf32>
    %swap3A_3945 = vector.shape_cast %get3A_3939 : vector<16xf32> to vector<1x16xf32>
    tpu.vector_store %arg7[%swap3A_3941, %swap3A_3942], %swap3A_3945 {strides = array<i32>} : memref<32x128xf32, #tpu.memory_space<vmem>>, vector<1x16xf32>,
    %get3A_3946 = arith.constant 26 : i32
    %get3A_3947 = arith.index_cast %get3A_3946 : i32 to index
    %get3A_3948 = arith.index_cast %and3A_3885 : i32 to index
    %get3A_3949 = arith.constant 80 : index
    %get3A_3950 = tpu.vector_load %arg6[%get3A_3947, %get3A_3948, %get3A_3949] {strides = array<i32>} : memref<32x8x128xf32, #tpu.memory_space<vmem>>, vector<1x1x16xf32>,
    %get3A_3951 = vector.shape_cast %get3A_3950 : vector<1x1x16xf32> to vector<16xf32>
    %swap3A_3952 = arith.constant 26 : i32
    %swap3A_3953 = arith.index_cast %swap3A_3952 : i32 to index
    %swap3A_3954 = arith.constant 80 : index
    %swap3A_3955 = tpu.vector_load %arg7[%swap3A_3953, %swap3A_3954] {strides = array<i32>} : memref<32x128xf32, #tpu.memory_space<vmem>>, vector<1x16xf32>,
    %swap3A_3956 = vector.shape_cast %swap3A_3955 : vector<1x16xf32> to vector<16xf32>
    %swap3A_3957 = vector.shape_cast %get3A_3951 : vector<16xf32> to vector<1x16xf32>
    tpu.vector_store %arg7[%swap3A_3953, %swap3A_3954], %swap3A_3957 {strides = array<i32>} : memref<32x128xf32, #tpu.memory_space<vmem>>, vector<1x16xf32>,
    %get3A_3958 = arith.constant 26 : i32
    %get3A_3959 = arith.index_cast %get3A_3958 : i32 to index
    %get3A_3960 = arith.index_cast %and3A_3885 : i32 to index
    %get3A_3961 = arith.constant 96 : index
    %get3A_3962 = tpu.vector_load %arg6[%get3A_3959, %get3A_3960, %get3A_3961] {strides = array<i32>} : memref<32x8x128xf32, #tpu.memory_space<vmem>>, vector<1x1x16xf32>,
    %get3A_3963 = vector.shape_cast %get3A_3962 : vector<1x1x16xf32> to vector<16xf32>
    %swap3A_3964 = arith.constant 26 : i32
    %swap3A_3965 = arith.index_cast %swap3A_3964 : i32 to index
    %swap3A_3966 = arith.constant 96 : index
    %swap3A_3967 = tpu.vector_load %arg7[%swap3A_3965, %swap3A_3966] {strides = array<i32>} : memref<32x128xf32, #tpu.memory_space<vmem>>, vector<1x16xf32>,
    %swap3A_3968 = vector.shape_cast %swap3A_3967 : vector<1x16xf32> to vector<16xf32>
    %swap3A_3969 = vector.shape_cast %get3A_3963 : vector<16xf32> to vector<1x16xf32>
    tpu.vector_store %arg7[%swap3A_3965, %swap3A_3966], %swap3A_3969 {strides = array<i32>} : memref<32x128xf32, #tpu.memory_space<vmem>>, vector<1x16xf32>,
    %get3A_3970 = arith.constant 26 : i32
    %get3A_3971 = arith.index_cast %get3A_3970 : i32 to index
    %get3A_3972 = arith.index_cast %and3A_3885 : i32 to index
    %get3A_3973 = arith.constant 112 : index
    %get3A_3974 = tpu.vector_load %arg6[%get3A_3971, %get3A_3972, %get3A_3973] {strides = array<i32>} : memref<32x8x128xf32, #tpu.memory_space<vmem>>, vector<1x1x16xf32>,
    %get3A_3975 = vector.shape_cast %get3A_3974 : vector<1x1x16xf32> to vector<16xf32>
    %swap3A_3976 = arith.constant 26 : i32
    %swap3A_3977 = arith.index_cast %swap3A_3976 : i32 to index
    %swap3A_3978 = arith.constant 112 : index
    %swap3A_3979 = tpu.vector_load %arg7[%swap3A_3977, %swap3A_3978] {strides = array<i32>} : memref<32x128xf32, #tpu.memory_space<vmem>>, vector<1x16xf32>,
    %swap3A_3980 = vector.shape_cast %swap3A_3979 : vector<1x16xf32> to vector<16xf32>
    %swap3A_3981 = vector.shape_cast %get3A_3975 : vector<16xf32> to vector<1x16xf32>
    tpu.vector_store %arg7[%swap3A_3977, %swap3A_3978], %swap3A_3981 {strides = array<i32>} : memref<32x128xf32, #tpu.memory_space<vmem>>, vector<1x16xf32>,
    %add3A_3982 = arith.constant 27 : i32
    %add3A_3983 = arith.addi %mul3A_2, %add3A_3982 : i32
    %and3A_3984 = arith.constant 7 : i32
    %and3A_3985 = arith.andi %add3A_3983, %and3A_3984 : i32
    %get3A_3986 = arith.constant 27 : i32
    %get3A_3987 = arith.index_cast %get3A_3986 : i32 to index
    %get3A_3988 = arith.index_cast %and3A_3985 : i32 to index
    %get3A_3989 = arith.constant 0 : index
    %get3A_3990 = tpu.vector_load %arg6[%get3A_3987, %get3A_3988, %get3A_3989] {strides = array<i32>} : memref<32x8x128xf32, #tpu.memory_space<vmem>>, vector<1x1x16xf32>,
    %get3A_3991 = vector.shape_cast %get3A_3990 : vector<1x1x16xf32> to vector<16xf32>
    %swap3A_3992 = arith.constant 27 : i32
    %swap3A_3993 = arith.index_cast %swap3A_3992 : i32 to index
    %swap3A_3994 = arith.constant 0 : index
    %swap3A_3995 = tpu.vector_load %arg7[%swap3A_3993, %swap3A_3994] {strides = array<i32>} : memref<32x128xf32, #tpu.memory_space<vmem>>, vector<1x16xf32>,
    %swap3A_3996 = vector.shape_cast %swap3A_3995 : vector<1x16xf32> to vector<16xf32>
    %swap3A_3997 = vector.shape_cast %get3A_3991 : vector<16xf32> to vector<1x16xf32>
    tpu.vector_store %arg7[%swap3A_3993, %swap3A_3994], %swap3A_3997 {strides = array<i32>} : memref<32x128xf32, #tpu.memory_space<vmem>>, vector<1x16xf32>,
    %get3A_3998 = arith.constant 27 : i32
    %get3A_3999 = arith.index_cast %get3A_3998 : i32 to index
    %get3A_4000 = arith.index_cast %and3A_3985 : i32 to index
    %get3A_4001 = arith.constant 16 : index
    %get3A_4002 = tpu.vector_load %arg6[%get3A_3999, %get3A_4000, %get3A_4001] {strides = array<i32>} : memref<32x8x128xf32, #tpu.memory_space<vmem>>, vector<1x1x16xf32>,
    %get3A_4003 = vector.shape_cast %get3A_4002 : vector<1x1x16xf32> to vector<16xf32>
    %swap3A_4004 = arith.constant 27 : i32
    %swap3A_4005 = arith.index_cast %swap3A_4004 : i32 to index
    %swap3A_4006 = arith.constant 16 : index
    %swap3A_4007 = tpu.vector_load %arg7[%swap3A_4005, %swap3A_4006] {strides = array<i32>} : memref<32x128xf32, #tpu.memory_space<vmem>>, vector<1x16xf32>,
    %swap3A_4008 = vector.shape_cast %swap3A_4007 : vector<1x16xf32> to vector<16xf32>
    %swap3A_4009 = vector.shape_cast %get3A_4003 : vector<16xf32> to vector<1x16xf32>
    tpu.vector_store %arg7[%swap3A_4005, %swap3A_4006], %swap3A_4009 {strides = array<i32>} : memref<32x128xf32, #tpu.memory_space<vmem>>, vector<1x16xf32>,
    %get3A_4010 = arith.constant 27 : i32
    %get3A_4011 = arith.index_cast %get3A_4010 : i32 to index
    %get3A_4012 = arith.index_cast %and3A_3985 : i32 to index
    %get3A_4013 = arith.constant 32 : index
    %get3A_4014 = tpu.vector_load %arg6[%get3A_4011, %get3A_4012, %get3A_4013] {strides = array<i32>} : memref<32x8x128xf32, #tpu.memory_space<vmem>>, vector<1x1x16xf32>,
    %get3A_4015 = vector.shape_cast %get3A_4014 : vector<1x1x16xf32> to vector<16xf32>
    %swap3A_4016 = arith.constant 27 : i32
    %swap3A_4017 = arith.index_cast %swap3A_4016 : i32 to index
    %swap3A_4018 = arith.constant 32 : index
    %swap3A_4019 = tpu.vector_load %arg7[%swap3A_4017, %swap3A_4018] {strides = array<i32>} : memref<32x128xf32, #tpu.memory_space<vmem>>, vector<1x16xf32>,
    %swap3A_4020 = vector.shape_cast %swap3A_4019 : vector<1x16xf32> to vector<16xf32>
    %swap3A_4021 = vector.shape_cast %get3A_4015 : vector<16xf32> to vector<1x16xf32>
    tpu.vector_store %arg7[%swap3A_4017, %swap3A_4018], %swap3A_4021 {strides = array<i32>} : memref<32x128xf32, #tpu.memory_space<vmem>>, vector<1x16xf32>,
    %get3A_4022 = arith.constant 27 : i32
    %get3A_4023 = arith.index_cast %get3A_4022 : i32 to index
    %get3A_4024 = arith.index_cast %and3A_3985 : i32 to index
    %get3A_4025 = arith.constant 48 : index
    %get3A_4026 = tpu.vector_load %arg6[%get3A_4023, %get3A_4024, %get3A_4025] {strides = array<i32>} : memref<32x8x128xf32, #tpu.memory_space<vmem>>, vector<1x1x16xf32>,
    %get3A_4027 = vector.shape_cast %get3A_4026 : vector<1x1x16xf32> to vector<16xf32>
    %swap3A_4028 = arith.constant 27 : i32
    %swap3A_4029 = arith.index_cast %swap3A_4028 : i32 to index
    %swap3A_4030 = arith.constant 48 : index
    %swap3A_4031 = tpu.vector_load %arg7[%swap3A_4029, %swap3A_4030] {strides = array<i32>} : memref<32x128xf32, #tpu.memory_space<vmem>>, vector<1x16xf32>,
    %swap3A_4032 = vector.shape_cast %swap3A_4031 : vector<1x16xf32> to vector<16xf32>
    %swap3A_4033 = vector.shape_cast %get3A_4027 : vector<16xf32> to vector<1x16xf32>
    tpu.vector_store %arg7[%swap3A_4029, %swap3A_4030], %swap3A_4033 {strides = array<i32>} : memref<32x128xf32, #tpu.memory_space<vmem>>, vector<1x16xf32>,
    %get3A_4034 = arith.constant 27 : i32
    %get3A_4035 = arith.index_cast %get3A_4034 : i32 to index
    %get3A_4036 = arith.index_cast %and3A_3985 : i32 to index
    %get3A_4037 = arith.constant 64 : index
    %get3A_4038 = tpu.vector_load %arg6[%get3A_4035, %get3A_4036, %get3A_4037] {strides = array<i32>} : memref<32x8x128xf32, #tpu.memory_space<vmem>>, vector<1x1x16xf32>,
    %get3A_4039 = vector.shape_cast %get3A_4038 : vector<1x1x16xf32> to vector<16xf32>
    %swap3A_4040 = arith.constant 27 : i32
    %swap3A_4041 = arith.index_cast %swap3A_4040 : i32 to index
    %swap3A_4042 = arith.constant 64 : index
    %swap3A_4043 = tpu.vector_load %arg7[%swap3A_4041, %swap3A_4042] {strides = array<i32>} : memref<32x128xf32, #tpu.memory_space<vmem>>, vector<1x16xf32>,
    %swap3A_4044 = vector.shape_cast %swap3A_4043 : vector<1x16xf32> to vector<16xf32>
    %swap3A_4045 = vector.shape_cast %get3A_4039 : vector<16xf32> to vector<1x16xf32>
    tpu.vector_store %arg7[%swap3A_4041, %swap3A_4042], %swap3A_4045 {strides = array<i32>} : memref<32x128xf32, #tpu.memory_space<vmem>>, vector<1x16xf32>,
    %get3A_4046 = arith.constant 27 : i32
    %get3A_4047 = arith.index_cast %get3A_4046 : i32 to index
    %get3A_4048 = arith.index_cast %and3A_3985 : i32 to index
    %get3A_4049 = arith.constant 80 : index
    %get3A_4050 = tpu.vector_load %arg6[%get3A_4047, %get3A_4048, %get3A_4049] {strides = array<i32>} : memref<32x8x128xf32, #tpu.memory_space<vmem>>, vector<1x1x16xf32>,
    %get3A_4051 = vector.shape_cast %get3A_4050 : vector<1x1x16xf32> to vector<16xf32>
    %swap3A_4052 = arith.constant 27 : i32
    %swap3A_4053 = arith.index_cast %swap3A_4052 : i32 to index
    %swap3A_4054 = arith.constant 80 : index
    %swap3A_4055 = tpu.vector_load %arg7[%swap3A_4053, %swap3A_4054] {strides = array<i32>} : memref<32x128xf32, #tpu.memory_space<vmem>>, vector<1x16xf32>,
    %swap3A_4056 = vector.shape_cast %swap3A_4055 : vector<1x16xf32> to vector<16xf32>
    %swap3A_4057 = vector.shape_cast %get3A_4051 : vector<16xf32> to vector<1x16xf32>
    tpu.vector_store %arg7[%swap3A_4053, %swap3A_4054], %swap3A_4057 {strides = array<i32>} : memref<32x128xf32, #tpu.memory_space<vmem>>, vector<1x16xf32>,
    %get3A_4058 = arith.constant 27 : i32
    %get3A_4059 = arith.index_cast %get3A_4058 : i32 to index
    %get3A_4060 = arith.index_cast %and3A_3985 : i32 to index
    %get3A_4061 = arith.constant 96 : index
    %get3A_4062 = tpu.vector_load %arg6[%get3A_4059, %get3A_4060, %get3A_4061] {strides = array<i32>} : memref<32x8x128xf32, #tpu.memory_space<vmem>>, vector<1x1x16xf32>,
    %get3A_4063 = vector.shape_cast %get3A_4062 : vector<1x1x16xf32> to vector<16xf32>
    %swap3A_4064 = arith.constant 27 : i32
    %swap3A_4065 = arith.index_cast %swap3A_4064 : i32 to index
    %swap3A_4066 = arith.constant 96 : index
    %swap3A_4067 = tpu.vector_load %arg7[%swap3A_4065, %swap3A_4066] {strides = array<i32>} : memref<32x128xf32, #tpu.memory_space<vmem>>, vector<1x16xf32>,
    %swap3A_4068 = vector.shape_cast %swap3A_4067 : vector<1x16xf32> to vector<16xf32>
    %swap3A_4069 = vector.shape_cast %get3A_4063 : vector<16xf32> to vector<1x16xf32>
    tpu.vector_store %arg7[%swap3A_4065, %swap3A_4066], %swap3A_4069 {strides = array<i32>} : memref<32x128xf32, #tpu.memory_space<vmem>>, vector<1x16xf32>,
    %get3A_4070 = arith.constant 27 : i32
    %get3A_4071 = arith.index_cast %get3A_4070 : i32 to index
    %get3A_4072 = arith.index_cast %and3A_3985 : i32 to index
    %get3A_4073 = arith.constant 112 : index
    %get3A_4074 = tpu.vector_load %arg6[%get3A_4071, %get3A_4072, %get3A_4073] {strides = array<i32>} : memref<32x8x128xf32, #tpu.memory_space<vmem>>, vector<1x1x16xf32>,
    %get3A_4075 = vector.shape_cast %get3A_4074 : vector<1x1x16xf32> to vector<16xf32>
    %swap3A_4076 = arith.constant 27 : i32
    %swap3A_4077 = arith.index_cast %swap3A_4076 : i32 to index
    %swap3A_4078 = arith.constant 112 : index
    %swap3A_4079 = tpu.vector_load %arg7[%swap3A_4077, %swap3A_4078] {strides = array<i32>} : memref<32x128xf32, #tpu.memory_space<vmem>>, vector<1x16xf32>,
    %swap3A_4080 = vector.shape_cast %swap3A_4079 : vector<1x16xf32> to vector<16xf32>
    %swap3A_4081 = vector.shape_cast %get3A_4075 : vector<16xf32> to vector<1x16xf32>
    tpu.vector_store %arg7[%swap3A_4077, %swap3A_4078], %swap3A_4081 {strides = array<i32>} : memref<32x128xf32, #tpu.memory_space<vmem>>, vector<1x16xf32>,
    %add3A_4082 = arith.constant 28 : i32
    %add3A_4083 = arith.addi %mul3A_2, %add3A_4082 : i32
    %and3A_4084 = arith.constant 7 : i32
    %and3A_4085 = arith.andi %add3A_4083, %and3A_4084 : i32
    %get3A_4086 = arith.constant 28 : i32
    %get3A_4087 = arith.index_cast %get3A_4086 : i32 to index
    %get3A_4088 = arith.index_cast %and3A_4085 : i32 to index
    %get3A_4089 = arith.constant 0 : index
    %get3A_4090 = tpu.vector_load %arg6[%get3A_4087, %get3A_4088, %get3A_4089] {strides = array<i32>} : memref<32x8x128xf32, #tpu.memory_space<vmem>>, vector<1x1x16xf32>,
    %get3A_4091 = vector.shape_cast %get3A_4090 : vector<1x1x16xf32> to vector<16xf32>
    %swap3A_4092 = arith.constant 28 : i32
    %swap3A_4093 = arith.index_cast %swap3A_4092 : i32 to index
    %swap3A_4094 = arith.constant 0 : index
    %swap3A_4095 = tpu.vector_load %arg7[%swap3A_4093, %swap3A_4094] {strides = array<i32>} : memref<32x128xf32, #tpu.memory_space<vmem>>, vector<1x16xf32>,
    %swap3A_4096 = vector.shape_cast %swap3A_4095 : vector<1x16xf32> to vector<16xf32>
    %swap3A_4097 = vector.shape_cast %get3A_4091 : vector<16xf32> to vector<1x16xf32>
    tpu.vector_store %arg7[%swap3A_4093, %swap3A_4094], %swap3A_4097 {strides = array<i32>} : memref<32x128xf32, #tpu.memory_space<vmem>>, vector<1x16xf32>,
    %get3A_4098 = arith.constant 28 : i32
    %get3A_4099 = arith.index_cast %get3A_4098 : i32 to index
    %get3A_4100 = arith.index_cast %and3A_4085 : i32 to index
    %get3A_4101 = arith.constant 16 : index
    %get3A_4102 = tpu.vector_load %arg6[%get3A_4099, %get3A_4100, %get3A_4101] {strides = array<i32>} : memref<32x8x128xf32, #tpu.memory_space<vmem>>, vector<1x1x16xf32>,
    %get3A_4103 = vector.shape_cast %get3A_4102 : vector<1x1x16xf32> to vector<16xf32>
    %swap3A_4104 = arith.constant 28 : i32
    %swap3A_4105 = arith.index_cast %swap3A_4104 : i32 to index
    %swap3A_4106 = arith.constant 16 : index
    %swap3A_4107 = tpu.vector_load %arg7[%swap3A_4105, %swap3A_4106] {strides = array<i32>} : memref<32x128xf32, #tpu.memory_space<vmem>>, vector<1x16xf32>,
    %swap3A_4108 = vector.shape_cast %swap3A_4107 : vector<1x16xf32> to vector<16xf32>
    %swap3A_4109 = vector.shape_cast %get3A_4103 : vector<16xf32> to vector<1x16xf32>
    tpu.vector_store %arg7[%swap3A_4105, %swap3A_4106], %swap3A_4109 {strides = array<i32>} : memref<32x128xf32, #tpu.memory_space<vmem>>, vector<1x16xf32>,
    %get3A_4110 = arith.constant 28 : i32
    %get3A_4111 = arith.index_cast %get3A_4110 : i32 to index
    %get3A_4112 = arith.index_cast %and3A_4085 : i32 to index
    %get3A_4113 = arith.constant 32 : index
    %get3A_4114 = tpu.vector_load %arg6[%get3A_4111, %get3A_4112, %get3A_4113] {strides = array<i32>} : memref<32x8x128xf32, #tpu.memory_space<vmem>>, vector<1x1x16xf32>,
    %get3A_4115 = vector.shape_cast %get3A_4114 : vector<1x1x16xf32> to vector<16xf32>
    %swap3A_4116 = arith.constant 28 : i32
    %swap3A_4117 = arith.index_cast %swap3A_4116 : i32 to index
    %swap3A_4118 = arith.constant 32 : index
    %swap3A_4119 = tpu.vector_load %arg7[%swap3A_4117, %swap3A_4118] {strides = array<i32>} : memref<32x128xf32, #tpu.memory_space<vmem>>, vector<1x16xf32>,
    %swap3A_4120 = vector.shape_cast %swap3A_4119 : vector<1x16xf32> to vector<16xf32>
    %swap3A_4121 = vector.shape_cast %get3A_4115 : vector<16xf32> to vector<1x16xf32>
    tpu.vector_store %arg7[%swap3A_4117, %swap3A_4118], %swap3A_4121 {strides = array<i32>} : memref<32x128xf32, #tpu.memory_space<vmem>>, vector<1x16xf32>,
    %get3A_4122 = arith.constant 28 : i32
    %get3A_4123 = arith.index_cast %get3A_4122 : i32 to index
    %get3A_4124 = arith.index_cast %and3A_4085 : i32 to index
    %get3A_4125 = arith.constant 48 : index
    %get3A_4126 = tpu.vector_load %arg6[%get3A_4123, %get3A_4124, %get3A_4125] {strides = array<i32>} : memref<32x8x128xf32, #tpu.memory_space<vmem>>, vector<1x1x16xf32>,
    %get3A_4127 = vector.shape_cast %get3A_4126 : vector<1x1x16xf32> to vector<16xf32>
    %swap3A_4128 = arith.constant 28 : i32
    %swap3A_4129 = arith.index_cast %swap3A_4128 : i32 to index
    %swap3A_4130 = arith.constant 48 : index
    %swap3A_4131 = tpu.vector_load %arg7[%swap3A_4129, %swap3A_4130] {strides = array<i32>} : memref<32x128xf32, #tpu.memory_space<vmem>>, vector<1x16xf32>,
    %swap3A_4132 = vector.shape_cast %swap3A_4131 : vector<1x16xf32> to vector<16xf32>
    %swap3A_4133 = vector.shape_cast %get3A_4127 : vector<16xf32> to vector<1x16xf32>
    tpu.vector_store %arg7[%swap3A_4129, %swap3A_4130], %swap3A_4133 {strides = array<i32>} : memref<32x128xf32, #tpu.memory_space<vmem>>, vector<1x16xf32>,
    %get3A_4134 = arith.constant 28 : i32
    %get3A_4135 = arith.index_cast %get3A_4134 : i32 to index
    %get3A_4136 = arith.index_cast %and3A_4085 : i32 to index
    %get3A_4137 = arith.constant 64 : index
    %get3A_4138 = tpu.vector_load %arg6[%get3A_4135, %get3A_4136, %get3A_4137] {strides = array<i32>} : memref<32x8x128xf32, #tpu.memory_space<vmem>>, vector<1x1x16xf32>,
    %get3A_4139 = vector.shape_cast %get3A_4138 : vector<1x1x16xf32> to vector<16xf32>
    %swap3A_4140 = arith.constant 28 : i32
    %swap3A_4141 = arith.index_cast %swap3A_4140 : i32 to index
    %swap3A_4142 = arith.constant 64 : index
    %swap3A_4143 = tpu.vector_load %arg7[%swap3A_4141, %swap3A_4142] {strides = array<i32>} : memref<32x128xf32, #tpu.memory_space<vmem>>, vector<1x16xf32>,
    %swap3A_4144 = vector.shape_cast %swap3A_4143 : vector<1x16xf32> to vector<16xf32>
    %swap3A_4145 = vector.shape_cast %get3A_4139 : vector<16xf32> to vector<1x16xf32>
    tpu.vector_store %arg7[%swap3A_4141, %swap3A_4142], %swap3A_4145 {strides = array<i32>} : memref<32x128xf32, #tpu.memory_space<vmem>>, vector<1x16xf32>,
    %get3A_4146 = arith.constant 28 : i32
    %get3A_4147 = arith.index_cast %get3A_4146 : i32 to index
    %get3A_4148 = arith.index_cast %and3A_4085 : i32 to index
    %get3A_4149 = arith.constant 80 : index
    %get3A_4150 = tpu.vector_load %arg6[%get3A_4147, %get3A_4148, %get3A_4149] {strides = array<i32>} : memref<32x8x128xf32, #tpu.memory_space<vmem>>, vector<1x1x16xf32>,
    %get3A_4151 = vector.shape_cast %get3A_4150 : vector<1x1x16xf32> to vector<16xf32>
    %swap3A_4152 = arith.constant 28 : i32
    %swap3A_4153 = arith.index_cast %swap3A_4152 : i32 to index
    %swap3A_4154 = arith.constant 80 : index
    %swap3A_4155 = tpu.vector_load %arg7[%swap3A_4153, %swap3A_4154] {strides = array<i32>} : memref<32x128xf32, #tpu.memory_space<vmem>>, vector<1x16xf32>,
    %swap3A_4156 = vector.shape_cast %swap3A_4155 : vector<1x16xf32> to vector<16xf32>
    %swap3A_4157 = vector.shape_cast %get3A_4151 : vector<16xf32> to vector<1x16xf32>
    tpu.vector_store %arg7[%swap3A_4153, %swap3A_4154], %swap3A_4157 {strides = array<i32>} : memref<32x128xf32, #tpu.memory_space<vmem>>, vector<1x16xf32>,
    %get3A_4158 = arith.constant 28 : i32
    %get3A_4159 = arith.index_cast %get3A_4158 : i32 to index
    %get3A_4160 = arith.index_cast %and3A_4085 : i32 to index
    %get3A_4161 = arith.constant 96 : index
    %get3A_4162 = tpu.vector_load %arg6[%get3A_4159, %get3A_4160, %get3A_4161] {strides = array<i32>} : memref<32x8x128xf32, #tpu.memory_space<vmem>>, vector<1x1x16xf32>,
    %get3A_4163 = vector.shape_cast %get3A_4162 : vector<1x1x16xf32> to vector<16xf32>
    %swap3A_4164 = arith.constant 28 : i32
    %swap3A_4165 = arith.index_cast %swap3A_4164 : i32 to index
    %swap3A_4166 = arith.constant 96 : index
    %swap3A_4167 = tpu.vector_load %arg7[%swap3A_4165, %swap3A_4166] {strides = array<i32>} : memref<32x128xf32, #tpu.memory_space<vmem>>, vector<1x16xf32>,
    %swap3A_4168 = vector.shape_cast %swap3A_4167 : vector<1x16xf32> to vector<16xf32>
    %swap3A_4169 = vector.shape_cast %get3A_4163 : vector<16xf32> to vector<1x16xf32>
    tpu.vector_store %arg7[%swap3A_4165, %swap3A_4166], %swap3A_4169 {strides = array<i32>} : memref<32x128xf32, #tpu.memory_space<vmem>>, vector<1x16xf32>,
    %get3A_4170 = arith.constant 28 : i32
    %get3A_4171 = arith.index_cast %get3A_4170 : i32 to index
    %get3A_4172 = arith.index_cast %and3A_4085 : i32 to index
    %get3A_4173 = arith.constant 112 : index
    %get3A_4174 = tpu.vector_load %arg6[%get3A_4171, %get3A_4172, %get3A_4173] {strides = array<i32>} : memref<32x8x128xf32, #tpu.memory_space<vmem>>, vector<1x1x16xf32>,
    %get3A_4175 = vector.shape_cast %get3A_4174 : vector<1x1x16xf32> to vector<16xf32>
    %swap3A_4176 = arith.constant 28 : i32
    %swap3A_4177 = arith.index_cast %swap3A_4176 : i32 to index
    %swap3A_4178 = arith.constant 112 : index
    %swap3A_4179 = tpu.vector_load %arg7[%swap3A_4177, %swap3A_4178] {strides = array<i32>} : memref<32x128xf32, #tpu.memory_space<vmem>>, vector<1x16xf32>,
    %swap3A_4180 = vector.shape_cast %swap3A_4179 : vector<1x16xf32> to vector<16xf32>
    %swap3A_4181 = vector.shape_cast %get3A_4175 : vector<16xf32> to vector<1x16xf32>
    tpu.vector_store %arg7[%swap3A_4177, %swap3A_4178], %swap3A_4181 {strides = array<i32>} : memref<32x128xf32, #tpu.memory_space<vmem>>, vector<1x16xf32>,
    %add3A_4182 = arith.constant 29 : i32
    %add3A_4183 = arith.addi %mul3A_2, %add3A_4182 : i32
    %and3A_4184 = arith.constant 7 : i32
    %and3A_4185 = arith.andi %add3A_4183, %and3A_4184 : i32
    %get3A_4186 = arith.constant 29 : i32
    %get3A_4187 = arith.index_cast %get3A_4186 : i32 to index
    %get3A_4188 = arith.index_cast %and3A_4185 : i32 to index
    %get3A_4189 = arith.constant 0 : index
    %get3A_4190 = tpu.vector_load %arg6[%get3A_4187, %get3A_4188, %get3A_4189] {strides = array<i32>} : memref<32x8x128xf32, #tpu.memory_space<vmem>>, vector<1x1x16xf32>,
    %get3A_4191 = vector.shape_cast %get3A_4190 : vector<1x1x16xf32> to vector<16xf32>
    %swap3A_4192 = arith.constant 29 : i32
    %swap3A_4193 = arith.index_cast %swap3A_4192 : i32 to index
    %swap3A_4194 = arith.constant 0 : index
    %swap3A_4195 = tpu.vector_load %arg7[%swap3A_4193, %swap3A_4194] {strides = array<i32>} : memref<32x128xf32, #tpu.memory_space<vmem>>, vector<1x16xf32>,
    %swap3A_4196 = vector.shape_cast %swap3A_4195 : vector<1x16xf32> to vector<16xf32>
    %swap3A_4197 = vector.shape_cast %get3A_4191 : vector<16xf32> to vector<1x16xf32>
    tpu.vector_store %arg7[%swap3A_4193, %swap3A_4194], %swap3A_4197 {strides = array<i32>} : memref<32x128xf32, #tpu.memory_space<vmem>>, vector<1x16xf32>,
    %get3A_4198 = arith.constant 29 : i32
    %get3A_4199 = arith.index_cast %get3A_4198 : i32 to index
    %get3A_4200 = arith.index_cast %and3A_4185 : i32 to index
    %get3A_4201 = arith.constant 16 : index
    %get3A_4202 = tpu.vector_load %arg6[%get3A_4199, %get3A_4200, %get3A_4201] {strides = array<i32>} : memref<32x8x128xf32, #tpu.memory_space<vmem>>, vector<1x1x16xf32>,
    %get3A_4203 = vector.shape_cast %get3A_4202 : vector<1x1x16xf32> to vector<16xf32>
    %swap3A_4204 = arith.constant 29 : i32
    %swap3A_4205 = arith.index_cast %swap3A_4204 : i32 to index
    %swap3A_4206 = arith.constant 16 : index
    %swap3A_4207 = tpu.vector_load %arg7[%swap3A_4205, %swap3A_4206] {strides = array<i32>} : memref<32x128xf32, #tpu.memory_space<vmem>>, vector<1x16xf32>,
    %swap3A_4208 = vector.shape_cast %swap3A_4207 : vector<1x16xf32> to vector<16xf32>
    %swap3A_4209 = vector.shape_cast %get3A_4203 : vector<16xf32> to vector<1x16xf32>
    tpu.vector_store %arg7[%swap3A_4205, %swap3A_4206], %swap3A_4209 {strides = array<i32>} : memref<32x128xf32, #tpu.memory_space<vmem>>, vector<1x16xf32>,
    %get3A_4210 = arith.constant 29 : i32
    %get3A_4211 = arith.index_cast %get3A_4210 : i32 to index
    %get3A_4212 = arith.index_cast %and3A_4185 : i32 to index
    %get3A_4213 = arith.constant 32 : index
    %get3A_4214 = tpu.vector_load %arg6[%get3A_4211, %get3A_4212, %get3A_4213] {strides = array<i32>} : memref<32x8x128xf32, #tpu.memory_space<vmem>>, vector<1x1x16xf32>,
    %get3A_4215 = vector.shape_cast %get3A_4214 : vector<1x1x16xf32> to vector<16xf32>
    %swap3A_4216 = arith.constant 29 : i32
    %swap3A_4217 = arith.index_cast %swap3A_4216 : i32 to index
    %swap3A_4218 = arith.constant 32 : index
    %swap3A_4219 = tpu.vector_load %arg7[%swap3A_4217, %swap3A_4218] {strides = array<i32>} : memref<32x128xf32, #tpu.memory_space<vmem>>, vector<1x16xf32>,
    %swap3A_4220 = vector.shape_cast %swap3A_4219 : vector<1x16xf32> to vector<16xf32>
    %swap3A_4221 = vector.shape_cast %get3A_4215 : vector<16xf32> to vector<1x16xf32>
    tpu.vector_store %arg7[%swap3A_4217, %swap3A_4218], %swap3A_4221 {strides = array<i32>} : memref<32x128xf32, #tpu.memory_space<vmem>>, vector<1x16xf32>,
    %get3A_4222 = arith.constant 29 : i32
    %get3A_4223 = arith.index_cast %get3A_4222 : i32 to index
    %get3A_4224 = arith.index_cast %and3A_4185 : i32 to index
    %get3A_4225 = arith.constant 48 : index
    %get3A_4226 = tpu.vector_load %arg6[%get3A_4223, %get3A_4224, %get3A_4225] {strides = array<i32>} : memref<32x8x128xf32, #tpu.memory_space<vmem>>, vector<1x1x16xf32>,
    %get3A_4227 = vector.shape_cast %get3A_4226 : vector<1x1x16xf32> to vector<16xf32>
    %swap3A_4228 = arith.constant 29 : i32
    %swap3A_4229 = arith.index_cast %swap3A_4228 : i32 to index
    %swap3A_4230 = arith.constant 48 : index
    %swap3A_4231 = tpu.vector_load %arg7[%swap3A_4229, %swap3A_4230] {strides = array<i32>} : memref<32x128xf32, #tpu.memory_space<vmem>>, vector<1x16xf32>,
    %swap3A_4232 = vector.shape_cast %swap3A_4231 : vector<1x16xf32> to vector<16xf32>
    %swap3A_4233 = vector.shape_cast %get3A_4227 : vector<16xf32> to vector<1x16xf32>
    tpu.vector_store %arg7[%swap3A_4229, %swap3A_4230], %swap3A_4233 {strides = array<i32>} : memref<32x128xf32, #tpu.memory_space<vmem>>, vector<1x16xf32>,
    %get3A_4234 = arith.constant 29 : i32
    %get3A_4235 = arith.index_cast %get3A_4234 : i32 to index
    %get3A_4236 = arith.index_cast %and3A_4185 : i32 to index
    %get3A_4237 = arith.constant 64 : index
    %get3A_4238 = tpu.vector_load %arg6[%get3A_4235, %get3A_4236, %get3A_4237] {strides = array<i32>} : memref<32x8x128xf32, #tpu.memory_space<vmem>>, vector<1x1x16xf32>,
    %get3A_4239 = vector.shape_cast %get3A_4238 : vector<1x1x16xf32> to vector<16xf32>
    %swap3A_4240 = arith.constant 29 : i32
    %swap3A_4241 = arith.index_cast %swap3A_4240 : i32 to index
    %swap3A_4242 = arith.constant 64 : index
    %swap3A_4243 = tpu.vector_load %arg7[%swap3A_4241, %swap3A_4242] {strides = array<i32>} : memref<32x128xf32, #tpu.memory_space<vmem>>, vector<1x16xf32>,
    %swap3A_4244 = vector.shape_cast %swap3A_4243 : vector<1x16xf32> to vector<16xf32>
    %swap3A_4245 = vector.shape_cast %get3A_4239 : vector<16xf32> to vector<1x16xf32>
    tpu.vector_store %arg7[%swap3A_4241, %swap3A_4242], %swap3A_4245 {strides = array<i32>} : memref<32x128xf32, #tpu.memory_space<vmem>>, vector<1x16xf32>,
    %get3A_4246 = arith.constant 29 : i32
    %get3A_4247 = arith.index_cast %get3A_4246 : i32 to index
    %get3A_4248 = arith.index_cast %and3A_4185 : i32 to index
    %get3A_4249 = arith.constant 80 : index
    %get3A_4250 = tpu.vector_load %arg6[%get3A_4247, %get3A_4248, %get3A_4249] {strides = array<i32>} : memref<32x8x128xf32, #tpu.memory_space<vmem>>, vector<1x1x16xf32>,
    %get3A_4251 = vector.shape_cast %get3A_4250 : vector<1x1x16xf32> to vector<16xf32>
    %swap3A_4252 = arith.constant 29 : i32
    %swap3A_4253 = arith.index_cast %swap3A_4252 : i32 to index
    %swap3A_4254 = arith.constant 80 : index
    %swap3A_4255 = tpu.vector_load %arg7[%swap3A_4253, %swap3A_4254] {strides = array<i32>} : memref<32x128xf32, #tpu.memory_space<vmem>>, vector<1x16xf32>,
    %swap3A_4256 = vector.shape_cast %swap3A_4255 : vector<1x16xf32> to vector<16xf32>
    %swap3A_4257 = vector.shape_cast %get3A_4251 : vector<16xf32> to vector<1x16xf32>
    tpu.vector_store %arg7[%swap3A_4253, %swap3A_4254], %swap3A_4257 {strides = array<i32>} : memref<32x128xf32, #tpu.memory_space<vmem>>, vector<1x16xf32>,
    %get3A_4258 = arith.constant 29 : i32
    %get3A_4259 = arith.index_cast %get3A_4258 : i32 to index
    %get3A_4260 = arith.index_cast %and3A_4185 : i32 to index
    %get3A_4261 = arith.constant 96 : index
    %get3A_4262 = tpu.vector_load %arg6[%get3A_4259, %get3A_4260, %get3A_4261] {strides = array<i32>} : memref<32x8x128xf32, #tpu.memory_space<vmem>>, vector<1x1x16xf32>,
    %get3A_4263 = vector.shape_cast %get3A_4262 : vector<1x1x16xf32> to vector<16xf32>
    %swap3A_4264 = arith.constant 29 : i32
    %swap3A_4265 = arith.index_cast %swap3A_4264 : i32 to index
    %swap3A_4266 = arith.constant 96 : index
    %swap3A_4267 = tpu.vector_load %arg7[%swap3A_4265, %swap3A_4266] {strides = array<i32>} : memref<32x128xf32, #tpu.memory_space<vmem>>, vector<1x16xf32>,
    %swap3A_4268 = vector.shape_cast %swap3A_4267 : vector<1x16xf32> to vector<16xf32>
    %swap3A_4269 = vector.shape_cast %get3A_4263 : vector<16xf32> to vector<1x16xf32>
    tpu.vector_store %arg7[%swap3A_4265, %swap3A_4266], %swap3A_4269 {strides = array<i32>} : memref<32x128xf32, #tpu.memory_space<vmem>>, vector<1x16xf32>,
    %get3A_4270 = arith.constant 29 : i32
    %get3A_4271 = arith.index_cast %get3A_4270 : i32 to index
    %get3A_4272 = arith.index_cast %and3A_4185 : i32 to index
    %get3A_4273 = arith.constant 112 : index
    %get3A_4274 = tpu.vector_load %arg6[%get3A_4271, %get3A_4272, %get3A_4273] {strides = array<i32>} : memref<32x8x128xf32, #tpu.memory_space<vmem>>, vector<1x1x16xf32>,
    %get3A_4275 = vector.shape_cast %get3A_4274 : vector<1x1x16xf32> to vector<16xf32>
    %swap3A_4276 = arith.constant 29 : i32
    %swap3A_4277 = arith.index_cast %swap3A_4276 : i32 to index
    %swap3A_4278 = arith.constant 112 : index
    %swap3A_4279 = tpu.vector_load %arg7[%swap3A_4277, %swap3A_4278] {strides = array<i32>} : memref<32x128xf32, #tpu.memory_space<vmem>>, vector<1x16xf32>,
    %swap3A_4280 = vector.shape_cast %swap3A_4279 : vector<1x16xf32> to vector<16xf32>
    %swap3A_4281 = vector.shape_cast %get3A_4275 : vector<16xf32> to vector<1x16xf32>
    tpu.vector_store %arg7[%swap3A_4277, %swap3A_4278], %swap3A_4281 {strides = array<i32>} : memref<32x128xf32, #tpu.memory_space<vmem>>, vector<1x16xf32>,
    %add3A_4282 = arith.constant 30 : i32
    %add3A_4283 = arith.addi %mul3A_2, %add3A_4282 : i32
    %and3A_4284 = arith.constant 7 : i32
    %and3A_4285 = arith.andi %add3A_4283, %and3A_4284 : i32
    %get3A_4286 = arith.constant 30 : i32
    %get3A_4287 = arith.index_cast %get3A_4286 : i32 to index
    %get3A_4288 = arith.index_cast %and3A_4285 : i32 to index
    %get3A_4289 = arith.constant 0 : index
    %get3A_4290 = tpu.vector_load %arg6[%get3A_4287, %get3A_4288, %get3A_4289] {strides = array<i32>} : memref<32x8x128xf32, #tpu.memory_space<vmem>>, vector<1x1x16xf32>,
    %get3A_4291 = vector.shape_cast %get3A_4290 : vector<1x1x16xf32> to vector<16xf32>
    %swap3A_4292 = arith.constant 30 : i32
    %swap3A_4293 = arith.index_cast %swap3A_4292 : i32 to index
    %swap3A_4294 = arith.constant 0 : index
    %swap3A_4295 = tpu.vector_load %arg7[%swap3A_4293, %swap3A_4294] {strides = array<i32>} : memref<32x128xf32, #tpu.memory_space<vmem>>, vector<1x16xf32>,
    %swap3A_4296 = vector.shape_cast %swap3A_4295 : vector<1x16xf32> to vector<16xf32>
    %swap3A_4297 = vector.shape_cast %get3A_4291 : vector<16xf32> to vector<1x16xf32>
    tpu.vector_store %arg7[%swap3A_4293, %swap3A_4294], %swap3A_4297 {strides = array<i32>} : memref<32x128xf32, #tpu.memory_space<vmem>>, vector<1x16xf32>,
    %get3A_4298 = arith.constant 30 : i32
    %get3A_4299 = arith.index_cast %get3A_4298 : i32 to index
    %get3A_4300 = arith.index_cast %and3A_4285 : i32 to index
    %get3A_4301 = arith.constant 16 : index
    %get3A_4302 = tpu.vector_load %arg6[%get3A_4299, %get3A_4300, %get3A_4301] {strides = array<i32>} : memref<32x8x128xf32, #tpu.memory_space<vmem>>, vector<1x1x16xf32>,
    %get3A_4303 = vector.shape_cast %get3A_4302 : vector<1x1x16xf32> to vector<16xf32>
    %swap3A_4304 = arith.constant 30 : i32
    %swap3A_4305 = arith.index_cast %swap3A_4304 : i32 to index
    %swap3A_4306 = arith.constant 16 : index
    %swap3A_4307 = tpu.vector_load %arg7[%swap3A_4305, %swap3A_4306] {strides = array<i32>} : memref<32x128xf32, #tpu.memory_space<vmem>>, vector<1x16xf32>,
    %swap3A_4308 = vector.shape_cast %swap3A_4307 : vector<1x16xf32> to vector<16xf32>
    %swap3A_4309 = vector.shape_cast %get3A_4303 : vector<16xf32> to vector<1x16xf32>
    tpu.vector_store %arg7[%swap3A_4305, %swap3A_4306], %swap3A_4309 {strides = array<i32>} : memref<32x128xf32, #tpu.memory_space<vmem>>, vector<1x16xf32>,
    %get3A_4310 = arith.constant 30 : i32
    %get3A_4311 = arith.index_cast %get3A_4310 : i32 to index
    %get3A_4312 = arith.index_cast %and3A_4285 : i32 to index
    %get3A_4313 = arith.constant 32 : index
    %get3A_4314 = tpu.vector_load %arg6[%get3A_4311, %get3A_4312, %get3A_4313] {strides = array<i32>} : memref<32x8x128xf32, #tpu.memory_space<vmem>>, vector<1x1x16xf32>,
    %get3A_4315 = vector.shape_cast %get3A_4314 : vector<1x1x16xf32> to vector<16xf32>
    %swap3A_4316 = arith.constant 30 : i32
    %swap3A_4317 = arith.index_cast %swap3A_4316 : i32 to index
    %swap3A_4318 = arith.constant 32 : index
    %swap3A_4319 = tpu.vector_load %arg7[%swap3A_4317, %swap3A_4318] {strides = array<i32>} : memref<32x128xf32, #tpu.memory_space<vmem>>, vector<1x16xf32>,
    %swap3A_4320 = vector.shape_cast %swap3A_4319 : vector<1x16xf32> to vector<16xf32>
    %swap3A_4321 = vector.shape_cast %get3A_4315 : vector<16xf32> to vector<1x16xf32>
    tpu.vector_store %arg7[%swap3A_4317, %swap3A_4318], %swap3A_4321 {strides = array<i32>} : memref<32x128xf32, #tpu.memory_space<vmem>>, vector<1x16xf32>,
    %get3A_4322 = arith.constant 30 : i32
    %get3A_4323 = arith.index_cast %get3A_4322 : i32 to index
    %get3A_4324 = arith.index_cast %and3A_4285 : i32 to index
    %get3A_4325 = arith.constant 48 : index
    %get3A_4326 = tpu.vector_load %arg6[%get3A_4323, %get3A_4324, %get3A_4325] {strides = array<i32>} : memref<32x8x128xf32, #tpu.memory_space<vmem>>, vector<1x1x16xf32>,
    %get3A_4327 = vector.shape_cast %get3A_4326 : vector<1x1x16xf32> to vector<16xf32>
    %swap3A_4328 = arith.constant 30 : i32
    %swap3A_4329 = arith.index_cast %swap3A_4328 : i32 to index
    %swap3A_4330 = arith.constant 48 : index
    %swap3A_4331 = tpu.vector_load %arg7[%swap3A_4329, %swap3A_4330] {strides = array<i32>} : memref<32x128xf32, #tpu.memory_space<vmem>>, vector<1x16xf32>,
    %swap3A_4332 = vector.shape_cast %swap3A_4331 : vector<1x16xf32> to vector<16xf32>
    %swap3A_4333 = vector.shape_cast %get3A_4327 : vector<16xf32> to vector<1x16xf32>
    tpu.vector_store %arg7[%swap3A_4329, %swap3A_4330], %swap3A_4333 {strides = array<i32>} : memref<32x128xf32, #tpu.memory_space<vmem>>, vector<1x16xf32>,
    %get3A_4334 = arith.constant 30 : i32
    %get3A_4335 = arith.index_cast %get3A_4334 : i32 to index
    %get3A_4336 = arith.index_cast %and3A_4285 : i32 to index
    %get3A_4337 = arith.constant 64 : index
    %get3A_4338 = tpu.vector_load %arg6[%get3A_4335, %get3A_4336, %get3A_4337] {strides = array<i32>} : memref<32x8x128xf32, #tpu.memory_space<vmem>>, vector<1x1x16xf32>,
    %get3A_4339 = vector.shape_cast %get3A_4338 : vector<1x1x16xf32> to vector<16xf32>
    %swap3A_4340 = arith.constant 30 : i32
    %swap3A_4341 = arith.index_cast %swap3A_4340 : i32 to index
    %swap3A_4342 = arith.constant 64 : index
    %swap3A_4343 = tpu.vector_load %arg7[%swap3A_4341, %swap3A_4342] {strides = array<i32>} : memref<32x128xf32, #tpu.memory_space<vmem>>, vector<1x16xf32>,
    %swap3A_4344 = vector.shape_cast %swap3A_4343 : vector<1x16xf32> to vector<16xf32>
    %swap3A_4345 = vector.shape_cast %get3A_4339 : vector<16xf32> to vector<1x16xf32>
    tpu.vector_store %arg7[%swap3A_4341, %swap3A_4342], %swap3A_4345 {strides = array<i32>} : memref<32x128xf32, #tpu.memory_space<vmem>>, vector<1x16xf32>,
    %get3A_4346 = arith.constant 30 : i32
    %get3A_4347 = arith.index_cast %get3A_4346 : i32 to index
    %get3A_4348 = arith.index_cast %and3A_4285 : i32 to index
    %get3A_4349 = arith.constant 80 : index
    %get3A_4350 = tpu.vector_load %arg6[%get3A_4347, %get3A_4348, %get3A_4349] {strides = array<i32>} : memref<32x8x128xf32, #tpu.memory_space<vmem>>, vector<1x1x16xf32>,
    %get3A_4351 = vector.shape_cast %get3A_4350 : vector<1x1x16xf32> to vector<16xf32>
    %swap3A_4352 = arith.constant 30 : i32
    %swap3A_4353 = arith.index_cast %swap3A_4352 : i32 to index
    %swap3A_4354 = arith.constant 80 : index
    %swap3A_4355 = tpu.vector_load %arg7[%swap3A_4353, %swap3A_4354] {strides = array<i32>} : memref<32x128xf32, #tpu.memory_space<vmem>>, vector<1x16xf32>,
    %swap3A_4356 = vector.shape_cast %swap3A_4355 : vector<1x16xf32> to vector<16xf32>
    %swap3A_4357 = vector.shape_cast %get3A_4351 : vector<16xf32> to vector<1x16xf32>
    tpu.vector_store %arg7[%swap3A_4353, %swap3A_4354], %swap3A_4357 {strides = array<i32>} : memref<32x128xf32, #tpu.memory_space<vmem>>, vector<1x16xf32>,
    %get3A_4358 = arith.constant 30 : i32
    %get3A_4359 = arith.index_cast %get3A_4358 : i32 to index
    %get3A_4360 = arith.index_cast %and3A_4285 : i32 to index
    %get3A_4361 = arith.constant 96 : index
    %get3A_4362 = tpu.vector_load %arg6[%get3A_4359, %get3A_4360, %get3A_4361] {strides = array<i32>} : memref<32x8x128xf32, #tpu.memory_space<vmem>>, vector<1x1x16xf32>,
    %get3A_4363 = vector.shape_cast %get3A_4362 : vector<1x1x16xf32> to vector<16xf32>
    %swap3A_4364 = arith.constant 30 : i32
    %swap3A_4365 = arith.index_cast %swap3A_4364 : i32 to index
    %swap3A_4366 = arith.constant 96 : index
    %swap3A_4367 = tpu.vector_load %arg7[%swap3A_4365, %swap3A_4366] {strides = array<i32>} : memref<32x128xf32, #tpu.memory_space<vmem>>, vector<1x16xf32>,
    %swap3A_4368 = vector.shape_cast %swap3A_4367 : vector<1x16xf32> to vector<16xf32>
    %swap3A_4369 = vector.shape_cast %get3A_4363 : vector<16xf32> to vector<1x16xf32>
    tpu.vector_store %arg7[%swap3A_4365, %swap3A_4366], %swap3A_4369 {strides = array<i32>} : memref<32x128xf32, #tpu.memory_space<vmem>>, vector<1x16xf32>,
    %get3A_4370 = arith.constant 30 : i32
    %get3A_4371 = arith.index_cast %get3A_4370 : i32 to index
    %get3A_4372 = arith.index_cast %and3A_4285 : i32 to index
    %get3A_4373 = arith.constant 112 : index
    %get3A_4374 = tpu.vector_load %arg6[%get3A_4371, %get3A_4372, %get3A_4373] {strides = array<i32>} : memref<32x8x128xf32, #tpu.memory_space<vmem>>, vector<1x1x16xf32>,
    %get3A_4375 = vector.shape_cast %get3A_4374 : vector<1x1x16xf32> to vector<16xf32>
    %swap3A_4376 = arith.constant 30 : i32
    %swap3A_4377 = arith.index_cast %swap3A_4376 : i32 to index
    %swap3A_4378 = arith.constant 112 : index
    %swap3A_4379 = tpu.vector_load %arg7[%swap3A_4377, %swap3A_4378] {strides = array<i32>} : memref<32x128xf32, #tpu.memory_space<vmem>>, vector<1x16xf32>,
    %swap3A_4380 = vector.shape_cast %swap3A_4379 : vector<1x16xf32> to vector<16xf32>
    %swap3A_4381 = vector.shape_cast %get3A_4375 : vector<16xf32> to vector<1x16xf32>
    tpu.vector_store %arg7[%swap3A_4377, %swap3A_4378], %swap3A_4381 {strides = array<i32>} : memref<32x128xf32, #tpu.memory_space<vmem>>, vector<1x16xf32>,
    %add3A_4382 = arith.constant 31 : i32
    %add3A_4383 = arith.addi %mul3A_2, %add3A_4382 : i32
    %and3A_4384 = arith.constant 7 : i32
    %and3A_4385 = arith.andi %add3A_4383, %and3A_4384 : i32
    %get3A_4386 = arith.constant 31 : i32
    %get3A_4387 = arith.index_cast %get3A_4386 : i32 to index
    %get3A_4388 = arith.index_cast %and3A_4385 : i32 to index
    %get3A_4389 = arith.constant 0 : index
    %get3A_4390 = tpu.vector_load %arg6[%get3A_4387, %get3A_4388, %get3A_4389] {strides = array<i32>} : memref<32x8x128xf32, #tpu.memory_space<vmem>>, vector<1x1x16xf32>,
    %get3A_4391 = vector.shape_cast %get3A_4390 : vector<1x1x16xf32> to vector<16xf32>
    %swap3A_4392 = arith.constant 31 : i32
    %swap3A_4393 = arith.index_cast %swap3A_4392 : i32 to index
    %swap3A_4394 = arith.constant 0 : index
    %swap3A_4395 = tpu.vector_load %arg7[%swap3A_4393, %swap3A_4394] {strides = array<i32>} : memref<32x128xf32, #tpu.memory_space<vmem>>, vector<1x16xf32>,
    %swap3A_4396 = vector.shape_cast %swap3A_4395 : vector<1x16xf32> to vector<16xf32>
    %swap3A_4397 = vector.shape_cast %get3A_4391 : vector<16xf32> to vector<1x16xf32>
    tpu.vector_store %arg7[%swap3A_4393, %swap3A_4394], %swap3A_4397 {strides = array<i32>} : memref<32x128xf32, #tpu.memory_space<vmem>>, vector<1x16xf32>,
    %get3A_4398 = arith.constant 31 : i32
    %get3A_4399 = arith.index_cast %get3A_4398 : i32 to index
    %get3A_4400 = arith.index_cast %and3A_4385 : i32 to index
    %get3A_4401 = arith.constant 16 : index
    %get3A_4402 = tpu.vector_load %arg6[%get3A_4399, %get3A_4400, %get3A_4401] {strides = array<i32>} : memref<32x8x128xf32, #tpu.memory_space<vmem>>, vector<1x1x16xf32>,
    %get3A_4403 = vector.shape_cast %get3A_4402 : vector<1x1x16xf32> to vector<16xf32>
    %swap3A_4404 = arith.constant 31 : i32
    %swap3A_4405 = arith.index_cast %swap3A_4404 : i32 to index
    %swap3A_4406 = arith.constant 16 : index
    %swap3A_4407 = tpu.vector_load %arg7[%swap3A_4405, %swap3A_4406] {strides = array<i32>} : memref<32x128xf32, #tpu.memory_space<vmem>>, vector<1x16xf32>,
    %swap3A_4408 = vector.shape_cast %swap3A_4407 : vector<1x16xf32> to vector<16xf32>
    %swap3A_4409 = vector.shape_cast %get3A_4403 : vector<16xf32> to vector<1x16xf32>
    tpu.vector_store %arg7[%swap3A_4405, %swap3A_4406], %swap3A_4409 {strides = array<i32>} : memref<32x128xf32, #tpu.memory_space<vmem>>, vector<1x16xf32>,
    %get3A_4410 = arith.constant 31 : i32
    %get3A_4411 = arith.index_cast %get3A_4410 : i32 to index
    %get3A_4412 = arith.index_cast %and3A_4385 : i32 to index
    %get3A_4413 = arith.constant 32 : index
    %get3A_4414 = tpu.vector_load %arg6[%get3A_4411, %get3A_4412, %get3A_4413] {strides = array<i32>} : memref<32x8x128xf32, #tpu.memory_space<vmem>>, vector<1x1x16xf32>,
    %get3A_4415 = vector.shape_cast %get3A_4414 : vector<1x1x16xf32> to vector<16xf32>
    %swap3A_4416 = arith.constant 31 : i32
    %swap3A_4417 = arith.index_cast %swap3A_4416 : i32 to index
    %swap3A_4418 = arith.constant 32 : index
    %swap3A_4419 = tpu.vector_load %arg7[%swap3A_4417, %swap3A_4418] {strides = array<i32>} : memref<32x128xf32, #tpu.memory_space<vmem>>, vector<1x16xf32>,
    %swap3A_4420 = vector.shape_cast %swap3A_4419 : vector<1x16xf32> to vector<16xf32>
    %swap3A_4421 = vector.shape_cast %get3A_4415 : vector<16xf32> to vector<1x16xf32>
    tpu.vector_store %arg7[%swap3A_4417, %swap3A_4418], %swap3A_4421 {strides = array<i32>} : memref<32x128xf32, #tpu.memory_space<vmem>>, vector<1x16xf32>,
    %get3A_4422 = arith.constant 31 : i32
    %get3A_4423 = arith.index_cast %get3A_4422 : i32 to index
    %get3A_4424 = arith.index_cast %and3A_4385 : i32 to index
    %get3A_4425 = arith.constant 48 : index
    %get3A_4426 = tpu.vector_load %arg6[%get3A_4423, %get3A_4424, %get3A_4425] {strides = array<i32>} : memref<32x8x128xf32, #tpu.memory_space<vmem>>, vector<1x1x16xf32>,
    %get3A_4427 = vector.shape_cast %get3A_4426 : vector<1x1x16xf32> to vector<16xf32>
    %swap3A_4428 = arith.constant 31 : i32
    %swap3A_4429 = arith.index_cast %swap3A_4428 : i32 to index
    %swap3A_4430 = arith.constant 48 : index
    %swap3A_4431 = tpu.vector_load %arg7[%swap3A_4429, %swap3A_4430] {strides = array<i32>} : memref<32x128xf32, #tpu.memory_space<vmem>>, vector<1x16xf32>,
    %swap3A_4432 = vector.shape_cast %swap3A_4431 : vector<1x16xf32> to vector<16xf32>
    %swap3A_4433 = vector.shape_cast %get3A_4427 : vector<16xf32> to vector<1x16xf32>
    tpu.vector_store %arg7[%swap3A_4429, %swap3A_4430], %swap3A_4433 {strides = array<i32>} : memref<32x128xf32, #tpu.memory_space<vmem>>, vector<1x16xf32>,
    %get3A_4434 = arith.constant 31 : i32
    %get3A_4435 = arith.index_cast %get3A_4434 : i32 to index
    %get3A_4436 = arith.index_cast %and3A_4385 : i32 to index
    %get3A_4437 = arith.constant 64 : index
    %get3A_4438 = tpu.vector_load %arg6[%get3A_4435, %get3A_4436, %get3A_4437] {strides = array<i32>} : memref<32x8x128xf32, #tpu.memory_space<vmem>>, vector<1x1x16xf32>,
    %get3A_4439 = vector.shape_cast %get3A_4438 : vector<1x1x16xf32> to vector<16xf32>
    %swap3A_4440 = arith.constant 31 : i32
    %swap3A_4441 = arith.index_cast %swap3A_4440 : i32 to index
    %swap3A_4442 = arith.constant 64 : index
    %swap3A_4443 = tpu.vector_load %arg7[%swap3A_4441, %swap3A_4442] {strides = array<i32>} : memref<32x128xf32, #tpu.memory_space<vmem>>, vector<1x16xf32>,
    %swap3A_4444 = vector.shape_cast %swap3A_4443 : vector<1x16xf32> to vector<16xf32>
    %swap3A_4445 = vector.shape_cast %get3A_4439 : vector<16xf32> to vector<1x16xf32>
    tpu.vector_store %arg7[%swap3A_4441, %swap3A_4442], %swap3A_4445 {strides = array<i32>} : memref<32x128xf32, #tpu.memory_space<vmem>>, vector<1x16xf32>,
    %get3A_4446 = arith.constant 31 : i32
    %get3A_4447 = arith.index_cast %get3A_4446 : i32 to index
    %get3A_4448 = arith.index_cast %and3A_4385 : i32 to index
    %get3A_4449 = arith.constant 80 : index
    %get3A_4450 = tpu.vector_load %arg6[%get3A_4447, %get3A_4448, %get3A_4449] {strides = array<i32>} : memref<32x8x128xf32, #tpu.memory_space<vmem>>, vector<1x1x16xf32>,
    %get3A_4451 = vector.shape_cast %get3A_4450 : vector<1x1x16xf32> to vector<16xf32>
    %swap3A_4452 = arith.constant 31 : i32
    %swap3A_4453 = arith.index_cast %swap3A_4452 : i32 to index
    %swap3A_4454 = arith.constant 80 : index
    %swap3A_4455 = tpu.vector_load %arg7[%swap3A_4453, %swap3A_4454] {strides = array<i32>} : memref<32x128xf32, #tpu.memory_space<vmem>>, vector<1x16xf32>,
    %swap3A_4456 = vector.shape_cast %swap3A_4455 : vector<1x16xf32> to vector<16xf32>
    %swap3A_4457 = vector.shape_cast %get3A_4451 : vector<16xf32> to vector<1x16xf32>
    tpu.vector_store %arg7[%swap3A_4453, %swap3A_4454], %swap3A_4457 {strides = array<i32>} : memref<32x128xf32, #tpu.memory_space<vmem>>, vector<1x16xf32>,
    %get3A_4458 = arith.constant 31 : i32
    %get3A_4459 = arith.index_cast %get3A_4458 : i32 to index
    %get3A_4460 = arith.index_cast %and3A_4385 : i32 to index
    %get3A_4461 = arith.constant 96 : index
    %get3A_4462 = tpu.vector_load %arg6[%get3A_4459, %get3A_4460, %get3A_4461] {strides = array<i32>} : memref<32x8x128xf32, #tpu.memory_space<vmem>>, vector<1x1x16xf32>,
    %get3A_4463 = vector.shape_cast %get3A_4462 : vector<1x1x16xf32> to vector<16xf32>
    %swap3A_4464 = arith.constant 31 : i32
    %swap3A_4465 = arith.index_cast %swap3A_4464 : i32 to index
    %swap3A_4466 = arith.constant 96 : index
    %swap3A_4467 = tpu.vector_load %arg7[%swap3A_4465, %swap3A_4466] {strides = array<i32>} : memref<32x128xf32, #tpu.memory_space<vmem>>, vector<1x16xf32>,
    %swap3A_4468 = vector.shape_cast %swap3A_4467 : vector<1x16xf32> to vector<16xf32>
    %swap3A_4469 = vector.shape_cast %get3A_4463 : vector<16xf32> to vector<1x16xf32>
    tpu.vector_store %arg7[%swap3A_4465, %swap3A_4466], %swap3A_4469 {strides = array<i32>} : memref<32x128xf32, #tpu.memory_space<vmem>>, vector<1x16xf32>,
    %get3A_4470 = arith.constant 31 : i32
    %get3A_4471 = arith.index_cast %get3A_4470 : i32 to index
    %get3A_4472 = arith.index_cast %and3A_4385 : i32 to index
    %get3A_4473 = arith.constant 112 : index
    %get3A_4474 = tpu.vector_load %arg6[%get3A_4471, %get3A_4472, %get3A_4473] {strides = array<i32>} : memref<32x8x128xf32, #tpu.memory_space<vmem>>, vector<1x1x16xf32>,
    %get3A_4475 = vector.shape_cast %get3A_4474 : vector<1x1x16xf32> to vector<16xf32>
    %swap3A_4476 = arith.constant 31 : i32
    %swap3A_4477 = arith.index_cast %swap3A_4476 : i32 to index
    %swap3A_4478 = arith.constant 112 : index
    %swap3A_4479 = tpu.vector_load %arg7[%swap3A_4477, %swap3A_4478] {strides = array<i32>} : memref<32x128xf32, #tpu.memory_space<vmem>>, vector<1x16xf32>,
    %swap3A_4480 = vector.shape_cast %swap3A_4479 : vector<1x16xf32> to vector<16xf32>
    %swap3A_4481 = vector.shape_cast %get3A_4475 : vector<16xf32> to vector<1x16xf32>
    tpu.vector_store %arg7[%swap3A_4477, %swap3A_4478], %swap3A_4481 {strides = array<i32>} : memref<32x128xf32, #tpu.memory_space<vmem>>, vector<1x16xf32>,
    "tpu.region"() ({
      %run_scoped3A = tpu.sem_alloc : memref<!tpu.dma_semaphore, #tpu.memory_space<semaphore_mem>>
      %dma_start3A_4482 = arith.constant 0 : i32
      %dma_start3A_4483 = tpu.memref_slice %arg4[%mul3A_2, %dma_start3A_4482] : memref<1024x128xf32, #tpu.memory_space<hbm>> -> memref<32x128xf32, #tpu.memory_space<hbm>>
      %dma_start3A_4484 = arith.constant 0 : i32
      %dma_start3A_4485 = tpu.memref_slice %arg4[%mul3A_2, %dma_start3A_4484] : memref<1024x128xf32, #tpu.memory_space<hbm>> -> memref<32x128xf32, #tpu.memory_space<hbm>>
      tpu.enqueue_dma source(%arg7 : memref<32x128xf32, #tpu.memory_space<vmem>>) target(%dma_start3A_4485 : memref<32x128xf32, #tpu.memory_space<hbm>>) target_semaphore(%run_scoped3A : memref<!tpu.dma_semaphore, #tpu.memory_space<semaphore_mem>>)
      %dma_wait3A_4486 = arith.constant 0 : i32
      %dma_wait3A_4487 = tpu.memref_slice %arg4[%mul3A_2, %dma_wait3A_4486] : memref<1024x128xf32, #tpu.memory_space<hbm>> -> memref<32x128xf32, #tpu.memory_space<hbm>>
      %dma_wait3A_4488 = arith.constant 0 : i32
      %dma_wait3A_4489 = tpu.memref_slice %arg4[%mul3A_2, %dma_wait3A_4488] : memref<1024x128xf32, #tpu.memory_space<hbm>> -> memref<32x128xf32, #tpu.memory_space<hbm>>
      tpu.wait_dma2 semaphore(%run_scoped3A : memref<!tpu.dma_semaphore, #tpu.memory_space<semaphore_mem>>) src(%arg7 : memref<32x128xf32, #tpu.memory_space<vmem>>) dst(%dma_wait3A_4489 : memref<32x128xf32, #tpu.memory_space<hbm>>)
      tpu.yield
    }) : () -> ()
    return
  }
}

module attributes {stable_mosaic.version = 14 : i64} {
  func.func @_tc_body(%arg0: i32, %arg1: memref<8x1xi32, #tpu.memory_space<vmem>>, %arg2: memref<8x128xf32, #tpu.memory_space<vmem>>, %arg3: memref<8x100000xf32, #tpu.memory_space<vmem>>, %arg4: memref<8x100000xf32, #tpu.memory_space<vmem>>) attributes {dimension_semantics = [#tpu.dimension_semantics<arbitrary>], iteration_bounds = array<i64: 128>, scalar_prefetch = 0 : i64, scratch_operands = 0 : i64, tpu.core_type = #tpu.core_type<tc>, window_params = [{transform_indices = @transform_0, window_bounds = array<i64: 8, 1>}, {transform_indices = @transform_1, window_bounds = array<i64: 8, 128>}, {transform_indices = @transform_2, window_bounds = array<i64: 8, 100000>}, {transform_indices = @transform_3, window_bounds = array<i64: 8, 100000>}]} {
    %get3A = arith.constant 0 : index
    %get3A_0 = arith.constant 0 : index
    %get3A_1 = vector.load %arg1[%get3A, %get3A_0] : memref<8x1xi32, #tpu.memory_space<vmem>>, vector<8x1xi32>
    %eq3A = arith.constant -1 : i32
    %eq3A_2 = vector.broadcast %eq3A : i32 to vector<8x1xi32>
    %eq3A_3 = arith.cmpi eq, %get3A_1, %eq3A_2 : vector<8x1xi32>
    %jit3A = arith.constant 0 : i32
    %broadcast_in_dim3A = vector.broadcast %jit3A : i32 to vector<8x1xi32>
    %select_n3A = arith.select %eq3A_3, %broadcast_in_dim3A, %get3A_1 : vector<8x1xi1>, vector<8x1xi32>
    %and3A = arith.constant 127 : i32
    %and3A_4 = vector.broadcast %and3A : i32 to vector<8x1xi32>
    %and3A_5 = arith.andi %select_n3A, %and3A_4 : vector<8x1xi32>
    %iota3A = tpu.iota {dimensions = array<i32: 1>} : vector<8x128xi32>
    %eq3A_6 = vector.broadcast %and3A_5 : vector<8x1xi32> to vector<8x128xi32>
    %eq3A_7 = arith.cmpi eq, %iota3A, %eq3A_6 : vector<8x128xi32>
    %get3A_8 = arith.constant 0 : index
    %get3A_9 = arith.constant 0 : index
    %get3A_10 = vector.load %arg2[%get3A_8, %get3A_9] : memref<8x128xf32, #tpu.memory_space<vmem>>, vector<8x128xf32>
    %jit3A_11 = arith.constant 0.000000e+00 : f32
    %broadcast_in_dim3A_12 = vector.broadcast %jit3A_11 : f32 to vector<8x128xf32>
    %select_n3A_13 = arith.select %eq3A_7, %get3A_10, %broadcast_in_dim3A_12 : vector<8x128xi1>, vector<8x128xf32>
    %reduce_sum3A = arith.constant dense<0.000000e+00> : vector<8xf32>
    %reduce_sum3A_14 = vector.multi_reduction <add>, %select_n3A_13, %reduce_sum3A [1] : vector<8x128xf32> to vector<8xf32>
    %broadcast_in_dim3A_15 = vector.shape_cast %reduce_sum3A_14 : vector<8xf32> to vector<8x1xf32>
    %jit3A_16 = arith.constant -1.000000e+00 : f32
    %jit3A_17 = arith.constant 1.000000e+00 : f32
    %max3A = vector.broadcast %jit3A_16 : f32 to vector<8x1xf32>
    %max3A_18 = arith.maximumf %max3A, %broadcast_in_dim3A_15 : vector<8x1xf32>
    %min3A = vector.broadcast %jit3A_17 : f32 to vector<8x1xf32>
    %min3A_19 = arith.minimumf %min3A, %max3A_18 : vector<8x1xf32>
    %abs3A = math.absf %min3A_19 : vector<8x1xf32>
    %mul3A = arith.constant -0.0012624911 : f32
    %mul3A_20 = vector.broadcast %mul3A : f32 to vector<8x1xf32>
    %mul3A_21 = arith.mulf %mul3A_20, %abs3A : vector<8x1xf32>
    %add3A = arith.constant 6.670090e-03 : f32
    %add3A_22 = vector.broadcast %add3A : f32 to vector<8x1xf32>
    %add3A_23 = arith.addf %mul3A_21, %add3A_22 : vector<8x1xf32>
    %mul3A_24 = arith.mulf %add3A_23, %abs3A : vector<8x1xf32>
    %add3A_25 = arith.constant -0.0170881264 : f32
    %add3A_26 = vector.broadcast %add3A_25 : f32 to vector<8x1xf32>
    %add3A_27 = arith.addf %mul3A_24, %add3A_26 : vector<8x1xf32>
    %mul3A_28 = arith.mulf %add3A_27, %abs3A : vector<8x1xf32>
    %add3A_29 = arith.constant 0.0308918804 : f32
    %add3A_30 = vector.broadcast %add3A_29 : f32 to vector<8x1xf32>
    %add3A_31 = arith.addf %mul3A_28, %add3A_30 : vector<8x1xf32>
    %mul3A_32 = arith.mulf %add3A_31, %abs3A : vector<8x1xf32>
    %add3A_33 = arith.constant -0.0501743034 : f32
    %add3A_34 = vector.broadcast %add3A_33 : f32 to vector<8x1xf32>
    %add3A_35 = arith.addf %mul3A_32, %add3A_34 : vector<8x1xf32>
    %mul3A_36 = arith.mulf %add3A_35, %abs3A : vector<8x1xf32>
    %add3A_37 = arith.constant 0.0889789909 : f32
    %add3A_38 = vector.broadcast %add3A_37 : f32 to vector<8x1xf32>
    %add3A_39 = arith.addf %mul3A_36, %add3A_38 : vector<8x1xf32>
    %mul3A_40 = arith.mulf %add3A_39, %abs3A : vector<8x1xf32>
    %add3A_41 = arith.constant -0.214598805 : f32
    %add3A_42 = vector.broadcast %add3A_41 : f32 to vector<8x1xf32>
    %add3A_43 = arith.addf %mul3A_40, %add3A_42 : vector<8x1xf32>
    %mul3A_44 = arith.mulf %add3A_43, %abs3A : vector<8x1xf32>
    %add3A_45 = arith.constant 1.57079625 : f32
    %add3A_46 = vector.broadcast %add3A_45 : f32 to vector<8x1xf32>
    %add3A_47 = arith.addf %mul3A_44, %add3A_46 : vector<8x1xf32>
    %sub3A = arith.constant 1.000000e+00 : f32
    %sub3A_48 = vector.broadcast %sub3A : f32 to vector<8x1xf32>
    %sub3A_49 = arith.subf %sub3A_48, %abs3A : vector<8x1xf32>
    %max3A_50 = arith.constant 0.000000e+00 : f32
    %max3A_51 = vector.broadcast %max3A_50 : f32 to vector<8x1xf32>
    %max3A_52 = arith.maximumf %sub3A_49, %max3A_51 : vector<8x1xf32>
    %sqrt3A = math.sqrt %max3A_52 : vector<8x1xf32>
    %mul3A_53 = arith.mulf %sqrt3A, %add3A_47 : vector<8x1xf32>
    %ge3A = arith.constant 0.000000e+00 : f32
    %ge3A_54 = vector.broadcast %ge3A : f32 to vector<8x1xf32>
    %ge3A_55 = arith.cmpf oge, %min3A_19, %ge3A_54 : vector<8x1xf32>
    %sub3A_56 = arith.constant 3.14159274 : f32
    %sub3A_57 = vector.broadcast %sub3A_56 : f32 to vector<8x1xf32>
    %sub3A_58 = arith.subf %sub3A_57, %mul3A_53 : vector<8x1xf32>
    %select_n3A_59 = arith.select %ge3A_55, %mul3A_53, %sub3A_58 : vector<8x1xi1>, vector<8x1xf32>
    %ne3A = arith.constant -1 : i32
    %ne3A_60 = vector.broadcast %ne3A : i32 to vector<8x1xi32>
    %ne3A_61 = arith.cmpi ne, %get3A_1, %ne3A_60 : vector<8x1xi32>
    %mul3A_62 = arith.constant 1.000000e-01 : f32
    %mul3A_63 = vector.broadcast %mul3A_62 : f32 to vector<8x1xf32>
    %mul3A_64 = arith.mulf %mul3A_63, %select_n3A_59 : vector<8x1xf32>
    %sub3A_65 = arith.constant 5.300000e-01 : f32
    %sub3A_66 = vector.broadcast %sub3A_65 : f32 to vector<8x1xf32>
    %sub3A_67 = arith.subf %sub3A_66, %mul3A_64 : vector<8x1xf32>
    %jit3A_68 = arith.constant 0.000000e+00 : f32
    %broadcast_in_dim3A_69 = vector.broadcast %jit3A_68 : f32 to vector<8x1xf32>
    %select_n3A_70 = arith.select %ne3A_61, %sub3A_67, %broadcast_in_dim3A_69 : vector<8x1xi1>, vector<8x1xf32>
    %mul3A_71 = arith.constant 6.400000e+01 : f32
    %mul3A_72 = vector.broadcast %mul3A_71 : f32 to vector<8x1xf32>
    %mul3A_73 = arith.mulf %select_n3A_70, %mul3A_72 : vector<8x1xf32>
    %get3A_74 = arith.constant 0 : index
    %get3A_75 = arith.constant 0 : index
    %get3A_76 = vector.load %arg3[%get3A_74, %get3A_75] : memref<8x100000xf32, #tpu.memory_space<vmem>>, vector<8x100000xf32>
    %jit3A_77 = arith.constant -1.000000e+00 : f32
    %jit3A_78 = arith.constant 1.000000e+00 : f32
    %max3A_79 = vector.broadcast %jit3A_77 : f32 to vector<8x100000xf32>
    %max3A_80 = arith.maximumf %max3A_79, %get3A_76 : vector<8x100000xf32>
    %min3A_81 = vector.broadcast %jit3A_78 : f32 to vector<8x100000xf32>
    %min3A_82 = arith.minimumf %min3A_81, %max3A_80 : vector<8x100000xf32>
    %iota3A_83 = tpu.iota {dimensions = array<i32: 1>} : vector<8x100000xi32>
    %mul3A_84 = arith.constant 6.400000e+01 : f32
    %mul3A_85 = vector.broadcast %mul3A_84 : f32 to vector<8x100000xf32>
    %mul3A_86 = arith.mulf %min3A_82, %mul3A_85 : vector<8x100000xf32>
    %eq3A_87 = vector.broadcast %get3A_1 : vector<8x1xi32> to vector<8x100000xi32>
    %eq3A_88 = arith.cmpi eq, %iota3A_83, %eq3A_87 : vector<8x100000xi32>
    %jit3A_89 = arith.constant 0.000000e+00 : f32
    %broadcast_in_dim3A_90 = vector.shape_cast %mul3A_73 : vector<8x1xf32> to vector<8x1xf32>
    %broadcast_in_dim3A_91 = vector.broadcast %broadcast_in_dim3A_90 : vector<8x1xf32> to vector<8x100000xf32>
    %broadcast_in_dim3A_92 = vector.broadcast %jit3A_89 : f32 to vector<8x100000xf32>
    %select_n3A_93 = arith.select %eq3A_88, %broadcast_in_dim3A_91, %broadcast_in_dim3A_92 : vector<8x100000xi1>, vector<8x100000xf32>
    %sub3A_94 = arith.subf %mul3A_86, %select_n3A_93 : vector<8x100000xf32>
    %swap3A = arith.constant 0 : index
    %swap3A_95 = arith.constant 0 : index
    %swap3A_96 = vector.load %arg4[%swap3A, %swap3A_95] : memref<8x100000xf32, #tpu.memory_space<vmem>>, vector<8x100000xf32>
    tpu.vector_store %arg4[%swap3A, %swap3A_95], %sub3A_94 {strides = array<i32>} : memref<8x100000xf32, #tpu.memory_space<vmem>>, vector<8x100000xf32>,
    return
  }
  func.func @transform_0(%arg0: i32) -> (i32, i32) {
    %c0_i32 = arith.constant 0 : i32
    %c0_i32_0 = arith.constant 0 : i32
    return %arg0, %c0_i32 : i32, i32
  }
  func.func @transform_1(%arg0: i32) -> (i32, i32) {
    %c0_i32 = arith.constant 0 : i32
    %c0_i32_0 = arith.constant 0 : i32
    return %arg0, %c0_i32 : i32, i32
  }
  func.func @transform_2(%arg0: i32) -> (i32, i32) {
    %c0_i32 = arith.constant 0 : i32
    %c0_i32_0 = arith.constant 0 : i32
    return %arg0, %c0_i32 : i32, i32
  }
  func.func @transform_3(%arg0: i32) -> (i32, i32) {
    %c0_i32 = arith.constant 0 : i32
    %c0_i32_0 = arith.constant 0 : i32
    return %arg0, %c0_i32 : i32, i32
  }
}

</mosaic_0001>

<sc_bundles>
// kernel: kernel.4.cloned.1.call-start
scs
__scs_entry_jumppad:
0x0: {  	(pc) =	sbr.rel $0x88, $3  }
0x1: {  	(tag) =	ssettag $0x0;
	lr =	simm.s32 $0x1  }
0x2: {  	[smem:$0x3F9F] =	sst lr;
	_ =	strace $0xD0000000  }
0x3: {  	_ = 	snop  }
0x4: {  	_ = 	snop  }
0x5: {  	_ = 	snop  }
0x6: {  	_ = 	snop  }
0x7: {  	_ = 	snop  }
__scs_overlays_trampoline_lowered:
0x8: {  	[smem:$0x3FAE] =	sst s0  }
0x9: {  	[smem:$0x3FAF] =	sst s1  }
0xa: {  	[smem:$0x3FB0] =	sst s2  }
0xb: {  	[smem:$0x3FB1] =	sst s3  }
0xc: {  	[smem:$0x3FB2] =	sst s4  }
0xd: {  	[smem:$0x3FB3] =	sst s5  }
0xe: {  	[smem:$0x3FB4] =	sst s6  }
0xf: {  	[smem:$0x3FB5] =	sst s7  }
0x10: {  	[smem:$0x3FB6] =	sst s8  }
0x11: {  	[smem:$0x3FB7] =	sst s9;
	s0 =	simm.s32 @!p0 $0x0  }
0x12: {  	s1 =	sld [smem:$0x3F9D];
	s0 =	simm.s32 @p0 $0x1  }
0x13: {  	[smem:$0x3FB8] =	sst s0;
	s0 =	simm.s32 @!p1 $0x0  }
0x14: {  	s2 =	sld [smem:$0x3F9C];
	s0 =	simm.s32 @p1 $0x1  }
0x15: {  	[smem:$0x3FB9] =	sst s0;
	s0 =	simm.s32 @!p2 $0x0  }
0x16: {  	s3 =	sld [smem:$0x3FDB];
	s0 =	simm.s32 @p2 $0x1  }
0x17: {  	s4 =	simm.s32 $0x1BF5;
	[smem:$0x3FBB] =	sst s0  }
0x18: {  	s0 =	sld [smem:$0x3F9E];
	_ =	swait.ge [sflag:s4], $0x0  }
0x19: {  	s7 =	sld [smem:$0x3F9F]  }
0x1a: {  	s8 =	sadd.s32 $0xFFFFE003, lr  }
0x1b: {  	s9 =	sadd.s32 $0xFFFFFEF7, lr;
	s5 =	simm.s32 $0xFFFFFFFF;
	p2 =	slt.u32 s8, $0xFFFFF086  }
0x1c: {  	p1 =	slt.u32 s9, $0xF7A;
	s5 =	simm.s32 @!p2 $0x0  }
0x1d: {  	s5 =	simm.s32 @p1 $0x1;
	p0 =	seq.s32 s7, s2  }
0x1e: {  	s7 =	smul.u32 @!p0 $0xF7A, s2;
	p2 =	seq.s32 @!p0 s5, $0x0  }
0x1f: {  	s9 =	smul.u32 $0xF7A, s1;
	s8 =	simm.s32 @!p0 $0x1BF5;
	p2 =	por !p2, p0  }
0x20: {  	[sflag:s8] =	ssyncset.s32 @!p0 $0xFFFFF086;
	s6 =	sadd.s32 @!p0 s3, s7;
	s7 =	simm.s32 @!p0 $0x108  }
0x21: {  	s3 =	sadd.s32 s3, s9;
	s6 =	sadd.s32 @!p0 $0x88, s6;
	s7 =	simm.s32 @p2 $0x1082  }
0x22: {  	[simem:s7], [sflag:s8] =	dma.local @!p0 [hbm:s6], $0xF7A  }
0x23: {  	s9 =	sor.u32 $0xD0000000, s2;
	s6 =	simm.s32 $0x108;
	_ =	swait.ge @!p0 [sflag:s8], $0x0  }
0x24: {  	s3 =	sadd.s32 $0x88, s3;
	s6 =	simm.s32 @!p1 $0x1082;
	[sflag:s4] =	ssyncset.s32 $0xFFFFF086  }
0x25: {  	[simem:s6], [sflag:s4] =	dma.local [hbm:s3], $0xF7A  }
0x26: {  	[smem:$0x3F9F] =	sst s1;
	(tag) =	ssettag s2;
	_ =	strace s9  }
0x27: {  	s1 =	sld [smem:$0x3FAF]  }
0x28: {  	s2 =	sld [smem:$0x3FB0]  }
0x29: {  	s4 =	sld [smem:$0x3FB2]  }
0x2a: {  	p0 =	seq.s32 s5, $0x0;
	s5 =	sld [smem:$0x3FB3]  }
0x2b: {  	s6 =	sld [smem:$0x3FB4]  }
0x2c: {  	s7 =	sld [smem:$0x3FB5]  }
0x2d: {  	s3 =	simm.s32 $0x108;
	s8 =	sld [smem:$0x3FB6]  }
0x2e: {  	s3 =	simm.s32 @!p0 $0x1082;
	s9 =	sld [smem:$0x3FB7]  }
0x2f: {  	lr =	sadd.s32 s0, s3;
	s0 =	sld [smem:$0x3FAE]  }
0x30: {  	s3 =	sld [smem:$0x3FB1]  }
0x31: {  	[smem:$0x3FBA] =	sst s10  }
0x32: {  	s10 =	sld [smem:$0x3FB8];
	_ =	sdelay $0x3  }
0x33: {  	p0 =	seq.s32 s10, $0x1;
	s10 =	sld [smem:$0x3FBA];
	_ =	sdelay $0x3  }
0x34: {  	[smem:$0x3FBA] =	sst s10  }
0x35: {  	s10 =	sld [smem:$0x3FB9];
	_ =	sdelay $0x3  }
0x36: {  	p1 =	seq.s32 s10, $0x1;
	s10 =	sld [smem:$0x3FBA];
	_ =	sdelay $0x3  }
0x37: {  	[smem:$0x3FBA] =	sst s10  }
0x38: {  	s10 =	sld [smem:$0x3FBB]  }
0x39: {  	_ = 	snop;
	(pc) =	sbr.ind lr, $3  }
0x3a: {  	_ = 	snop  }
0x3b: {  	_ = 	snop  }
0x3c: {  	p2 =	seq.s32 s10, $0x1;
	s10 =	sld [smem:$0x3FBA]  }
0x3d: {  	_ =	shalt  }
0x3e: {  	_ =	shalt  }
0x3f: {  	_ =	shalt  }
0x40: {  	_ =	shalt  }
0x41: {  	_ =	shalt  }
0x42: {  	_ =	shalt  }
0x43: {  	_ =	shalt  }
0x44: {  	_ =	shalt  }
0x45: {  	_ =	shalt  }
0x46: {  	_ =	shalt  }
0x47: {  	_ =	shalt  }
0x48: {  	_ =	shalt  }
0x49: {  	_ =	shalt  }
0x4a: {  	_ =	shalt  }
0x4b: {  	_ =	shalt  }
0x4c: {  	_ =	shalt  }
0x4d: {  	_ =	shalt  }
0x4e: {  	_ =	shalt  }
0x4f: {  	_ =	shalt  }
0x50: {  	_ =	shalt  }
0x51: {  	_ =	shalt  }
0x52: {  	_ =	shalt  }
0x53: {  	_ =	shalt  }
0x54: {  	_ =	shalt  }
0x55: {  	_ =	shalt  }
0x56: {  	_ =	shalt  }
0x57: {  	_ =	shalt  }
0x58: {  	_ =	shalt  }
0x59: {  	_ =	shalt  }
0x5a: {  	_ =	shalt  }
0x5b: {  	_ =	shalt  }
0x5c: {  	_ =	shalt  }
0x5d: {  	_ =	shalt  }
0x5e: {  	_ =	shalt  }
0x5f: {  	_ =	shalt  }
0x60: {  	_ =	shalt  }
0x61: {  	_ =	shalt  }
0x62: {  	_ =	shalt  }
0x63: {  	_ =	shalt  }
0x64: {  	_ =	shalt  }
0x65: {  	_ =	shalt  }
0x66: {  	_ =	shalt  }
0x67: {  	_ =	shalt  }
0x68: {  	_ =	shalt  }
0x69: {  	_ =	shalt  }
0x6a: {  	_ =	shalt  }
0x6b: {  	_ =	shalt  }
0x6c: {  	_ =	shalt  }
0x6d: {  	_ =	shalt  }
0x6e: {  	_ =	shalt  }
0x6f: {  	_ =	shalt  }
0x70: {  	_ =	shalt  }
0x71: {  	_ =	shalt  }
0x72: {  	_ =	shalt  }
0x73: {  	_ =	shalt  }
0x74: {  	_ =	shalt  }
0x75: {  	_ =	shalt  }
0x76: {  	_ =	shalt  }
0x77: {  	_ =	shalt  }
0x78: {  	_ =	shalt  }
0x79: {  	_ =	shalt  }
0x7a: {  	_ =	shalt  }
0x7b: {  	_ =	shalt  }
0x7c: {  	_ =	shalt  }
0x7d: {  	_ =	shalt  }
0x7e: {  	_ =	shalt  }
0x7f: {  	_ =	shalt  }
0x80: {  	_ =	shalt  }
0x81: {  	_ =	shalt  }
0x82: {  	_ =	shalt  }
0x83: {  	_ =	shalt  }
0x84: {  	_ =	shalt  }
0x85: {  	_ =	shalt  }
0x86: {  	_ =	shalt  }
0x87: {  	_ =	shalt  }
.Lfunc_end0:
.L_simem_size_0:
called_computation_lowered:
.L_overlay_start_0:
0x88: {  	s2 =	sld [smem:$0x3FD9]  }
0x89: {  	s3 =	sld [smem:$0x3FFE];
	_ =	sdelay $0x1  }
0x8a: {  	s1 =	srdreg.scid  }
0x8b: {  	s0 =	sand.u32 $0x1, s1  }
0x8c: {  	s17 =	sshll.u32 s0, $0xA;
	s2 =	sadd.s32 s3, s2  }
0x8d: {  	s2 =	sadd.s32 s2, s17  }
0x8e: {  	[smem:$0x3FC6] =	sst s2  }
0x8f: {  	_ = 	snop  }
0x90: {  	s2 =	sld [smem:$0x3FC8]  }
0x91: {  	s18 =	sld [smem:$0x3FD0];
	(tm) =	ssettm $0x1  }
0x92: {  	s4 =	sld [smem:$0x3FFB];
	_ =	sdelay $0x3  }
0x93: {  	_ =	strace s4  }
0x94: {  	s4 =	sld [smem:$0x3FFC];
	_ =	sdelay $0x3  }
0x95: {  	_ =	strace s4  }
0x96: {  	s4 =	sld [smem:$0x3FFD];
	_ =	sdelay $0x3  }
0x97: {  	_ =	strace s4  }
0x98: {  	_ =	strace $0x8FFFFFFF  }
0x99: {  	s19 =	sld [smem:$0x3FDB];
	_ =	sdelay $0x1  }
0x9a: {  	s5 =	simm.s32 $_scs_section_size  }
0x9b: {  	s6 =	simm.s32 $_size__tile_overlayer_lowered;
	s7 =	simm.s32 $_tile_overlayer_lowered  }
0x9c: {  	s22 =	simm.s32 $0x1BFF;
	s21 =	sshll.u32 s7, $0x1;
	s4 =	sadd.s32 s5, s19  }
0x9d: {  	s8 =	simm.s32 $0x0;
	s20 =	sshll.u32 s6, $0x1;
	s6 =	sadd.s32 s21, s4  }
0x9e: {  	[timem:s8], [sflag:s22] =	dma.local [hbm:s6], s20  }
0x9f: {  	_ =	swait.ge [sflag:s22], s20  }
0xa0: {  	s5 =	ssub.s32 $0x0, s20;
	[sflag:s22] =	ssyncset.done $0x0  }
0xa1: {  	[sflag:s22] =	ssyncadd.s32 s5;
	_ =	sdelay $0x1  }
0xa2: {  	s23 =	simm.s32 $0x1B8B  }
0xa3: {  	_ =	swait.ge [sflag:s23], $0x1  }
0xa4: {  	[sflag:s23] =	ssyncset.done $0x0  }
0xa5: {  	s25 =	simm.s32 $0x1B8E;
	s24 =	sld [smem:$0x3FFE];
	[sflag:s23] =	ssyncadd.s32 $0xFFFFFFFF  }
0xa6: {  	s26 =	simm.s32 $execute0_lowered;
	[smem:$0x3FD2] =	sst s25  }
0xa7: {  	s6 =	sshll.u32 s26, $0x1;
	_ =	strace $0x80000046;
	[dreg:$0x1] =	wrdreg $0xFFFFFFFF  }
0xa8: {  	s28 =	simm.s32 $_size_execute0_lowered;
	s4 =	sadd.s32 s4, s6;
	[dreg:$0x0] =	wrdreg $0x0  }
0xa9: {  	s6 =	sshll.u32 s28, $0x1;
	[dreg:$0x2] =	wrdreg s4  }
0xaa: {  	[dreg:$0x3] =	wrdreg s6  }
0xab: {  	[dreg:$0x4] =	wrdreg $0xC0  }
0xac: {  	_ =	task [dreg:s8], $0x5FFFF  }
0xad: {  	[dreg:$0x1] =	wrdreg $0xFFFFFFFF  }
0xae: {  	[dreg:$0x0] =	wrdreg $0x60  }
0xaf: {  	[dreg:$0x2] =	wrdreg s24  }
0xb0: {  	[dreg:$0x3] =	wrdreg s2  }
0xb1: {  	[dreg:$0x4] =	wrdreg s18  }
0xb2: {  	[dreg:$0x5] =	wrdreg $0x9  }
0xb3: {  	_ =	task.clear_ibuf [dreg:s8], $0x6FFFF;
	_ =	strace $0x90000046  }
0xb4: {  	s29 =	simm.s32 $0x9;
	_ =	strace $0x80000048  }
0xb5: {  	_ =	swait.ge [sflag:s29], $0x1  }
0xb6: {  	[sflag:s29] =	ssyncadd.s32 $0xFFFFFFFF  }
0xb7: {  	_ =	strace $0x90000048  }
0xb8: {  	_ =	sfence  }
0xb9: {  	s30 =	sld [smem:$0x0];
	_ =	sdelay $0x2  }
0xba: {  	s31 =	sshll.u32 s1, $0xD;
	s1 =	sshrl.u32 s1, $0x2  }
0xbb: {  	s3 =	sand.u32 $0x4000, s31;
	s1 =	sadd.s32 s1, s30  }
0xbc: {  	s0 =	sor.u32 s3, s0;
	s1 =	sshll.u32 s1, $0x11  }
0xbd: {  	s0 =	sor.u32 s1, s0  }
0xbe: {  	s0 =	sadd.s32 $0x8F2B, s0  }
0xbf: {  	[sflag:s0] =	ssyncadd.remote.s32 $0x1  }
0xc0: {  	_ =	sfence.sel $0xFFFF  }
0xc1: {  	[dreg:$0x0] =	wrdreg $0xFFFFFFFF;
	(pc) =	sbr.abs _section_cstart, $3  }
0xc2: {  	[dreg:$0x1] =	wrdreg $0xFFFFFFFF  }
0xc3: {  	_ =	task.clear_ibuf [dreg:s8], $0x2FFFF;
	_ =	strace $0x9FFFFFFF  }
0xc4: {  	(tm) =	ssettm $0x7FFFFFFF  }
0xc5: {  	_ =	shalt  }
tec
execute0_lowered:
.L_overlay_start_1:
0x0: {  	(tag) =	ssettag $0x1  }
0x1: {  	s3 =	rddreg [dreg:$0x0]  }
0x2: {  	s5 =	rddreg [dreg:$0x1]  }
0x3: {  	s1 =	srdreg.scid;
	s6 =	rddreg [dreg:$0x2]  }
0x4: {  	s2 =	simm.s32 $0x0;
	s4 =	sand.u32 $0x1, s1;
	s1 =	rddreg [dreg:$0x3]  }
0x5: {  	s22 =	simm.s32 $0x80;
	[smem:$0x7FF] =	sst s2  }
0x6: {  	s23 =	simm.s32 $0x480;
	_ =	strace $0x80000047;
	[dreg:$0x6] =	wrdreg s22  }
0x7: {  	s24 =	simm.s32 $0x880;
	[dreg:$0x7] =	wrdreg s23  }
0x8: {  	s25 =	simm.s32 $0xC80;
	[dreg:$0x8] =	wrdreg s24  }
0x9: {  	s26 =	simm.s32 $0x1080;
	[dreg:$0x9] =	wrdreg s25  }
0xa: {  	s28 =	simm.s32 $0x1480;
	[dreg:$0xa] =	wrdreg s26  }
0xb: {  	s29 =	simm.s32 $0x1880;
	[dreg:$0xb] =	wrdreg s28  }
0xc: {  	s30 =	simm.s32 $0x1C80;
	[dreg:$0xc] =	wrdreg s29  }
0xd: {  	s31 =	simm.s32 $0x2080;
	[dreg:$0xd] =	wrdreg s30  }
0xe: {  	s9 =	simm.s32 $0x2C80;
	[dreg:$0xe] =	wrdreg s31  }
0xf: {  	s10 =	simm.s32 $0x3080;
	[dreg:$0x11] =	wrdreg s9  }
0x10: {  	s11 =	simm.s32 $0x3480;
	[dreg:$0x12] =	wrdreg s10  }
0x11: {  	s12 =	simm.s32 $0x3880;
	[dreg:$0x13] =	wrdreg s11  }
0x12: {  	s13 =	simm.s32 $0x3C80;
	[dreg:$0x14] =	wrdreg s12  }
0x13: {  	s14 =	simm.s32 $0x4080;
	[dreg:$0x15] =	wrdreg s13  }
0x14: {  	s15 =	simm.s32 $0x4480;
	[dreg:$0x16] =	wrdreg s14  }
0x15: {  	s16 =	simm.s32 $0x4880;
	[dreg:$0x17] =	wrdreg s15  }
0x16: {  	s17 =	simm.s32 $0x4C80;
	[dreg:$0x18] =	wrdreg s16  }
0x17: {  	s18 =	simm.s32 $0x5080;
	[dreg:$0x19] =	wrdreg s17  }
0x18: {  	s19 =	simm.s32 $0x5480;
	[dreg:$0x1a] =	wrdreg s18  }
0x19: {  	s20 =	simm.s32 $0x5880;
	[dreg:$0x1b] =	wrdreg s19  }
0x1a: {  	[dreg:$0x1c] =	wrdreg s20;
	s23 =	simm.s32 $0x6080  }
0x1b: {  	s0 =	stileid.u32;
	s25 =	simm.s32 $0x6480;
	[dreg:$0x1e] =	wrdreg s23  }
0x1c: {  	s7 =	sshll.u32 s0, $0x6;
	s26 =	simm.s32 $0x6880;
	[dreg:$0x1f] =	wrdreg s25  }
0x1d: {  	s3 =	sadd.s32 $0x800, s3;
	s29 =	simm.s32 $0x6C80;
	[smem:$0x7F7] =	sst s26  }
0x1e: {  	s8 =	sshll.u32 s4, $0x5;
	s30 =	simm.s32 $0x7080;
	[smem:$0x7F8] =	sst s29  }
0x1f: {  	s22 =	ssub.s32 $0x2, s4;
	s9 =	simm.s32 $0x7480;
	[smem:$0x7F9] =	sst s30  }
0x20: {  	s31 =	simm.s32 $0x7880;
	s10 =	simm.s32 $0x7C80;
	[smem:$0x7FA] =	sst s9  }
0x21: {  	s11 =	simm.s32 $0x8080;
	s7 =	sor.u32 s8, s7;
	[smem:$0x7FB] =	sst s31  }
0x22: {  	s24 =	sshrl.u32 s22, $0x1;
	[smem:$0x7FC] =	sst s10;
	s8 =	sshrl.u32 s7, $0x3  }
0x23: {  	[smem:$0x7FD] =	sst s11;
	s7 =	sshll.u32 s7, $0x4;
	s5 =	sadd.s32 s5, s8  }
0x24: {  	s9 =	simm.s32 $0x1;
	s21 =	sadd.s32 s6, s7;
	[dreg:$0x4] =	wrdreg s5  }
0x25: {  	s10 =	simm.s32 $0x2;
	s6 =	simm.s32 $0x2480;
	[dreg:$0x5] =	wrdreg s21  }
0x26: {  	s28 =	ssub.s32 s22, s24;
	s7 =	simm.s32 $0x2880;
	[dreg:$0xf] =	wrdreg s6  }
0x27: {  	s4 =	smul.u32 $0xC3800, s8;
	[dreg:$0x10] =	wrdreg s7;
	s21 =	simm.s32 $0x5C80  }
0x28: {  	s11 =	simm.s32 $0x3;
	s8 =	smax.u32 s28, $0x1;
	[dreg:$0x1d] =	wrdreg s21  }
0x29: {  	s5 =	sadd.s32 $0xC3800, s4;
	s6 =	sadd.s32 $0x187000, s4;
	s7 =	sadd.s32 $0x24A800, s4  }
.LBB2_1:
0x2a: {  	s12 =	rddreg [dreg:$0x4]  }
0x2b: {  	[tilespmem:s2], [sflag:$0x1] =	stream.linear.gather [hbm4b:s12+s2], $0x20, $0x38;
	[tilespmem:$0x9080] =	vst v63  }
0x2c: {  	_ =	swait.ge [sflag:s9], $0x20  }
0x2d: {  	[sflag:s9] =	ssyncset.done $0x0  }
0x2e: {  	[sflag:s9] =	ssyncadd.s32 $0xFFFFFFE0  }
0x2f: {  	v1 =	vld [tilespmem:$0x0];
	_ =	sdelay $0x4  }
0x30: {  	(v2sf) =	vpush v1, $0x0;
	_ =	sdelay $0x4  }
0x31: {  	(v2sf) =	vpush v1, $0x1;
	_ =	sdelay $0x9  }
0x32: {  	s23 =	spop (v2sf);
	(v2sf) =	vpush v1, $0x2;
	_ =	sdelay $0x4  }
0x33: {  	s25 =	spop (v2sf);
	(v2sf) =	vpush v1, $0x3;
	_ =	sdelay $0x9  }
0x34: {  	s29 =	spop (v2sf);
	(v2sf) =	vpush v1, $0x4;
	_ =	sdelay $0x3  }
0x35: {  	s13 =	sshll.u32 s23, $0x3  }
0x36: {  	s12 =	sand.u32 $0x7FFFFC00, s13;
	s13 =	spop (v2sf);
	(v2sf) =	vpush v1, $0x5;
	_ =	sdelay $0x5  }
0x37: {  	p0 =	seq.s32 s23, $0xFFFFFFFF  }
0x38: {  	s12 =	simm.s32 @p0 $0x0  }
0x39: {  	s12 =	sadd.s32 s4, s12  }
0x3a: {  	s24 =	rddreg [dreg:$0x6];
	s12 =	sshrl.u32 s12, $0x3  }
0x3b: {  	s26 =	sshll.u32 s25, $0x3;
	s12 =	sadd.s32 s3, s12;
	s16 =	spop (v2sf);
	(v2sf) =	vpush v1, $0x6  }
0x3c: {  	v0 =	vld [tilespmem:$0x10];
	[tilespmem:s24], [sflag:$0x2] =	stream.linear.gather [hbm4b:s12+s2], $0x400, $0x38  }
0x3d: {  	p0 =	seq.s32 s25, $0xFFFFFFFF;
	s12 =	sand.u32 $0x7FFFFC00, s26  }
0x3e: {  	s12 =	simm.s32 @p0 $0x0  }
0x3f: {  	s12 =	sadd.s32 s4, s12  }
0x40: {  	s12 =	sshrl.u32 s12, $0x3;
	s19 =	spop (v2sf);
	(v2sf) =	vpush v1, $0x7  }
0x41: {  	s28 =	rddreg [dreg:$0x7];
	s12 =	sadd.s32 s3, s12  }
0x42: {  	[tilespmem:s28], [sflag:$0x2] =	stream.linear.gather [hbm4b:s12+s2], $0x400, $0x38;
	[tilespmem:$0x9080] =	vst v63  }
0x43: {  	s30 =	sshll.u32 s29, $0x3  }
0x44: {  	p0 =	seq.s32 s29, $0xFFFFFFFF;
	s12 =	sand.u32 $0x7FFFFC00, s30  }
0x45: {  	s12 =	simm.s32 @p0 $0x0  }
0x46: {  	s12 =	sadd.s32 s4, s12  }
0x47: {  	s12 =	sshrl.u32 s12, $0x3  }
0x48: {  	s31 =	rddreg [dreg:$0x8];
	s12 =	sadd.s32 s3, s12  }
0x49: {  	[tilespmem:s31], [sflag:$0x2] =	stream.linear.gather [hbm4b:s12+s2], $0x400, $0x38;
	[tilespmem:$0x9080] =	vst v63  }
0x4a: {  	s14 =	sshll.u32 s13, $0x3;
	s22 =	spop (v2sf);
	(v2sf) =	vpush v1, $0x8  }
0x4b: {  	p0 =	seq.s32 s13, $0xFFFFFFFF;
	s12 =	sand.u32 $0x7FFFFC00, s14  }
0x4c: {  	s12 =	simm.s32 @p0 $0x0  }
0x4d: {  	s12 =	sadd.s32 s4, s12  }
0x4e: {  	s12 =	sshrl.u32 s12, $0x3  }
0x4f: {  	s15 =	rddreg [dreg:$0x9];
	s12 =	sadd.s32 s3, s12;
	s25 =	spop (v2sf);
	(v2sf) =	vpush v1, $0x9  }
0x50: {  	[tilespmem:s15], [sflag:$0x2] =	stream.linear.gather [hbm4b:s12+s2], $0x400, $0x38;
	[tilespmem:$0x9080] =	vst v63  }
0x51: {  	s17 =	sshll.u32 s16, $0x3  }
0x52: {  	p0 =	seq.s32 s16, $0xFFFFFFFF;
	s12 =	sand.u32 $0x7FFFFC00, s17  }
0x53: {  	s12 =	simm.s32 @p0 $0x0  }
0x54: {  	s12 =	sadd.s32 s4, s12  }
0x55: {  	s12 =	sshrl.u32 s12, $0x3  }
0x56: {  	s18 =	rddreg [dreg:$0xa];
	s20 =	sshll.u32 s19, $0x3;
	s12 =	sadd.s32 s3, s12  }
0x57: {  	[tilespmem:s18], [sflag:$0x2] =	stream.linear.gather [hbm4b:s12+s2], $0x400, $0x38;
	[tilespmem:$0x9080] =	vst v63  }
0x58: {  	p0 =	seq.s32 s19, $0xFFFFFFFF;
	s12 =	sand.u32 $0x7FFFFC00, s20  }
0x59: {  	s12 =	simm.s32 @p0 $0x0;
	s29 =	spop (v2sf);
	(v2sf) =	vpush v1, $0xA  }
0x5a: {  	s12 =	sadd.s32 s4, s12  }
0x5b: {  	s12 =	sshrl.u32 s12, $0x3  }
0x5c: {  	s21 =	rddreg [dreg:$0xb];
	s12 =	sadd.s32 s3, s12  }
0x5d: {  	[tilespmem:s21], [sflag:$0x2] =	stream.linear.gather [hbm4b:s12+s2], $0x400, $0x38;
	[tilespmem:$0x9080] =	vst v63  }
0x5e: {  	s13 =	spop (v2sf);
	(v2sf) =	vpush v1, $0xB  }
0x5f: {  	s23 =	sshll.u32 s22, $0x3  }
0x60: {  	p0 =	seq.s32 s22, $0xFFFFFFFF;
	s12 =	sand.u32 $0x7FFFFC00, s23  }
0x61: {  	s12 =	simm.s32 @p0 $0x0  }
0x62: {  	s12 =	sadd.s32 s4, s12  }
0x63: {  	s12 =	sshrl.u32 s12, $0x3  }
0x64: {  	s24 =	rddreg [dreg:$0xc];
	s26 =	sshll.u32 s25, $0x3;
	s12 =	sadd.s32 s3, s12  }
0x65: {  	[tilespmem:s24], [sflag:$0x2] =	stream.linear.gather [hbm4b:s12+s2], $0x400, $0x38;
	[tilespmem:$0x9080] =	vst v63  }
0x66: {  	p0 =	seq.s32 s25, $0xFFFFFFFF;
	s12 =	sand.u32 $0x7FFFFC00, s26  }
0x67: {  	s12 =	simm.s32 @p0 $0x0  }
0x68: {  	s12 =	sadd.s32 s4, s12;
	s16 =	spop (v2sf);
	(v2sf) =	vpush v1, $0xC  }
0x69: {  	s12 =	sshrl.u32 s12, $0x3  }
0x6a: {  	s28 =	rddreg [dreg:$0xd];
	s12 =	sadd.s32 s3, s12  }
0x6b: {  	[tilespmem:s28], [sflag:$0x2] =	stream.linear.gather [hbm4b:s12+s2], $0x400, $0x38;
	[tilespmem:$0x9080] =	vst v63  }
0x6c: {  	s30 =	sshll.u32 s29, $0x3  }
0x6d: {  	p0 =	seq.s32 s29, $0xFFFFFFFF;
	s12 =	sand.u32 $0x7FFFFC00, s30;
	s19 =	spop (v2sf);
	(v2sf) =	vpush v1, $0xD  }
0x6e: {  	s12 =	simm.s32 @p0 $0x0  }
0x6f: {  	s12 =	sadd.s32 s5, s12  }
0x70: {  	s12 =	sshrl.u32 s12, $0x3  }
0x71: {  	s31 =	rddreg [dreg:$0xe];
	s14 =	sshll.u32 s13, $0x3;
	s12 =	sadd.s32 s3, s12  }
0x72: {  	[tilespmem:s31], [sflag:$0x2] =	stream.linear.gather [hbm4b:s12+s2], $0x400, $0x38;
	[tilespmem:$0x9080] =	vst v63  }
0x73: {  	p0 =	seq.s32 s13, $0xFFFFFFFF;
	s12 =	sand.u32 $0x7FFFFC00, s14  }
0x74: {  	s12 =	simm.s32 @p0 $0x0  }
0x75: {  	s12 =	sadd.s32 s5, s12  }
0x76: {  	s12 =	sshrl.u32 s12, $0x3  }
0x77: {  	s15 =	rddreg [dreg:$0xf];
	s12 =	sadd.s32 s3, s12;
	s22 =	spop (v2sf);
	(v2sf) =	vpush v1, $0xE  }
0x78: {  	[tilespmem:s15], [sflag:$0x2] =	stream.linear.gather [hbm4b:s12+s2], $0x400, $0x38;
	[tilespmem:$0x9080] =	vst v63  }
0x79: {  	s17 =	sshll.u32 s16, $0x3  }
0x7a: {  	p0 =	seq.s32 s16, $0xFFFFFFFF;
	s12 =	sand.u32 $0x7FFFFC00, s17  }
0x7b: {  	s12 =	simm.s32 @p0 $0x0  }
0x7c: {  	s12 =	sadd.s32 s5, s12;
	s25 =	spop (v2sf);
	(v2sf) =	vpush v1, $0xF  }
0x7d: {  	s12 =	sshrl.u32 s12, $0x3  }
0x7e: {  	s18 =	rddreg [dreg:$0x10];
	s20 =	sshll.u32 s19, $0x3;
	s12 =	sadd.s32 s3, s12  }
0x7f: {  	[tilespmem:s18], [sflag:$0x2] =	stream.linear.gather [hbm4b:s12+s2], $0x400, $0x38;
	[tilespmem:$0x9080] =	vst v63  }
0x80: {  	p0 =	seq.s32 s19, $0xFFFFFFFF;
	s12 =	sand.u32 $0x7FFFFC00, s20  }
0x81: {  	s12 =	simm.s32 @p0 $0x0  }
0x82: {  	s12 =	sadd.s32 s5, s12  }
0x83: {  	s12 =	sshrl.u32 s12, $0x3  }
0x84: {  	s21 =	rddreg [dreg:$0x11];
	s12 =	sadd.s32 s3, s12  }
0x85: {  	[tilespmem:s21], [sflag:$0x2] =	stream.linear.gather [hbm4b:s12+s2], $0x400, $0x38;
	[tilespmem:$0x9080] =	vst v63  }
0x86: {  	s23 =	sshll.u32 s22, $0x3;
	s29 =	spop (v2sf);
	(v2sf) =	vpush v0, $0x0  }
0x87: {  	p0 =	seq.s32 s22, $0xFFFFFFFF;
	s12 =	sand.u32 $0x7FFFFC00, s23  }
0x88: {  	s12 =	simm.s32 @p0 $0x0  }
0x89: {  	s12 =	sadd.s32 s5, s12  }
0x8a: {  	s24 =	rddreg [dreg:$0x12];
	s12 =	sshrl.u32 s12, $0x3  }
0x8b: {  	s26 =	sshll.u32 s25, $0x3;
	s12 =	sadd.s32 s3, s12;
	s13 =	spop (v2sf);
	(v2sf) =	vpush v0, $0x1  }
0x8c: {  	[tilespmem:s24], [sflag:$0x2] =	stream.linear.gather [hbm4b:s12+s2], $0x400, $0x38;
	[tilespmem:$0x9080] =	vst v63  }
0x8d: {  	p0 =	seq.s32 s25, $0xFFFFFFFF;
	s12 =	sand.u32 $0x7FFFFC00, s26  }
0x8e: {  	s12 =	simm.s32 @p0 $0x0  }
0x8f: {  	s12 =	sadd.s32 s5, s12  }
0x90: {  	s12 =	sshrl.u32 s12, $0x3  }
0x91: {  	s28 =	rddreg [dreg:$0x13];
	s12 =	sadd.s32 s3, s12  }
0x92: {  	[tilespmem:s28], [sflag:$0x2] =	stream.linear.gather [hbm4b:s12+s2], $0x400, $0x38;
	[tilespmem:$0x9080] =	vst v63  }
0x93: {  	s30 =	sshll.u32 s29, $0x3  }
0x94: {  	p0 =	seq.s32 s29, $0xFFFFFFFF;
	s12 =	sand.u32 $0x7FFFFC00, s30  }
0x95: {  	s12 =	simm.s32 @p0 $0x0;
	s16 =	spop (v2sf);
	(v2sf) =	vpush v0, $0x2  }
0x96: {  	s12 =	sadd.s32 s5, s12  }
0x97: {  	s12 =	sshrl.u32 s12, $0x3  }
0x98: {  	s31 =	rddreg [dreg:$0x14];
	s12 =	sadd.s32 s3, s12  }
0x99: {  	[tilespmem:s31], [sflag:$0x2] =	stream.linear.gather [hbm4b:s12+s2], $0x400, $0x38;
	[tilespmem:$0x9080] =	vst v63  }
0x9a: {  	s14 =	sshll.u32 s13, $0x3;
	s19 =	spop (v2sf);
	(v2sf) =	vpush v0, $0x3  }
0x9b: {  	p0 =	seq.s32 s13, $0xFFFFFFFF;
	s12 =	sand.u32 $0x7FFFFC00, s14  }
0x9c: {  	s12 =	simm.s32 @p0 $0x0  }
0x9d: {  	s12 =	sadd.s32 s5, s12  }
0x9e: {  	s12 =	sshrl.u32 s12, $0x3  }
0x9f: {  	s15 =	rddreg [dreg:$0x15];
	s12 =	sadd.s32 s3, s12  }
0xa0: {  	[tilespmem:s15], [sflag:$0x2] =	stream.linear.gather [hbm4b:s12+s2], $0x400, $0x38;
	[tilespmem:$0x9080] =	vst v63  }
0xa1: {  	s17 =	sshll.u32 s16, $0x3  }
0xa2: {  	p0 =	seq.s32 s16, $0xFFFFFFFF;
	s12 =	sand.u32 $0x7FFFFC00, s17  }
0xa3: {  	s12 =	simm.s32 @p0 $0x0  }
0xa4: {  	s12 =	sadd.s32 s6, s12;
	s22 =	spop (v2sf);
	(v2sf) =	vpush v0, $0x4  }
0xa5: {  	s12 =	sshrl.u32 s12, $0x3  }
0xa6: {  	s18 =	rddreg [dreg:$0x16];
	s20 =	sshll.u32 s19, $0x3;
	s12 =	sadd.s32 s3, s12  }
0xa7: {  	[tilespmem:s18], [sflag:$0x2] =	stream.linear.gather [hbm4b:s12+s2], $0x400, $0x38;
	[tilespmem:$0x9080] =	vst v63  }
0xa8: {  	p0 =	seq.s32 s19, $0xFFFFFFFF;
	s12 =	sand.u32 $0x7FFFFC00, s20  }
0xa9: {  	s12 =	simm.s32 @p0 $0x0;
	s25 =	spop (v2sf);
	(v2sf) =	vpush v0, $0x5  }
0xaa: {  	s12 =	sadd.s32 s6, s12  }
0xab: {  	s12 =	sshrl.u32 s12, $0x3  }
0xac: {  	s21 =	rddreg [dreg:$0x17];
	s12 =	sadd.s32 s3, s12  }
0xad: {  	[tilespmem:s21], [sflag:$0x2] =	stream.linear.gather [hbm4b:s12+s2], $0x400, $0x38;
	[tilespmem:$0x9080] =	vst v63  }
0xae: {  	s23 =	sshll.u32 s22, $0x3  }
0xaf: {  	p0 =	seq.s32 s22, $0xFFFFFFFF;
	s12 =	sand.u32 $0x7FFFFC00, s23  }
0xb0: {  	s12 =	simm.s32 @p0 $0x0  }
0xb1: {  	s12 =	sadd.s32 s6, s12  }
0xb2: {  	s24 =	rddreg [dreg:$0x18];
	s12 =	sshrl.u32 s12, $0x3  }
0xb3: {  	s26 =	sshll.u32 s25, $0x3;
	s12 =	sadd.s32 s3, s12;
	s29 =	spop (v2sf);
	(v2sf) =	vpush v0, $0x6  }
0xb4: {  	[tilespmem:s24], [sflag:$0x2] =	stream.linear.gather [hbm4b:s12+s2], $0x400, $0x38;
	[tilespmem:$0x9080] =	vst v63  }
0xb5: {  	p0 =	seq.s32 s25, $0xFFFFFFFF;
	s12 =	sand.u32 $0x7FFFFC00, s26  }
0xb6: {  	s12 =	simm.s32 @p0 $0x0  }
0xb7: {  	s12 =	sadd.s32 s6, s12  }
0xb8: {  	s12 =	sshrl.u32 s12, $0x3;
	s13 =	spop (v2sf);
	(v2sf) =	vpush v0, $0x7  }
0xb9: {  	s28 =	rddreg [dreg:$0x19];
	s12 =	sadd.s32 s3, s12  }
0xba: {  	[tilespmem:s28], [sflag:$0x2] =	stream.linear.gather [hbm4b:s12+s2], $0x400, $0x38;
	[tilespmem:$0x9080] =	vst v63  }
0xbb: {  	s30 =	sshll.u32 s29, $0x3  }
0xbc: {  	p0 =	seq.s32 s29, $0xFFFFFFFF;
	s12 =	sand.u32 $0x7FFFFC00, s30  }
0xbd: {  	s12 =	simm.s32 @p0 $0x0  }
0xbe: {  	s12 =	sadd.s32 s6, s12  }
0xbf: {  	s12 =	sshrl.u32 s12, $0x3  }
0xc0: {  	s31 =	rddreg [dreg:$0x1a];
	s12 =	sadd.s32 s3, s12  }
0xc1: {  	[tilespmem:s31], [sflag:$0x2] =	stream.linear.gather [hbm4b:s12+s2], $0x400, $0x38;
	[tilespmem:$0x9080] =	vst v63  }
0xc2: {  	s14 =	sshll.u32 s13, $0x3;
	s16 =	spop (v2sf);
	(v2sf) =	vpush v0, $0x8  }
0xc3: {  	p0 =	seq.s32 s13, $0xFFFFFFFF;
	s12 =	sand.u32 $0x7FFFFC00, s14  }
0xc4: {  	s12 =	simm.s32 @p0 $0x0  }
0xc5: {  	s12 =	sadd.s32 s6, s12  }
0xc6: {  	s12 =	sshrl.u32 s12, $0x3  }
0xc7: {  	s15 =	rddreg [dreg:$0x1b];
	s12 =	sadd.s32 s3, s12;
	s19 =	spop (v2sf);
	(v2sf) =	vpush v0, $0x9  }
0xc8: {  	[tilespmem:s15], [sflag:$0x2] =	stream.linear.gather [hbm4b:s12+s2], $0x400, $0x38;
	[tilespmem:$0x9080] =	vst v63  }
0xc9: {  	s17 =	sshll.u32 s16, $0x3  }
0xca: {  	p0 =	seq.s32 s16, $0xFFFFFFFF;
	s12 =	sand.u32 $0x7FFFFC00, s17  }
0xcb: {  	s12 =	simm.s32 @p0 $0x0  }
0xcc: {  	s12 =	sadd.s32 s6, s12  }
0xcd: {  	s12 =	sshrl.u32 s12, $0x3  }
0xce: {  	s18 =	rddreg [dreg:$0x1c];
	s20 =	sshll.u32 s19, $0x3;
	s12 =	sadd.s32 s3, s12  }
0xcf: {  	[tilespmem:s18], [sflag:$0x2] =	stream.linear.gather [hbm4b:s12+s2], $0x400, $0x38;
	[tilespmem:$0x9080] =	vst v63  }
0xd0: {  	p0 =	seq.s32 s19, $0xFFFFFFFF;
	s12 =	sand.u32 $0x7FFFFC00, s20  }
0xd1: {  	s12 =	simm.s32 @p0 $0x0;
	s22 =	spop (v2sf);
	(v2sf) =	vpush v0, $0xA  }
0xd2: {  	s12 =	sadd.s32 s6, s12  }
0xd3: {  	s12 =	sshrl.u32 s12, $0x3  }
0xd4: {  	s21 =	rddreg [dreg:$0x1d];
	s12 =	sadd.s32 s3, s12  }
0xd5: {  	[tilespmem:s21], [sflag:$0x2] =	stream.linear.gather [hbm4b:s12+s2], $0x400, $0x38;
	[tilespmem:$0x9080] =	vst v63  }
0xd6: {  	s25 =	spop (v2sf);
	(v2sf) =	vpush v0, $0xB  }
0xd7: {  	s23 =	sshll.u32 s22, $0x3  }
0xd8: {  	p0 =	seq.s32 s22, $0xFFFFFFFF;
	s12 =	sand.u32 $0x7FFFFC00, s23  }
0xd9: {  	s12 =	simm.s32 @p0 $0x0  }
0xda: {  	s12 =	sadd.s32 s7, s12  }
0xdb: {  	s12 =	sshrl.u32 s12, $0x3  }
0xdc: {  	s24 =	rddreg [dreg:$0x1e];
	s26 =	sshll.u32 s25, $0x3;
	s12 =	sadd.s32 s3, s12  }
0xdd: {  	[tilespmem:s24], [sflag:$0x2] =	stream.linear.gather [hbm4b:s12+s2], $0x400, $0x38;
	[tilespmem:$0x9080] =	vst v63  }
0xde: {  	p0 =	seq.s32 s25, $0xFFFFFFFF;
	s12 =	sand.u32 $0x7FFFFC00, s26  }
0xdf: {  	s12 =	simm.s32 @p0 $0x0  }
0xe0: {  	s12 =	sadd.s32 s7, s12;
	s29 =	spop (v2sf);
	(v2sf) =	vpush v0, $0xC  }
0xe1: {  	s12 =	sshrl.u32 s12, $0x3  }
0xe2: {  	s28 =	rddreg [dreg:$0x1f];
	s12 =	sadd.s32 s3, s12  }
0xe3: {  	[tilespmem:s28], [sflag:$0x2] =	stream.linear.gather [hbm4b:s12+s2], $0x400, $0x38;
	[tilespmem:$0x9080] =	vst v63  }
0xe4: {  	s30 =	sshll.u32 s29, $0x3  }
0xe5: {  	p0 =	seq.s32 s29, $0xFFFFFFFF;
	s14 =	spop (v2sf);
	(v2sf) =	vpush v0, $0xD;
	s12 =	sand.u32 $0x7FFFFC00, s30  }
0xe6: {  	s12 =	simm.s32 @p0 $0x0  }
0xe7: {  	s31 =	sld [smem:$0x7F7];
	s12 =	sadd.s32 s7, s12  }
0xe8: {  	s12 =	sshrl.u32 s12, $0x3  }
0xe9: {  	s15 =	sshll.u32 s14, $0x3;
	s12 =	sadd.s32 s3, s12  }
0xea: {  	[tilespmem:s31], [sflag:$0x2] =	stream.linear.gather [hbm4b:s12+s2], $0x400, $0x38;
	[tilespmem:$0x9080] =	vst v63  }
0xeb: {  	p0 =	seq.s32 s14, $0xFFFFFFFF;
	s12 =	sand.u32 $0x7FFFFC00, s15  }
0xec: {  	s12 =	simm.s32 @p0 $0x0  }
0xed: {  	s16 =	sld [smem:$0x7F8];
	s12 =	sadd.s32 s7, s12  }
0xee: {  	s12 =	sshrl.u32 s12, $0x3  }
0xef: {  	s12 =	sadd.s32 s3, s12;
	s17 =	spop (v2sf);
	(v2sf) =	vpush v0, $0xE  }
0xf0: {  	[tilespmem:s16], [sflag:$0x2] =	stream.linear.gather [hbm4b:s12+s2], $0x400, $0x38;
	[tilespmem:$0x9080] =	vst v63  }
0xf1: {  	s18 =	sshll.u32 s17, $0x3  }
0xf2: {  	p0 =	seq.s32 s17, $0xFFFFFFFF;
	s12 =	sand.u32 $0x7FFFFC00, s18  }
0xf3: {  	s12 =	simm.s32 @p0 $0x0  }
0xf4: {  	s19 =	sld [smem:$0x7F9];
	s20 =	spop (v2sf);
	(v2sf) =	vpush v0, $0xF;
	s12 =	sadd.s32 s7, s12  }
0xf5: {  	s12 =	sshrl.u32 s12, $0x3  }
0xf6: {  	s21 =	sshll.u32 s20, $0x3;
	s12 =	sadd.s32 s3, s12  }
0xf7: {  	[tilespmem:s19], [sflag:$0x2] =	stream.linear.gather [hbm4b:s12+s2], $0x400, $0x38;
	[tilespmem:$0x9080] =	vst v63  }
0xf8: {  	p0 =	seq.s32 s20, $0xFFFFFFFF;
	s12 =	sand.u32 $0x7FFFFC00, s21  }
0xf9: {  	s12 =	simm.s32 @p0 $0x0  }
0xfa: {  	s22 =	sld [smem:$0x7FA];
	s12 =	sadd.s32 s7, s12  }
0xfb: {  	s12 =	sshrl.u32 s12, $0x3  }
0xfc: {  	s12 =	sadd.s32 s3, s12  }
0xfd: {  	[tilespmem:s22], [sflag:$0x2] =	stream.linear.gather [hbm4b:s12+s2], $0x400, $0x38;
	[tilespmem:$0x9080] =	vst v63  }
0xfe: {  	s23 =	spop (v2sf)  }
0xff: {  	s24 =	sshll.u32 s23, $0x3  }
0x100: {  	p0 =	seq.s32 s23, $0xFFFFFFFF;
	s12 =	sand.u32 $0x7FFFFC00, s24  }
0x101: {  	s12 =	simm.s32 @p0 $0x0  }
0x102: {  	s25 =	sld [smem:$0x7FB];
	s12 =	sadd.s32 s7, s12  }
0x103: {  	s26 =	spop (v2sf);
	s12 =	sshrl.u32 s12, $0x3  }
0x104: {  	s28 =	sshll.u32 s26, $0x3;
	s12 =	sadd.s32 s3, s12  }
0x105: {  	[tilespmem:s25], [sflag:$0x2] =	stream.linear.gather [hbm4b:s12+s2], $0x400, $0x38;
	[tilespmem:$0x9080] =	vst v63  }
0x106: {  	p0 =	seq.s32 s26, $0xFFFFFFFF;
	s12 =	sand.u32 $0x7FFFFC00, s28  }
0x107: {  	s12 =	simm.s32 @p0 $0x0  }
0x108: {  	s29 =	sld [smem:$0x7FC];
	s12 =	sadd.s32 s7, s12  }
0x109: {  	s12 =	sshrl.u32 s12, $0x3  }
0x10a: {  	s12 =	sadd.s32 s3, s12  }
0x10b: {  	[tilespmem:s29], [sflag:$0x2] =	stream.linear.gather [hbm4b:s12+s2], $0x400, $0x38;
	[tilespmem:$0x9080] =	vst v63  }
0x10c: {  	_ =	swait.ge [sflag:s10], $0x400  }
0x10d: {  	[sflag:s10] =	ssyncset.done $0x0  }
0x10e: {  	[sflag:s10] =	ssyncadd.s32 $0xFFFFFC00  }
0x10f: {  	_ =	swait.ge [sflag:s10], $0x400  }
0x110: {  	[sflag:s10] =	ssyncset.done $0x0  }
0x111: {  	[sflag:s10] =	ssyncadd.s32 $0xFFFFFC00  }
0x112: {  	_ =	swait.ge [sflag:s10], $0x400  }
0x113: {  	[sflag:s10] =	ssyncset.done $0x0  }
0x114: {  	[sflag:s10] =	ssyncadd.s32 $0xFFFFFC00  }
0x115: {  	_ =	swait.ge [sflag:s10], $0x400  }
0x116: {  	[sflag:s10] =	ssyncset.done $0x0  }
0x117: {  	[sflag:s10] =	ssyncadd.s32 $0xFFFFFC00  }
0x118: {  	_ =	swait.ge [sflag:s10], $0x400  }
0x119: {  	[sflag:s10] =	ssyncset.done $0x0  }
0x11a: {  	[sflag:s10] =	ssyncadd.s32 $0xFFFFFC00  }
0x11b: {  	_ =	swait.ge [sflag:s10], $0x400  }
0x11c: {  	[sflag:s10] =	ssyncset.done $0x0  }
0x11d: {  	[sflag:s10] =	ssyncadd.s32 $0xFFFFFC00  }
0x11e: {  	_ =	swait.ge [sflag:s10], $0x400  }
0x11f: {  	[sflag:s10] =	ssyncset.done $0x0  }
0x120: {  	[sflag:s10] =	ssyncadd.s32 $0xFFFFFC00  }
0x121: {  	_ =	swait.ge [sflag:s10], $0x400  }
0x122: {  	[sflag:s10] =	ssyncset.done $0x0  }
0x123: {  	[sflag:s10] =	ssyncadd.s32 $0xFFFFFC00  }
0x124: {  	_ =	swait.ge [sflag:s10], $0x400  }
0x125: {  	[sflag:s10] =	ssyncset.done $0x0  }
0x126: {  	[sflag:s10] =	ssyncadd.s32 $0xFFFFFC00  }
0x127: {  	_ =	swait.ge [sflag:s10], $0x400  }
0x128: {  	[sflag:s10] =	ssyncset.done $0x0  }
0x129: {  	[sflag:s10] =	ssyncadd.s32 $0xFFFFFC00  }
0x12a: {  	_ =	swait.ge [sflag:s10], $0x400  }
0x12b: {  	[sflag:s10] =	ssyncset.done $0x0  }
0x12c: {  	[sflag:s10] =	ssyncadd.s32 $0xFFFFFC00  }
0x12d: {  	_ =	swait.ge [sflag:s10], $0x400  }
0x12e: {  	[sflag:s10] =	ssyncset.done $0x0  }
0x12f: {  	[sflag:s10] =	ssyncadd.s32 $0xFFFFFC00  }
0x130: {  	_ =	swait.ge [sflag:s10], $0x400  }
0x131: {  	[sflag:s10] =	ssyncset.done $0x0  }
0x132: {  	[sflag:s10] =	ssyncadd.s32 $0xFFFFFC00  }
0x133: {  	_ =	swait.ge [sflag:s10], $0x400  }
0x134: {  	[sflag:s10] =	ssyncset.done $0x0  }
0x135: {  	[sflag:s10] =	ssyncadd.s32 $0xFFFFFC00  }
0x136: {  	_ =	swait.ge [sflag:s10], $0x400  }
0x137: {  	[sflag:s10] =	ssyncset.done $0x0  }
0x138: {  	[sflag:s10] =	ssyncadd.s32 $0xFFFFFC00  }
0x139: {  	_ =	swait.ge [sflag:s10], $0x400  }
0x13a: {  	[sflag:s10] =	ssyncset.done $0x0  }
0x13b: {  	[sflag:s10] =	ssyncadd.s32 $0xFFFFFC00  }
0x13c: {  	_ =	swait.ge [sflag:s10], $0x400  }
0x13d: {  	[sflag:s10] =	ssyncset.done $0x0  }
0x13e: {  	[sflag:s10] =	ssyncadd.s32 $0xFFFFFC00  }
0x13f: {  	_ =	swait.ge [sflag:s10], $0x400  }
0x140: {  	[sflag:s10] =	ssyncset.done $0x0  }
0x141: {  	[sflag:s10] =	ssyncadd.s32 $0xFFFFFC00  }
0x142: {  	_ =	swait.ge [sflag:s10], $0x400  }
0x143: {  	[sflag:s10] =	ssyncset.done $0x0  }
0x144: {  	[sflag:s10] =	ssyncadd.s32 $0xFFFFFC00  }
0x145: {  	_ =	swait.ge [sflag:s10], $0x400  }
0x146: {  	[sflag:s10] =	ssyncset.done $0x0  }
0x147: {  	[sflag:s10] =	ssyncadd.s32 $0xFFFFFC00  }
0x148: {  	_ =	swait.ge [sflag:s10], $0x400  }
0x149: {  	[sflag:s10] =	ssyncset.done $0x0  }
0x14a: {  	[sflag:s10] =	ssyncadd.s32 $0xFFFFFC00  }
0x14b: {  	_ =	swait.ge [sflag:s10], $0x400  }
0x14c: {  	[sflag:s10] =	ssyncset.done $0x0  }
0x14d: {  	[sflag:s10] =	ssyncadd.s32 $0xFFFFFC00  }
0x14e: {  	_ =	swait.ge [sflag:s10], $0x400  }
0x14f: {  	[sflag:s10] =	ssyncset.done $0x0  }
0x150: {  	[sflag:s10] =	ssyncadd.s32 $0xFFFFFC00  }
0x151: {  	_ =	swait.ge [sflag:s10], $0x400  }
0x152: {  	[sflag:s10] =	ssyncset.done $0x0  }
0x153: {  	[sflag:s10] =	ssyncadd.s32 $0xFFFFFC00  }
0x154: {  	_ =	swait.ge [sflag:s10], $0x400  }
0x155: {  	[sflag:s10] =	ssyncset.done $0x0  }
0x156: {  	[sflag:s10] =	ssyncadd.s32 $0xFFFFFC00  }
0x157: {  	_ =	swait.ge [sflag:s10], $0x400  }
0x158: {  	[sflag:s10] =	ssyncset.done $0x0  }
0x159: {  	[sflag:s10] =	ssyncadd.s32 $0xFFFFFC00  }
0x15a: {  	_ =	swait.ge [sflag:s10], $0x400  }
0x15b: {  	[sflag:s10] =	ssyncset.done $0x0  }
0x15c: {  	[sflag:s10] =	ssyncadd.s32 $0xFFFFFC00  }
0x15d: {  	_ =	swait.ge [sflag:s10], $0x400  }
0x15e: {  	[sflag:s10] =	ssyncset.done $0x0  }
0x15f: {  	[sflag:s10] =	ssyncadd.s32 $0xFFFFFC00  }
0x160: {  	_ =	swait.ge [sflag:s10], $0x400  }
0x161: {  	[sflag:s10] =	ssyncset.done $0x0  }
0x162: {  	[sflag:s10] =	ssyncadd.s32 $0xFFFFFC00  }
0x163: {  	_ =	swait.ge [sflag:s10], $0x400  }
0x164: {  	[sflag:s10] =	ssyncset.done $0x0  }
0x165: {  	[sflag:s10] =	ssyncadd.s32 $0xFFFFFC00  }
0x166: {  	_ =	swait.ge [sflag:s10], $0x400  }
0x167: {  	[sflag:s10] =	ssyncset.done $0x0  }
0x168: {  	[sflag:s10] =	ssyncadd.s32 $0xFFFFFC00  }
0x169: {  	_ =	swait.ge [sflag:s10], $0x400  }
0x16a: {  	[sflag:s10] =	ssyncset.done $0x0  }
0x16b: {  	[sflag:s10] =	ssyncadd.s32 $0xFFFFFC00  }
0x16c: {  	v36 =	vld [tilespmem:$0x80]  }
0x16d: {  	v37 =	vld [tilespmem:$0x90]  }
0x16e: {  	v2 =	vld [tilespmem:$0xA0]  }
0x16f: {  	v3 =	vld [tilespmem:$0xB0]  }
0x170: {  	v4 =	vld [tilespmem:$0xC0]  }
0x171: {  	v38 =	vld [tilespmem:$0xD0];
	[tilespmem:$0x8080] =	vst v36  }
0x172: {  	v39 =	vld [tilespmem:$0xE0];
	[tilespmem:$0x8090] =	vst v37  }
0x173: {  	v40 =	vld [tilespmem:$0xF0];
	[tilespmem:$0x80A0] =	vst v2  }
0x174: {  	v41 =	vld [tilespmem:$0x500];
	[tilespmem:$0x80B0] =	vst v3  }
0x175: {  	[tilespmem:$0x80C0] =	vst v4  }
0x176: {  	[tilespmem:$0x80D0] =	vst v38  }
0x177: {  	[tilespmem:$0x80E0] =	vst v39  }
0x178: {  	[tilespmem:$0x80F0] =	vst v40  }
0x179: {  	[tilespmem:$0x8100] =	vst v41  }
0x17a: {  	v42 =	vld [tilespmem:$0x510]  }
0x17b: {  	v43 =	vld [tilespmem:$0x520]  }
0x17c: {  	v44 =	vld [tilespmem:$0x530]  }
0x17d: {  	v3 =	vld [tilespmem:$0x540]  }
0x17e: {  	v45 =	vld [tilespmem:$0x550]  }
0x17f: {  	v46 =	vld [tilespmem:$0x560];
	[tilespmem:$0x8110] =	vst v42  }
0x180: {  	v47 =	vld [tilespmem:$0x570];
	[tilespmem:$0x8120] =	vst v43  }
0x181: {  	v48 =	vld [tilespmem:$0x980];
	[tilespmem:$0x8130] =	vst v44  }
0x182: {  	v49 =	vld [tilespmem:$0x990];
	[tilespmem:$0x8140] =	vst v3  }
0x183: {  	v50 =	vld [tilespmem:$0x9A0];
	[tilespmem:$0x8150] =	vst v45  }
0x184: {  	v51 =	vld [tilespmem:$0x9B0];
	[tilespmem:$0x8160] =	vst v46  }
0x185: {  	v52 =	vld [tilespmem:$0x9C0];
	[tilespmem:$0x8170] =	vst v47  }
0x186: {  	v53 =	vld [tilespmem:$0x9D0];
	[tilespmem:$0x8180] =	vst v48  }
0x187: {  	v54 =	vld [tilespmem:$0x9E0];
	[tilespmem:$0x8190] =	vst v49  }
0x188: {  	v55 =	vld [tilespmem:$0x9F0];
	[tilespmem:$0x81A0] =	vst v50  }
0x189: {  	v56 =	vld [tilespmem:$0xE00];
	[tilespmem:$0x81B0] =	vst v51  }
0x18a: {  	v57 =	vld [tilespmem:$0xE10];
	[tilespmem:$0x81C0] =	vst v52  }
0x18b: {  	v58 =	vld [tilespmem:$0xE20];
	[tilespmem:$0x81D0] =	vst v53  }
0x18c: {  	v59 =	vld [tilespmem:$0xE30];
	[tilespmem:$0x81E0] =	vst v54  }
0x18d: {  	v60 =	vld [tilespmem:$0xE40];
	[tilespmem:$0x81F0] =	vst v55  }
0x18e: {  	v61 =	vld [tilespmem:$0xE50];
	[tilespmem:$0x8200] =	vst v56  }
0x18f: {  	v62 =	vld [tilespmem:$0xE60];
	[tilespmem:$0x8210] =	vst v57  }
0x190: {  	v63 =	vld [tilespmem:$0xE70];
	[tilespmem:$0x8220] =	vst v58  }
0x191: {  	v8 =	vld [tilespmem:$0x1280];
	[tilespmem:$0x8230] =	vst v59  }
0x192: {  	v9 =	vld [tilespmem:$0x1290];
	[tilespmem:$0x8240] =	vst v60  }
0x193: {  	v10 =	vld [tilespmem:$0x12A0];
	[tilespmem:$0x8250] =	vst v61  }
0x194: {  	v11 =	vld [tilespmem:$0x12B0];
	[tilespmem:$0x8260] =	vst v62  }
0x195: {  	v12 =	vld [tilespmem:$0x12C0];
	[tilespmem:$0x8270] =	vst v63  }
0x196: {  	v13 =	vld [tilespmem:$0x12D0];
	[tilespmem:$0x8280] =	vst v8  }
0x197: {  	v14 =	vld [tilespmem:$0x12E0];
	[tilespmem:$0x8290] =	vst v9  }
0x198: {  	v15 =	vld [tilespmem:$0x12F0];
	[tilespmem:$0x82A0] =	vst v10  }
0x199: {  	v16 =	vld [tilespmem:$0x1700];
	[tilespmem:$0x82B0] =	vst v11  }
0x19a: {  	v17 =	vld [tilespmem:$0x1710];
	[tilespmem:$0x82C0] =	vst v12  }
0x19b: {  	v18 =	vld [tilespmem:$0x1720];
	[tilespmem:$0x82D0] =	vst v13  }
0x19c: {  	v19 =	vld [tilespmem:$0x1730];
	[tilespmem:$0x82E0] =	vst v14  }
0x19d: {  	v20 =	vld [tilespmem:$0x1740];
	[tilespmem:$0x82F0] =	vst v15  }
0x19e: {  	v21 =	vld [tilespmem:$0x1750];
	[tilespmem:$0x8300] =	vst v16  }
0x19f: {  	v22 =	vld [tilespmem:$0x1760];
	[tilespmem:$0x8310] =	vst v17  }
0x1a0: {  	v23 =	vld [tilespmem:$0x1770];
	[tilespmem:$0x8320] =	vst v18  }
0x1a1: {  	v24 =	vld [tilespmem:$0x1B80];
	[tilespmem:$0x8330] =	vst v19  }
0x1a2: {  	v25 =	vld [tilespmem:$0x1B90];
	[tilespmem:$0x8340] =	vst v20  }
0x1a3: {  	v26 =	vld [tilespmem:$0x1BA0];
	[tilespmem:$0x8350] =	vst v21  }
0x1a4: {  	v27 =	vld [tilespmem:$0x1BB0];
	[tilespmem:$0x8360] =	vst v22  }
0x1a5: {  	v28 =	vld [tilespmem:$0x1BC0];
	[tilespmem:$0x8370] =	vst v23  }
0x1a6: {  	v29 =	vld [tilespmem:$0x1BD0];
	[tilespmem:$0x8380] =	vst v24  }
0x1a7: {  	v30 =	vld [tilespmem:$0x1BE0];
	[tilespmem:$0x8390] =	vst v25  }
0x1a8: {  	v31 =	vld [tilespmem:$0x1BF0];
	[tilespmem:$0x83A0] =	vst v26  }
0x1a9: {  	v32 =	vld [tilespmem:$0x2000];
	[tilespmem:$0x83B0] =	vst v27  }
0x1aa: {  	v33 =	vld [tilespmem:$0x2010];
	[tilespmem:$0x83C0] =	vst v28  }
0x1ab: {  	v34 =	vld [tilespmem:$0x2020];
	[tilespmem:$0x83D0] =	vst v29  }
0x1ac: {  	v35 =	vld [tilespmem:$0x2030];
	[tilespmem:$0x83E0] =	vst v30  }
0x1ad: {  	v36 =	vld [tilespmem:$0x2040];
	[tilespmem:$0x83F0] =	vst v31  }
0x1ae: {  	v37 =	vld [tilespmem:$0x2050];
	[tilespmem:$0x8400] =	vst v32  }
0x1af: {  	v38 =	vld [tilespmem:$0x2060];
	[tilespmem:$0x8410] =	vst v33  }
0x1b0: {  	v39 =	vld [tilespmem:$0x2070];
	[tilespmem:$0x8420] =	vst v34  }
0x1b1: {  	v40 =	vld [tilespmem:$0x2080];
	[tilespmem:$0x8430] =	vst v35  }
0x1b2: {  	v41 =	vld [tilespmem:$0x2090];
	[tilespmem:$0x8440] =	vst v36  }
0x1b3: {  	[tilespmem:$0x8450] =	vst v37;
	v42 =	vld [tilespmem:$0x20A0]  }
0x1b4: {  	[tilespmem:$0x8460] =	vst v38;
	v43 =	vld [tilespmem:$0x20B0]  }
0x1b5: {  	[tilespmem:$0x8470] =	vst v39;
	v44 =	vld [tilespmem:$0x20C0]  }
0x1b6: {  	[tilespmem:$0x8480] =	vst v40;
	v45 =	vld [tilespmem:$0x20D0]  }
0x1b7: {  	[tilespmem:$0x8490] =	vst v41;
	v46 =	vld [tilespmem:$0x20E0]  }
0x1b8: {  	v47 =	vld [tilespmem:$0x20F0];
	[tilespmem:$0x84A0] =	vst v42  }
0x1b9: {  	v48 =	vld [tilespmem:$0x2500];
	[tilespmem:$0x84B0] =	vst v43  }
0x1ba: {  	v49 =	vld [tilespmem:$0x2510];
	[tilespmem:$0x84C0] =	vst v44  }
0x1bb: {  	v50 =	vld [tilespmem:$0x2520];
	[tilespmem:$0x84D0] =	vst v45  }
0x1bc: {  	v51 =	vld [tilespmem:$0x2530];
	[tilespmem:$0x84E0] =	vst v46  }
0x1bd: {  	v52 =	vld [tilespmem:$0x2540];
	[tilespmem:$0x84F0] =	vst v47  }
0x1be: {  	v53 =	vld [tilespmem:$0x2550];
	[tilespmem:$0x8500] =	vst v48  }
0x1bf: {  	v54 =	vld [tilespmem:$0x2560];
	[tilespmem:$0x8510] =	vst v49  }
0x1c0: {  	v55 =	vld [tilespmem:$0x2570];
	[tilespmem:$0x8520] =	vst v50  }
0x1c1: {  	v56 =	vld [tilespmem:$0x2980];
	[tilespmem:$0x8530] =	vst v51  }
0x1c2: {  	v57 =	vld [tilespmem:$0x2990];
	[tilespmem:$0x8540] =	vst v52  }
0x1c3: {  	v58 =	vld [tilespmem:$0x29A0];
	[tilespmem:$0x8550] =	vst v53  }
0x1c4: {  	v59 =	vld [tilespmem:$0x29B0];
	[tilespmem:$0x8560] =	vst v54  }
0x1c5: {  	v60 =	vld [tilespmem:$0x29C0];
	[tilespmem:$0x8570] =	vst v55  }
0x1c6: {  	v61 =	vld [tilespmem:$0x29D0];
	[tilespmem:$0x8580] =	vst v56  }
0x1c7: {  	v62 =	vld [tilespmem:$0x29E0];
	[tilespmem:$0x8590] =	vst v57  }
0x1c8: {  	v63 =	vld [tilespmem:$0x29F0];
	[tilespmem:$0x85A0] =	vst v58  }
0x1c9: {  	v8 =	vld [tilespmem:$0x2E00];
	[tilespmem:$0x85B0] =	vst v59  }
0x1ca: {  	v9 =	vld [tilespmem:$0x2E10];
	[tilespmem:$0x85C0] =	vst v60  }
0x1cb: {  	v10 =	vld [tilespmem:$0x2E20];
	[tilespmem:$0x85D0] =	vst v61  }
0x1cc: {  	v11 =	vld [tilespmem:$0x2E30];
	[tilespmem:$0x85E0] =	vst v62  }
0x1cd: {  	v12 =	vld [tilespmem:$0x2E40];
	[tilespmem:$0x85F0] =	vst v63  }
0x1ce: {  	v13 =	vld [tilespmem:$0x2E50];
	[tilespmem:$0x8600] =	vst v8  }
0x1cf: {  	v14 =	vld [tilespmem:$0x2E60];
	[tilespmem:$0x8610] =	vst v9  }
0x1d0: {  	v15 =	vld [tilespmem:$0x2E70];
	[tilespmem:$0x8620] =	vst v10  }
0x1d1: {  	v16 =	vld [tilespmem:$0x3280];
	[tilespmem:$0x8630] =	vst v11  }
0x1d2: {  	v17 =	vld [tilespmem:$0x3290];
	[tilespmem:$0x8640] =	vst v12  }
0x1d3: {  	v18 =	vld [tilespmem:$0x32A0];
	[tilespmem:$0x8650] =	vst v13  }
0x1d4: {  	v19 =	vld [tilespmem:$0x32B0];
	[tilespmem:$0x8660] =	vst v14  }
0x1d5: {  	v20 =	vld [tilespmem:$0x32C0];
	[tilespmem:$0x8670] =	vst v15  }
0x1d6: {  	v21 =	vld [tilespmem:$0x32D0];
	[tilespmem:$0x8680] =	vst v16  }
0x1d7: {  	v22 =	vld [tilespmem:$0x32E0];
	[tilespmem:$0x8690] =	vst v17  }
0x1d8: {  	v23 =	vld [tilespmem:$0x32F0];
	[tilespmem:$0x86A0] =	vst v18  }
0x1d9: {  	v24 =	vld [tilespmem:$0x3700];
	[tilespmem:$0x86B0] =	vst v19  }
0x1da: {  	v25 =	vld [tilespmem:$0x3710];
	[tilespmem:$0x86C0] =	vst v20  }
0x1db: {  	v26 =	vld [tilespmem:$0x3720];
	[tilespmem:$0x86D0] =	vst v21  }
0x1dc: {  	v27 =	vld [tilespmem:$0x3730];
	[tilespmem:$0x86E0] =	vst v22  }
0x1dd: {  	v28 =	vld [tilespmem:$0x3740];
	[tilespmem:$0x86F0] =	vst v23  }
0x1de: {  	v29 =	vld [tilespmem:$0x3750];
	[tilespmem:$0x8700] =	vst v24  }
0x1df: {  	v30 =	vld [tilespmem:$0x3760];
	[tilespmem:$0x8710] =	vst v25  }
0x1e0: {  	v31 =	vld [tilespmem:$0x3770];
	[tilespmem:$0x8720] =	vst v26  }
0x1e1: {  	v32 =	vld [tilespmem:$0x3B80];
	[tilespmem:$0x8730] =	vst v27  }
0x1e2: {  	v33 =	vld [tilespmem:$0x3B90];
	[tilespmem:$0x8740] =	vst v28  }
0x1e3: {  	v34 =	vld [tilespmem:$0x3BA0];
	[tilespmem:$0x8750] =	vst v29  }
0x1e4: {  	v35 =	vld [tilespmem:$0x3BB0];
	[tilespmem:$0x8760] =	vst v30  }
0x1e5: {  	v36 =	vld [tilespmem:$0x3BC0];
	[tilespmem:$0x8770] =	vst v31  }
0x1e6: {  	v37 =	vld [tilespmem:$0x3BD0];
	[tilespmem:$0x8780] =	vst v32  }
0x1e7: {  	v38 =	vld [tilespmem:$0x3BE0];
	[tilespmem:$0x8790] =	vst v33  }
0x1e8: {  	v39 =	vld [tilespmem:$0x3BF0];
	[tilespmem:$0x87A0] =	vst v34  }
0x1e9: {  	v40 =	vld [tilespmem:$0x4000];
	[tilespmem:$0x87B0] =	vst v35  }
0x1ea: {  	v41 =	vld [tilespmem:$0x4010];
	[tilespmem:$0x87C0] =	vst v36  }
0x1eb: {  	[tilespmem:$0x87D0] =	vst v37;
	v42 =	vld [tilespmem:$0x4020]  }
0x1ec: {  	[tilespmem:$0x87E0] =	vst v38;
	v43 =	vld [tilespmem:$0x4030]  }
0x1ed: {  	[tilespmem:$0x87F0] =	vst v39;
	v44 =	vld [tilespmem:$0x4040]  }
0x1ee: {  	[tilespmem:$0x8800] =	vst v40;
	v45 =	vld [tilespmem:$0x4050]  }
0x1ef: {  	[tilespmem:$0x8810] =	vst v41;
	v46 =	vld [tilespmem:$0x4060]  }
0x1f0: {  	v47 =	vld [tilespmem:$0x4070];
	[tilespmem:$0x8820] =	vst v42  }
0x1f1: {  	v48 =	vld [tilespmem:$0x4080];
	[tilespmem:$0x8830] =	vst v43  }
0x1f2: {  	v49 =	vld [tilespmem:$0x4090];
	[tilespmem:$0x8840] =	vst v44  }
0x1f3: {  	v50 =	vld [tilespmem:$0x40A0];
	[tilespmem:$0x8850] =	vst v45  }
0x1f4: {  	v51 =	vld [tilespmem:$0x40B0];
	[tilespmem:$0x8860] =	vst v46  }
0x1f5: {  	v52 =	vld [tilespmem:$0x40C0];
	[tilespmem:$0x8870] =	vst v47  }
0x1f6: {  	v53 =	vld [tilespmem:$0x40D0];
	[tilespmem:$0x8880] =	vst v48  }
0x1f7: {  	v54 =	vld [tilespmem:$0x40E0];
	[tilespmem:$0x8890] =	vst v49  }
0x1f8: {  	v55 =	vld [tilespmem:$0x40F0];
	[tilespmem:$0x88A0] =	vst v50  }
0x1f9: {  	v56 =	vld [tilespmem:$0x4500];
	[tilespmem:$0x88B0] =	vst v51  }
0x1fa: {  	v57 =	vld [tilespmem:$0x4510];
	[tilespmem:$0x88C0] =	vst v52  }
0x1fb: {  	v58 =	vld [tilespmem:$0x4520];
	[tilespmem:$0x88D0] =	vst v53  }
0x1fc: {  	v59 =	vld [tilespmem:$0x4530];
	[tilespmem:$0x88E0] =	vst v54  }
0x1fd: {  	v60 =	vld [tilespmem:$0x4540];
	[tilespmem:$0x88F0] =	vst v55  }
0x1fe: {  	v61 =	vld [tilespmem:$0x4550];
	[tilespmem:$0x8900] =	vst v56  }
0x1ff: {  	v62 =	vld [tilespmem:$0x4560];
	[tilespmem:$0x8910] =	vst v57  }
0x200: {  	v63 =	vld [tilespmem:$0x4570];
	[tilespmem:$0x8920] =	vst v58  }
0x201: {  	v8 =	vld [tilespmem:$0x4980];
	[tilespmem:$0x8930] =	vst v59  }
0x202: {  	v9 =	vld [tilespmem:$0x4990];
	[tilespmem:$0x8940] =	vst v60  }
0x203: {  	v10 =	vld [tilespmem:$0x49A0];
	[tilespmem:$0x8950] =	vst v61  }
0x204: {  	v11 =	vld [tilespmem:$0x49B0];
	[tilespmem:$0x8960] =	vst v62  }
0x205: {  	v12 =	vld [tilespmem:$0x49C0];
	[tilespmem:$0x8970] =	vst v63  }
0x206: {  	v13 =	vld [tilespmem:$0x49D0];
	[tilespmem:$0x8980] =	vst v8  }
0x207: {  	v14 =	vld [tilespmem:$0x49E0];
	[tilespmem:$0x8990] =	vst v9  }
0x208: {  	v15 =	vld [tilespmem:$0x49F0];
	[tilespmem:$0x89A0] =	vst v10  }
0x209: {  	v16 =	vld [tilespmem:$0x4E00];
	[tilespmem:$0x89B0] =	vst v11  }
0x20a: {  	v17 =	vld [tilespmem:$0x4E10];
	[tilespmem:$0x89C0] =	vst v12  }
0x20b: {  	v18 =	vld [tilespmem:$0x4E20];
	[tilespmem:$0x89D0] =	vst v13  }
0x20c: {  	v19 =	vld [tilespmem:$0x4E30];
	[tilespmem:$0x89E0] =	vst v14  }
0x20d: {  	v20 =	vld [tilespmem:$0x4E40];
	[tilespmem:$0x89F0] =	vst v15  }
0x20e: {  	v21 =	vld [tilespmem:$0x4E50];
	[tilespmem:$0x8A00] =	vst v16  }
0x20f: {  	v22 =	vld [tilespmem:$0x4E60];
	[tilespmem:$0x8A10] =	vst v17  }
0x210: {  	v23 =	vld [tilespmem:$0x4E70];
	[tilespmem:$0x8A20] =	vst v18  }
0x211: {  	v24 =	vld [tilespmem:$0x5280];
	[tilespmem:$0x8A30] =	vst v19  }
0x212: {  	v25 =	vld [tilespmem:$0x5290];
	[tilespmem:$0x8A40] =	vst v20  }
0x213: {  	v26 =	vld [tilespmem:$0x52A0];
	[tilespmem:$0x8A50] =	vst v21  }
0x214: {  	v27 =	vld [tilespmem:$0x52B0];
	[tilespmem:$0x8A60] =	vst v22  }
0x215: {  	v28 =	vld [tilespmem:$0x52C0];
	[tilespmem:$0x8A70] =	vst v23  }
0x216: {  	v29 =	vld [tilespmem:$0x52D0];
	[tilespmem:$0x8A80] =	vst v24  }
0x217: {  	v30 =	vld [tilespmem:$0x52E0];
	[tilespmem:$0x8A90] =	vst v25  }
0x218: {  	v31 =	vld [tilespmem:$0x52F0];
	[tilespmem:$0x8AA0] =	vst v26  }
0x219: {  	v32 =	vld [tilespmem:$0x5700];
	[tilespmem:$0x8AB0] =	vst v27  }
0x21a: {  	v33 =	vld [tilespmem:$0x5710];
	[tilespmem:$0x8AC0] =	vst v28  }
0x21b: {  	v34 =	vld [tilespmem:$0x5720];
	[tilespmem:$0x8AD0] =	vst v29  }
0x21c: {  	v35 =	vld [tilespmem:$0x5730];
	[tilespmem:$0x8AE0] =	vst v30  }
0x21d: {  	v36 =	vld [tilespmem:$0x5740];
	[tilespmem:$0x8AF0] =	vst v31  }
0x21e: {  	v37 =	vld [tilespmem:$0x5750];
	[tilespmem:$0x8B00] =	vst v32  }
0x21f: {  	v38 =	vld [tilespmem:$0x5760];
	[tilespmem:$0x8B10] =	vst v33  }
0x220: {  	v39 =	vld [tilespmem:$0x5770];
	[tilespmem:$0x8B20] =	vst v34  }
0x221: {  	v40 =	vld [tilespmem:$0x5B80];
	[tilespmem:$0x8B30] =	vst v35  }
0x222: {  	v41 =	vld [tilespmem:$0x5B90];
	[tilespmem:$0x8B40] =	vst v36  }
0x223: {  	[tilespmem:$0x8B50] =	vst v37;
	v42 =	vld [tilespmem:$0x5BA0]  }
0x224: {  	[tilespmem:$0x8B60] =	vst v38;
	v43 =	vld [tilespmem:$0x5BB0]  }
0x225: {  	[tilespmem:$0x8B70] =	vst v39;
	v44 =	vld [tilespmem:$0x5BC0]  }
0x226: {  	[tilespmem:$0x8B80] =	vst v40;
	v45 =	vld [tilespmem:$0x5BD0]  }
0x227: {  	[tilespmem:$0x8B90] =	vst v41;
	v46 =	vld [tilespmem:$0x5BE0]  }
0x228: {  	v47 =	vld [tilespmem:$0x5BF0];
	[tilespmem:$0x8BA0] =	vst v42  }
0x229: {  	v48 =	vld [tilespmem:$0x6000];
	[tilespmem:$0x8BB0] =	vst v43  }
0x22a: {  	v49 =	vld [tilespmem:$0x6010];
	[tilespmem:$0x8BC0] =	vst v44  }
0x22b: {  	v50 =	vld [tilespmem:$0x6020];
	[tilespmem:$0x8BD0] =	vst v45  }
0x22c: {  	v51 =	vld [tilespmem:$0x6030];
	[tilespmem:$0x8BE0] =	vst v46  }
0x22d: {  	v52 =	vld [tilespmem:$0x6040];
	[tilespmem:$0x8BF0] =	vst v47  }
0x22e: {  	v53 =	vld [tilespmem:$0x6050];
	[tilespmem:$0x8C00] =	vst v48  }
0x22f: {  	v54 =	vld [tilespmem:$0x6060];
	[tilespmem:$0x8C10] =	vst v49  }
0x230: {  	v55 =	vld [tilespmem:$0x6070];
	[tilespmem:$0x8C20] =	vst v50  }
0x231: {  	v56 =	vld [tilespmem:$0x6080];
	[tilespmem:$0x8C30] =	vst v51  }
0x232: {  	v57 =	vld [tilespmem:$0x6090];
	[tilespmem:$0x8C40] =	vst v52  }
0x233: {  	v58 =	vld [tilespmem:$0x60A0];
	[tilespmem:$0x8C50] =	vst v53  }
0x234: {  	v59 =	vld [tilespmem:$0x60B0];
	[tilespmem:$0x8C60] =	vst v54  }
0x235: {  	v60 =	vld [tilespmem:$0x60C0];
	[tilespmem:$0x8C70] =	vst v55  }
0x236: {  	v61 =	vld [tilespmem:$0x60D0];
	[tilespmem:$0x8C80] =	vst v56  }
0x237: {  	v62 =	vld [tilespmem:$0x60E0];
	[tilespmem:$0x8C90] =	vst v57  }
0x238: {  	v63 =	vld [tilespmem:$0x60F0];
	[tilespmem:$0x8CA0] =	vst v58  }
0x239: {  	v8 =	vld [tilespmem:$0x6500];
	[tilespmem:$0x8CB0] =	vst v59  }
0x23a: {  	v9 =	vld [tilespmem:$0x6510];
	[tilespmem:$0x8CC0] =	vst v60  }
0x23b: {  	v10 =	vld [tilespmem:$0x6520];
	[tilespmem:$0x8CD0] =	vst v61  }
0x23c: {  	v11 =	vld [tilespmem:$0x6530];
	[tilespmem:$0x8CE0] =	vst v62  }
0x23d: {  	v12 =	vld [tilespmem:$0x6540];
	[tilespmem:$0x8CF0] =	vst v63  }
0x23e: {  	v13 =	vld [tilespmem:$0x6550];
	[tilespmem:$0x8D00] =	vst v8  }
0x23f: {  	v14 =	vld [tilespmem:$0x6560];
	[tilespmem:$0x8D10] =	vst v9  }
0x240: {  	v15 =	vld [tilespmem:$0x6570];
	[tilespmem:$0x8D20] =	vst v10  }
0x241: {  	v16 =	vld [tilespmem:$0x6980];
	[tilespmem:$0x8D30] =	vst v11  }
0x242: {  	v17 =	vld [tilespmem:$0x6990];
	[tilespmem:$0x8D40] =	vst v12  }
0x243: {  	v18 =	vld [tilespmem:$0x69A0];
	[tilespmem:$0x8D50] =	vst v13  }
0x244: {  	v19 =	vld [tilespmem:$0x69B0];
	[tilespmem:$0x8D60] =	vst v14  }
0x245: {  	v20 =	vld [tilespmem:$0x69C0];
	[tilespmem:$0x8D70] =	vst v15  }
0x246: {  	v21 =	vld [tilespmem:$0x69D0];
	[tilespmem:$0x8D80] =	vst v16  }
0x247: {  	v22 =	vld [tilespmem:$0x69E0];
	[tilespmem:$0x8D90] =	vst v17  }
0x248: {  	v23 =	vld [tilespmem:$0x69F0];
	[tilespmem:$0x8DA0] =	vst v18  }
0x249: {  	v24 =	vld [tilespmem:$0x6E00];
	[tilespmem:$0x8DB0] =	vst v19  }
0x24a: {  	v25 =	vld [tilespmem:$0x6E10];
	[tilespmem:$0x8DC0] =	vst v20  }
0x24b: {  	v26 =	vld [tilespmem:$0x6E20];
	[tilespmem:$0x8DD0] =	vst v21  }
0x24c: {  	v27 =	vld [tilespmem:$0x6E30];
	[tilespmem:$0x8DE0] =	vst v22  }
0x24d: {  	v28 =	vld [tilespmem:$0x6E40];
	[tilespmem:$0x8DF0] =	vst v23  }
0x24e: {  	v29 =	vld [tilespmem:$0x6E50];
	[tilespmem:$0x8E00] =	vst v24  }
0x24f: {  	v30 =	vld [tilespmem:$0x6E60];
	[tilespmem:$0x8E10] =	vst v25  }
0x250: {  	v31 =	vld [tilespmem:$0x6E70];
	[tilespmem:$0x8E20] =	vst v26  }
0x251: {  	v32 =	vld [tilespmem:$0x7280];
	[tilespmem:$0x8E30] =	vst v27  }
0x252: {  	v33 =	vld [tilespmem:$0x7290];
	[tilespmem:$0x8E40] =	vst v28  }
0x253: {  	v34 =	vld [tilespmem:$0x72A0];
	[tilespmem:$0x8E50] =	vst v29  }
0x254: {  	v35 =	vld [tilespmem:$0x72B0];
	[tilespmem:$0x8E60] =	vst v30  }
0x255: {  	v36 =	vld [tilespmem:$0x72C0];
	[tilespmem:$0x8E70] =	vst v31  }
0x256: {  	v37 =	vld [tilespmem:$0x72D0];
	[tilespmem:$0x8E80] =	vst v32  }
0x257: {  	v38 =	vld [tilespmem:$0x72E0];
	[tilespmem:$0x8E90] =	vst v33  }
0x258: {  	v39 =	vld [tilespmem:$0x72F0];
	[tilespmem:$0x8EA0] =	vst v34  }
0x259: {  	v40 =	vld [tilespmem:$0x7700];
	[tilespmem:$0x8EB0] =	vst v35  }
0x25a: {  	v41 =	vld [tilespmem:$0x7710];
	[tilespmem:$0x8EC0] =	vst v36  }
0x25b: {  	[tilespmem:$0x8ED0] =	vst v37;
	v42 =	vld [tilespmem:$0x7720]  }
0x25c: {  	[tilespmem:$0x8EE0] =	vst v38;
	v43 =	vld [tilespmem:$0x7730]  }
0x25d: {  	[tilespmem:$0x8EF0] =	vst v39;
	v44 =	vld [tilespmem:$0x7740]  }
0x25e: {  	[tilespmem:$0x8F00] =	vst v40;
	v45 =	vld [tilespmem:$0x7750]  }
0x25f: {  	[tilespmem:$0x8F10] =	vst v41;
	v46 =	vld [tilespmem:$0x7760]  }
0x260: {  	v47 =	vld [tilespmem:$0x7770];
	[tilespmem:$0x8F20] =	vst v42  }
0x261: {  	v48 =	vld [tilespmem:$0x7B80];
	[tilespmem:$0x8F30] =	vst v43  }
0x262: {  	v49 =	vld [tilespmem:$0x7B90];
	[tilespmem:$0x8F40] =	vst v44  }
0x263: {  	v50 =	vld [tilespmem:$0x7BA0];
	[tilespmem:$0x8F50] =	vst v45  }
0x264: {  	v51 =	vld [tilespmem:$0x7BB0];
	[tilespmem:$0x8F60] =	vst v46  }
0x265: {  	v52 =	vld [tilespmem:$0x7BC0];
	[tilespmem:$0x8F70] =	vst v47  }
0x266: {  	v53 =	vld [tilespmem:$0x7BD0];
	[tilespmem:$0x8F80] =	vst v48  }
0x267: {  	v54 =	vld [tilespmem:$0x7BE0];
	[tilespmem:$0x8F90] =	vst v49  }
0x268: {  	v55 =	vld [tilespmem:$0x7BF0];
	[tilespmem:$0x8FA0] =	vst v50  }
0x269: {  	v56 =	vld [tilespmem:$0x8000];
	[tilespmem:$0x8FB0] =	vst v51  }
0x26a: {  	v57 =	vld [tilespmem:$0x8010];
	[tilespmem:$0x8FC0] =	vst v52  }
0x26b: {  	v58 =	vld [tilespmem:$0x8020];
	[tilespmem:$0x8FD0] =	vst v53  }
0x26c: {  	v59 =	vld [tilespmem:$0x8030];
	[tilespmem:$0x8FE0] =	vst v54  }
0x26d: {  	v60 =	vld [tilespmem:$0x8040];
	[tilespmem:$0x8FF0] =	vst v55  }
0x26e: {  	v61 =	vld [tilespmem:$0x8050];
	[tilespmem:$0x9000] =	vst v56  }
0x26f: {  	v62 =	vld [tilespmem:$0x8060];
	[tilespmem:$0x9010] =	vst v57  }
0x270: {  	v63 =	vld [tilespmem:$0x8070];
	[tilespmem:$0x9020] =	vst v58  }
0x271: {  	[tilespmem:$0x9030] =	vst v59  }
0x272: {  	[tilespmem:$0x9040] =	vst v60  }
0x273: {  	s31 =	sld [smem:$0x7FD];
	[tilespmem:$0x9050] =	vst v61  }
0x274: {  	p0 =	sne.s32 s8, $0x1;
	[tilespmem:$0x9060] =	vst v62  }
.Ltmp0:
0x275: {  	s30 =	rddreg [dreg:$0x5];
	[tilespmem:$0x9070] =	vst v63;
	(pc) =	sbr.rel @p0 .LBB2_1-.Ltmp0, $4  }
0x276: {  	[hbm4b:s30+s2] =	stream.linear.scatter [tilespmem:s31], [sflag:$0x3], $0x1000, $0x38;
	[tilespmem:$0x9080] =	vst v63  }
0x277: {  	_ =	swait.ge [sflag:s11], $0x1000  }
0x278: {  	[sflag:s11] =	ssyncset.done $0x0  }
0x279: {  	s8 =	sadd.s32 $0xFFFFFFFF, s8;
	[sflag:s11] =	ssyncadd.s32 $0xFFFFF000  }
0x27a: {  	_ =	sfence.sel $0x180000  }
0x27b: {  	[bflag:$0x0] =	sbarrier.arrive $0xFFFF  }
0x27c: {  	p0 =	sne.s32 s0, $0x0;
	_ =	strace $0x90000047  }
0x27d: {  	s0 =	sadd.s32 @!p0 $0x100000, s1;
	[bflag:$0x2] =	sbarrier.arrive $0xFFFF  }
0x27e: {  	[sflag:s0] =	ssyncadd.tile.s32 @!p0 $0x1;
	_ =	shalt  }
.Lfunc_end2:
_tile_overlayer_lowered:
.L_overlay_start_2:
0x27f: {  	(tag) =	ssettag $0x2  }
0x280: {  	s0 =	rddreg [dreg:$0x0];
	s2 =	stileid.u32  }
0x281: {  	s1 =	rddreg [dreg:$0x1];
	p0 =	sne.s32 s2, $0x0  }
0x282: {  	s3 =	rddreg [dreg:$0x2];
	[bflag:$0x3] =	sbarrier.arrive $0xFFFF;
	s2 =	simm.s32 @!p0 $0x1C03  }
0x283: {  	[timem:s3], [sflag:s2] =	dma.local @!p0 [hbm:s0], s1  }
0x284: {  	s0 =	simm.s32 @!p0 $0x3  }
0x285: {  	_ =	swait.ge @!p0 [sflag:s0], s1  }
0x286: {  	s1 =	ssub.s32 @!p0 $0x0, s1;
	[sflag:s0] =	ssyncset.done @!p0 $0x0  }
0x287: {  	[sflag:s0] =	ssyncadd.s32 @!p0 s1  }
0x288: {  	[bflag:$0x3] =	sbarrier.arrive $0xFFFF  }
0x289: {  	_ =	shalt  }

</sc_bundles>
